<compile_context>
chip_gen: v7x
topology: tpu7x:2x2x1
jax: 0.10.2.dev20260603
libtpu: 0.0.44.dev20260713+nightly
codegen_flags: <defaults>
</compile_context>

<pallas_src>
import functools

import jax
import jax.numpy as jnp
from jax import lax
from jax.experimental import pallas as pl
from jax.experimental.pallas import tpu as pltpu
from jax.experimental.pallas import tpu_sc as plsc

_N = 10000
_E = 320000
_D = 16
_ED = 16
_KD = 64

_NC = 2
_NS = 16
_NW = _NC * _NS
_CH = 128
_ZR = _N // _NS

_EH = _E // 2
_NCKH = _EH // _CH
_TE = 16000
_TR = _TE // 8

_INV_SQRT2 = 0.7071067811865476


def _gelu_exact(x):
    return 0.5 * x * (1.0 + lax.erf(x * _INV_SQRT2))


def _sc_gather(table, idx2d, ncks):
    cpw = ncks // _NW
    xtra = ncks - cpw * _NW
    sup = 6 if cpw % 6 == 0 else 3
    nsup = cpw // sup
    srows = sup * _CH
    mesh = plsc.VectorSubcoreMesh(core_axis_name="c", subcore_axis_name="s")

    @functools.partial(
        pl.kernel,
        mesh=mesh,
        out_type=jax.ShapeDtypeStruct((ncks * _CH, _D), jnp.float32),
        scratch_types=[
            pltpu.VMEM((cpw + 1, _CH), jnp.int32),
            pltpu.VMEM((2, srows, _D), jnp.float32),
            pltpu.VMEM((_CH, _D), jnp.float32),
            pltpu.SemaphoreType.DMA,
            pltpu.SemaphoreType.DMA,
        ],
        compiler_params=pltpu.CompilerParams(use_tc_tiling_on_sc=False),
    )
    def k(table_hbm, idx_hbm, out_hbm, idxbuf, rows2, rows_x, gsem, wsem):
        wid = lax.axis_index("s") * _NC + lax.axis_index("c")
        row0 = wid * cpw
        pltpu.sync_copy(idx_hbm.at[pl.ds(row0, cpw)],
                        idxbuf.at[pl.ds(0, cpw)])

        def super_body(j, carry):
            p = lax.rem(j, 2)

            @pl.when(j >= 2)
            def _():
                pltpu.make_async_copy(
                    out_hbm.at[pl.ds(0, srows)], rows2.at[p], wsem).wait()

            handles = []
            for b in range(sup):
                handles.append(pltpu.async_copy(
                    table_hbm.at[idxbuf.at[j * sup + b]],
                    rows2.at[p, pl.ds(b * _CH, _CH)], gsem))
            for h in handles:
                h.wait()
            pltpu.async_copy(
                rows2.at[p],
                out_hbm.at[pl.ds((row0 + j * sup) * _CH, srows)], wsem)
            return carry

        lax.fori_loop(0, nsup, super_body, 0)
        pltpu.make_async_copy(
            out_hbm.at[pl.ds(0, srows)], rows2.at[0], wsem).wait()
        pltpu.make_async_copy(
            out_hbm.at[pl.ds(0, srows)], rows2.at[1], wsem).wait()

        @pl.when(wid < xtra)
        def _():
            xrow = _NW * cpw + wid
            pltpu.sync_copy(idx_hbm.at[xrow], idxbuf.at[cpw])
            pltpu.async_copy(
                table_hbm.at[idxbuf.at[cpw]], rows_x, gsem).wait()
            pltpu.sync_copy(rows_x, out_hbm.at[pl.ds(xrow * _CH, _CH)])

    return k(table, idx2d)


def _sc_scatter(msg, dst2d, ncks):
    cpw = ncks // _NW
    xtra = ncks - cpw * _NW
    sup = 6 if cpw % 6 == 0 else 3
    nsup = cpw // sup
    srows = sup * _CH
    mesh = plsc.VectorSubcoreMesh(core_axis_name="c", subcore_axis_name="s")

    @functools.partial(
        pl.kernel,
        mesh=mesh,
        out_type=jax.ShapeDtypeStruct((_NC, _N, _D), jnp.float32),
        scratch_types=[
            pltpu.VMEM((cpw + 1, _CH), jnp.int32),
            pltpu.VMEM((2, srows, _D), jnp.float32),
            pltpu.VMEM((_CH, _D), jnp.float32),
            pltpu.VMEM((_ZR, _D), jnp.float32),
            pltpu.VMEM_SHARED((_N, _D), jnp.float32),
            pltpu.SemaphoreType.DMA,
        ],
        compiler_params=pltpu.CompilerParams(use_tc_tiling_on_sc=False),
    )
    def k(msg_hbm, dst_hbm, out_hbm, idxbuf, msg2, msg_x, z_v, acc, lsem):
        cid = lax.axis_index("c")
        sid = lax.axis_index("s")
        wid = sid * _NC + cid
        row0 = wid * cpw
        zero = jnp.zeros((_D,), jnp.float32)

        def zb(i, carry):
            z_v[i, :] = zero
            return carry

        lax.fori_loop(0, _ZR, zb, 0)
        pltpu.sync_copy(z_v, acc.at[pl.ds(sid * _ZR, _ZR)])
        pltpu.sync_copy(dst_hbm.at[pl.ds(row0, cpw)],
                        idxbuf.at[pl.ds(0, cpw)])
        plsc.subcore_barrier()

        pltpu.async_copy(msg_hbm.at[pl.ds(row0 * _CH, srows)],
                         msg2.at[0], lsem)

        def super_body(j, carry):
            p = lax.rem(j, 2)
            pltpu.make_async_copy(
                msg_hbm.at[pl.ds(0, srows)], msg2.at[p], lsem).wait()

            @pl.when(j < nsup - 1)
            def _():
                pltpu.async_copy(
                    msg_hbm.at[pl.ds((row0 + (j + 1) * sup) * _CH, srows)],
                    msg2.at[1 - p], lsem)

            for b in range(sup):
                pltpu.sync_copy(msg2.at[p, pl.ds(b * _CH, _CH)],
                                acc.at[idxbuf.at[j * sup + b]], add=True)
            return carry

        lax.fori_loop(0, nsup, super_body, 0)

        @pl.when(wid < xtra)
        def _():
            xrow = _NW * cpw + wid
            pltpu.sync_copy(dst_hbm.at[xrow], idxbuf.at[cpw])
            pltpu.sync_copy(msg_hbm.at[pl.ds(xrow * _CH, _CH)], msg_x)
            pltpu.sync_copy(msg_x, acc.at[idxbuf.at[cpw]], add=True)

        plsc.subcore_barrier()
        pltpu.sync_copy(acc.at[pl.ds(sid * _ZR, _ZR)],
                        out_hbm.at[cid, pl.ds(sid * _ZR, _ZR)])

    return k(msg, dst2d)


def _tc_msg(eap, xjp, W1p, b1p, W2p, b2p, W3, b3p, Rp, Sp, blk_off, n_edges):

    def body(eap_ref, xjp_ref, w1p, b1r, w2p, b2r, w3, b3r, rp, sp,
             out_ref):
        h = jnp.dot(eap_ref[...], w1p[...], preferred_element_type=jnp.float32)
        h = _gelu_exact(h + b1r[...])
        h = jnp.dot(h, w2p[...], preferred_element_type=jnp.float32)
        h = _gelu_exact(h + b2r[...])
        w3v = w3[...]
        b3v = b3r[...]
        xjv = xjp_ref[...]
        rpv = rp[...]
        spv = sp[...]
        acc = jnp.zeros((h.shape[0], 128), jnp.float32)
        for k in range(8):
            wp_k = jnp.dot(h[:, 64 * k:64 * (k + 1)], w3v,
                           preferred_element_type=jnp.float32)
            wp_k = wp_k + b3v[:, 256 * k:256 * (k + 1)]
            xrep_k = jnp.dot(xjv, rpv[:, 256 * k:256 * (k + 1)],
                             preferred_element_type=jnp.float32)
            acc = acc + jnp.dot(xrep_k * wp_k,
                                spv[256 * k:256 * (k + 1), :],
                                preferred_element_type=jnp.float32)
        out_ref[...] = acc

    return pl.pallas_call(
        body,
        grid=(n_edges // _TE,),
        in_specs=[
            pl.BlockSpec((_TR, 128), lambda i: (i + blk_off, 0)),
            pl.BlockSpec((_TR, 128), lambda i: (i, 0)),
            pl.BlockSpec((128, 8 * _KD), lambda i: (0, 0)),
            pl.BlockSpec((1, 8 * _KD), lambda i: (0, 0)),
            pl.BlockSpec((8 * _KD, 8 * _KD), lambda i: (0, 0)),
            pl.BlockSpec((1, 8 * _KD), lambda i: (0, 0)),
            pl.BlockSpec((_KD, _D * _D), lambda i: (0, 0)),
            pl.BlockSpec((1, 8 * _D * _D), lambda i: (0, 0)),
            pl.BlockSpec((128, 8 * _D * _D), lambda i: (0, 0)),
            pl.BlockSpec((8 * _D * _D, 128), lambda i: (0, 0)),
        ],
        out_specs=pl.BlockSpec((_TR, 128), lambda i: (i, 0)),
        out_shape=jax.ShapeDtypeStruct((n_edges * _D // 128, 128),
                                       jnp.float32),
    )(eap, xjp, W1p, b1p, W2p, b2p, W3, b3p, Rp, Sp)


def _tc_final(x, parts_a, parts_b, root, bias, use_gelu):

    def body(x_ref, pa_ref, pb_ref, r_ref, b_ref, out_ref):
        out = pa_ref[0] + pa_ref[1] + pb_ref[0] + pb_ref[1] + b_ref[...]
        out = out + jnp.dot(x_ref[...], r_ref[...],
                            preferred_element_type=jnp.float32)
        if use_gelu:
            out = _gelu_exact(out)
        out_ref[...] = out

    return pl.pallas_call(
        body,
        out_shape=jax.ShapeDtypeStruct((_N, _D), jnp.float32),
    )(x, parts_a, parts_b, root, bias)


def kernel(nodes, edge_index, edge_attr, W1, b1, W2, b2, W3, b3,
           root1, bias1, root2, bias2):
    src2d = edge_index[0].astype(jnp.int32).reshape(_E // _CH, _CH)
    dst2d = edge_index[1].astype(jnp.int32).reshape(_E // _CH, _CH)
    src_h = (src2d[:_NCKH], src2d[_NCKH:])
    dst_h = (dst2d[:_NCKH], dst2d[_NCKH:])
    eye8 = jnp.eye(8, dtype=jnp.float32)
    W1p = jnp.kron(eye8, W1)
    W2p = jnp.kron(eye8, W2)
    b1p = jnp.tile(b1, 8).reshape(1, 8 * _KD)
    b2p = jnp.tile(b2, 8).reshape(1, 8 * _KD)
    b3p = jnp.tile(b3, 8).reshape(1, 8 * _D * _D)
    la = jnp.arange(128, dtype=jnp.int32)[:, None]
    lb = jnp.arange(8 * _D * _D, dtype=jnp.int32)[None, :]
    Rp = (la == _D * (lb // (_D * _D))
          + (lb % (_D * _D)) // _D).astype(jnp.float32)
    lc = jnp.arange(8 * _D * _D, dtype=jnp.int32)[:, None]
    ld = jnp.arange(128, dtype=jnp.int32)[None, :]
    Sp = ((lc // (_D * _D) == ld // _D)
          & (lc % _D == ld % _D)).astype(jnp.float32)
    eap = edge_attr.reshape(_E * _ED // 128, 128)
    bias1r = bias1.reshape(1, _D)
    bias2r = bias2.reshape(1, _D)
    hblk = _EH * _D // 128 // _TR

    def gno_pass(x, root, biasr, use_gelu):
        xj = [_sc_gather(x, src_h[i], _NCKH) for i in range(2)]
        msg = [_tc_msg(eap, xj[i].reshape(_EH * _D // 128, 128),
                       W1p, b1p, W2p, b2p, W3, b3p, Rp, Sp,
                       i * hblk, _EH) for i in range(2)]
        parts = [_sc_scatter(msg[i].reshape(_EH, _D), dst_h[i], _NCKH)
                 for i in range(2)]
        return _tc_final(x, parts[0], parts[1], root, biasr, use_gelu)

    h = gno_pass(nodes, root1, bias1r, True)
    return gno_pass(h, root2, bias2r, False)

# --- scband reference (transcript-rebuilt; emitter-appended) ---
"""Pipeline reference for scband-gnoblock-11553462026776 (READ-ONLY COPY).

The authoritative reference and input builder live on the scoring server;
editing this copy changes nothing except your own understanding.
"""

import jax, jax.numpy as jnp
import numpy as np

N = 10000
E = 320000
D = 16     # latent_dims
KD = 64    # kernel_dims
ED = 16    # edge_dims


def setup_inputs(seed: int = 0) -> dict:
    key = jax.random.key(seed)
    ks = jax.random.split(key, 12)
    inp = {}
    inp["nodes"] = jax.random.normal(ks[0], (N, D), dtype=jnp.float32)
    inp["edge_index"] = jax.random.randint(ks[1], (2, E), 0, N, dtype=jnp.int64)
    inp["edge_attr"] = jax.random.normal(ks[2], (E, ED), dtype=jnp.float32)
    s = 0.1
    inp["W1"] = jax.random.normal(ks[3], (ED, KD), dtype=jnp.float32) * s
    inp["b1"] = jnp.zeros((KD,), dtype=jnp.float32)
    inp["W2"] = jax.random.normal(ks[4], (KD, KD), dtype=jnp.float32) * s
    inp["b2"] = jnp.zeros((KD,), dtype=jnp.float32)
    inp["W3"] = jax.random.normal(ks[5], (KD, D * D), dtype=jnp.float32) * s
    inp["b3"] = jnp.zeros((D * D,), dtype=jnp.float32)
    bnd = 1.0 / np.sqrt(D)
    inp["root1"] = jax.random.uniform(ks[6], (D, D), minval=-bnd, maxval=bnd, dtype=jnp.float32)
    inp["bias1"] = jax.random.uniform(ks[7], (D,), minval=-bnd, maxval=bnd, dtype=jnp.float32)
    inp["root2"] = jax.random.uniform(ks[8], (D, D), minval=-bnd, maxval=bnd, dtype=jnp.float32)
    inp["bias2"] = jax.random.uniform(ks[9], (D,), minval=-bnd, maxval=bnd, dtype=jnp.float32)
    return inp


def _kernel_mlp(ea, W1, b1, W2, b2, W3, b3):
    # DenseNet([edge_dims, kernel_dims, kernel_dims, latent_dims**2], GELU)
    h = jax.nn.gelu(ea @ W1 + b1, approximate=False)
    h = jax.nn.gelu(h @ W2 + b2, approximate=False)
    return h @ W3 + b3


def _nnconv(x, edge_index, edge_attr, kparams, root, bias, use_gelu):
    src = edge_index[0]
    dst = edge_index[1]
    # per-edge kernel weights [E, D, D]
    w = _kernel_mlp(edge_attr, *kparams).reshape(-1, D, D)
    # message: x_j (gather on source) times per-edge weight
    x_j = jnp.take(x, src, axis=0)
    msg = jnp.einsum('ei,eio->eo', x_j, w)
    # aggr='add' scatter onto destination nodes
    aggr = jax.ops.segment_sum(msg, dst, num_segments=N)
    out = aggr + x @ root + bias
    if use_gelu:
        out = jax.nn.gelu(out, approximate=False)
    return out


def reference(nodes, edge_index, edge_attr, W1, b1, W2, b2, W3, b3,
              root1, bias1, root2, bias2):
    kparams = (W1, b1, W2, b2, W3, b3)  # kernel shared across graph passes
    h = _nnconv(nodes, edge_index, edge_attr, kparams, root1, bias1, True)
    h = _nnconv(h, edge_index, edge_attr, kparams, root2, bias2, False)
    return h

if __name__ == "__main__":
    import jax
    _d = setup_inputs()
    print(jax.jit(kernel)(*tuple(_d.values())))

</pallas_src>

<mosaic_0001>
#map = affine_map<(d0, d1) -> (0, 0)>
module attributes {stable_mosaic.version = 14 : i64} {
  func.func @k(%arg0: i32, %arg1: i32, %arg2: memref<10000x16xf32, #tpu.memory_space<hbm>>, %arg3: memref<1250x128xi32, #tpu.memory_space<hbm>>, %arg4: memref<160000x16xf32, #tpu.memory_space<hbm>>, %arg5: memref<40x128xi32, #tpu.memory_space<vmem>>, %arg6: memref<2x384x16xf32, #tpu.memory_space<vmem>>, %arg7: memref<128x16xf32, #tpu.memory_space<vmem>>, %arg8: memref<!tpu.dma_semaphore, #tpu.memory_space<semaphore_mem>>, %arg9: memref<!tpu.dma_semaphore, #tpu.memory_space<semaphore_mem>>) attributes {dimension_semantics = [#tpu.dimension_semantics<core_parallel>, #tpu.dimension_semantics<subcore_parallel>], iteration_bounds = array<i64: 2, 16>, scalar_prefetch = 0 : i64, scratch_operands = 5 : i64, tpu.core_type = #tpu.core_type<sc_vector_subcore>, window_params = [{transform_indices = #map}, {transform_indices = #map}, {transform_indices = #map}]} {
    %mul3A = arith.constant 2 : i32
    %mul3A_0 = arith.muli %arg1, %mul3A : i32
    %add3A = arith.addi %mul3A_0, %arg0 : i32
    %mul3A_1 = arith.constant 39 : i32
    %mul3A_2 = arith.muli %add3A, %mul3A_1 : i32
    "tpu.region"() ({
      %run_scoped3A = tpu.sem_alloc : memref<!tpu.dma_semaphore, #tpu.memory_space<semaphore_mem>>
      %dma_start3A = arith.constant 0 : i32
      %dma_start3A_39 = arith.constant 0 : i32
      %dma_start3A_40 = tpu.memref_slice %arg5[%dma_start3A, %dma_start3A_39] : memref<40x128xi32, #tpu.memory_space<vmem>> -> memref<39x128xi32, #tpu.memory_space<vmem>>
      %dma_start3A_41 = arith.constant 0 : i32
      %dma_start3A_42 = tpu.memref_slice %arg3[%mul3A_2, %dma_start3A_41] : memref<1250x128xi32, #tpu.memory_space<hbm>> -> memref<39x128xi32, #tpu.memory_space<hbm>>
      %dma_start3A_43 = arith.constant 0 : i32
      %dma_start3A_44 = arith.constant 0 : i32
      %dma_start3A_45 = tpu.memref_slice %arg5[%dma_start3A_43, %dma_start3A_44] : memref<40x128xi32, #tpu.memory_space<vmem>> -> memref<39x128xi32, #tpu.memory_space<vmem>>
      %dma_start3A_46 = arith.constant 0 : i32
      %dma_start3A_47 = tpu.memref_slice %arg3[%mul3A_2, %dma_start3A_46] : memref<1250x128xi32, #tpu.memory_space<hbm>> -> memref<39x128xi32, #tpu.memory_space<hbm>>
      tpu.enqueue_dma source(%dma_start3A_47 : memref<39x128xi32, #tpu.memory_space<hbm>>) target(%dma_start3A_45 : memref<39x128xi32, #tpu.memory_space<vmem>>) target_semaphore(%run_scoped3A : memref<!tpu.dma_semaphore, #tpu.memory_space<semaphore_mem>>)
      %dma_wait3A_48 = arith.constant 0 : i32
      %dma_wait3A_49 = arith.constant 0 : i32
      %dma_wait3A_50 = tpu.memref_slice %arg5[%dma_wait3A_48, %dma_wait3A_49] : memref<40x128xi32, #tpu.memory_space<vmem>> -> memref<39x128xi32, #tpu.memory_space<vmem>>
      %dma_wait3A_51 = arith.constant 0 : i32
      %dma_wait3A_52 = tpu.memref_slice %arg3[%mul3A_2, %dma_wait3A_51] : memref<1250x128xi32, #tpu.memory_space<hbm>> -> memref<39x128xi32, #tpu.memory_space<hbm>>
      %dma_wait3A_53 = arith.constant 0 : i32
      %dma_wait3A_54 = arith.constant 0 : i32
      %dma_wait3A_55 = tpu.memref_slice %arg5[%dma_wait3A_53, %dma_wait3A_54] : memref<40x128xi32, #tpu.memory_space<vmem>> -> memref<39x128xi32, #tpu.memory_space<vmem>>
      %dma_wait3A_56 = arith.constant 0 : i32
      %dma_wait3A_57 = tpu.memref_slice %arg3[%mul3A_2, %dma_wait3A_56] : memref<1250x128xi32, #tpu.memory_space<hbm>> -> memref<39x128xi32, #tpu.memory_space<hbm>>
      tpu.wait_dma2 semaphore(%run_scoped3A : memref<!tpu.dma_semaphore, #tpu.memory_space<semaphore_mem>>) src(%dma_wait3A_57 : memref<39x128xi32, #tpu.memory_space<hbm>>) dst(%dma_wait3A_55 : memref<39x128xi32, #tpu.memory_space<vmem>>)
      tpu.yield
    }) : () -> ()
    %scan3A = arith.constant 0 : i32
    %scan3A_3 = arith.constant 0 : i32
    %scan3A_4 = arith.constant 13 : i32
    %scan3A_5 = arith.addi %scan3A_3, %scan3A_4 : i32
    %scan3A_6 = arith.constant 1 : i32
    scf.for %scan3A_39 = %scan3A_3 to %scan3A_5 step %scan3A_6  : i32 {
      %rem3A = arith.constant 2 : i32
      %rem3A_40 = arith.remsi %scan3A_39, %rem3A : i32
      %ge3A = arith.constant 2 : i32
      %ge3A_41 = arith.cmpi sge, %scan3A_39, %ge3A : i32
      %convert_element_type3A_42 = arith.extui %ge3A_41 : i1 to i32
      %cond3A_43 = arith.constant 0 : i32
      %cond3A_44 = arith.cmpi ne, %convert_element_type3A_42, %cond3A_43 : i32
      scf.if %cond3A_44 {
        %dma_wait3A_133 = arith.constant 0 : i32
        %dma_wait3A_134 = arith.constant 0 : i32
        %dma_wait3A_135 = tpu.memref_slice %arg6[%rem3A_40, %dma_wait3A_133, %dma_wait3A_134] : memref<2x384x16xf32, #tpu.memory_space<vmem>> -> memref<1x384x16xf32, #tpu.memory_space<vmem>>
        %dma_wait3A_136 = tpu.memref_squeeze %dma_wait3A_135 : memref<1x384x16xf32, #tpu.memory_space<vmem>> -> memref<384x16xf32, #tpu.memory_space<vmem>>
        %dma_wait3A_137 = arith.constant 0 : i32
        %dma_wait3A_138 = arith.constant 0 : i32
        %dma_wait3A_139 = tpu.memref_slice %arg4[%dma_wait3A_137, %dma_wait3A_138] : memref<160000x16xf32, #tpu.memory_space<hbm>> -> memref<384x16xf32, #tpu.memory_space<hbm>>
        %dma_wait3A_140 = arith.constant 0 : i32
        %dma_wait3A_141 = arith.constant 0 : i32
        %dma_wait3A_142 = tpu.memref_slice %arg6[%rem3A_40, %dma_wait3A_140, %dma_wait3A_141] : memref<2x384x16xf32, #tpu.memory_space<vmem>> -> memref<1x384x16xf32, #tpu.memory_space<vmem>>
        %dma_wait3A_143 = tpu.memref_squeeze %dma_wait3A_142 : memref<1x384x16xf32, #tpu.memory_space<vmem>> -> memref<384x16xf32, #tpu.memory_space<vmem>>
        %dma_wait3A_144 = arith.constant 0 : i32
        %dma_wait3A_145 = arith.constant 0 : i32
        %dma_wait3A_146 = tpu.memref_slice %arg4[%dma_wait3A_144, %dma_wait3A_145] : memref<160000x16xf32, #tpu.memory_space<hbm>> -> memref<384x16xf32, #tpu.memory_space<hbm>>
        tpu.wait_dma2 semaphore(%arg9 : memref<!tpu.dma_semaphore, #tpu.memory_space<semaphore_mem>>) src(%dma_wait3A_146 : memref<384x16xf32, #tpu.memory_space<hbm>>) dst(%dma_wait3A_143 : memref<384x16xf32, #tpu.memory_space<vmem>>)
      } else {
      }
      %mul3A_45 = arith.constant 3 : i32
      %mul3A_46 = arith.muli %scan3A_39, %mul3A_45 : i32
      %add3A_47 = arith.constant 0 : i32
      %add3A_48 = arith.addi %mul3A_46, %add3A_47 : i32
      %dma_start3A = arith.constant 0 : i32
      %dma_start3A_49 = arith.constant 0 : i32
      %dma_start3A_50 = tpu.memref_slice %arg6[%rem3A_40, %dma_start3A, %dma_start3A_49] : memref<2x384x16xf32, #tpu.memory_space<vmem>> -> memref<1x128x16xf32, #tpu.memory_space<vmem>>
      %dma_start3A_51 = tpu.memref_squeeze %dma_start3A_50 : memref<1x128x16xf32, #tpu.memory_space<vmem>> -> memref<128x16xf32, #tpu.memory_space<vmem>>
      %dma_start3A_52 = arith.constant 0 : i32
      %dma_start3A_53 = tpu.memref_slice %arg5[%add3A_48, %dma_start3A_52] : memref<40x128xi32, #tpu.memory_space<vmem>> -> memref<1x128xi32, #tpu.memory_space<vmem>>
      %dma_start3A_54 = tpu.memref_squeeze %dma_start3A_53 : memref<1x128xi32, #tpu.memory_space<vmem>> -> memref<128xi32, #tpu.memory_space<vmem>>
      %dma_start3A_55 = arith.constant 0 : i32
      %dma_start3A_56 = arith.constant 0 : i32
      %dma_start3A_57 = tpu.memref_slice %arg2[%dma_start3A_55, %dma_start3A_56] : memref<10000x16xf32, #tpu.memory_space<hbm>> -> memref<10000x16xf32, #tpu.memory_space<hbm>>
      tpu.enqueue_indirect_dma source(%dma_start3A_57 : memref<10000x16xf32, #tpu.memory_space<hbm>>) target(%dma_start3A_51 : memref<128x16xf32, #tpu.memory_space<vmem>>) offsets(%dma_start3A_54 : memref<128xi32, #tpu.memory_space<vmem>>) semaphore(%arg8 : memref<!tpu.dma_semaphore, #tpu.memory_space<semaphore_mem>>)
      %mul3A_58 = arith.constant 3 : i32
      %mul3A_59 = arith.muli %scan3A_39, %mul3A_58 : i32
      %add3A_60 = arith.constant 1 : i32
      %add3A_61 = arith.addi %mul3A_59, %add3A_60 : i32
      %dma_start3A_62 = arith.constant 128 : i32
      %dma_start3A_63 = arith.constant 0 : i32
      %dma_start3A_64 = tpu.memref_slice %arg6[%rem3A_40, %dma_start3A_62, %dma_start3A_63] : memref<2x384x16xf32, #tpu.memory_space<vmem>> -> memref<1x128x16xf32, #tpu.memory_space<vmem>>
      %dma_start3A_65 = tpu.memref_squeeze %dma_start3A_64 : memref<1x128x16xf32, #tpu.memory_space<vmem>> -> memref<128x16xf32, #tpu.memory_space<vmem>>
      %dma_start3A_66 = arith.constant 0 : i32
      %dma_start3A_67 = tpu.memref_slice %arg5[%add3A_61, %dma_start3A_66] : memref<40x128xi32, #tpu.memory_space<vmem>> -> memref<1x128xi32, #tpu.memory_space<vmem>>
      %dma_start3A_68 = tpu.memref_squeeze %dma_start3A_67 : memref<1x128xi32, #tpu.memory_space<vmem>> -> memref<128xi32, #tpu.memory_space<vmem>>
      %dma_start3A_69 = arith.constant 0 : i32
      %dma_start3A_70 = arith.constant 0 : i32
      %dma_start3A_71 = tpu.memref_slice %arg2[%dma_start3A_69, %dma_start3A_70] : memref<10000x16xf32, #tpu.memory_space<hbm>> -> memref<10000x16xf32, #tpu.memory_space<hbm>>
      tpu.enqueue_indirect_dma source(%dma_start3A_71 : memref<10000x16xf32, #tpu.memory_space<hbm>>) target(%dma_start3A_65 : memref<128x16xf32, #tpu.memory_space<vmem>>) offsets(%dma_start3A_68 : memref<128xi32, #tpu.memory_space<vmem>>) semaphore(%arg8 : memref<!tpu.dma_semaphore, #tpu.memory_space<semaphore_mem>>)
      %mul3A_72 = arith.constant 3 : i32
      %mul3A_73 = arith.muli %scan3A_39, %mul3A_72 : i32
      %add3A_74 = arith.constant 2 : i32
      %add3A_75 = arith.addi %mul3A_73, %add3A_74 : i32
      %dma_start3A_76 = arith.constant 256 : i32
      %dma_start3A_77 = arith.constant 0 : i32
      %dma_start3A_78 = tpu.memref_slice %arg6[%rem3A_40, %dma_start3A_76, %dma_start3A_77] : memref<2x384x16xf32, #tpu.memory_space<vmem>> -> memref<1x128x16xf32, #tpu.memory_space<vmem>>
      %dma_start3A_79 = tpu.memref_squeeze %dma_start3A_78 : memref<1x128x16xf32, #tpu.memory_space<vmem>> -> memref<128x16xf32, #tpu.memory_space<vmem>>
      %dma_start3A_80 = arith.constant 0 : i32
      %dma_start3A_81 = tpu.memref_slice %arg5[%add3A_75, %dma_start3A_80] : memref<40x128xi32, #tpu.memory_space<vmem>> -> memref<1x128xi32, #tpu.memory_space<vmem>>
      %dma_start3A_82 = tpu.memref_squeeze %dma_start3A_81 : memref<1x128xi32, #tpu.memory_space<vmem>> -> memref<128xi32, #tpu.memory_space<vmem>>
      %dma_start3A_83 = arith.constant 0 : i32
      %dma_start3A_84 = arith.constant 0 : i32
      %dma_start3A_85 = tpu.memref_slice %arg2[%dma_start3A_83, %dma_start3A_84] : memref<10000x16xf32, #tpu.memory_space<hbm>> -> memref<10000x16xf32, #tpu.memory_space<hbm>>
      tpu.enqueue_indirect_dma source(%dma_start3A_85 : memref<10000x16xf32, #tpu.memory_space<hbm>>) target(%dma_start3A_79 : memref<128x16xf32, #tpu.memory_space<vmem>>) offsets(%dma_start3A_82 : memref<128xi32, #tpu.memory_space<vmem>>) semaphore(%arg8 : memref<!tpu.dma_semaphore, #tpu.memory_space<semaphore_mem>>)
      %dma_wait3A_86 = arith.constant 0 : i32
      %dma_wait3A_87 = arith.constant 0 : i32
      %dma_wait3A_88 = tpu.memref_slice %arg6[%rem3A_40, %dma_wait3A_86, %dma_wait3A_87] : memref<2x384x16xf32, #tpu.memory_space<vmem>> -> memref<1x128x16xf32, #tpu.memory_space<vmem>>
      %dma_wait3A_89 = tpu.memref_squeeze %dma_wait3A_88 : memref<1x128x16xf32, #tpu.memory_space<vmem>> -> memref<128x16xf32, #tpu.memory_space<vmem>>
      %dma_wait3A_90 = arith.constant 0 : i32
      %dma_wait3A_91 = tpu.memref_slice %arg5[%add3A_48, %dma_wait3A_90] : memref<40x128xi32, #tpu.memory_space<vmem>> -> memref<1x128xi32, #tpu.memory_space<vmem>>
      %dma_wait3A_92 = tpu.memref_squeeze %dma_wait3A_91 : memref<1x128xi32, #tpu.memory_space<vmem>> -> memref<128xi32, #tpu.memory_space<vmem>>
      %dma_wait3A_93 = arith.constant 0 : i32
      %dma_wait3A_94 = arith.constant 0 : i32
      %dma_wait3A_95 = tpu.memref_slice %arg2[%dma_wait3A_93, %dma_wait3A_94] : memref<10000x16xf32, #tpu.memory_space<hbm>> -> memref<10000x16xf32, #tpu.memory_space<hbm>>
      tpu.wait_indirect_dma semaphore(%arg8 : memref<!tpu.dma_semaphore, #tpu.memory_space<semaphore_mem>>) src(%dma_wait3A_95 : memref<10000x16xf32, #tpu.memory_space<hbm>>) dst(%dma_wait3A_89 : memref<128x16xf32, #tpu.memory_space<vmem>>)
      %dma_wait3A_96 = arith.constant 128 : i32
      %dma_wait3A_97 = arith.constant 0 : i32
      %dma_wait3A_98 = tpu.memref_slice %arg6[%rem3A_40, %dma_wait3A_96, %dma_wait3A_97] : memref<2x384x16xf32, #tpu.memory_space<vmem>> -> memref<1x128x16xf32, #tpu.memory_space<vmem>>
      %dma_wait3A_99 = tpu.memref_squeeze %dma_wait3A_98 : memref<1x128x16xf32, #tpu.memory_space<vmem>> -> memref<128x16xf32, #tpu.memory_space<vmem>>
      %dma_wait3A_100 = arith.constant 0 : i32
      %dma_wait3A_101 = tpu.memref_slice %arg5[%add3A_61, %dma_wait3A_100] : memref<40x128xi32, #tpu.memory_space<vmem>> -> memref<1x128xi32, #tpu.memory_space<vmem>>
      %dma_wait3A_102 = tpu.memref_squeeze %dma_wait3A_101 : memref<1x128xi32, #tpu.memory_space<vmem>> -> memref<128xi32, #tpu.memory_space<vmem>>
      %dma_wait3A_103 = arith.constant 0 : i32
      %dma_wait3A_104 = arith.constant 0 : i32
      %dma_wait3A_105 = tpu.memref_slice %arg2[%dma_wait3A_103, %dma_wait3A_104] : memref<10000x16xf32, #tpu.memory_space<hbm>> -> memref<10000x16xf32, #tpu.memory_space<hbm>>
      tpu.wait_indirect_dma semaphore(%arg8 : memref<!tpu.dma_semaphore, #tpu.memory_space<semaphore_mem>>) src(%dma_wait3A_105 : memref<10000x16xf32, #tpu.memory_space<hbm>>) dst(%dma_wait3A_99 : memref<128x16xf32, #tpu.memory_space<vmem>>)
      %dma_wait3A_106 = arith.constant 256 : i32
      %dma_wait3A_107 = arith.constant 0 : i32
      %dma_wait3A_108 = tpu.memref_slice %arg6[%rem3A_40, %dma_wait3A_106, %dma_wait3A_107] : memref<2x384x16xf32, #tpu.memory_space<vmem>> -> memref<1x128x16xf32, #tpu.memory_space<vmem>>
      %dma_wait3A_109 = tpu.memref_squeeze %dma_wait3A_108 : memref<1x128x16xf32, #tpu.memory_space<vmem>> -> memref<128x16xf32, #tpu.memory_space<vmem>>
      %dma_wait3A_110 = arith.constant 0 : i32
      %dma_wait3A_111 = tpu.memref_slice %arg5[%add3A_75, %dma_wait3A_110] : memref<40x128xi32, #tpu.memory_space<vmem>> -> memref<1x128xi32, #tpu.memory_space<vmem>>
      %dma_wait3A_112 = tpu.memref_squeeze %dma_wait3A_111 : memref<1x128xi32, #tpu.memory_space<vmem>> -> memref<128xi32, #tpu.memory_space<vmem>>
      %dma_wait3A_113 = arith.constant 0 : i32
      %dma_wait3A_114 = arith.constant 0 : i32
      %dma_wait3A_115 = tpu.memref_slice %arg2[%dma_wait3A_113, %dma_wait3A_114] : memref<10000x16xf32, #tpu.memory_space<hbm>> -> memref<10000x16xf32, #tpu.memory_space<hbm>>
      tpu.wait_indirect_dma semaphore(%arg8 : memref<!tpu.dma_semaphore, #tpu.memory_space<semaphore_mem>>) src(%dma_wait3A_115 : memref<10000x16xf32, #tpu.memory_space<hbm>>) dst(%dma_wait3A_109 : memref<128x16xf32, #tpu.memory_space<vmem>>)
      %mul3A_116 = arith.constant 3 : i32
      %mul3A_117 = arith.muli %scan3A_39, %mul3A_116 : i32
      %add3A_118 = arith.addi %mul3A_2, %mul3A_117 : i32
      %mul3A_119 = arith.constant 128 : i32
      %mul3A_120 = arith.muli %add3A_118, %mul3A_119 : i32
      %dma_start3A_121 = arith.constant 0 : i32
      %dma_start3A_122 = arith.constant 0 : i32
      %dma_start3A_123 = tpu.memref_slice %arg6[%rem3A_40, %dma_start3A_121, %dma_start3A_122] : memref<2x384x16xf32, #tpu.memory_space<vmem>> -> memref<1x384x16xf32, #tpu.memory_space<vmem>>
      %dma_start3A_124 = tpu.memref_squeeze %dma_start3A_123 : memref<1x384x16xf32, #tpu.memory_space<vmem>> -> memref<384x16xf32, #tpu.memory_space<vmem>>
      %dma_start3A_125 = arith.constant 0 : i32
      %dma_start3A_126 = tpu.memref_slice %arg4[%mul3A_120, %dma_start3A_125] : memref<160000x16xf32, #tpu.memory_space<hbm>> -> memref<384x16xf32, #tpu.memory_space<hbm>>
      %dma_start3A_127 = arith.constant 0 : i32
      %dma_start3A_128 = tpu.memref_slice %arg4[%mul3A_120, %dma_start3A_127] : memref<160000x16xf32, #tpu.memory_space<hbm>> -> memref<384x16xf32, #tpu.memory_space<hbm>>
      %dma_start3A_129 = arith.constant 0 : i32
      %dma_start3A_130 = arith.constant 0 : i32
      %dma_start3A_131 = tpu.memref_slice %arg6[%rem3A_40, %dma_start3A_129, %dma_start3A_130] : memref<2x384x16xf32, #tpu.memory_space<vmem>> -> memref<1x384x16xf32, #tpu.memory_space<vmem>>
      %dma_start3A_132 = tpu.memref_squeeze %dma_start3A_131 : memref<1x384x16xf32, #tpu.memory_space<vmem>> -> memref<384x16xf32, #tpu.memory_space<vmem>>
      tpu.enqueue_dma source(%dma_start3A_132 : memref<384x16xf32, #tpu.memory_space<vmem>>) target(%dma_start3A_128 : memref<384x16xf32, #tpu.memory_space<hbm>>) target_semaphore(%arg9 : memref<!tpu.dma_semaphore, #tpu.memory_space<semaphore_mem>>)
    }
    %scan3A_7 = arith.constant 13 : i32
    %dma_wait3A = arith.constant 0 : i32
    %dma_wait3A_8 = arith.constant 0 : i32
    %dma_wait3A_9 = arith.constant 0 : i32
    %dma_wait3A_10 = tpu.memref_slice %arg6[%dma_wait3A, %dma_wait3A_8, %dma_wait3A_9] : memref<2x384x16xf32, #tpu.memory_space<vmem>> -> memref<1x384x16xf32, #tpu.memory_space<vmem>>
    %dma_wait3A_11 = tpu.memref_squeeze %dma_wait3A_10 : memref<1x384x16xf32, #tpu.memory_space<vmem>> -> memref<384x16xf32, #tpu.memory_space<vmem>>
    %dma_wait3A_12 = arith.constant 0 : i32
    %dma_wait3A_13 = arith.constant 0 : i32
    %dma_wait3A_14 = tpu.memref_slice %arg4[%dma_wait3A_12, %dma_wait3A_13] : memref<160000x16xf32, #tpu.memory_space<hbm>> -> memref<384x16xf32, #tpu.memory_space<hbm>>
    %dma_wait3A_15 = arith.constant 0 : i32
    %dma_wait3A_16 = arith.constant 0 : i32
    %dma_wait3A_17 = tpu.memref_slice %arg6[%dma_wait3A, %dma_wait3A_15, %dma_wait3A_16] : memref<2x384x16xf32, #tpu.memory_space<vmem>> -> memref<1x384x16xf32, #tpu.memory_space<vmem>>
    %dma_wait3A_18 = tpu.memref_squeeze %dma_wait3A_17 : memref<1x384x16xf32, #tpu.memory_space<vmem>> -> memref<384x16xf32, #tpu.memory_space<vmem>>
    %dma_wait3A_19 = arith.constant 0 : i32
    %dma_wait3A_20 = arith.constant 0 : i32
    %dma_wait3A_21 = tpu.memref_slice %arg4[%dma_wait3A_19, %dma_wait3A_20] : memref<160000x16xf32, #tpu.memory_space<hbm>> -> memref<384x16xf32, #tpu.memory_space<hbm>>
    tpu.wait_dma2 semaphore(%arg9 : memref<!tpu.dma_semaphore, #tpu.memory_space<semaphore_mem>>) src(%dma_wait3A_21 : memref<384x16xf32, #tpu.memory_space<hbm>>) dst(%dma_wait3A_18 : memref<384x16xf32, #tpu.memory_space<vmem>>)
    %dma_wait3A_22 = arith.constant 1 : i32
    %dma_wait3A_23 = arith.constant 0 : i32
    %dma_wait3A_24 = arith.constant 0 : i32
    %dma_wait3A_25 = tpu.memref_slice %arg6[%dma_wait3A_22, %dma_wait3A_23, %dma_wait3A_24] : memref<2x384x16xf32, #tpu.memory_space<vmem>> -> memref<1x384x16xf32, #tpu.memory_space<vmem>>
    %dma_wait3A_26 = tpu.memref_squeeze %dma_wait3A_25 : memref<1x384x16xf32, #tpu.memory_space<vmem>> -> memref<384x16xf32, #tpu.memory_space<vmem>>
    %dma_wait3A_27 = arith.constant 0 : i32
    %dma_wait3A_28 = arith.constant 0 : i32
    %dma_wait3A_29 = tpu.memref_slice %arg4[%dma_wait3A_27, %dma_wait3A_28] : memref<160000x16xf32, #tpu.memory_space<hbm>> -> memref<384x16xf32, #tpu.memory_space<hbm>>
    %dma_wait3A_30 = arith.constant 0 : i32
    %dma_wait3A_31 = arith.constant 0 : i32
    %dma_wait3A_32 = tpu.memref_slice %arg6[%dma_wait3A_22, %dma_wait3A_30, %dma_wait3A_31] : memref<2x384x16xf32, #tpu.memory_space<vmem>> -> memref<1x384x16xf32, #tpu.memory_space<vmem>>
    %dma_wait3A_33 = tpu.memref_squeeze %dma_wait3A_32 : memref<1x384x16xf32, #tpu.memory_space<vmem>> -> memref<384x16xf32, #tpu.memory_space<vmem>>
    %dma_wait3A_34 = arith.constant 0 : i32
    %dma_wait3A_35 = arith.constant 0 : i32
    %dma_wait3A_36 = tpu.memref_slice %arg4[%dma_wait3A_34, %dma_wait3A_35] : memref<160000x16xf32, #tpu.memory_space<hbm>> -> memref<384x16xf32, #tpu.memory_space<hbm>>
    tpu.wait_dma2 semaphore(%arg9 : memref<!tpu.dma_semaphore, #tpu.memory_space<semaphore_mem>>) src(%dma_wait3A_36 : memref<384x16xf32, #tpu.memory_space<hbm>>) dst(%dma_wait3A_33 : memref<384x16xf32, #tpu.memory_space<vmem>>)
    %lt3A = arith.constant 2 : i32
    %lt3A_37 = arith.cmpi slt, %add3A, %lt3A : i32
    %convert_element_type3A = arith.extui %lt3A_37 : i1 to i32
    %cond3A = arith.constant 0 : i32
    %cond3A_38 = arith.cmpi ne, %convert_element_type3A, %cond3A : i32
    scf.if %cond3A_38 {
      %add3A_39 = arith.constant 1248 : i32
      %add3A_40 = arith.addi %add3A_39, %add3A : i32
      %run_scoped3A = arith.constant 39 : i32
      "tpu.region"() ({
        %run_scoped3A_56 = tpu.sem_alloc : memref<!tpu.dma_semaphore, #tpu.memory_space<semaphore_mem>>
        %dma_start3A_57 = arith.constant 0 : i32
        %dma_start3A_58 = tpu.memref_slice %arg5[%run_scoped3A, %dma_start3A_57] : memref<40x128xi32, #tpu.memory_space<vmem>> -> memref<1x128xi32, #tpu.memory_space<vmem>>
        %dma_start3A_59 = tpu.memref_squeeze %dma_start3A_58 : memref<1x128xi32, #tpu.memory_space<vmem>> -> memref<128xi32, #tpu.memory_space<vmem>>
        %dma_start3A_60 = arith.constant 0 : i32
        %dma_start3A_61 = tpu.memref_slice %arg3[%add3A_40, %dma_start3A_60] : memref<1250x128xi32, #tpu.memory_space<hbm>> -> memref<1x128xi32, #tpu.memory_space<hbm>>
        %dma_start3A_62 = tpu.memref_squeeze %dma_start3A_61 : memref<1x128xi32, #tpu.memory_space<hbm>> -> memref<128xi32, #tpu.memory_space<hbm>>
        %dma_start3A_63 = arith.constant 0 : i32
        %dma_start3A_64 = tpu.memref_slice %arg5[%run_scoped3A, %dma_start3A_63] : memref<40x128xi32, #tpu.memory_space<vmem>> -> memref<1x128xi32, #tpu.memory_space<vmem>>
        %dma_start3A_65 = tpu.memref_squeeze %dma_start3A_64 : memref<1x128xi32, #tpu.memory_space<vmem>> -> memref<128xi32, #tpu.memory_space<vmem>>
        %dma_start3A_66 = arith.constant 0 : i32
        %dma_start3A_67 = tpu.memref_slice %arg3[%add3A_40, %dma_start3A_66] : memref<1250x128xi32, #tpu.memory_space<hbm>> -> memref<1x128xi32, #tpu.memory_space<hbm>>
        %dma_start3A_68 = tpu.memref_squeeze %dma_start3A_67 : memref<1x128xi32, #tpu.memory_space<hbm>> -> memref<128xi32, #tpu.memory_space<hbm>>
        tpu.enqueue_dma source(%dma_start3A_68 : memref<128xi32, #tpu.memory_space<hbm>>) target(%dma_start3A_65 : memref<128xi32, #tpu.memory_space<vmem>>) target_semaphore(%run_scoped3A_56 : memref<!tpu.dma_semaphore, #tpu.memory_space<semaphore_mem>>)
        %dma_wait3A_69 = arith.constant 0 : i32
        %dma_wait3A_70 = tpu.memref_slice %arg5[%run_scoped3A, %dma_wait3A_69] : memref<40x128xi32, #tpu.memory_space<vmem>> -> memref<1x128xi32, #tpu.memory_space<vmem>>
        %dma_wait3A_71 = tpu.memref_squeeze %dma_wait3A_70 : memref<1x128xi32, #tpu.memory_space<vmem>> -> memref<128xi32, #tpu.memory_space<vmem>>
        %dma_wait3A_72 = arith.constant 0 : i32
        %dma_wait3A_73 = tpu.memref_slice %arg3[%add3A_40, %dma_wait3A_72] : memref<1250x128xi32, #tpu.memory_space<hbm>> -> memref<1x128xi32, #tpu.memory_space<hbm>>
        %dma_wait3A_74 = tpu.memref_squeeze %dma_wait3A_73 : memref<1x128xi32, #tpu.memory_space<hbm>> -> memref<128xi32, #tpu.memory_space<hbm>>
        %dma_wait3A_75 = arith.constant 0 : i32
        %dma_wait3A_76 = tpu.memref_slice %arg5[%run_scoped3A, %dma_wait3A_75] : memref<40x128xi32, #tpu.memory_space<vmem>> -> memref<1x128xi32, #tpu.memory_space<vmem>>
        %dma_wait3A_77 = tpu.memref_squeeze %dma_wait3A_76 : memref<1x128xi32, #tpu.memory_space<vmem>> -> memref<128xi32, #tpu.memory_space<vmem>>
        %dma_wait3A_78 = arith.constant 0 : i32
        %dma_wait3A_79 = tpu.memref_slice %arg3[%add3A_40, %dma_wait3A_78] : memref<1250x128xi32, #tpu.memory_space<hbm>> -> memref<1x128xi32, #tpu.memory_space<hbm>>
        %dma_wait3A_80 = tpu.memref_squeeze %dma_wait3A_79 : memref<1x128xi32, #tpu.memory_space<hbm>> -> memref<128xi32, #tpu.memory_space<hbm>>
        tpu.wait_dma2 semaphore(%run_scoped3A_56 : memref<!tpu.dma_semaphore, #tpu.memory_space<semaphore_mem>>) src(%dma_wait3A_80 : memref<128xi32, #tpu.memory_space<hbm>>) dst(%dma_wait3A_77 : memref<128xi32, #tpu.memory_space<vmem>>)
        tpu.yield
      }) : () -> ()
      %dma_start3A = arith.constant 39 : i32
      %dma_start3A_41 = arith.constant 0 : i32
      %dma_start3A_42 = tpu.memref_slice %arg5[%dma_start3A, %dma_start3A_41] : memref<40x128xi32, #tpu.memory_space<vmem>> -> memref<1x128xi32, #tpu.memory_space<vmem>>
      %dma_start3A_43 = tpu.memref_squeeze %dma_start3A_42 : memref<1x128xi32, #tpu.memory_space<vmem>> -> memref<128xi32, #tpu.memory_space<vmem>>
      %dma_start3A_44 = arith.constant 0 : i32
      %dma_start3A_45 = arith.constant 0 : i32
      %dma_start3A_46 = tpu.memref_slice %arg2[%dma_start3A_44, %dma_start3A_45] : memref<10000x16xf32, #tpu.memory_space<hbm>> -> memref<10000x16xf32, #tpu.memory_space<hbm>>
      tpu.enqueue_indirect_dma source(%dma_start3A_46 : memref<10000x16xf32, #tpu.memory_space<hbm>>) target(%arg7 : memref<128x16xf32, #tpu.memory_space<vmem>>) offsets(%dma_start3A_43 : memref<128xi32, #tpu.memory_space<vmem>>) semaphore(%arg8 : memref<!tpu.dma_semaphore, #tpu.memory_space<semaphore_mem>>)
      %dma_wait3A_47 = arith.constant 39 : i32
      %dma_wait3A_48 = arith.constant 0 : i32
      %dma_wait3A_49 = tpu.memref_slice %arg5[%dma_wait3A_47, %dma_wait3A_48] : memref<40x128xi32, #tpu.memory_space<vmem>> -> memref<1x128xi32, #tpu.memory_space<vmem>>
      %dma_wait3A_50 = tpu.memref_squeeze %dma_wait3A_49 : memref<1x128xi32, #tpu.memory_space<vmem>> -> memref<128xi32, #tpu.memory_space<vmem>>
      %dma_wait3A_51 = arith.constant 0 : i32
      %dma_wait3A_52 = arith.constant 0 : i32
      %dma_wait3A_53 = tpu.memref_slice %arg2[%dma_wait3A_51, %dma_wait3A_52] : memref<10000x16xf32, #tpu.memory_space<hbm>> -> memref<10000x16xf32, #tpu.memory_space<hbm>>
      tpu.wait_indirect_dma semaphore(%arg8 : memref<!tpu.dma_semaphore, #tpu.memory_space<semaphore_mem>>) src(%dma_wait3A_53 : memref<10000x16xf32, #tpu.memory_space<hbm>>) dst(%arg7 : memref<128x16xf32, #tpu.memory_space<vmem>>)
      %mul3A_54 = arith.constant 128 : i32
      %mul3A_55 = arith.muli %add3A_40, %mul3A_54 : i32
      "tpu.region"() ({
        %run_scoped3A_56 = tpu.sem_alloc : memref<!tpu.dma_semaphore, #tpu.memory_space<semaphore_mem>>
        %dma_start3A_57 = arith.constant 0 : i32
        %dma_start3A_58 = tpu.memref_slice %arg4[%mul3A_55, %dma_start3A_57] : memref<160000x16xf32, #tpu.memory_space<hbm>> -> memref<128x16xf32, #tpu.memory_space<hbm>>
        %dma_start3A_59 = arith.constant 0 : i32
        %dma_start3A_60 = tpu.memref_slice %arg4[%mul3A_55, %dma_start3A_59] : memref<160000x16xf32, #tpu.memory_space<hbm>> -> memref<128x16xf32, #tpu.memory_space<hbm>>
        tpu.enqueue_dma source(%arg7 : memref<128x16xf32, #tpu.memory_space<vmem>>) target(%dma_start3A_60 : memref<128x16xf32, #tpu.memory_space<hbm>>) target_semaphore(%run_scoped3A_56 : memref<!tpu.dma_semaphore, #tpu.memory_space<semaphore_mem>>)
        %dma_wait3A_61 = arith.constant 0 : i32
        %dma_wait3A_62 = tpu.memref_slice %arg4[%mul3A_55, %dma_wait3A_61] : memref<160000x16xf32, #tpu.memory_space<hbm>> -> memref<128x16xf32, #tpu.memory_space<hbm>>
        %dma_wait3A_63 = arith.constant 0 : i32
        %dma_wait3A_64 = tpu.memref_slice %arg4[%mul3A_55, %dma_wait3A_63] : memref<160000x16xf32, #tpu.memory_space<hbm>> -> memref<128x16xf32, #tpu.memory_space<hbm>>
        tpu.wait_dma2 semaphore(%run_scoped3A_56 : memref<!tpu.dma_semaphore, #tpu.memory_space<semaphore_mem>>) src(%arg7 : memref<128x16xf32, #tpu.memory_space<vmem>>) dst(%dma_wait3A_64 : memref<128x16xf32, #tpu.memory_space<hbm>>)
        tpu.yield
      }) : () -> ()
    } else {
    }
    return
  }
}

#map = affine_map<(d0, d1) -> (0, 0)>
#map1 = affine_map<(d0, d1) -> (0, 0, 0)>
module attributes {stable_mosaic.version = 14 : i64} {
  func.func @k(%arg0: i32, %arg1: i32, %arg2: memref<160000x16xf32, #tpu.memory_space<hbm>>, %arg3: memref<1250x128xi32, #tpu.memory_space<hbm>>, %arg4: memref<2x10000x16xf32, #tpu.memory_space<hbm>>, %arg5: memref<40x128xi32, #tpu.memory_space<vmem>>, %arg6: memref<2x384x16xf32, #tpu.memory_space<vmem>>, %arg7: memref<128x16xf32, #tpu.memory_space<vmem>>, %arg8: memref<625x16xf32, #tpu.memory_space<vmem>>, %arg9: memref<10000x16xf32, #tpu.memory_space<vmem_shared>>, %arg10: memref<!tpu.dma_semaphore, #tpu.memory_space<semaphore_mem>>) attributes {dimension_semantics = [#tpu.dimension_semantics<core_parallel>, #tpu.dimension_semantics<subcore_parallel>], iteration_bounds = array<i64: 2, 16>, scalar_prefetch = 0 : i64, scratch_operands = 6 : i64, tpu.core_type = #tpu.core_type<sc_vector_subcore>, window_params = [{transform_indices = #map}, {transform_indices = #map}, {transform_indices = #map1}]} {
    %mul3A = arith.constant 2 : i32
    %mul3A_0 = arith.muli %arg1, %mul3A : i32
    %add3A = arith.addi %mul3A_0, %arg0 : i32
    %mul3A_1 = arith.constant 39 : i32
    %mul3A_2 = arith.muli %add3A, %mul3A_1 : i32
    %broadcast_in_dim3A = arith.constant 0.000000e+00 : f32
    %broadcast_in_dim3A_3 = vector.broadcast %broadcast_in_dim3A : f32 to vector<16xf32>
    %scan3A = arith.constant 0 : i32
    %scan3A_4 = arith.constant 0 : i32
    %scan3A_5 = arith.constant 625 : i32
    %scan3A_6 = arith.addi %scan3A_4, %scan3A_5 : i32
    %scan3A_7 = arith.constant 1 : i32
    scf.for %scan3A_38 = %scan3A_4 to %scan3A_6 step %scan3A_7  : i32 {
      %swap3A = arith.index_cast %scan3A_38 : i32 to index
      %swap3A_39 = arith.constant 0 : index
      %swap3A_40 = tpu.vector_load %arg8[%swap3A, %swap3A_39] {strides = array<i32>} : memref<625x16xf32, #tpu.memory_space<vmem>>, vector<1x16xf32>,
      %swap3A_41 = vector.shape_cast %swap3A_40 : vector<1x16xf32> to vector<16xf32>
      %swap3A_42 = vector.shape_cast %broadcast_in_dim3A_3 : vector<16xf32> to vector<1x16xf32>
      tpu.vector_store %arg8[%swap3A, %swap3A_39], %swap3A_42 {strides = array<i32>} : memref<625x16xf32, #tpu.memory_space<vmem>>, vector<1x16xf32>,
    }
    %scan3A_8 = arith.constant 625 : i32
    %mul3A_9 = arith.constant 625 : i32
    %mul3A_10 = arith.muli %arg1, %mul3A_9 : i32
    "tpu.region"() ({
      %run_scoped3A = tpu.sem_alloc : memref<!tpu.dma_semaphore, #tpu.memory_space<semaphore_mem>>
      %dma_start3A_38 = arith.constant 0 : i32
      %dma_start3A_39 = tpu.memref_slice %arg9[%mul3A_10, %dma_start3A_38] : memref<10000x16xf32, #tpu.memory_space<vmem_shared>> -> memref<625x16xf32, #tpu.memory_space<vmem_shared>>
      %dma_start3A_40 = arith.constant 0 : i32
      %dma_start3A_41 = tpu.memref_slice %arg9[%mul3A_10, %dma_start3A_40] : memref<10000x16xf32, #tpu.memory_space<vmem_shared>> -> memref<625x16xf32, #tpu.memory_space<vmem_shared>>
      tpu.enqueue_dma source(%arg8 : memref<625x16xf32, #tpu.memory_space<vmem>>) target(%dma_start3A_41 : memref<625x16xf32, #tpu.memory_space<vmem_shared>>) target_semaphore(%run_scoped3A : memref<!tpu.dma_semaphore, #tpu.memory_space<semaphore_mem>>)
      %dma_wait3A = arith.constant 0 : i32
      %dma_wait3A_42 = tpu.memref_slice %arg9[%mul3A_10, %dma_wait3A] : memref<10000x16xf32, #tpu.memory_space<vmem_shared>> -> memref<625x16xf32, #tpu.memory_space<vmem_shared>>
      %dma_wait3A_43 = arith.constant 0 : i32
      %dma_wait3A_44 = tpu.memref_slice %arg9[%mul3A_10, %dma_wait3A_43] : memref<10000x16xf32, #tpu.memory_space<vmem_shared>> -> memref<625x16xf32, #tpu.memory_space<vmem_shared>>
      tpu.wait_dma2 semaphore(%run_scoped3A : memref<!tpu.dma_semaphore, #tpu.memory_space<semaphore_mem>>) src(%arg8 : memref<625x16xf32, #tpu.memory_space<vmem>>) dst(%dma_wait3A_44 : memref<625x16xf32, #tpu.memory_space<vmem_shared>>)
      tpu.yield
    }) : () -> ()
    "tpu.region"() ({
      %run_scoped3A = tpu.sem_alloc : memref<!tpu.dma_semaphore, #tpu.memory_space<semaphore_mem>>
      %dma_start3A_38 = arith.constant 0 : i32
      %dma_start3A_39 = arith.constant 0 : i32
      %dma_start3A_40 = tpu.memref_slice %arg5[%dma_start3A_38, %dma_start3A_39] : memref<40x128xi32, #tpu.memory_space<vmem>> -> memref<39x128xi32, #tpu.memory_space<vmem>>
      %dma_start3A_41 = arith.constant 0 : i32
      %dma_start3A_42 = tpu.memref_slice %arg3[%mul3A_2, %dma_start3A_41] : memref<1250x128xi32, #tpu.memory_space<hbm>> -> memref<39x128xi32, #tpu.memory_space<hbm>>
      %dma_start3A_43 = arith.constant 0 : i32
      %dma_start3A_44 = arith.constant 0 : i32
      %dma_start3A_45 = tpu.memref_slice %arg5[%dma_start3A_43, %dma_start3A_44] : memref<40x128xi32, #tpu.memory_space<vmem>> -> memref<39x128xi32, #tpu.memory_space<vmem>>
      %dma_start3A_46 = arith.constant 0 : i32
      %dma_start3A_47 = tpu.memref_slice %arg3[%mul3A_2, %dma_start3A_46] : memref<1250x128xi32, #tpu.memory_space<hbm>> -> memref<39x128xi32, #tpu.memory_space<hbm>>
      tpu.enqueue_dma source(%dma_start3A_47 : memref<39x128xi32, #tpu.memory_space<hbm>>) target(%dma_start3A_45 : memref<39x128xi32, #tpu.memory_space<vmem>>) target_semaphore(%run_scoped3A : memref<!tpu.dma_semaphore, #tpu.memory_space<semaphore_mem>>)
      %dma_wait3A = arith.constant 0 : i32
      %dma_wait3A_48 = arith.constant 0 : i32
      %dma_wait3A_49 = tpu.memref_slice %arg5[%dma_wait3A, %dma_wait3A_48] : memref<40x128xi32, #tpu.memory_space<vmem>> -> memref<39x128xi32, #tpu.memory_space<vmem>>
      %dma_wait3A_50 = arith.constant 0 : i32
      %dma_wait3A_51 = tpu.memref_slice %arg3[%mul3A_2, %dma_wait3A_50] : memref<1250x128xi32, #tpu.memory_space<hbm>> -> memref<39x128xi32, #tpu.memory_space<hbm>>
      %dma_wait3A_52 = arith.constant 0 : i32
      %dma_wait3A_53 = arith.constant 0 : i32
      %dma_wait3A_54 = tpu.memref_slice %arg5[%dma_wait3A_52, %dma_wait3A_53] : memref<40x128xi32, #tpu.memory_space<vmem>> -> memref<39x128xi32, #tpu.memory_space<vmem>>
      %dma_wait3A_55 = arith.constant 0 : i32
      %dma_wait3A_56 = tpu.memref_slice %arg3[%mul3A_2, %dma_wait3A_55] : memref<1250x128xi32, #tpu.memory_space<hbm>> -> memref<39x128xi32, #tpu.memory_space<hbm>>
      tpu.wait_dma2 semaphore(%run_scoped3A : memref<!tpu.dma_semaphore, #tpu.memory_space<semaphore_mem>>) src(%dma_wait3A_56 : memref<39x128xi32, #tpu.memory_space<hbm>>) dst(%dma_wait3A_54 : memref<39x128xi32, #tpu.memory_space<vmem>>)
      tpu.yield
    }) : () -> ()
    %barrier3A = arith.constant 0 : index
    tpu.barrier barrier_id(%barrier3A)
    %mul3A_11 = arith.constant 128 : i32
    %mul3A_12 = arith.muli %mul3A_2, %mul3A_11 : i32
    %dma_start3A = arith.constant 0 : i32
    %dma_start3A_13 = arith.constant 0 : i32
    %dma_start3A_14 = arith.constant 0 : i32
    %dma_start3A_15 = tpu.memref_slice %arg6[%dma_start3A, %dma_start3A_13, %dma_start3A_14] : memref<2x384x16xf32, #tpu.memory_space<vmem>> -> memref<1x384x16xf32, #tpu.memory_space<vmem>>
    %dma_start3A_16 = tpu.memref_squeeze %dma_start3A_15 : memref<1x384x16xf32, #tpu.memory_space<vmem>> -> memref<384x16xf32, #tpu.memory_space<vmem>>
    %dma_start3A_17 = arith.constant 0 : i32
    %dma_start3A_18 = tpu.memref_slice %arg2[%mul3A_12, %dma_start3A_17] : memref<160000x16xf32, #tpu.memory_space<hbm>> -> memref<384x16xf32, #tpu.memory_space<hbm>>
    %dma_start3A_19 = arith.constant 0 : i32
    %dma_start3A_20 = arith.constant 0 : i32
    %dma_start3A_21 = tpu.memref_slice %arg6[%dma_start3A, %dma_start3A_19, %dma_start3A_20] : memref<2x384x16xf32, #tpu.memory_space<vmem>> -> memref<1x384x16xf32, #tpu.memory_space<vmem>>
    %dma_start3A_22 = tpu.memref_squeeze %dma_start3A_21 : memref<1x384x16xf32, #tpu.memory_space<vmem>> -> memref<384x16xf32, #tpu.memory_space<vmem>>
    %dma_start3A_23 = arith.constant 0 : i32
    %dma_start3A_24 = tpu.memref_slice %arg2[%mul3A_12, %dma_start3A_23] : memref<160000x16xf32, #tpu.memory_space<hbm>> -> memref<384x16xf32, #tpu.memory_space<hbm>>
    tpu.enqueue_dma source(%dma_start3A_24 : memref<384x16xf32, #tpu.memory_space<hbm>>) target(%dma_start3A_22 : memref<384x16xf32, #tpu.memory_space<vmem>>) target_semaphore(%arg10 : memref<!tpu.dma_semaphore, #tpu.memory_space<semaphore_mem>>)
    %scan3A_25 = arith.constant 0 : i32
    %scan3A_26 = arith.constant 0 : i32
    %scan3A_27 = arith.constant 13 : i32
    %scan3A_28 = arith.addi %scan3A_26, %scan3A_27 : i32
    %scan3A_29 = arith.constant 1 : i32
    scf.for %scan3A_38 = %scan3A_26 to %scan3A_28 step %scan3A_29  : i32 {
      %rem3A = arith.constant 2 : i32
      %rem3A_39 = arith.remsi %scan3A_38, %rem3A : i32
      %dma_wait3A = arith.constant 0 : i32
      %dma_wait3A_40 = arith.constant 0 : i32
      %dma_wait3A_41 = tpu.memref_slice %arg6[%rem3A_39, %dma_wait3A, %dma_wait3A_40] : memref<2x384x16xf32, #tpu.memory_space<vmem>> -> memref<1x384x16xf32, #tpu.memory_space<vmem>>
      %dma_wait3A_42 = tpu.memref_squeeze %dma_wait3A_41 : memref<1x384x16xf32, #tpu.memory_space<vmem>> -> memref<384x16xf32, #tpu.memory_space<vmem>>
      %dma_wait3A_43 = arith.constant 0 : i32
      %dma_wait3A_44 = arith.constant 0 : i32
      %dma_wait3A_45 = tpu.memref_slice %arg2[%dma_wait3A_43, %dma_wait3A_44] : memref<160000x16xf32, #tpu.memory_space<hbm>> -> memref<384x16xf32, #tpu.memory_space<hbm>>
      %dma_wait3A_46 = arith.constant 0 : i32
      %dma_wait3A_47 = arith.constant 0 : i32
      %dma_wait3A_48 = tpu.memref_slice %arg6[%rem3A_39, %dma_wait3A_46, %dma_wait3A_47] : memref<2x384x16xf32, #tpu.memory_space<vmem>> -> memref<1x384x16xf32, #tpu.memory_space<vmem>>
      %dma_wait3A_49 = tpu.memref_squeeze %dma_wait3A_48 : memref<1x384x16xf32, #tpu.memory_space<vmem>> -> memref<384x16xf32, #tpu.memory_space<vmem>>
      %dma_wait3A_50 = arith.constant 0 : i32
      %dma_wait3A_51 = arith.constant 0 : i32
      %dma_wait3A_52 = tpu.memref_slice %arg2[%dma_wait3A_50, %dma_wait3A_51] : memref<160000x16xf32, #tpu.memory_space<hbm>> -> memref<384x16xf32, #tpu.memory_space<hbm>>
      tpu.wait_dma2 semaphore(%arg10 : memref<!tpu.dma_semaphore, #tpu.memory_space<semaphore_mem>>) src(%dma_wait3A_52 : memref<384x16xf32, #tpu.memory_space<hbm>>) dst(%dma_wait3A_49 : memref<384x16xf32, #tpu.memory_space<vmem>>)
      %lt3A_53 = arith.constant 12 : i32
      %lt3A_54 = arith.cmpi slt, %scan3A_38, %lt3A_53 : i32
      %convert_element_type3A_55 = arith.extui %lt3A_54 : i1 to i32
      %cond3A_56 = arith.constant 0 : i32
      %cond3A_57 = arith.cmpi ne, %convert_element_type3A_55, %cond3A_56 : i32
      scf.if %cond3A_57 {
        %add3A_70 = arith.constant 1 : i32
        %add3A_71 = arith.addi %scan3A_38, %add3A_70 : i32
        %mul3A_72 = arith.constant 3 : i32
        %mul3A_73 = arith.muli %add3A_71, %mul3A_72 : i32
        %add3A_74 = arith.addi %mul3A_2, %mul3A_73 : i32
        %mul3A_75 = arith.constant 128 : i32
        %mul3A_76 = arith.muli %add3A_74, %mul3A_75 : i32
        %sub3A = arith.constant 1 : i32
        %sub3A_77 = arith.subi %sub3A, %rem3A_39 : i32
        %dma_start3A_78 = arith.constant 0 : i32
        %dma_start3A_79 = arith.constant 0 : i32
        %dma_start3A_80 = tpu.memref_slice %arg6[%sub3A_77, %dma_start3A_78, %dma_start3A_79] : memref<2x384x16xf32, #tpu.memory_space<vmem>> -> memref<1x384x16xf32, #tpu.memory_space<vmem>>
        %dma_start3A_81 = tpu.memref_squeeze %dma_start3A_80 : memref<1x384x16xf32, #tpu.memory_space<vmem>> -> memref<384x16xf32, #tpu.memory_space<vmem>>
        %dma_start3A_82 = arith.constant 0 : i32
        %dma_start3A_83 = tpu.memref_slice %arg2[%mul3A_76, %dma_start3A_82] : memref<160000x16xf32, #tpu.memory_space<hbm>> -> memref<384x16xf32, #tpu.memory_space<hbm>>
        %dma_start3A_84 = arith.constant 0 : i32
        %dma_start3A_85 = arith.constant 0 : i32
        %dma_start3A_86 = tpu.memref_slice %arg6[%sub3A_77, %dma_start3A_84, %dma_start3A_85] : memref<2x384x16xf32, #tpu.memory_space<vmem>> -> memref<1x384x16xf32, #tpu.memory_space<vmem>>
        %dma_start3A_87 = tpu.memref_squeeze %dma_start3A_86 : memref<1x384x16xf32, #tpu.memory_space<vmem>> -> memref<384x16xf32, #tpu.memory_space<vmem>>
        %dma_start3A_88 = arith.constant 0 : i32
        %dma_start3A_89 = tpu.memref_slice %arg2[%mul3A_76, %dma_start3A_88] : memref<160000x16xf32, #tpu.memory_space<hbm>> -> memref<384x16xf32, #tpu.memory_space<hbm>>
        tpu.enqueue_dma source(%dma_start3A_89 : memref<384x16xf32, #tpu.memory_space<hbm>>) target(%dma_start3A_87 : memref<384x16xf32, #tpu.memory_space<vmem>>) target_semaphore(%arg10 : memref<!tpu.dma_semaphore, #tpu.memory_space<semaphore_mem>>)
      } else {
      }
      %mul3A_58 = arith.constant 3 : i32
      %mul3A_59 = arith.muli %scan3A_38, %mul3A_58 : i32
      %add3A_60 = arith.constant 0 : i32
      %add3A_61 = arith.addi %mul3A_59, %add3A_60 : i32
      "tpu.region"() ({
        %run_scoped3A = tpu.sem_alloc : memref<!tpu.dma_semaphore, #tpu.memory_space<semaphore_mem>>
        %dma_start3A_70 = arith.constant 0 : i32
        %dma_start3A_71 = arith.constant 0 : i32
        %dma_start3A_72 = tpu.memref_slice %arg6[%rem3A_39, %dma_start3A_70, %dma_start3A_71] : memref<2x384x16xf32, #tpu.memory_space<vmem>> -> memref<1x128x16xf32, #tpu.memory_space<vmem>>
        %dma_start3A_73 = tpu.memref_squeeze %dma_start3A_72 : memref<1x128x16xf32, #tpu.memory_space<vmem>> -> memref<128x16xf32, #tpu.memory_space<vmem>>
        %dma_start3A_74 = arith.constant 0 : i32
        %dma_start3A_75 = tpu.memref_slice %arg5[%add3A_61, %dma_start3A_74] : memref<40x128xi32, #tpu.memory_space<vmem>> -> memref<1x128xi32, #tpu.memory_space<vmem>>
        %dma_start3A_76 = tpu.memref_squeeze %dma_start3A_75 : memref<1x128xi32, #tpu.memory_space<vmem>> -> memref<128xi32, #tpu.memory_space<vmem>>
        %dma_start3A_77 = arith.constant 0 : i32
        %dma_start3A_78 = arith.constant 0 : i32
        %dma_start3A_79 = tpu.memref_slice %arg9[%dma_start3A_77, %dma_start3A_78] : memref<10000x16xf32, #tpu.memory_space<vmem_shared>> -> memref<10000x16xf32, #tpu.memory_space<vmem_shared>>
        tpu.enqueue_indirect_dma source(%dma_start3A_73 : memref<128x16xf32, #tpu.memory_space<vmem>>) target(%dma_start3A_79 : memref<10000x16xf32, #tpu.memory_space<vmem_shared>>) offsets(%dma_start3A_76 : memref<128xi32, #tpu.memory_space<vmem>>) semaphore(%run_scoped3A : memref<!tpu.dma_semaphore, #tpu.memory_space<semaphore_mem>>) {add = true}
        %dma_wait3A_80 = arith.constant 0 : i32
        %dma_wait3A_81 = arith.constant 0 : i32
        %dma_wait3A_82 = tpu.memref_slice %arg6[%rem3A_39, %dma_wait3A_80, %dma_wait3A_81] : memref<2x384x16xf32, #tpu.memory_space<vmem>> -> memref<1x128x16xf32, #tpu.memory_space<vmem>>
        %dma_wait3A_83 = tpu.memref_squeeze %dma_wait3A_82 : memref<1x128x16xf32, #tpu.memory_space<vmem>> -> memref<128x16xf32, #tpu.memory_space<vmem>>
        %dma_wait3A_84 = arith.constant 0 : i32
        %dma_wait3A_85 = tpu.memref_slice %arg5[%add3A_61, %dma_wait3A_84] : memref<40x128xi32, #tpu.memory_space<vmem>> -> memref<1x128xi32, #tpu.memory_space<vmem>>
        %dma_wait3A_86 = tpu.memref_squeeze %dma_wait3A_85 : memref<1x128xi32, #tpu.memory_space<vmem>> -> memref<128xi32, #tpu.memory_space<vmem>>
        %dma_wait3A_87 = arith.constant 0 : i32
        %dma_wait3A_88 = arith.constant 0 : i32
        %dma_wait3A_89 = tpu.memref_slice %arg9[%dma_wait3A_87, %dma_wait3A_88] : memref<10000x16xf32, #tpu.memory_space<vmem_shared>> -> memref<10000x16xf32, #tpu.memory_space<vmem_shared>>
        tpu.wait_indirect_dma semaphore(%run_scoped3A : memref<!tpu.dma_semaphore, #tpu.memory_space<semaphore_mem>>) src(%dma_wait3A_83 : memref<128x16xf32, #tpu.memory_space<vmem>>) dst(%dma_wait3A_89 : memref<10000x16xf32, #tpu.memory_space<vmem_shared>>)
        tpu.yield
      }) : () -> ()
      %mul3A_62 = arith.constant 3 : i32
      %mul3A_63 = arith.muli %scan3A_38, %mul3A_62 : i32
      %add3A_64 = arith.constant 1 : i32
      %add3A_65 = arith.addi %mul3A_63, %add3A_64 : i32
      "tpu.region"() ({
        %run_scoped3A = tpu.sem_alloc : memref<!tpu.dma_semaphore, #tpu.memory_space<semaphore_mem>>
        %dma_start3A_70 = arith.constant 128 : i32
        %dma_start3A_71 = arith.constant 0 : i32
        %dma_start3A_72 = tpu.memref_slice %arg6[%rem3A_39, %dma_start3A_70, %dma_start3A_71] : memref<2x384x16xf32, #tpu.memory_space<vmem>> -> memref<1x128x16xf32, #tpu.memory_space<vmem>>
        %dma_start3A_73 = tpu.memref_squeeze %dma_start3A_72 : memref<1x128x16xf32, #tpu.memory_space<vmem>> -> memref<128x16xf32, #tpu.memory_space<vmem>>
        %dma_start3A_74 = arith.constant 0 : i32
        %dma_start3A_75 = tpu.memref_slice %arg5[%add3A_65, %dma_start3A_74] : memref<40x128xi32, #tpu.memory_space<vmem>> -> memref<1x128xi32, #tpu.memory_space<vmem>>
        %dma_start3A_76 = tpu.memref_squeeze %dma_start3A_75 : memref<1x128xi32, #tpu.memory_space<vmem>> -> memref<128xi32, #tpu.memory_space<vmem>>
        %dma_start3A_77 = arith.constant 0 : i32
        %dma_start3A_78 = arith.constant 0 : i32
        %dma_start3A_79 = tpu.memref_slice %arg9[%dma_start3A_77, %dma_start3A_78] : memref<10000x16xf32, #tpu.memory_space<vmem_shared>> -> memref<10000x16xf32, #tpu.memory_space<vmem_shared>>
        tpu.enqueue_indirect_dma source(%dma_start3A_73 : memref<128x16xf32, #tpu.memory_space<vmem>>) target(%dma_start3A_79 : memref<10000x16xf32, #tpu.memory_space<vmem_shared>>) offsets(%dma_start3A_76 : memref<128xi32, #tpu.memory_space<vmem>>) semaphore(%run_scoped3A : memref<!tpu.dma_semaphore, #tpu.memory_space<semaphore_mem>>) {add = true}
        %dma_wait3A_80 = arith.constant 128 : i32
        %dma_wait3A_81 = arith.constant 0 : i32
        %dma_wait3A_82 = tpu.memref_slice %arg6[%rem3A_39, %dma_wait3A_80, %dma_wait3A_81] : memref<2x384x16xf32, #tpu.memory_space<vmem>> -> memref<1x128x16xf32, #tpu.memory_space<vmem>>
        %dma_wait3A_83 = tpu.memref_squeeze %dma_wait3A_82 : memref<1x128x16xf32, #tpu.memory_space<vmem>> -> memref<128x16xf32, #tpu.memory_space<vmem>>
        %dma_wait3A_84 = arith.constant 0 : i32
        %dma_wait3A_85 = tpu.memref_slice %arg5[%add3A_65, %dma_wait3A_84] : memref<40x128xi32, #tpu.memory_space<vmem>> -> memref<1x128xi32, #tpu.memory_space<vmem>>
        %dma_wait3A_86 = tpu.memref_squeeze %dma_wait3A_85 : memref<1x128xi32, #tpu.memory_space<vmem>> -> memref<128xi32, #tpu.memory_space<vmem>>
        %dma_wait3A_87 = arith.constant 0 : i32
        %dma_wait3A_88 = arith.constant 0 : i32
        %dma_wait3A_89 = tpu.memref_slice %arg9[%dma_wait3A_87, %dma_wait3A_88] : memref<10000x16xf32, #tpu.memory_space<vmem_shared>> -> memref<10000x16xf32, #tpu.memory_space<vmem_shared>>
        tpu.wait_indirect_dma semaphore(%run_scoped3A : memref<!tpu.dma_semaphore, #tpu.memory_space<semaphore_mem>>) src(%dma_wait3A_83 : memref<128x16xf32, #tpu.memory_space<vmem>>) dst(%dma_wait3A_89 : memref<10000x16xf32, #tpu.memory_space<vmem_shared>>)
        tpu.yield
      }) : () -> ()
      %mul3A_66 = arith.constant 3 : i32
      %mul3A_67 = arith.muli %scan3A_38, %mul3A_66 : i32
      %add3A_68 = arith.constant 2 : i32
      %add3A_69 = arith.addi %mul3A_67, %add3A_68 : i32
      "tpu.region"() ({
        %run_scoped3A = tpu.sem_alloc : memref<!tpu.dma_semaphore, #tpu.memory_space<semaphore_mem>>
        %dma_start3A_70 = arith.constant 256 : i32
        %dma_start3A_71 = arith.constant 0 : i32
        %dma_start3A_72 = tpu.memref_slice %arg6[%rem3A_39, %dma_start3A_70, %dma_start3A_71] : memref<2x384x16xf32, #tpu.memory_space<vmem>> -> memref<1x128x16xf32, #tpu.memory_space<vmem>>
        %dma_start3A_73 = tpu.memref_squeeze %dma_start3A_72 : memref<1x128x16xf32, #tpu.memory_space<vmem>> -> memref<128x16xf32, #tpu.memory_space<vmem>>
        %dma_start3A_74 = arith.constant 0 : i32
        %dma_start3A_75 = tpu.memref_slice %arg5[%add3A_69, %dma_start3A_74] : memref<40x128xi32, #tpu.memory_space<vmem>> -> memref<1x128xi32, #tpu.memory_space<vmem>>
        %dma_start3A_76 = tpu.memref_squeeze %dma_start3A_75 : memref<1x128xi32, #tpu.memory_space<vmem>> -> memref<128xi32, #tpu.memory_space<vmem>>
        %dma_start3A_77 = arith.constant 0 : i32
        %dma_start3A_78 = arith.constant 0 : i32
        %dma_start3A_79 = tpu.memref_slice %arg9[%dma_start3A_77, %dma_start3A_78] : memref<10000x16xf32, #tpu.memory_space<vmem_shared>> -> memref<10000x16xf32, #tpu.memory_space<vmem_shared>>
        tpu.enqueue_indirect_dma source(%dma_start3A_73 : memref<128x16xf32, #tpu.memory_space<vmem>>) target(%dma_start3A_79 : memref<10000x16xf32, #tpu.memory_space<vmem_shared>>) offsets(%dma_start3A_76 : memref<128xi32, #tpu.memory_space<vmem>>) semaphore(%run_scoped3A : memref<!tpu.dma_semaphore, #tpu.memory_space<semaphore_mem>>) {add = true}
        %dma_wait3A_80 = arith.constant 256 : i32
        %dma_wait3A_81 = arith.constant 0 : i32
        %dma_wait3A_82 = tpu.memref_slice %arg6[%rem3A_39, %dma_wait3A_80, %dma_wait3A_81] : memref<2x384x16xf32, #tpu.memory_space<vmem>> -> memref<1x128x16xf32, #tpu.memory_space<vmem>>
        %dma_wait3A_83 = tpu.memref_squeeze %dma_wait3A_82 : memref<1x128x16xf32, #tpu.memory_space<vmem>> -> memref<128x16xf32, #tpu.memory_space<vmem>>
        %dma_wait3A_84 = arith.constant 0 : i32
        %dma_wait3A_85 = tpu.memref_slice %arg5[%add3A_69, %dma_wait3A_84] : memref<40x128xi32, #tpu.memory_space<vmem>> -> memref<1x128xi32, #tpu.memory_space<vmem>>
        %dma_wait3A_86 = tpu.memref_squeeze %dma_wait3A_85 : memref<1x128xi32, #tpu.memory_space<vmem>> -> memref<128xi32, #tpu.memory_space<vmem>>
        %dma_wait3A_87 = arith.constant 0 : i32
        %dma_wait3A_88 = arith.constant 0 : i32
        %dma_wait3A_89 = tpu.memref_slice %arg9[%dma_wait3A_87, %dma_wait3A_88] : memref<10000x16xf32, #tpu.memory_space<vmem_shared>> -> memref<10000x16xf32, #tpu.memory_space<vmem_shared>>
        tpu.wait_indirect_dma semaphore(%run_scoped3A : memref<!tpu.dma_semaphore, #tpu.memory_space<semaphore_mem>>) src(%dma_wait3A_83 : memref<128x16xf32, #tpu.memory_space<vmem>>) dst(%dma_wait3A_89 : memref<10000x16xf32, #tpu.memory_space<vmem_shared>>)
        tpu.yield
      }) : () -> ()
    }
    %scan3A_30 = arith.constant 13 : i32
    %lt3A = arith.constant 2 : i32
    %lt3A_31 = arith.cmpi slt, %add3A, %lt3A : i32
    %convert_element_type3A = arith.extui %lt3A_31 : i1 to i32
    %cond3A = arith.constant 0 : i32
    %cond3A_32 = arith.cmpi ne, %convert_element_type3A, %cond3A : i32
    scf.if %cond3A_32 {
      %add3A_38 = arith.constant 1248 : i32
      %add3A_39 = arith.addi %add3A_38, %add3A : i32
      %run_scoped3A = arith.constant 39 : i32
      "tpu.region"() ({
        %run_scoped3A_43 = tpu.sem_alloc : memref<!tpu.dma_semaphore, #tpu.memory_space<semaphore_mem>>
        %dma_start3A_44 = arith.constant 0 : i32
        %dma_start3A_45 = tpu.memref_slice %arg5[%run_scoped3A, %dma_start3A_44] : memref<40x128xi32, #tpu.memory_space<vmem>> -> memref<1x128xi32, #tpu.memory_space<vmem>>
        %dma_start3A_46 = tpu.memref_squeeze %dma_start3A_45 : memref<1x128xi32, #tpu.memory_space<vmem>> -> memref<128xi32, #tpu.memory_space<vmem>>
        %dma_start3A_47 = arith.constant 0 : i32
        %dma_start3A_48 = tpu.memref_slice %arg3[%add3A_39, %dma_start3A_47] : memref<1250x128xi32, #tpu.memory_space<hbm>> -> memref<1x128xi32, #tpu.memory_space<hbm>>
        %dma_start3A_49 = tpu.memref_squeeze %dma_start3A_48 : memref<1x128xi32, #tpu.memory_space<hbm>> -> memref<128xi32, #tpu.memory_space<hbm>>
        %dma_start3A_50 = arith.constant 0 : i32
        %dma_start3A_51 = tpu.memref_slice %arg5[%run_scoped3A, %dma_start3A_50] : memref<40x128xi32, #tpu.memory_space<vmem>> -> memref<1x128xi32, #tpu.memory_space<vmem>>
        %dma_start3A_52 = tpu.memref_squeeze %dma_start3A_51 : memref<1x128xi32, #tpu.memory_space<vmem>> -> memref<128xi32, #tpu.memory_space<vmem>>
        %dma_start3A_53 = arith.constant 0 : i32
        %dma_start3A_54 = tpu.memref_slice %arg3[%add3A_39, %dma_start3A_53] : memref<1250x128xi32, #tpu.memory_space<hbm>> -> memref<1x128xi32, #tpu.memory_space<hbm>>
        %dma_start3A_55 = tpu.memref_squeeze %dma_start3A_54 : memref<1x128xi32, #tpu.memory_space<hbm>> -> memref<128xi32, #tpu.memory_space<hbm>>
        tpu.enqueue_dma source(%dma_start3A_55 : memref<128xi32, #tpu.memory_space<hbm>>) target(%dma_start3A_52 : memref<128xi32, #tpu.memory_space<vmem>>) target_semaphore(%run_scoped3A_43 : memref<!tpu.dma_semaphore, #tpu.memory_space<semaphore_mem>>)
        %dma_wait3A = arith.constant 0 : i32
        %dma_wait3A_56 = tpu.memref_slice %arg5[%run_scoped3A, %dma_wait3A] : memref<40x128xi32, #tpu.memory_space<vmem>> -> memref<1x128xi32, #tpu.memory_space<vmem>>
        %dma_wait3A_57 = tpu.memref_squeeze %dma_wait3A_56 : memref<1x128xi32, #tpu.memory_space<vmem>> -> memref<128xi32, #tpu.memory_space<vmem>>
        %dma_wait3A_58 = arith.constant 0 : i32
        %dma_wait3A_59 = tpu.memref_slice %arg3[%add3A_39, %dma_wait3A_58] : memref<1250x128xi32, #tpu.memory_space<hbm>> -> memref<1x128xi32, #tpu.memory_space<hbm>>
        %dma_wait3A_60 = tpu.memref_squeeze %dma_wait3A_59 : memref<1x128xi32, #tpu.memory_space<hbm>> -> memref<128xi32, #tpu.memory_space<hbm>>
        %dma_wait3A_61 = arith.constant 0 : i32
        %dma_wait3A_62 = tpu.memref_slice %arg5[%run_scoped3A, %dma_wait3A_61] : memref<40x128xi32, #tpu.memory_space<vmem>> -> memref<1x128xi32, #tpu.memory_space<vmem>>
        %dma_wait3A_63 = tpu.memref_squeeze %dma_wait3A_62 : memref<1x128xi32, #tpu.memory_space<vmem>> -> memref<128xi32, #tpu.memory_space<vmem>>
        %dma_wait3A_64 = arith.constant 0 : i32
        %dma_wait3A_65 = tpu.memref_slice %arg3[%add3A_39, %dma_wait3A_64] : memref<1250x128xi32, #tpu.memory_space<hbm>> -> memref<1x128xi32, #tpu.memory_space<hbm>>
        %dma_wait3A_66 = tpu.memref_squeeze %dma_wait3A_65 : memref<1x128xi32, #tpu.memory_space<hbm>> -> memref<128xi32, #tpu.memory_space<hbm>>
        tpu.wait_dma2 semaphore(%run_scoped3A_43 : memref<!tpu.dma_semaphore, #tpu.memory_space<semaphore_mem>>) src(%dma_wait3A_66 : memref<128xi32, #tpu.memory_space<hbm>>) dst(%dma_wait3A_63 : memref<128xi32, #tpu.memory_space<vmem>>)
        tpu.yield
      }) : () -> ()
      %mul3A_40 = arith.constant 128 : i32
      %mul3A_41 = arith.muli %add3A_39, %mul3A_40 : i32
      "tpu.region"() ({
        %run_scoped3A_43 = tpu.sem_alloc : memref<!tpu.dma_semaphore, #tpu.memory_space<semaphore_mem>>
        %dma_start3A_44 = arith.constant 0 : i32
        %dma_start3A_45 = tpu.memref_slice %arg2[%mul3A_41, %dma_start3A_44] : memref<160000x16xf32, #tpu.memory_space<hbm>> -> memref<128x16xf32, #tpu.memory_space<hbm>>
        %dma_start3A_46 = arith.constant 0 : i32
        %dma_start3A_47 = tpu.memref_slice %arg2[%mul3A_41, %dma_start3A_46] : memref<160000x16xf32, #tpu.memory_space<hbm>> -> memref<128x16xf32, #tpu.memory_space<hbm>>
        tpu.enqueue_dma source(%dma_start3A_47 : memref<128x16xf32, #tpu.memory_space<hbm>>) target(%arg7 : memref<128x16xf32, #tpu.memory_space<vmem>>) target_semaphore(%run_scoped3A_43 : memref<!tpu.dma_semaphore, #tpu.memory_space<semaphore_mem>>)
        %dma_wait3A = arith.constant 0 : i32
        %dma_wait3A_48 = tpu.memref_slice %arg2[%mul3A_41, %dma_wait3A] : memref<160000x16xf32, #tpu.memory_space<hbm>> -> memref<128x16xf32, #tpu.memory_space<hbm>>
        %dma_wait3A_49 = arith.constant 0 : i32
        %dma_wait3A_50 = tpu.memref_slice %arg2[%mul3A_41, %dma_wait3A_49] : memref<160000x16xf32, #tpu.memory_space<hbm>> -> memref<128x16xf32, #tpu.memory_space<hbm>>
        tpu.wait_dma2 semaphore(%run_scoped3A_43 : memref<!tpu.dma_semaphore, #tpu.memory_space<semaphore_mem>>) src(%dma_wait3A_50 : memref<128x16xf32, #tpu.memory_space<hbm>>) dst(%arg7 : memref<128x16xf32, #tpu.memory_space<vmem>>)
        tpu.yield
      }) : () -> ()
      %run_scoped3A_42 = arith.constant 39 : i32
      "tpu.region"() ({
        %run_scoped3A_43 = tpu.sem_alloc : memref<!tpu.dma_semaphore, #tpu.memory_space<semaphore_mem>>
        %dma_start3A_44 = arith.constant 0 : i32
        %dma_start3A_45 = tpu.memref_slice %arg5[%run_scoped3A_42, %dma_start3A_44] : memref<40x128xi32, #tpu.memory_space<vmem>> -> memref<1x128xi32, #tpu.memory_space<vmem>>
        %dma_start3A_46 = tpu.memref_squeeze %dma_start3A_45 : memref<1x128xi32, #tpu.memory_space<vmem>> -> memref<128xi32, #tpu.memory_space<vmem>>
        %dma_start3A_47 = arith.constant 0 : i32
        %dma_start3A_48 = arith.constant 0 : i32
        %dma_start3A_49 = tpu.memref_slice %arg9[%dma_start3A_47, %dma_start3A_48] : memref<10000x16xf32, #tpu.memory_space<vmem_shared>> -> memref<10000x16xf32, #tpu.memory_space<vmem_shared>>
        tpu.enqueue_indirect_dma source(%arg7 : memref<128x16xf32, #tpu.memory_space<vmem>>) target(%dma_start3A_49 : memref<10000x16xf32, #tpu.memory_space<vmem_shared>>) offsets(%dma_start3A_46 : memref<128xi32, #tpu.memory_space<vmem>>) semaphore(%run_scoped3A_43 : memref<!tpu.dma_semaphore, #tpu.memory_space<semaphore_mem>>) {add = true}
        %dma_wait3A = arith.constant 0 : i32
        %dma_wait3A_50 = tpu.memref_slice %arg5[%run_scoped3A_42, %dma_wait3A] : memref<40x128xi32, #tpu.memory_space<vmem>> -> memref<1x128xi32, #tpu.memory_space<vmem>>
        %dma_wait3A_51 = tpu.memref_squeeze %dma_wait3A_50 : memref<1x128xi32, #tpu.memory_space<vmem>> -> memref<128xi32, #tpu.memory_space<vmem>>
        %dma_wait3A_52 = arith.constant 0 : i32
        %dma_wait3A_53 = arith.constant 0 : i32
        %dma_wait3A_54 = tpu.memref_slice %arg9[%dma_wait3A_52, %dma_wait3A_53] : memref<10000x16xf32, #tpu.memory_space<vmem_shared>> -> memref<10000x16xf32, #tpu.memory_space<vmem_shared>>
        tpu.wait_indirect_dma semaphore(%run_scoped3A_43 : memref<!tpu.dma_semaphore, #tpu.memory_space<semaphore_mem>>) src(%arg7 : memref<128x16xf32, #tpu.memory_space<vmem>>) dst(%dma_wait3A_54 : memref<10000x16xf32, #tpu.memory_space<vmem_shared>>)
        tpu.yield
      }) : () -> ()
    } else {
    }
    %barrier3A_33 = arith.constant 0 : index
    tpu.barrier barrier_id(%barrier3A_33)
    %mul3A_34 = arith.constant 625 : i32
    %mul3A_35 = arith.muli %arg1, %mul3A_34 : i32
    %mul3A_36 = arith.constant 625 : i32
    %mul3A_37 = arith.muli %arg1, %mul3A_36 : i32
    "tpu.region"() ({
      %run_scoped3A = tpu.sem_alloc : memref<!tpu.dma_semaphore, #tpu.memory_space<semaphore_mem>>
      %dma_start3A_38 = arith.constant 0 : i32
      %dma_start3A_39 = tpu.memref_slice %arg4[%arg0, %mul3A_37, %dma_start3A_38] : memref<2x10000x16xf32, #tpu.memory_space<hbm>> -> memref<1x625x16xf32, #tpu.memory_space<hbm>>
      %dma_start3A_40 = tpu.memref_squeeze %dma_start3A_39 : memref<1x625x16xf32, #tpu.memory_space<hbm>> -> memref<625x16xf32, #tpu.memory_space<hbm>>
      %dma_start3A_41 = arith.constant 0 : i32
      %dma_start3A_42 = tpu.memref_slice %arg9[%mul3A_35, %dma_start3A_41] : memref<10000x16xf32, #tpu.memory_space<vmem_shared>> -> memref<625x16xf32, #tpu.memory_space<vmem_shared>>
      tpu.enqueue_dma source(%dma_start3A_42 : memref<625x16xf32, #tpu.memory_space<vmem_shared>>) target(%dma_start3A_40 : memref<625x16xf32, #tpu.memory_space<hbm>>) target_semaphore(%run_scoped3A : memref<!tpu.dma_semaphore, #tpu.memory_space<semaphore_mem>>)
      %dma_wait3A = arith.constant 0 : i32
      %dma_wait3A_43 = tpu.memref_slice %arg4[%arg0, %mul3A_37, %dma_wait3A] : memref<2x10000x16xf32, #tpu.memory_space<hbm>> -> memref<1x625x16xf32, #tpu.memory_space<hbm>>
      %dma_wait3A_44 = tpu.memref_squeeze %dma_wait3A_43 : memref<1x625x16xf32, #tpu.memory_space<hbm>> -> memref<625x16xf32, #tpu.memory_space<hbm>>
      %dma_wait3A_45 = arith.constant 0 : i32
      %dma_wait3A_46 = tpu.memref_slice %arg9[%mul3A_35, %dma_wait3A_45] : memref<10000x16xf32, #tpu.memory_space<vmem_shared>> -> memref<625x16xf32, #tpu.memory_space<vmem_shared>>
      tpu.wait_dma2 semaphore(%run_scoped3A : memref<!tpu.dma_semaphore, #tpu.memory_space<semaphore_mem>>) src(%dma_wait3A_46 : memref<625x16xf32, #tpu.memory_space<vmem_shared>>) dst(%dma_wait3A_44 : memref<625x16xf32, #tpu.memory_space<hbm>>)
      tpu.yield
    }) : () -> ()
    return
  }
}

#map = affine_map<(d0, d1) -> (0, 0)>
module attributes {stable_mosaic.version = 14 : i64} {
  func.func @k(%arg0: i32, %arg1: i32, %arg2: memref<10000x16xf32, #tpu.memory_space<hbm>>, %arg3: memref<1250x128xi32, #tpu.memory_space<hbm>>, %arg4: memref<160000x16xf32, #tpu.memory_space<hbm>>, %arg5: memref<40x128xi32, #tpu.memory_space<vmem>>, %arg6: memref<2x384x16xf32, #tpu.memory_space<vmem>>, %arg7: memref<128x16xf32, #tpu.memory_space<vmem>>, %arg8: memref<!tpu.dma_semaphore, #tpu.memory_space<semaphore_mem>>, %arg9: memref<!tpu.dma_semaphore, #tpu.memory_space<semaphore_mem>>) attributes {dimension_semantics = [#tpu.dimension_semantics<core_parallel>, #tpu.dimension_semantics<subcore_parallel>], iteration_bounds = array<i64: 2, 16>, scalar_prefetch = 0 : i64, scratch_operands = 5 : i64, tpu.core_type = #tpu.core_type<sc_vector_subcore>, window_params = [{transform_indices = #map}, {transform_indices = #map}, {transform_indices = #map}]} {
    %mul3A = arith.constant 2 : i32
    %mul3A_0 = arith.muli %arg1, %mul3A : i32
    %add3A = arith.addi %mul3A_0, %arg0 : i32
    %mul3A_1 = arith.constant 39 : i32
    %mul3A_2 = arith.muli %add3A, %mul3A_1 : i32
    "tpu.region"() ({
      %run_scoped3A = tpu.sem_alloc : memref<!tpu.dma_semaphore, #tpu.memory_space<semaphore_mem>>
      %dma_start3A = arith.constant 0 : i32
      %dma_start3A_39 = arith.constant 0 : i32
      %dma_start3A_40 = tpu.memref_slice %arg5[%dma_start3A, %dma_start3A_39] : memref<40x128xi32, #tpu.memory_space<vmem>> -> memref<39x128xi32, #tpu.memory_space<vmem>>
      %dma_start3A_41 = arith.constant 0 : i32
      %dma_start3A_42 = tpu.memref_slice %arg3[%mul3A_2, %dma_start3A_41] : memref<1250x128xi32, #tpu.memory_space<hbm>> -> memref<39x128xi32, #tpu.memory_space<hbm>>
      %dma_start3A_43 = arith.constant 0 : i32
      %dma_start3A_44 = arith.constant 0 : i32
      %dma_start3A_45 = tpu.memref_slice %arg5[%dma_start3A_43, %dma_start3A_44] : memref<40x128xi32, #tpu.memory_space<vmem>> -> memref<39x128xi32, #tpu.memory_space<vmem>>
      %dma_start3A_46 = arith.constant 0 : i32
      %dma_start3A_47 = tpu.memref_slice %arg3[%mul3A_2, %dma_start3A_46] : memref<1250x128xi32, #tpu.memory_space<hbm>> -> memref<39x128xi32, #tpu.memory_space<hbm>>
      tpu.enqueue_dma source(%dma_start3A_47 : memref<39x128xi32, #tpu.memory_space<hbm>>) target(%dma_start3A_45 : memref<39x128xi32, #tpu.memory_space<vmem>>) target_semaphore(%run_scoped3A : memref<!tpu.dma_semaphore, #tpu.memory_space<semaphore_mem>>)
      %dma_wait3A_48 = arith.constant 0 : i32
      %dma_wait3A_49 = arith.constant 0 : i32
      %dma_wait3A_50 = tpu.memref_slice %arg5[%dma_wait3A_48, %dma_wait3A_49] : memref<40x128xi32, #tpu.memory_space<vmem>> -> memref<39x128xi32, #tpu.memory_space<vmem>>
      %dma_wait3A_51 = arith.constant 0 : i32
      %dma_wait3A_52 = tpu.memref_slice %arg3[%mul3A_2, %dma_wait3A_51] : memref<1250x128xi32, #tpu.memory_space<hbm>> -> memref<39x128xi32, #tpu.memory_space<hbm>>
      %dma_wait3A_53 = arith.constant 0 : i32
      %dma_wait3A_54 = arith.constant 0 : i32
      %dma_wait3A_55 = tpu.memref_slice %arg5[%dma_wait3A_53, %dma_wait3A_54] : memref<40x128xi32, #tpu.memory_space<vmem>> -> memref<39x128xi32, #tpu.memory_space<vmem>>
      %dma_wait3A_56 = arith.constant 0 : i32
      %dma_wait3A_57 = tpu.memref_slice %arg3[%mul3A_2, %dma_wait3A_56] : memref<1250x128xi32, #tpu.memory_space<hbm>> -> memref<39x128xi32, #tpu.memory_space<hbm>>
      tpu.wait_dma2 semaphore(%run_scoped3A : memref<!tpu.dma_semaphore, #tpu.memory_space<semaphore_mem>>) src(%dma_wait3A_57 : memref<39x128xi32, #tpu.memory_space<hbm>>) dst(%dma_wait3A_55 : memref<39x128xi32, #tpu.memory_space<vmem>>)
      tpu.yield
    }) : () -> ()
    %scan3A = arith.constant 0 : i32
    %scan3A_3 = arith.constant 0 : i32
    %scan3A_4 = arith.constant 13 : i32
    %scan3A_5 = arith.addi %scan3A_3, %scan3A_4 : i32
    %scan3A_6 = arith.constant 1 : i32
    scf.for %scan3A_39 = %scan3A_3 to %scan3A_5 step %scan3A_6  : i32 {
      %rem3A = arith.constant 2 : i32
      %rem3A_40 = arith.remsi %scan3A_39, %rem3A : i32
      %ge3A = arith.constant 2 : i32
      %ge3A_41 = arith.cmpi sge, %scan3A_39, %ge3A : i32
      %convert_element_type3A_42 = arith.extui %ge3A_41 : i1 to i32
      %cond3A_43 = arith.constant 0 : i32
      %cond3A_44 = arith.cmpi ne, %convert_element_type3A_42, %cond3A_43 : i32
      scf.if %cond3A_44 {
        %dma_wait3A_133 = arith.constant 0 : i32
        %dma_wait3A_134 = arith.constant 0 : i32
        %dma_wait3A_135 = tpu.memref_slice %arg6[%rem3A_40, %dma_wait3A_133, %dma_wait3A_134] : memref<2x384x16xf32, #tpu.memory_space<vmem>> -> memref<1x384x16xf32, #tpu.memory_space<vmem>>
        %dma_wait3A_136 = tpu.memref_squeeze %dma_wait3A_135 : memref<1x384x16xf32, #tpu.memory_space<vmem>> -> memref<384x16xf32, #tpu.memory_space<vmem>>
        %dma_wait3A_137 = arith.constant 0 : i32
        %dma_wait3A_138 = arith.constant 0 : i32
        %dma_wait3A_139 = tpu.memref_slice %arg4[%dma_wait3A_137, %dma_wait3A_138] : memref<160000x16xf32, #tpu.memory_space<hbm>> -> memref<384x16xf32, #tpu.memory_space<hbm>>
        %dma_wait3A_140 = arith.constant 0 : i32
        %dma_wait3A_141 = arith.constant 0 : i32
        %dma_wait3A_142 = tpu.memref_slice %arg6[%rem3A_40, %dma_wait3A_140, %dma_wait3A_141] : memref<2x384x16xf32, #tpu.memory_space<vmem>> -> memref<1x384x16xf32, #tpu.memory_space<vmem>>
        %dma_wait3A_143 = tpu.memref_squeeze %dma_wait3A_142 : memref<1x384x16xf32, #tpu.memory_space<vmem>> -> memref<384x16xf32, #tpu.memory_space<vmem>>
        %dma_wait3A_144 = arith.constant 0 : i32
        %dma_wait3A_145 = arith.constant 0 : i32
        %dma_wait3A_146 = tpu.memref_slice %arg4[%dma_wait3A_144, %dma_wait3A_145] : memref<160000x16xf32, #tpu.memory_space<hbm>> -> memref<384x16xf32, #tpu.memory_space<hbm>>
        tpu.wait_dma2 semaphore(%arg9 : memref<!tpu.dma_semaphore, #tpu.memory_space<semaphore_mem>>) src(%dma_wait3A_146 : memref<384x16xf32, #tpu.memory_space<hbm>>) dst(%dma_wait3A_143 : memref<384x16xf32, #tpu.memory_space<vmem>>)
      } else {
      }
      %mul3A_45 = arith.constant 3 : i32
      %mul3A_46 = arith.muli %scan3A_39, %mul3A_45 : i32
      %add3A_47 = arith.constant 0 : i32
      %add3A_48 = arith.addi %mul3A_46, %add3A_47 : i32
      %dma_start3A = arith.constant 0 : i32
      %dma_start3A_49 = arith.constant 0 : i32
      %dma_start3A_50 = tpu.memref_slice %arg6[%rem3A_40, %dma_start3A, %dma_start3A_49] : memref<2x384x16xf32, #tpu.memory_space<vmem>> -> memref<1x128x16xf32, #tpu.memory_space<vmem>>
      %dma_start3A_51 = tpu.memref_squeeze %dma_start3A_50 : memref<1x128x16xf32, #tpu.memory_space<vmem>> -> memref<128x16xf32, #tpu.memory_space<vmem>>
      %dma_start3A_52 = arith.constant 0 : i32
      %dma_start3A_53 = tpu.memref_slice %arg5[%add3A_48, %dma_start3A_52] : memref<40x128xi32, #tpu.memory_space<vmem>> -> memref<1x128xi32, #tpu.memory_space<vmem>>
      %dma_start3A_54 = tpu.memref_squeeze %dma_start3A_53 : memref<1x128xi32, #tpu.memory_space<vmem>> -> memref<128xi32, #tpu.memory_space<vmem>>
      %dma_start3A_55 = arith.constant 0 : i32
      %dma_start3A_56 = arith.constant 0 : i32
      %dma_start3A_57 = tpu.memref_slice %arg2[%dma_start3A_55, %dma_start3A_56] : memref<10000x16xf32, #tpu.memory_space<hbm>> -> memref<10000x16xf32, #tpu.memory_space<hbm>>
      tpu.enqueue_indirect_dma source(%dma_start3A_57 : memref<10000x16xf32, #tpu.memory_space<hbm>>) target(%dma_start3A_51 : memref<128x16xf32, #tpu.memory_space<vmem>>) offsets(%dma_start3A_54 : memref<128xi32, #tpu.memory_space<vmem>>) semaphore(%arg8 : memref<!tpu.dma_semaphore, #tpu.memory_space<semaphore_mem>>)
      %mul3A_58 = arith.constant 3 : i32
      %mul3A_59 = arith.muli %scan3A_39, %mul3A_58 : i32
      %add3A_60 = arith.constant 1 : i32
      %add3A_61 = arith.addi %mul3A_59, %add3A_60 : i32
      %dma_start3A_62 = arith.constant 128 : i32
      %dma_start3A_63 = arith.constant 0 : i32
      %dma_start3A_64 = tpu.memref_slice %arg6[%rem3A_40, %dma_start3A_62, %dma_start3A_63] : memref<2x384x16xf32, #tpu.memory_space<vmem>> -> memref<1x128x16xf32, #tpu.memory_space<vmem>>
      %dma_start3A_65 = tpu.memref_squeeze %dma_start3A_64 : memref<1x128x16xf32, #tpu.memory_space<vmem>> -> memref<128x16xf32, #tpu.memory_space<vmem>>
      %dma_start3A_66 = arith.constant 0 : i32
      %dma_start3A_67 = tpu.memref_slice %arg5[%add3A_61, %dma_start3A_66] : memref<40x128xi32, #tpu.memory_space<vmem>> -> memref<1x128xi32, #tpu.memory_space<vmem>>
      %dma_start3A_68 = tpu.memref_squeeze %dma_start3A_67 : memref<1x128xi32, #tpu.memory_space<vmem>> -> memref<128xi32, #tpu.memory_space<vmem>>
      %dma_start3A_69 = arith.constant 0 : i32
      %dma_start3A_70 = arith.constant 0 : i32
      %dma_start3A_71 = tpu.memref_slice %arg2[%dma_start3A_69, %dma_start3A_70] : memref<10000x16xf32, #tpu.memory_space<hbm>> -> memref<10000x16xf32, #tpu.memory_space<hbm>>
      tpu.enqueue_indirect_dma source(%dma_start3A_71 : memref<10000x16xf32, #tpu.memory_space<hbm>>) target(%dma_start3A_65 : memref<128x16xf32, #tpu.memory_space<vmem>>) offsets(%dma_start3A_68 : memref<128xi32, #tpu.memory_space<vmem>>) semaphore(%arg8 : memref<!tpu.dma_semaphore, #tpu.memory_space<semaphore_mem>>)
      %mul3A_72 = arith.constant 3 : i32
      %mul3A_73 = arith.muli %scan3A_39, %mul3A_72 : i32
      %add3A_74 = arith.constant 2 : i32
      %add3A_75 = arith.addi %mul3A_73, %add3A_74 : i32
      %dma_start3A_76 = arith.constant 256 : i32
      %dma_start3A_77 = arith.constant 0 : i32
      %dma_start3A_78 = tpu.memref_slice %arg6[%rem3A_40, %dma_start3A_76, %dma_start3A_77] : memref<2x384x16xf32, #tpu.memory_space<vmem>> -> memref<1x128x16xf32, #tpu.memory_space<vmem>>
      %dma_start3A_79 = tpu.memref_squeeze %dma_start3A_78 : memref<1x128x16xf32, #tpu.memory_space<vmem>> -> memref<128x16xf32, #tpu.memory_space<vmem>>
      %dma_start3A_80 = arith.constant 0 : i32
      %dma_start3A_81 = tpu.memref_slice %arg5[%add3A_75, %dma_start3A_80] : memref<40x128xi32, #tpu.memory_space<vmem>> -> memref<1x128xi32, #tpu.memory_space<vmem>>
      %dma_start3A_82 = tpu.memref_squeeze %dma_start3A_81 : memref<1x128xi32, #tpu.memory_space<vmem>> -> memref<128xi32, #tpu.memory_space<vmem>>
      %dma_start3A_83 = arith.constant 0 : i32
      %dma_start3A_84 = arith.constant 0 : i32
      %dma_start3A_85 = tpu.memref_slice %arg2[%dma_start3A_83, %dma_start3A_84] : memref<10000x16xf32, #tpu.memory_space<hbm>> -> memref<10000x16xf32, #tpu.memory_space<hbm>>
      tpu.enqueue_indirect_dma source(%dma_start3A_85 : memref<10000x16xf32, #tpu.memory_space<hbm>>) target(%dma_start3A_79 : memref<128x16xf32, #tpu.memory_space<vmem>>) offsets(%dma_start3A_82 : memref<128xi32, #tpu.memory_space<vmem>>) semaphore(%arg8 : memref<!tpu.dma_semaphore, #tpu.memory_space<semaphore_mem>>)
      %dma_wait3A_86 = arith.constant 0 : i32
      %dma_wait3A_87 = arith.constant 0 : i32
      %dma_wait3A_88 = tpu.memref_slice %arg6[%rem3A_40, %dma_wait3A_86, %dma_wait3A_87] : memref<2x384x16xf32, #tpu.memory_space<vmem>> -> memref<1x128x16xf32, #tpu.memory_space<vmem>>
      %dma_wait3A_89 = tpu.memref_squeeze %dma_wait3A_88 : memref<1x128x16xf32, #tpu.memory_space<vmem>> -> memref<128x16xf32, #tpu.memory_space<vmem>>
      %dma_wait3A_90 = arith.constant 0 : i32
      %dma_wait3A_91 = tpu.memref_slice %arg5[%add3A_48, %dma_wait3A_90] : memref<40x128xi32, #tpu.memory_space<vmem>> -> memref<1x128xi32, #tpu.memory_space<vmem>>
      %dma_wait3A_92 = tpu.memref_squeeze %dma_wait3A_91 : memref<1x128xi32, #tpu.memory_space<vmem>> -> memref<128xi32, #tpu.memory_space<vmem>>
      %dma_wait3A_93 = arith.constant 0 : i32
      %dma_wait3A_94 = arith.constant 0 : i32
      %dma_wait3A_95 = tpu.memref_slice %arg2[%dma_wait3A_93, %dma_wait3A_94] : memref<10000x16xf32, #tpu.memory_space<hbm>> -> memref<10000x16xf32, #tpu.memory_space<hbm>>
      tpu.wait_indirect_dma semaphore(%arg8 : memref<!tpu.dma_semaphore, #tpu.memory_space<semaphore_mem>>) src(%dma_wait3A_95 : memref<10000x16xf32, #tpu.memory_space<hbm>>) dst(%dma_wait3A_89 : memref<128x16xf32, #tpu.memory_space<vmem>>)
      %dma_wait3A_96 = arith.constant 128 : i32
      %dma_wait3A_97 = arith.constant 0 : i32
      %dma_wait3A_98 = tpu.memref_slice %arg6[%rem3A_40, %dma_wait3A_96, %dma_wait3A_97] : memref<2x384x16xf32, #tpu.memory_space<vmem>> -> memref<1x128x16xf32, #tpu.memory_space<vmem>>
      %dma_wait3A_99 = tpu.memref_squeeze %dma_wait3A_98 : memref<1x128x16xf32, #tpu.memory_space<vmem>> -> memref<128x16xf32, #tpu.memory_space<vmem>>
      %dma_wait3A_100 = arith.constant 0 : i32
      %dma_wait3A_101 = tpu.memref_slice %arg5[%add3A_61, %dma_wait3A_100] : memref<40x128xi32, #tpu.memory_space<vmem>> -> memref<1x128xi32, #tpu.memory_space<vmem>>
      %dma_wait3A_102 = tpu.memref_squeeze %dma_wait3A_101 : memref<1x128xi32, #tpu.memory_space<vmem>> -> memref<128xi32, #tpu.memory_space<vmem>>
      %dma_wait3A_103 = arith.constant 0 : i32
      %dma_wait3A_104 = arith.constant 0 : i32
      %dma_wait3A_105 = tpu.memref_slice %arg2[%dma_wait3A_103, %dma_wait3A_104] : memref<10000x16xf32, #tpu.memory_space<hbm>> -> memref<10000x16xf32, #tpu.memory_space<hbm>>
      tpu.wait_indirect_dma semaphore(%arg8 : memref<!tpu.dma_semaphore, #tpu.memory_space<semaphore_mem>>) src(%dma_wait3A_105 : memref<10000x16xf32, #tpu.memory_space<hbm>>) dst(%dma_wait3A_99 : memref<128x16xf32, #tpu.memory_space<vmem>>)
      %dma_wait3A_106 = arith.constant 256 : i32
      %dma_wait3A_107 = arith.constant 0 : i32
      %dma_wait3A_108 = tpu.memref_slice %arg6[%rem3A_40, %dma_wait3A_106, %dma_wait3A_107] : memref<2x384x16xf32, #tpu.memory_space<vmem>> -> memref<1x128x16xf32, #tpu.memory_space<vmem>>
      %dma_wait3A_109 = tpu.memref_squeeze %dma_wait3A_108 : memref<1x128x16xf32, #tpu.memory_space<vmem>> -> memref<128x16xf32, #tpu.memory_space<vmem>>
      %dma_wait3A_110 = arith.constant 0 : i32
      %dma_wait3A_111 = tpu.memref_slice %arg5[%add3A_75, %dma_wait3A_110] : memref<40x128xi32, #tpu.memory_space<vmem>> -> memref<1x128xi32, #tpu.memory_space<vmem>>
      %dma_wait3A_112 = tpu.memref_squeeze %dma_wait3A_111 : memref<1x128xi32, #tpu.memory_space<vmem>> -> memref<128xi32, #tpu.memory_space<vmem>>
      %dma_wait3A_113 = arith.constant 0 : i32
      %dma_wait3A_114 = arith.constant 0 : i32
      %dma_wait3A_115 = tpu.memref_slice %arg2[%dma_wait3A_113, %dma_wait3A_114] : memref<10000x16xf32, #tpu.memory_space<hbm>> -> memref<10000x16xf32, #tpu.memory_space<hbm>>
      tpu.wait_indirect_dma semaphore(%arg8 : memref<!tpu.dma_semaphore, #tpu.memory_space<semaphore_mem>>) src(%dma_wait3A_115 : memref<10000x16xf32, #tpu.memory_space<hbm>>) dst(%dma_wait3A_109 : memref<128x16xf32, #tpu.memory_space<vmem>>)
      %mul3A_116 = arith.constant 3 : i32
      %mul3A_117 = arith.muli %scan3A_39, %mul3A_116 : i32
      %add3A_118 = arith.addi %mul3A_2, %mul3A_117 : i32
      %mul3A_119 = arith.constant 128 : i32
      %mul3A_120 = arith.muli %add3A_118, %mul3A_119 : i32
      %dma_start3A_121 = arith.constant 0 : i32
      %dma_start3A_122 = arith.constant 0 : i32
      %dma_start3A_123 = tpu.memref_slice %arg6[%rem3A_40, %dma_start3A_121, %dma_start3A_122] : memref<2x384x16xf32, #tpu.memory_space<vmem>> -> memref<1x384x16xf32, #tpu.memory_space<vmem>>
      %dma_start3A_124 = tpu.memref_squeeze %dma_start3A_123 : memref<1x384x16xf32, #tpu.memory_space<vmem>> -> memref<384x16xf32, #tpu.memory_space<vmem>>
      %dma_start3A_125 = arith.constant 0 : i32
      %dma_start3A_126 = tpu.memref_slice %arg4[%mul3A_120, %dma_start3A_125] : memref<160000x16xf32, #tpu.memory_space<hbm>> -> memref<384x16xf32, #tpu.memory_space<hbm>>
      %dma_start3A_127 = arith.constant 0 : i32
      %dma_start3A_128 = tpu.memref_slice %arg4[%mul3A_120, %dma_start3A_127] : memref<160000x16xf32, #tpu.memory_space<hbm>> -> memref<384x16xf32, #tpu.memory_space<hbm>>
      %dma_start3A_129 = arith.constant 0 : i32
      %dma_start3A_130 = arith.constant 0 : i32
      %dma_start3A_131 = tpu.memref_slice %arg6[%rem3A_40, %dma_start3A_129, %dma_start3A_130] : memref<2x384x16xf32, #tpu.memory_space<vmem>> -> memref<1x384x16xf32, #tpu.memory_space<vmem>>
      %dma_start3A_132 = tpu.memref_squeeze %dma_start3A_131 : memref<1x384x16xf32, #tpu.memory_space<vmem>> -> memref<384x16xf32, #tpu.memory_space<vmem>>
      tpu.enqueue_dma source(%dma_start3A_132 : memref<384x16xf32, #tpu.memory_space<vmem>>) target(%dma_start3A_128 : memref<384x16xf32, #tpu.memory_space<hbm>>) target_semaphore(%arg9 : memref<!tpu.dma_semaphore, #tpu.memory_space<semaphore_mem>>)
    }
    %scan3A_7 = arith.constant 13 : i32
    %dma_wait3A = arith.constant 0 : i32
    %dma_wait3A_8 = arith.constant 0 : i32
    %dma_wait3A_9 = arith.constant 0 : i32
    %dma_wait3A_10 = tpu.memref_slice %arg6[%dma_wait3A, %dma_wait3A_8, %dma_wait3A_9] : memref<2x384x16xf32, #tpu.memory_space<vmem>> -> memref<1x384x16xf32, #tpu.memory_space<vmem>>
    %dma_wait3A_11 = tpu.memref_squeeze %dma_wait3A_10 : memref<1x384x16xf32, #tpu.memory_space<vmem>> -> memref<384x16xf32, #tpu.memory_space<vmem>>
    %dma_wait3A_12 = arith.constant 0 : i32
    %dma_wait3A_13 = arith.constant 0 : i32
    %dma_wait3A_14 = tpu.memref_slice %arg4[%dma_wait3A_12, %dma_wait3A_13] : memref<160000x16xf32, #tpu.memory_space<hbm>> -> memref<384x16xf32, #tpu.memory_space<hbm>>
    %dma_wait3A_15 = arith.constant 0 : i32
    %dma_wait3A_16 = arith.constant 0 : i32
    %dma_wait3A_17 = tpu.memref_slice %arg6[%dma_wait3A, %dma_wait3A_15, %dma_wait3A_16] : memref<2x384x16xf32, #tpu.memory_space<vmem>> -> memref<1x384x16xf32, #tpu.memory_space<vmem>>
    %dma_wait3A_18 = tpu.memref_squeeze %dma_wait3A_17 : memref<1x384x16xf32, #tpu.memory_space<vmem>> -> memref<384x16xf32, #tpu.memory_space<vmem>>
    %dma_wait3A_19 = arith.constant 0 : i32
    %dma_wait3A_20 = arith.constant 0 : i32
    %dma_wait3A_21 = tpu.memref_slice %arg4[%dma_wait3A_19, %dma_wait3A_20] : memref<160000x16xf32, #tpu.memory_space<hbm>> -> memref<384x16xf32, #tpu.memory_space<hbm>>
    tpu.wait_dma2 semaphore(%arg9 : memref<!tpu.dma_semaphore, #tpu.memory_space<semaphore_mem>>) src(%dma_wait3A_21 : memref<384x16xf32, #tpu.memory_space<hbm>>) dst(%dma_wait3A_18 : memref<384x16xf32, #tpu.memory_space<vmem>>)
    %dma_wait3A_22 = arith.constant 1 : i32
    %dma_wait3A_23 = arith.constant 0 : i32
    %dma_wait3A_24 = arith.constant 0 : i32
    %dma_wait3A_25 = tpu.memref_slice %arg6[%dma_wait3A_22, %dma_wait3A_23, %dma_wait3A_24] : memref<2x384x16xf32, #tpu.memory_space<vmem>> -> memref<1x384x16xf32, #tpu.memory_space<vmem>>
    %dma_wait3A_26 = tpu.memref_squeeze %dma_wait3A_25 : memref<1x384x16xf32, #tpu.memory_space<vmem>> -> memref<384x16xf32, #tpu.memory_space<vmem>>
    %dma_wait3A_27 = arith.constant 0 : i32
    %dma_wait3A_28 = arith.constant 0 : i32
    %dma_wait3A_29 = tpu.memref_slice %arg4[%dma_wait3A_27, %dma_wait3A_28] : memref<160000x16xf32, #tpu.memory_space<hbm>> -> memref<384x16xf32, #tpu.memory_space<hbm>>
    %dma_wait3A_30 = arith.constant 0 : i32
    %dma_wait3A_31 = arith.constant 0 : i32
    %dma_wait3A_32 = tpu.memref_slice %arg6[%dma_wait3A_22, %dma_wait3A_30, %dma_wait3A_31] : memref<2x384x16xf32, #tpu.memory_space<vmem>> -> memref<1x384x16xf32, #tpu.memory_space<vmem>>
    %dma_wait3A_33 = tpu.memref_squeeze %dma_wait3A_32 : memref<1x384x16xf32, #tpu.memory_space<vmem>> -> memref<384x16xf32, #tpu.memory_space<vmem>>
    %dma_wait3A_34 = arith.constant 0 : i32
    %dma_wait3A_35 = arith.constant 0 : i32
    %dma_wait3A_36 = tpu.memref_slice %arg4[%dma_wait3A_34, %dma_wait3A_35] : memref<160000x16xf32, #tpu.memory_space<hbm>> -> memref<384x16xf32, #tpu.memory_space<hbm>>
    tpu.wait_dma2 semaphore(%arg9 : memref<!tpu.dma_semaphore, #tpu.memory_space<semaphore_mem>>) src(%dma_wait3A_36 : memref<384x16xf32, #tpu.memory_space<hbm>>) dst(%dma_wait3A_33 : memref<384x16xf32, #tpu.memory_space<vmem>>)
    %lt3A = arith.constant 2 : i32
    %lt3A_37 = arith.cmpi slt, %add3A, %lt3A : i32
    %convert_element_type3A = arith.extui %lt3A_37 : i1 to i32
    %cond3A = arith.constant 0 : i32
    %cond3A_38 = arith.cmpi ne, %convert_element_type3A, %cond3A : i32
    scf.if %cond3A_38 {
      %add3A_39 = arith.constant 1248 : i32
      %add3A_40 = arith.addi %add3A_39, %add3A : i32
      %run_scoped3A = arith.constant 39 : i32
      "tpu.region"() ({
        %run_scoped3A_56 = tpu.sem_alloc : memref<!tpu.dma_semaphore, #tpu.memory_space<semaphore_mem>>
        %dma_start3A_57 = arith.constant 0 : i32
        %dma_start3A_58 = tpu.memref_slice %arg5[%run_scoped3A, %dma_start3A_57] : memref<40x128xi32, #tpu.memory_space<vmem>> -> memref<1x128xi32, #tpu.memory_space<vmem>>
        %dma_start3A_59 = tpu.memref_squeeze %dma_start3A_58 : memref<1x128xi32, #tpu.memory_space<vmem>> -> memref<128xi32, #tpu.memory_space<vmem>>
        %dma_start3A_60 = arith.constant 0 : i32
        %dma_start3A_61 = tpu.memref_slice %arg3[%add3A_40, %dma_start3A_60] : memref<1250x128xi32, #tpu.memory_space<hbm>> -> memref<1x128xi32, #tpu.memory_space<hbm>>
        %dma_start3A_62 = tpu.memref_squeeze %dma_start3A_61 : memref<1x128xi32, #tpu.memory_space<hbm>> -> memref<128xi32, #tpu.memory_space<hbm>>
        %dma_start3A_63 = arith.constant 0 : i32
        %dma_start3A_64 = tpu.memref_slice %arg5[%run_scoped3A, %dma_start3A_63] : memref<40x128xi32, #tpu.memory_space<vmem>> -> memref<1x128xi32, #tpu.memory_space<vmem>>
        %dma_start3A_65 = tpu.memref_squeeze %dma_start3A_64 : memref<1x128xi32, #tpu.memory_space<vmem>> -> memref<128xi32, #tpu.memory_space<vmem>>
        %dma_start3A_66 = arith.constant 0 : i32
        %dma_start3A_67 = tpu.memref_slice %arg3[%add3A_40, %dma_start3A_66] : memref<1250x128xi32, #tpu.memory_space<hbm>> -> memref<1x128xi32, #tpu.memory_space<hbm>>
        %dma_start3A_68 = tpu.memref_squeeze %dma_start3A_67 : memref<1x128xi32, #tpu.memory_space<hbm>> -> memref<128xi32, #tpu.memory_space<hbm>>
        tpu.enqueue_dma source(%dma_start3A_68 : memref<128xi32, #tpu.memory_space<hbm>>) target(%dma_start3A_65 : memref<128xi32, #tpu.memory_space<vmem>>) target_semaphore(%run_scoped3A_56 : memref<!tpu.dma_semaphore, #tpu.memory_space<semaphore_mem>>)
        %dma_wait3A_69 = arith.constant 0 : i32
        %dma_wait3A_70 = tpu.memref_slice %arg5[%run_scoped3A, %dma_wait3A_69] : memref<40x128xi32, #tpu.memory_space<vmem>> -> memref<1x128xi32, #tpu.memory_space<vmem>>
        %dma_wait3A_71 = tpu.memref_squeeze %dma_wait3A_70 : memref<1x128xi32, #tpu.memory_space<vmem>> -> memref<128xi32, #tpu.memory_space<vmem>>
        %dma_wait3A_72 = arith.constant 0 : i32
        %dma_wait3A_73 = tpu.memref_slice %arg3[%add3A_40, %dma_wait3A_72] : memref<1250x128xi32, #tpu.memory_space<hbm>> -> memref<1x128xi32, #tpu.memory_space<hbm>>
        %dma_wait3A_74 = tpu.memref_squeeze %dma_wait3A_73 : memref<1x128xi32, #tpu.memory_space<hbm>> -> memref<128xi32, #tpu.memory_space<hbm>>
        %dma_wait3A_75 = arith.constant 0 : i32
        %dma_wait3A_76 = tpu.memref_slice %arg5[%run_scoped3A, %dma_wait3A_75] : memref<40x128xi32, #tpu.memory_space<vmem>> -> memref<1x128xi32, #tpu.memory_space<vmem>>
        %dma_wait3A_77 = tpu.memref_squeeze %dma_wait3A_76 : memref<1x128xi32, #tpu.memory_space<vmem>> -> memref<128xi32, #tpu.memory_space<vmem>>
        %dma_wait3A_78 = arith.constant 0 : i32
        %dma_wait3A_79 = tpu.memref_slice %arg3[%add3A_40, %dma_wait3A_78] : memref<1250x128xi32, #tpu.memory_space<hbm>> -> memref<1x128xi32, #tpu.memory_space<hbm>>
        %dma_wait3A_80 = tpu.memref_squeeze %dma_wait3A_79 : memref<1x128xi32, #tpu.memory_space<hbm>> -> memref<128xi32, #tpu.memory_space<hbm>>
        tpu.wait_dma2 semaphore(%run_scoped3A_56 : memref<!tpu.dma_semaphore, #tpu.memory_space<semaphore_mem>>) src(%dma_wait3A_80 : memref<128xi32, #tpu.memory_space<hbm>>) dst(%dma_wait3A_77 : memref<128xi32, #tpu.memory_space<vmem>>)
        tpu.yield
      }) : () -> ()
      %dma_start3A = arith.constant 39 : i32
      %dma_start3A_41 = arith.constant 0 : i32
      %dma_start3A_42 = tpu.memref_slice %arg5[%dma_start3A, %dma_start3A_41] : memref<40x128xi32, #tpu.memory_space<vmem>> -> memref<1x128xi32, #tpu.memory_space<vmem>>
      %dma_start3A_43 = tpu.memref_squeeze %dma_start3A_42 : memref<1x128xi32, #tpu.memory_space<vmem>> -> memref<128xi32, #tpu.memory_space<vmem>>
      %dma_start3A_44 = arith.constant 0 : i32
      %dma_start3A_45 = arith.constant 0 : i32
      %dma_start3A_46 = tpu.memref_slice %arg2[%dma_start3A_44, %dma_start3A_45] : memref<10000x16xf32, #tpu.memory_space<hbm>> -> memref<10000x16xf32, #tpu.memory_space<hbm>>
      tpu.enqueue_indirect_dma source(%dma_start3A_46 : memref<10000x16xf32, #tpu.memory_space<hbm>>) target(%arg7 : memref<128x16xf32, #tpu.memory_space<vmem>>) offsets(%dma_start3A_43 : memref<128xi32, #tpu.memory_space<vmem>>) semaphore(%arg8 : memref<!tpu.dma_semaphore, #tpu.memory_space<semaphore_mem>>)
      %dma_wait3A_47 = arith.constant 39 : i32
      %dma_wait3A_48 = arith.constant 0 : i32
      %dma_wait3A_49 = tpu.memref_slice %arg5[%dma_wait3A_47, %dma_wait3A_48] : memref<40x128xi32, #tpu.memory_space<vmem>> -> memref<1x128xi32, #tpu.memory_space<vmem>>
      %dma_wait3A_50 = tpu.memref_squeeze %dma_wait3A_49 : memref<1x128xi32, #tpu.memory_space<vmem>> -> memref<128xi32, #tpu.memory_space<vmem>>
      %dma_wait3A_51 = arith.constant 0 : i32
      %dma_wait3A_52 = arith.constant 0 : i32
      %dma_wait3A_53 = tpu.memref_slice %arg2[%dma_wait3A_51, %dma_wait3A_52] : memref<10000x16xf32, #tpu.memory_space<hbm>> -> memref<10000x16xf32, #tpu.memory_space<hbm>>
      tpu.wait_indirect_dma semaphore(%arg8 : memref<!tpu.dma_semaphore, #tpu.memory_space<semaphore_mem>>) src(%dma_wait3A_53 : memref<10000x16xf32, #tpu.memory_space<hbm>>) dst(%arg7 : memref<128x16xf32, #tpu.memory_space<vmem>>)
      %mul3A_54 = arith.constant 128 : i32
      %mul3A_55 = arith.muli %add3A_40, %mul3A_54 : i32
      "tpu.region"() ({
        %run_scoped3A_56 = tpu.sem_alloc : memref<!tpu.dma_semaphore, #tpu.memory_space<semaphore_mem>>
        %dma_start3A_57 = arith.constant 0 : i32
        %dma_start3A_58 = tpu.memref_slice %arg4[%mul3A_55, %dma_start3A_57] : memref<160000x16xf32, #tpu.memory_space<hbm>> -> memref<128x16xf32, #tpu.memory_space<hbm>>
        %dma_start3A_59 = arith.constant 0 : i32
        %dma_start3A_60 = tpu.memref_slice %arg4[%mul3A_55, %dma_start3A_59] : memref<160000x16xf32, #tpu.memory_space<hbm>> -> memref<128x16xf32, #tpu.memory_space<hbm>>
        tpu.enqueue_dma source(%arg7 : memref<128x16xf32, #tpu.memory_space<vmem>>) target(%dma_start3A_60 : memref<128x16xf32, #tpu.memory_space<hbm>>) target_semaphore(%run_scoped3A_56 : memref<!tpu.dma_semaphore, #tpu.memory_space<semaphore_mem>>)
        %dma_wait3A_61 = arith.constant 0 : i32
        %dma_wait3A_62 = tpu.memref_slice %arg4[%mul3A_55, %dma_wait3A_61] : memref<160000x16xf32, #tpu.memory_space<hbm>> -> memref<128x16xf32, #tpu.memory_space<hbm>>
        %dma_wait3A_63 = arith.constant 0 : i32
        %dma_wait3A_64 = tpu.memref_slice %arg4[%mul3A_55, %dma_wait3A_63] : memref<160000x16xf32, #tpu.memory_space<hbm>> -> memref<128x16xf32, #tpu.memory_space<hbm>>
        tpu.wait_dma2 semaphore(%run_scoped3A_56 : memref<!tpu.dma_semaphore, #tpu.memory_space<semaphore_mem>>) src(%arg7 : memref<128x16xf32, #tpu.memory_space<vmem>>) dst(%dma_wait3A_64 : memref<128x16xf32, #tpu.memory_space<hbm>>)
        tpu.yield
      }) : () -> ()
    } else {
    }
    return
  }
}

#map = affine_map<(d0, d1) -> (0, 0)>
#map1 = affine_map<(d0, d1) -> (0, 0, 0)>
module attributes {stable_mosaic.version = 14 : i64} {
  func.func @k(%arg0: i32, %arg1: i32, %arg2: memref<160000x16xf32, #tpu.memory_space<hbm>>, %arg3: memref<1250x128xi32, #tpu.memory_space<hbm>>, %arg4: memref<2x10000x16xf32, #tpu.memory_space<hbm>>, %arg5: memref<40x128xi32, #tpu.memory_space<vmem>>, %arg6: memref<2x384x16xf32, #tpu.memory_space<vmem>>, %arg7: memref<128x16xf32, #tpu.memory_space<vmem>>, %arg8: memref<625x16xf32, #tpu.memory_space<vmem>>, %arg9: memref<10000x16xf32, #tpu.memory_space<vmem_shared>>, %arg10: memref<!tpu.dma_semaphore, #tpu.memory_space<semaphore_mem>>) attributes {dimension_semantics = [#tpu.dimension_semantics<core_parallel>, #tpu.dimension_semantics<subcore_parallel>], iteration_bounds = array<i64: 2, 16>, scalar_prefetch = 0 : i64, scratch_operands = 6 : i64, tpu.core_type = #tpu.core_type<sc_vector_subcore>, window_params = [{transform_indices = #map}, {transform_indices = #map}, {transform_indices = #map1}]} {
    %mul3A = arith.constant 2 : i32
    %mul3A_0 = arith.muli %arg1, %mul3A : i32
    %add3A = arith.addi %mul3A_0, %arg0 : i32
    %mul3A_1 = arith.constant 39 : i32
    %mul3A_2 = arith.muli %add3A, %mul3A_1 : i32
    %broadcast_in_dim3A = arith.constant 0.000000e+00 : f32
    %broadcast_in_dim3A_3 = vector.broadcast %broadcast_in_dim3A : f32 to vector<16xf32>
    %scan3A = arith.constant 0 : i32
    %scan3A_4 = arith.constant 0 : i32
    %scan3A_5 = arith.constant 625 : i32
    %scan3A_6 = arith.addi %scan3A_4, %scan3A_5 : i32
    %scan3A_7 = arith.constant 1 : i32
    scf.for %scan3A_38 = %scan3A_4 to %scan3A_6 step %scan3A_7  : i32 {
      %swap3A = arith.index_cast %scan3A_38 : i32 to index
      %swap3A_39 = arith.constant 0 : index
      %swap3A_40 = tpu.vector_load %arg8[%swap3A, %swap3A_39] {strides = array<i32>} : memref<625x16xf32, #tpu.memory_space<vmem>>, vector<1x16xf32>,
      %swap3A_41 = vector.shape_cast %swap3A_40 : vector<1x16xf32> to vector<16xf32>
      %swap3A_42 = vector.shape_cast %broadcast_in_dim3A_3 : vector<16xf32> to vector<1x16xf32>
      tpu.vector_store %arg8[%swap3A, %swap3A_39], %swap3A_42 {strides = array<i32>} : memref<625x16xf32, #tpu.memory_space<vmem>>, vector<1x16xf32>,
    }
    %scan3A_8 = arith.constant 625 : i32
    %mul3A_9 = arith.constant 625 : i32
    %mul3A_10 = arith.muli %arg1, %mul3A_9 : i32
    "tpu.region"() ({
      %run_scoped3A = tpu.sem_alloc : memref<!tpu.dma_semaphore, #tpu.memory_space<semaphore_mem>>
      %dma_start3A_38 = arith.constant 0 : i32
      %dma_start3A_39 = tpu.memref_slice %arg9[%mul3A_10, %dma_start3A_38] : memref<10000x16xf32, #tpu.memory_space<vmem_shared>> -> memref<625x16xf32, #tpu.memory_space<vmem_shared>>
      %dma_start3A_40 = arith.constant 0 : i32
      %dma_start3A_41 = tpu.memref_slice %arg9[%mul3A_10, %dma_start3A_40] : memref<10000x16xf32, #tpu.memory_space<vmem_shared>> -> memref<625x16xf32, #tpu.memory_space<vmem_shared>>
      tpu.enqueue_dma source(%arg8 : memref<625x16xf32, #tpu.memory_space<vmem>>) target(%dma_start3A_41 : memref<625x16xf32, #tpu.memory_space<vmem_shared>>) target_semaphore(%run_scoped3A : memref<!tpu.dma_semaphore, #tpu.memory_space<semaphore_mem>>)
      %dma_wait3A = arith.constant 0 : i32
      %dma_wait3A_42 = tpu.memref_slice %arg9[%mul3A_10, %dma_wait3A] : memref<10000x16xf32, #tpu.memory_space<vmem_shared>> -> memref<625x16xf32, #tpu.memory_space<vmem_shared>>
      %dma_wait3A_43 = arith.constant 0 : i32
      %dma_wait3A_44 = tpu.memref_slice %arg9[%mul3A_10, %dma_wait3A_43] : memref<10000x16xf32, #tpu.memory_space<vmem_shared>> -> memref<625x16xf32, #tpu.memory_space<vmem_shared>>
      tpu.wait_dma2 semaphore(%run_scoped3A : memref<!tpu.dma_semaphore, #tpu.memory_space<semaphore_mem>>) src(%arg8 : memref<625x16xf32, #tpu.memory_space<vmem>>) dst(%dma_wait3A_44 : memref<625x16xf32, #tpu.memory_space<vmem_shared>>)
      tpu.yield
    }) : () -> ()
    "tpu.region"() ({
      %run_scoped3A = tpu.sem_alloc : memref<!tpu.dma_semaphore, #tpu.memory_space<semaphore_mem>>
      %dma_start3A_38 = arith.constant 0 : i32
      %dma_start3A_39 = arith.constant 0 : i32
      %dma_start3A_40 = tpu.memref_slice %arg5[%dma_start3A_38, %dma_start3A_39] : memref<40x128xi32, #tpu.memory_space<vmem>> -> memref<39x128xi32, #tpu.memory_space<vmem>>
      %dma_start3A_41 = arith.constant 0 : i32
      %dma_start3A_42 = tpu.memref_slice %arg3[%mul3A_2, %dma_start3A_41] : memref<1250x128xi32, #tpu.memory_space<hbm>> -> memref<39x128xi32, #tpu.memory_space<hbm>>
      %dma_start3A_43 = arith.constant 0 : i32
      %dma_start3A_44 = arith.constant 0 : i32
      %dma_start3A_45 = tpu.memref_slice %arg5[%dma_start3A_43, %dma_start3A_44] : memref<40x128xi32, #tpu.memory_space<vmem>> -> memref<39x128xi32, #tpu.memory_space<vmem>>
      %dma_start3A_46 = arith.constant 0 : i32
      %dma_start3A_47 = tpu.memref_slice %arg3[%mul3A_2, %dma_start3A_46] : memref<1250x128xi32, #tpu.memory_space<hbm>> -> memref<39x128xi32, #tpu.memory_space<hbm>>
      tpu.enqueue_dma source(%dma_start3A_47 : memref<39x128xi32, #tpu.memory_space<hbm>>) target(%dma_start3A_45 : memref<39x128xi32, #tpu.memory_space<vmem>>) target_semaphore(%run_scoped3A : memref<!tpu.dma_semaphore, #tpu.memory_space<semaphore_mem>>)
      %dma_wait3A = arith.constant 0 : i32
      %dma_wait3A_48 = arith.constant 0 : i32
      %dma_wait3A_49 = tpu.memref_slice %arg5[%dma_wait3A, %dma_wait3A_48] : memref<40x128xi32, #tpu.memory_space<vmem>> -> memref<39x128xi32, #tpu.memory_space<vmem>>
      %dma_wait3A_50 = arith.constant 0 : i32
      %dma_wait3A_51 = tpu.memref_slice %arg3[%mul3A_2, %dma_wait3A_50] : memref<1250x128xi32, #tpu.memory_space<hbm>> -> memref<39x128xi32, #tpu.memory_space<hbm>>
      %dma_wait3A_52 = arith.constant 0 : i32
      %dma_wait3A_53 = arith.constant 0 : i32
      %dma_wait3A_54 = tpu.memref_slice %arg5[%dma_wait3A_52, %dma_wait3A_53] : memref<40x128xi32, #tpu.memory_space<vmem>> -> memref<39x128xi32, #tpu.memory_space<vmem>>
      %dma_wait3A_55 = arith.constant 0 : i32
      %dma_wait3A_56 = tpu.memref_slice %arg3[%mul3A_2, %dma_wait3A_55] : memref<1250x128xi32, #tpu.memory_space<hbm>> -> memref<39x128xi32, #tpu.memory_space<hbm>>
      tpu.wait_dma2 semaphore(%run_scoped3A : memref<!tpu.dma_semaphore, #tpu.memory_space<semaphore_mem>>) src(%dma_wait3A_56 : memref<39x128xi32, #tpu.memory_space<hbm>>) dst(%dma_wait3A_54 : memref<39x128xi32, #tpu.memory_space<vmem>>)
      tpu.yield
    }) : () -> ()
    %barrier3A = arith.constant 0 : index
    tpu.barrier barrier_id(%barrier3A)
    %mul3A_11 = arith.constant 128 : i32
    %mul3A_12 = arith.muli %mul3A_2, %mul3A_11 : i32
    %dma_start3A = arith.constant 0 : i32
    %dma_start3A_13 = arith.constant 0 : i32
    %dma_start3A_14 = arith.constant 0 : i32
    %dma_start3A_15 = tpu.memref_slice %arg6[%dma_start3A, %dma_start3A_13, %dma_start3A_14] : memref<2x384x16xf32, #tpu.memory_space<vmem>> -> memref<1x384x16xf32, #tpu.memory_space<vmem>>
    %dma_start3A_16 = tpu.memref_squeeze %dma_start3A_15 : memref<1x384x16xf32, #tpu.memory_space<vmem>> -> memref<384x16xf32, #tpu.memory_space<vmem>>
    %dma_start3A_17 = arith.constant 0 : i32
    %dma_start3A_18 = tpu.memref_slice %arg2[%mul3A_12, %dma_start3A_17] : memref<160000x16xf32, #tpu.memory_space<hbm>> -> memref<384x16xf32, #tpu.memory_space<hbm>>
    %dma_start3A_19 = arith.constant 0 : i32
    %dma_start3A_20 = arith.constant 0 : i32
    %dma_start3A_21 = tpu.memref_slice %arg6[%dma_start3A, %dma_start3A_19, %dma_start3A_20] : memref<2x384x16xf32, #tpu.memory_space<vmem>> -> memref<1x384x16xf32, #tpu.memory_space<vmem>>
    %dma_start3A_22 = tpu.memref_squeeze %dma_start3A_21 : memref<1x384x16xf32, #tpu.memory_space<vmem>> -> memref<384x16xf32, #tpu.memory_space<vmem>>
    %dma_start3A_23 = arith.constant 0 : i32
    %dma_start3A_24 = tpu.memref_slice %arg2[%mul3A_12, %dma_start3A_23] : memref<160000x16xf32, #tpu.memory_space<hbm>> -> memref<384x16xf32, #tpu.memory_space<hbm>>
    tpu.enqueue_dma source(%dma_start3A_24 : memref<384x16xf32, #tpu.memory_space<hbm>>) target(%dma_start3A_22 : memref<384x16xf32, #tpu.memory_space<vmem>>) target_semaphore(%arg10 : memref<!tpu.dma_semaphore, #tpu.memory_space<semaphore_mem>>)
    %scan3A_25 = arith.constant 0 : i32
    %scan3A_26 = arith.constant 0 : i32
    %scan3A_27 = arith.constant 13 : i32
    %scan3A_28 = arith.addi %scan3A_26, %scan3A_27 : i32
    %scan3A_29 = arith.constant 1 : i32
    scf.for %scan3A_38 = %scan3A_26 to %scan3A_28 step %scan3A_29  : i32 {
      %rem3A = arith.constant 2 : i32
      %rem3A_39 = arith.remsi %scan3A_38, %rem3A : i32
      %dma_wait3A = arith.constant 0 : i32
      %dma_wait3A_40 = arith.constant 0 : i32
      %dma_wait3A_41 = tpu.memref_slice %arg6[%rem3A_39, %dma_wait3A, %dma_wait3A_40] : memref<2x384x16xf32, #tpu.memory_space<vmem>> -> memref<1x384x16xf32, #tpu.memory_space<vmem>>
      %dma_wait3A_42 = tpu.memref_squeeze %dma_wait3A_41 : memref<1x384x16xf32, #tpu.memory_space<vmem>> -> memref<384x16xf32, #tpu.memory_space<vmem>>
      %dma_wait3A_43 = arith.constant 0 : i32
      %dma_wait3A_44 = arith.constant 0 : i32
      %dma_wait3A_45 = tpu.memref_slice %arg2[%dma_wait3A_43, %dma_wait3A_44] : memref<160000x16xf32, #tpu.memory_space<hbm>> -> memref<384x16xf32, #tpu.memory_space<hbm>>
      %dma_wait3A_46 = arith.constant 0 : i32
      %dma_wait3A_47 = arith.constant 0 : i32
      %dma_wait3A_48 = tpu.memref_slice %arg6[%rem3A_39, %dma_wait3A_46, %dma_wait3A_47] : memref<2x384x16xf32, #tpu.memory_space<vmem>> -> memref<1x384x16xf32, #tpu.memory_space<vmem>>
      %dma_wait3A_49 = tpu.memref_squeeze %dma_wait3A_48 : memref<1x384x16xf32, #tpu.memory_space<vmem>> -> memref<384x16xf32, #tpu.memory_space<vmem>>
      %dma_wait3A_50 = arith.constant 0 : i32
      %dma_wait3A_51 = arith.constant 0 : i32
      %dma_wait3A_52 = tpu.memref_slice %arg2[%dma_wait3A_50, %dma_wait3A_51] : memref<160000x16xf32, #tpu.memory_space<hbm>> -> memref<384x16xf32, #tpu.memory_space<hbm>>
      tpu.wait_dma2 semaphore(%arg10 : memref<!tpu.dma_semaphore, #tpu.memory_space<semaphore_mem>>) src(%dma_wait3A_52 : memref<384x16xf32, #tpu.memory_space<hbm>>) dst(%dma_wait3A_49 : memref<384x16xf32, #tpu.memory_space<vmem>>)
      %lt3A_53 = arith.constant 12 : i32
      %lt3A_54 = arith.cmpi slt, %scan3A_38, %lt3A_53 : i32
      %convert_element_type3A_55 = arith.extui %lt3A_54 : i1 to i32
      %cond3A_56 = arith.constant 0 : i32
      %cond3A_57 = arith.cmpi ne, %convert_element_type3A_55, %cond3A_56 : i32
      scf.if %cond3A_57 {
        %add3A_70 = arith.constant 1 : i32
        %add3A_71 = arith.addi %scan3A_38, %add3A_70 : i32
        %mul3A_72 = arith.constant 3 : i32
        %mul3A_73 = arith.muli %add3A_71, %mul3A_72 : i32
        %add3A_74 = arith.addi %mul3A_2, %mul3A_73 : i32
        %mul3A_75 = arith.constant 128 : i32
        %mul3A_76 = arith.muli %add3A_74, %mul3A_75 : i32
        %sub3A = arith.constant 1 : i32
        %sub3A_77 = arith.subi %sub3A, %rem3A_39 : i32
        %dma_start3A_78 = arith.constant 0 : i32
        %dma_start3A_79 = arith.constant 0 : i32
        %dma_start3A_80 = tpu.memref_slice %arg6[%sub3A_77, %dma_start3A_78, %dma_start3A_79] : memref<2x384x16xf32, #tpu.memory_space<vmem>> -> memref<1x384x16xf32, #tpu.memory_space<vmem>>
        %dma_start3A_81 = tpu.memref_squeeze %dma_start3A_80 : memref<1x384x16xf32, #tpu.memory_space<vmem>> -> memref<384x16xf32, #tpu.memory_space<vmem>>
        %dma_start3A_82 = arith.constant 0 : i32
        %dma_start3A_83 = tpu.memref_slice %arg2[%mul3A_76, %dma_start3A_82] : memref<160000x16xf32, #tpu.memory_space<hbm>> -> memref<384x16xf32, #tpu.memory_space<hbm>>
        %dma_start3A_84 = arith.constant 0 : i32
        %dma_start3A_85 = arith.constant 0 : i32
        %dma_start3A_86 = tpu.memref_slice %arg6[%sub3A_77, %dma_start3A_84, %dma_start3A_85] : memref<2x384x16xf32, #tpu.memory_space<vmem>> -> memref<1x384x16xf32, #tpu.memory_space<vmem>>
        %dma_start3A_87 = tpu.memref_squeeze %dma_start3A_86 : memref<1x384x16xf32, #tpu.memory_space<vmem>> -> memref<384x16xf32, #tpu.memory_space<vmem>>
        %dma_start3A_88 = arith.constant 0 : i32
        %dma_start3A_89 = tpu.memref_slice %arg2[%mul3A_76, %dma_start3A_88] : memref<160000x16xf32, #tpu.memory_space<hbm>> -> memref<384x16xf32, #tpu.memory_space<hbm>>
        tpu.enqueue_dma source(%dma_start3A_89 : memref<384x16xf32, #tpu.memory_space<hbm>>) target(%dma_start3A_87 : memref<384x16xf32, #tpu.memory_space<vmem>>) target_semaphore(%arg10 : memref<!tpu.dma_semaphore, #tpu.memory_space<semaphore_mem>>)
      } else {
      }
      %mul3A_58 = arith.constant 3 : i32
      %mul3A_59 = arith.muli %scan3A_38, %mul3A_58 : i32
      %add3A_60 = arith.constant 0 : i32
      %add3A_61 = arith.addi %mul3A_59, %add3A_60 : i32
      "tpu.region"() ({
        %run_scoped3A = tpu.sem_alloc : memref<!tpu.dma_semaphore, #tpu.memory_space<semaphore_mem>>
        %dma_start3A_70 = arith.constant 0 : i32
        %dma_start3A_71 = arith.constant 0 : i32
        %dma_start3A_72 = tpu.memref_slice %arg6[%rem3A_39, %dma_start3A_70, %dma_start3A_71] : memref<2x384x16xf32, #tpu.memory_space<vmem>> -> memref<1x128x16xf32, #tpu.memory_space<vmem>>
        %dma_start3A_73 = tpu.memref_squeeze %dma_start3A_72 : memref<1x128x16xf32, #tpu.memory_space<vmem>> -> memref<128x16xf32, #tpu.memory_space<vmem>>
        %dma_start3A_74 = arith.constant 0 : i32
        %dma_start3A_75 = tpu.memref_slice %arg5[%add3A_61, %dma_start3A_74] : memref<40x128xi32, #tpu.memory_space<vmem>> -> memref<1x128xi32, #tpu.memory_space<vmem>>
        %dma_start3A_76 = tpu.memref_squeeze %dma_start3A_75 : memref<1x128xi32, #tpu.memory_space<vmem>> -> memref<128xi32, #tpu.memory_space<vmem>>
        %dma_start3A_77 = arith.constant 0 : i32
        %dma_start3A_78 = arith.constant 0 : i32
        %dma_start3A_79 = tpu.memref_slice %arg9[%dma_start3A_77, %dma_start3A_78] : memref<10000x16xf32, #tpu.memory_space<vmem_shared>> -> memref<10000x16xf32, #tpu.memory_space<vmem_shared>>
        tpu.enqueue_indirect_dma source(%dma_start3A_73 : memref<128x16xf32, #tpu.memory_space<vmem>>) target(%dma_start3A_79 : memref<10000x16xf32, #tpu.memory_space<vmem_shared>>) offsets(%dma_start3A_76 : memref<128xi32, #tpu.memory_space<vmem>>) semaphore(%run_scoped3A : memref<!tpu.dma_semaphore, #tpu.memory_space<semaphore_mem>>) {add = true}
        %dma_wait3A_80 = arith.constant 0 : i32
        %dma_wait3A_81 = arith.constant 0 : i32
        %dma_wait3A_82 = tpu.memref_slice %arg6[%rem3A_39, %dma_wait3A_80, %dma_wait3A_81] : memref<2x384x16xf32, #tpu.memory_space<vmem>> -> memref<1x128x16xf32, #tpu.memory_space<vmem>>
        %dma_wait3A_83 = tpu.memref_squeeze %dma_wait3A_82 : memref<1x128x16xf32, #tpu.memory_space<vmem>> -> memref<128x16xf32, #tpu.memory_space<vmem>>
        %dma_wait3A_84 = arith.constant 0 : i32
        %dma_wait3A_85 = tpu.memref_slice %arg5[%add3A_61, %dma_wait3A_84] : memref<40x128xi32, #tpu.memory_space<vmem>> -> memref<1x128xi32, #tpu.memory_space<vmem>>
        %dma_wait3A_86 = tpu.memref_squeeze %dma_wait3A_85 : memref<1x128xi32, #tpu.memory_space<vmem>> -> memref<128xi32, #tpu.memory_space<vmem>>
        %dma_wait3A_87 = arith.constant 0 : i32
        %dma_wait3A_88 = arith.constant 0 : i32
        %dma_wait3A_89 = tpu.memref_slice %arg9[%dma_wait3A_87, %dma_wait3A_88] : memref<10000x16xf32, #tpu.memory_space<vmem_shared>> -> memref<10000x16xf32, #tpu.memory_space<vmem_shared>>
        tpu.wait_indirect_dma semaphore(%run_scoped3A : memref<!tpu.dma_semaphore, #tpu.memory_space<semaphore_mem>>) src(%dma_wait3A_83 : memref<128x16xf32, #tpu.memory_space<vmem>>) dst(%dma_wait3A_89 : memref<10000x16xf32, #tpu.memory_space<vmem_shared>>)
        tpu.yield
      }) : () -> ()
      %mul3A_62 = arith.constant 3 : i32
      %mul3A_63 = arith.muli %scan3A_38, %mul3A_62 : i32
      %add3A_64 = arith.constant 1 : i32
      %add3A_65 = arith.addi %mul3A_63, %add3A_64 : i32
      "tpu.region"() ({
        %run_scoped3A = tpu.sem_alloc : memref<!tpu.dma_semaphore, #tpu.memory_space<semaphore_mem>>
        %dma_start3A_70 = arith.constant 128 : i32
        %dma_start3A_71 = arith.constant 0 : i32
        %dma_start3A_72 = tpu.memref_slice %arg6[%rem3A_39, %dma_start3A_70, %dma_start3A_71] : memref<2x384x16xf32, #tpu.memory_space<vmem>> -> memref<1x128x16xf32, #tpu.memory_space<vmem>>
        %dma_start3A_73 = tpu.memref_squeeze %dma_start3A_72 : memref<1x128x16xf32, #tpu.memory_space<vmem>> -> memref<128x16xf32, #tpu.memory_space<vmem>>
        %dma_start3A_74 = arith.constant 0 : i32
        %dma_start3A_75 = tpu.memref_slice %arg5[%add3A_65, %dma_start3A_74] : memref<40x128xi32, #tpu.memory_space<vmem>> -> memref<1x128xi32, #tpu.memory_space<vmem>>
        %dma_start3A_76 = tpu.memref_squeeze %dma_start3A_75 : memref<1x128xi32, #tpu.memory_space<vmem>> -> memref<128xi32, #tpu.memory_space<vmem>>
        %dma_start3A_77 = arith.constant 0 : i32
        %dma_start3A_78 = arith.constant 0 : i32
        %dma_start3A_79 = tpu.memref_slice %arg9[%dma_start3A_77, %dma_start3A_78] : memref<10000x16xf32, #tpu.memory_space<vmem_shared>> -> memref<10000x16xf32, #tpu.memory_space<vmem_shared>>
        tpu.enqueue_indirect_dma source(%dma_start3A_73 : memref<128x16xf32, #tpu.memory_space<vmem>>) target(%dma_start3A_79 : memref<10000x16xf32, #tpu.memory_space<vmem_shared>>) offsets(%dma_start3A_76 : memref<128xi32, #tpu.memory_space<vmem>>) semaphore(%run_scoped3A : memref<!tpu.dma_semaphore, #tpu.memory_space<semaphore_mem>>) {add = true}
        %dma_wait3A_80 = arith.constant 128 : i32
        %dma_wait3A_81 = arith.constant 0 : i32
        %dma_wait3A_82 = tpu.memref_slice %arg6[%rem3A_39, %dma_wait3A_80, %dma_wait3A_81] : memref<2x384x16xf32, #tpu.memory_space<vmem>> -> memref<1x128x16xf32, #tpu.memory_space<vmem>>
        %dma_wait3A_83 = tpu.memref_squeeze %dma_wait3A_82 : memref<1x128x16xf32, #tpu.memory_space<vmem>> -> memref<128x16xf32, #tpu.memory_space<vmem>>
        %dma_wait3A_84 = arith.constant 0 : i32
        %dma_wait3A_85 = tpu.memref_slice %arg5[%add3A_65, %dma_wait3A_84] : memref<40x128xi32, #tpu.memory_space<vmem>> -> memref<1x128xi32, #tpu.memory_space<vmem>>
        %dma_wait3A_86 = tpu.memref_squeeze %dma_wait3A_85 : memref<1x128xi32, #tpu.memory_space<vmem>> -> memref<128xi32, #tpu.memory_space<vmem>>
        %dma_wait3A_87 = arith.constant 0 : i32
        %dma_wait3A_88 = arith.constant 0 : i32
        %dma_wait3A_89 = tpu.memref_slice %arg9[%dma_wait3A_87, %dma_wait3A_88] : memref<10000x16xf32, #tpu.memory_space<vmem_shared>> -> memref<10000x16xf32, #tpu.memory_space<vmem_shared>>
        tpu.wait_indirect_dma semaphore(%run_scoped3A : memref<!tpu.dma_semaphore, #tpu.memory_space<semaphore_mem>>) src(%dma_wait3A_83 : memref<128x16xf32, #tpu.memory_space<vmem>>) dst(%dma_wait3A_89 : memref<10000x16xf32, #tpu.memory_space<vmem_shared>>)
        tpu.yield
      }) : () -> ()
      %mul3A_66 = arith.constant 3 : i32
      %mul3A_67 = arith.muli %scan3A_38, %mul3A_66 : i32
      %add3A_68 = arith.constant 2 : i32
      %add3A_69 = arith.addi %mul3A_67, %add3A_68 : i32
      "tpu.region"() ({
        %run_scoped3A = tpu.sem_alloc : memref<!tpu.dma_semaphore, #tpu.memory_space<semaphore_mem>>
        %dma_start3A_70 = arith.constant 256 : i32
        %dma_start3A_71 = arith.constant 0 : i32
        %dma_start3A_72 = tpu.memref_slice %arg6[%rem3A_39, %dma_start3A_70, %dma_start3A_71] : memref<2x384x16xf32, #tpu.memory_space<vmem>> -> memref<1x128x16xf32, #tpu.memory_space<vmem>>
        %dma_start3A_73 = tpu.memref_squeeze %dma_start3A_72 : memref<1x128x16xf32, #tpu.memory_space<vmem>> -> memref<128x16xf32, #tpu.memory_space<vmem>>
        %dma_start3A_74 = arith.constant 0 : i32
        %dma_start3A_75 = tpu.memref_slice %arg5[%add3A_69, %dma_start3A_74] : memref<40x128xi32, #tpu.memory_space<vmem>> -> memref<1x128xi32, #tpu.memory_space<vmem>>
        %dma_start3A_76 = tpu.memref_squeeze %dma_start3A_75 : memref<1x128xi32, #tpu.memory_space<vmem>> -> memref<128xi32, #tpu.memory_space<vmem>>
        %dma_start3A_77 = arith.constant 0 : i32
        %dma_start3A_78 = arith.constant 0 : i32
        %dma_start3A_79 = tpu.memref_slice %arg9[%dma_start3A_77, %dma_start3A_78] : memref<10000x16xf32, #tpu.memory_space<vmem_shared>> -> memref<10000x16xf32, #tpu.memory_space<vmem_shared>>
        tpu.enqueue_indirect_dma source(%dma_start3A_73 : memref<128x16xf32, #tpu.memory_space<vmem>>) target(%dma_start3A_79 : memref<10000x16xf32, #tpu.memory_space<vmem_shared>>) offsets(%dma_start3A_76 : memref<128xi32, #tpu.memory_space<vmem>>) semaphore(%run_scoped3A : memref<!tpu.dma_semaphore, #tpu.memory_space<semaphore_mem>>) {add = true}
        %dma_wait3A_80 = arith.constant 256 : i32
        %dma_wait3A_81 = arith.constant 0 : i32
        %dma_wait3A_82 = tpu.memref_slice %arg6[%rem3A_39, %dma_wait3A_80, %dma_wait3A_81] : memref<2x384x16xf32, #tpu.memory_space<vmem>> -> memref<1x128x16xf32, #tpu.memory_space<vmem>>
        %dma_wait3A_83 = tpu.memref_squeeze %dma_wait3A_82 : memref<1x128x16xf32, #tpu.memory_space<vmem>> -> memref<128x16xf32, #tpu.memory_space<vmem>>
        %dma_wait3A_84 = arith.constant 0 : i32
        %dma_wait3A_85 = tpu.memref_slice %arg5[%add3A_69, %dma_wait3A_84] : memref<40x128xi32, #tpu.memory_space<vmem>> -> memref<1x128xi32, #tpu.memory_space<vmem>>
        %dma_wait3A_86 = tpu.memref_squeeze %dma_wait3A_85 : memref<1x128xi32, #tpu.memory_space<vmem>> -> memref<128xi32, #tpu.memory_space<vmem>>
        %dma_wait3A_87 = arith.constant 0 : i32
        %dma_wait3A_88 = arith.constant 0 : i32
        %dma_wait3A_89 = tpu.memref_slice %arg9[%dma_wait3A_87, %dma_wait3A_88] : memref<10000x16xf32, #tpu.memory_space<vmem_shared>> -> memref<10000x16xf32, #tpu.memory_space<vmem_shared>>
        tpu.wait_indirect_dma semaphore(%run_scoped3A : memref<!tpu.dma_semaphore, #tpu.memory_space<semaphore_mem>>) src(%dma_wait3A_83 : memref<128x16xf32, #tpu.memory_space<vmem>>) dst(%dma_wait3A_89 : memref<10000x16xf32, #tpu.memory_space<vmem_shared>>)
        tpu.yield
      }) : () -> ()
    }
    %scan3A_30 = arith.constant 13 : i32
    %lt3A = arith.constant 2 : i32
    %lt3A_31 = arith.cmpi slt, %add3A, %lt3A : i32
    %convert_element_type3A = arith.extui %lt3A_31 : i1 to i32
    %cond3A = arith.constant 0 : i32
    %cond3A_32 = arith.cmpi ne, %convert_element_type3A, %cond3A : i32
    scf.if %cond3A_32 {
      %add3A_38 = arith.constant 1248 : i32
      %add3A_39 = arith.addi %add3A_38, %add3A : i32
      %run_scoped3A = arith.constant 39 : i32
      "tpu.region"() ({
        %run_scoped3A_43 = tpu.sem_alloc : memref<!tpu.dma_semaphore, #tpu.memory_space<semaphore_mem>>
        %dma_start3A_44 = arith.constant 0 : i32
        %dma_start3A_45 = tpu.memref_slice %arg5[%run_scoped3A, %dma_start3A_44] : memref<40x128xi32, #tpu.memory_space<vmem>> -> memref<1x128xi32, #tpu.memory_space<vmem>>
        %dma_start3A_46 = tpu.memref_squeeze %dma_start3A_45 : memref<1x128xi32, #tpu.memory_space<vmem>> -> memref<128xi32, #tpu.memory_space<vmem>>
        %dma_start3A_47 = arith.constant 0 : i32
        %dma_start3A_48 = tpu.memref_slice %arg3[%add3A_39, %dma_start3A_47] : memref<1250x128xi32, #tpu.memory_space<hbm>> -> memref<1x128xi32, #tpu.memory_space<hbm>>
        %dma_start3A_49 = tpu.memref_squeeze %dma_start3A_48 : memref<1x128xi32, #tpu.memory_space<hbm>> -> memref<128xi32, #tpu.memory_space<hbm>>
        %dma_start3A_50 = arith.constant 0 : i32
        %dma_start3A_51 = tpu.memref_slice %arg5[%run_scoped3A, %dma_start3A_50] : memref<40x128xi32, #tpu.memory_space<vmem>> -> memref<1x128xi32, #tpu.memory_space<vmem>>
        %dma_start3A_52 = tpu.memref_squeeze %dma_start3A_51 : memref<1x128xi32, #tpu.memory_space<vmem>> -> memref<128xi32, #tpu.memory_space<vmem>>
        %dma_start3A_53 = arith.constant 0 : i32
        %dma_start3A_54 = tpu.memref_slice %arg3[%add3A_39, %dma_start3A_53] : memref<1250x128xi32, #tpu.memory_space<hbm>> -> memref<1x128xi32, #tpu.memory_space<hbm>>
        %dma_start3A_55 = tpu.memref_squeeze %dma_start3A_54 : memref<1x128xi32, #tpu.memory_space<hbm>> -> memref<128xi32, #tpu.memory_space<hbm>>
        tpu.enqueue_dma source(%dma_start3A_55 : memref<128xi32, #tpu.memory_space<hbm>>) target(%dma_start3A_52 : memref<128xi32, #tpu.memory_space<vmem>>) target_semaphore(%run_scoped3A_43 : memref<!tpu.dma_semaphore, #tpu.memory_space<semaphore_mem>>)
        %dma_wait3A = arith.constant 0 : i32
        %dma_wait3A_56 = tpu.memref_slice %arg5[%run_scoped3A, %dma_wait3A] : memref<40x128xi32, #tpu.memory_space<vmem>> -> memref<1x128xi32, #tpu.memory_space<vmem>>
        %dma_wait3A_57 = tpu.memref_squeeze %dma_wait3A_56 : memref<1x128xi32, #tpu.memory_space<vmem>> -> memref<128xi32, #tpu.memory_space<vmem>>
        %dma_wait3A_58 = arith.constant 0 : i32
        %dma_wait3A_59 = tpu.memref_slice %arg3[%add3A_39, %dma_wait3A_58] : memref<1250x128xi32, #tpu.memory_space<hbm>> -> memref<1x128xi32, #tpu.memory_space<hbm>>
        %dma_wait3A_60 = tpu.memref_squeeze %dma_wait3A_59 : memref<1x128xi32, #tpu.memory_space<hbm>> -> memref<128xi32, #tpu.memory_space<hbm>>
        %dma_wait3A_61 = arith.constant 0 : i32
        %dma_wait3A_62 = tpu.memref_slice %arg5[%run_scoped3A, %dma_wait3A_61] : memref<40x128xi32, #tpu.memory_space<vmem>> -> memref<1x128xi32, #tpu.memory_space<vmem>>
        %dma_wait3A_63 = tpu.memref_squeeze %dma_wait3A_62 : memref<1x128xi32, #tpu.memory_space<vmem>> -> memref<128xi32, #tpu.memory_space<vmem>>
        %dma_wait3A_64 = arith.constant 0 : i32
        %dma_wait3A_65 = tpu.memref_slice %arg3[%add3A_39, %dma_wait3A_64] : memref<1250x128xi32, #tpu.memory_space<hbm>> -> memref<1x128xi32, #tpu.memory_space<hbm>>
        %dma_wait3A_66 = tpu.memref_squeeze %dma_wait3A_65 : memref<1x128xi32, #tpu.memory_space<hbm>> -> memref<128xi32, #tpu.memory_space<hbm>>
        tpu.wait_dma2 semaphore(%run_scoped3A_43 : memref<!tpu.dma_semaphore, #tpu.memory_space<semaphore_mem>>) src(%dma_wait3A_66 : memref<128xi32, #tpu.memory_space<hbm>>) dst(%dma_wait3A_63 : memref<128xi32, #tpu.memory_space<vmem>>)
        tpu.yield
      }) : () -> ()
      %mul3A_40 = arith.constant 128 : i32
      %mul3A_41 = arith.muli %add3A_39, %mul3A_40 : i32
      "tpu.region"() ({
        %run_scoped3A_43 = tpu.sem_alloc : memref<!tpu.dma_semaphore, #tpu.memory_space<semaphore_mem>>
        %dma_start3A_44 = arith.constant 0 : i32
        %dma_start3A_45 = tpu.memref_slice %arg2[%mul3A_41, %dma_start3A_44] : memref<160000x16xf32, #tpu.memory_space<hbm>> -> memref<128x16xf32, #tpu.memory_space<hbm>>
        %dma_start3A_46 = arith.constant 0 : i32
        %dma_start3A_47 = tpu.memref_slice %arg2[%mul3A_41, %dma_start3A_46] : memref<160000x16xf32, #tpu.memory_space<hbm>> -> memref<128x16xf32, #tpu.memory_space<hbm>>
        tpu.enqueue_dma source(%dma_start3A_47 : memref<128x16xf32, #tpu.memory_space<hbm>>) target(%arg7 : memref<128x16xf32, #tpu.memory_space<vmem>>) target_semaphore(%run_scoped3A_43 : memref<!tpu.dma_semaphore, #tpu.memory_space<semaphore_mem>>)
        %dma_wait3A = arith.constant 0 : i32
        %dma_wait3A_48 = tpu.memref_slice %arg2[%mul3A_41, %dma_wait3A] : memref<160000x16xf32, #tpu.memory_space<hbm>> -> memref<128x16xf32, #tpu.memory_space<hbm>>
        %dma_wait3A_49 = arith.constant 0 : i32
        %dma_wait3A_50 = tpu.memref_slice %arg2[%mul3A_41, %dma_wait3A_49] : memref<160000x16xf32, #tpu.memory_space<hbm>> -> memref<128x16xf32, #tpu.memory_space<hbm>>
        tpu.wait_dma2 semaphore(%run_scoped3A_43 : memref<!tpu.dma_semaphore, #tpu.memory_space<semaphore_mem>>) src(%dma_wait3A_50 : memref<128x16xf32, #tpu.memory_space<hbm>>) dst(%arg7 : memref<128x16xf32, #tpu.memory_space<vmem>>)
        tpu.yield
      }) : () -> ()
      %run_scoped3A_42 = arith.constant 39 : i32
      "tpu.region"() ({
        %run_scoped3A_43 = tpu.sem_alloc : memref<!tpu.dma_semaphore, #tpu.memory_space<semaphore_mem>>
        %dma_start3A_44 = arith.constant 0 : i32
        %dma_start3A_45 = tpu.memref_slice %arg5[%run_scoped3A_42, %dma_start3A_44] : memref<40x128xi32, #tpu.memory_space<vmem>> -> memref<1x128xi32, #tpu.memory_space<vmem>>
        %dma_start3A_46 = tpu.memref_squeeze %dma_start3A_45 : memref<1x128xi32, #tpu.memory_space<vmem>> -> memref<128xi32, #tpu.memory_space<vmem>>
        %dma_start3A_47 = arith.constant 0 : i32
        %dma_start3A_48 = arith.constant 0 : i32
        %dma_start3A_49 = tpu.memref_slice %arg9[%dma_start3A_47, %dma_start3A_48] : memref<10000x16xf32, #tpu.memory_space<vmem_shared>> -> memref<10000x16xf32, #tpu.memory_space<vmem_shared>>
        tpu.enqueue_indirect_dma source(%arg7 : memref<128x16xf32, #tpu.memory_space<vmem>>) target(%dma_start3A_49 : memref<10000x16xf32, #tpu.memory_space<vmem_shared>>) offsets(%dma_start3A_46 : memref<128xi32, #tpu.memory_space<vmem>>) semaphore(%run_scoped3A_43 : memref<!tpu.dma_semaphore, #tpu.memory_space<semaphore_mem>>) {add = true}
        %dma_wait3A = arith.constant 0 : i32
        %dma_wait3A_50 = tpu.memref_slice %arg5[%run_scoped3A_42, %dma_wait3A] : memref<40x128xi32, #tpu.memory_space<vmem>> -> memref<1x128xi32, #tpu.memory_space<vmem>>
        %dma_wait3A_51 = tpu.memref_squeeze %dma_wait3A_50 : memref<1x128xi32, #tpu.memory_space<vmem>> -> memref<128xi32, #tpu.memory_space<vmem>>
        %dma_wait3A_52 = arith.constant 0 : i32
        %dma_wait3A_53 = arith.constant 0 : i32
        %dma_wait3A_54 = tpu.memref_slice %arg9[%dma_wait3A_52, %dma_wait3A_53] : memref<10000x16xf32, #tpu.memory_space<vmem_shared>> -> memref<10000x16xf32, #tpu.memory_space<vmem_shared>>
        tpu.wait_indirect_dma semaphore(%run_scoped3A_43 : memref<!tpu.dma_semaphore, #tpu.memory_space<semaphore_mem>>) src(%arg7 : memref<128x16xf32, #tpu.memory_space<vmem>>) dst(%dma_wait3A_54 : memref<10000x16xf32, #tpu.memory_space<vmem_shared>>)
        tpu.yield
      }) : () -> ()
    } else {
    }
    %barrier3A_33 = arith.constant 0 : index
    tpu.barrier barrier_id(%barrier3A_33)
    %mul3A_34 = arith.constant 625 : i32
    %mul3A_35 = arith.muli %arg1, %mul3A_34 : i32
    %mul3A_36 = arith.constant 625 : i32
    %mul3A_37 = arith.muli %arg1, %mul3A_36 : i32
    "tpu.region"() ({
      %run_scoped3A = tpu.sem_alloc : memref<!tpu.dma_semaphore, #tpu.memory_space<semaphore_mem>>
      %dma_start3A_38 = arith.constant 0 : i32
      %dma_start3A_39 = tpu.memref_slice %arg4[%arg0, %mul3A_37, %dma_start3A_38] : memref<2x10000x16xf32, #tpu.memory_space<hbm>> -> memref<1x625x16xf32, #tpu.memory_space<hbm>>
      %dma_start3A_40 = tpu.memref_squeeze %dma_start3A_39 : memref<1x625x16xf32, #tpu.memory_space<hbm>> -> memref<625x16xf32, #tpu.memory_space<hbm>>
      %dma_start3A_41 = arith.constant 0 : i32
      %dma_start3A_42 = tpu.memref_slice %arg9[%mul3A_35, %dma_start3A_41] : memref<10000x16xf32, #tpu.memory_space<vmem_shared>> -> memref<625x16xf32, #tpu.memory_space<vmem_shared>>
      tpu.enqueue_dma source(%dma_start3A_42 : memref<625x16xf32, #tpu.memory_space<vmem_shared>>) target(%dma_start3A_40 : memref<625x16xf32, #tpu.memory_space<hbm>>) target_semaphore(%run_scoped3A : memref<!tpu.dma_semaphore, #tpu.memory_space<semaphore_mem>>)
      %dma_wait3A = arith.constant 0 : i32
      %dma_wait3A_43 = tpu.memref_slice %arg4[%arg0, %mul3A_37, %dma_wait3A] : memref<2x10000x16xf32, #tpu.memory_space<hbm>> -> memref<1x625x16xf32, #tpu.memory_space<hbm>>
      %dma_wait3A_44 = tpu.memref_squeeze %dma_wait3A_43 : memref<1x625x16xf32, #tpu.memory_space<hbm>> -> memref<625x16xf32, #tpu.memory_space<hbm>>
      %dma_wait3A_45 = arith.constant 0 : i32
      %dma_wait3A_46 = tpu.memref_slice %arg9[%mul3A_35, %dma_wait3A_45] : memref<10000x16xf32, #tpu.memory_space<vmem_shared>> -> memref<625x16xf32, #tpu.memory_space<vmem_shared>>
      tpu.wait_dma2 semaphore(%run_scoped3A : memref<!tpu.dma_semaphore, #tpu.memory_space<semaphore_mem>>) src(%dma_wait3A_46 : memref<625x16xf32, #tpu.memory_space<vmem_shared>>) dst(%dma_wait3A_44 : memref<625x16xf32, #tpu.memory_space<hbm>>)
      tpu.yield
    }) : () -> ()
    return
  }
}

#map = affine_map<(d0, d1) -> (0, 0)>
module attributes {stable_mosaic.version = 14 : i64} {
  func.func @k(%arg0: i32, %arg1: i32, %arg2: memref<10000x16xf32, #tpu.memory_space<hbm>>, %arg3: memref<1250x128xi32, #tpu.memory_space<hbm>>, %arg4: memref<160000x16xf32, #tpu.memory_space<hbm>>, %arg5: memref<40x128xi32, #tpu.memory_space<vmem>>, %arg6: memref<2x384x16xf32, #tpu.memory_space<vmem>>, %arg7: memref<128x16xf32, #tpu.memory_space<vmem>>, %arg8: memref<!tpu.dma_semaphore, #tpu.memory_space<semaphore_mem>>, %arg9: memref<!tpu.dma_semaphore, #tpu.memory_space<semaphore_mem>>) attributes {dimension_semantics = [#tpu.dimension_semantics<core_parallel>, #tpu.dimension_semantics<subcore_parallel>], iteration_bounds = array<i64: 2, 16>, scalar_prefetch = 0 : i64, scratch_operands = 5 : i64, tpu.core_type = #tpu.core_type<sc_vector_subcore>, window_params = [{transform_indices = #map}, {transform_indices = #map}, {transform_indices = #map}]} {
    %mul3A = arith.constant 2 : i32
    %mul3A_0 = arith.muli %arg1, %mul3A : i32
    %add3A = arith.addi %mul3A_0, %arg0 : i32
    %mul3A_1 = arith.constant 39 : i32
    %mul3A_2 = arith.muli %add3A, %mul3A_1 : i32
    "tpu.region"() ({
      %run_scoped3A = tpu.sem_alloc : memref<!tpu.dma_semaphore, #tpu.memory_space<semaphore_mem>>
      %dma_start3A = arith.constant 0 : i32
      %dma_start3A_39 = arith.constant 0 : i32
      %dma_start3A_40 = tpu.memref_slice %arg5[%dma_start3A, %dma_start3A_39] : memref<40x128xi32, #tpu.memory_space<vmem>> -> memref<39x128xi32, #tpu.memory_space<vmem>>
      %dma_start3A_41 = arith.constant 0 : i32
      %dma_start3A_42 = tpu.memref_slice %arg3[%mul3A_2, %dma_start3A_41] : memref<1250x128xi32, #tpu.memory_space<hbm>> -> memref<39x128xi32, #tpu.memory_space<hbm>>
      %dma_start3A_43 = arith.constant 0 : i32
      %dma_start3A_44 = arith.constant 0 : i32
      %dma_start3A_45 = tpu.memref_slice %arg5[%dma_start3A_43, %dma_start3A_44] : memref<40x128xi32, #tpu.memory_space<vmem>> -> memref<39x128xi32, #tpu.memory_space<vmem>>
      %dma_start3A_46 = arith.constant 0 : i32
      %dma_start3A_47 = tpu.memref_slice %arg3[%mul3A_2, %dma_start3A_46] : memref<1250x128xi32, #tpu.memory_space<hbm>> -> memref<39x128xi32, #tpu.memory_space<hbm>>
      tpu.enqueue_dma source(%dma_start3A_47 : memref<39x128xi32, #tpu.memory_space<hbm>>) target(%dma_start3A_45 : memref<39x128xi32, #tpu.memory_space<vmem>>) target_semaphore(%run_scoped3A : memref<!tpu.dma_semaphore, #tpu.memory_space<semaphore_mem>>)
      %dma_wait3A_48 = arith.constant 0 : i32
      %dma_wait3A_49 = arith.constant 0 : i32
      %dma_wait3A_50 = tpu.memref_slice %arg5[%dma_wait3A_48, %dma_wait3A_49] : memref<40x128xi32, #tpu.memory_space<vmem>> -> memref<39x128xi32, #tpu.memory_space<vmem>>
      %dma_wait3A_51 = arith.constant 0 : i32
      %dma_wait3A_52 = tpu.memref_slice %arg3[%mul3A_2, %dma_wait3A_51] : memref<1250x128xi32, #tpu.memory_space<hbm>> -> memref<39x128xi32, #tpu.memory_space<hbm>>
      %dma_wait3A_53 = arith.constant 0 : i32
      %dma_wait3A_54 = arith.constant 0 : i32
      %dma_wait3A_55 = tpu.memref_slice %arg5[%dma_wait3A_53, %dma_wait3A_54] : memref<40x128xi32, #tpu.memory_space<vmem>> -> memref<39x128xi32, #tpu.memory_space<vmem>>
      %dma_wait3A_56 = arith.constant 0 : i32
      %dma_wait3A_57 = tpu.memref_slice %arg3[%mul3A_2, %dma_wait3A_56] : memref<1250x128xi32, #tpu.memory_space<hbm>> -> memref<39x128xi32, #tpu.memory_space<hbm>>
      tpu.wait_dma2 semaphore(%run_scoped3A : memref<!tpu.dma_semaphore, #tpu.memory_space<semaphore_mem>>) src(%dma_wait3A_57 : memref<39x128xi32, #tpu.memory_space<hbm>>) dst(%dma_wait3A_55 : memref<39x128xi32, #tpu.memory_space<vmem>>)
      tpu.yield
    }) : () -> ()
    %scan3A = arith.constant 0 : i32
    %scan3A_3 = arith.constant 0 : i32
    %scan3A_4 = arith.constant 13 : i32
    %scan3A_5 = arith.addi %scan3A_3, %scan3A_4 : i32
    %scan3A_6 = arith.constant 1 : i32
    scf.for %scan3A_39 = %scan3A_3 to %scan3A_5 step %scan3A_6  : i32 {
      %rem3A = arith.constant 2 : i32
      %rem3A_40 = arith.remsi %scan3A_39, %rem3A : i32
      %ge3A = arith.constant 2 : i32
      %ge3A_41 = arith.cmpi sge, %scan3A_39, %ge3A : i32
      %convert_element_type3A_42 = arith.extui %ge3A_41 : i1 to i32
      %cond3A_43 = arith.constant 0 : i32
      %cond3A_44 = arith.cmpi ne, %convert_element_type3A_42, %cond3A_43 : i32
      scf.if %cond3A_44 {
        %dma_wait3A_133 = arith.constant 0 : i32
        %dma_wait3A_134 = arith.constant 0 : i32
        %dma_wait3A_135 = tpu.memref_slice %arg6[%rem3A_40, %dma_wait3A_133, %dma_wait3A_134] : memref<2x384x16xf32, #tpu.memory_space<vmem>> -> memref<1x384x16xf32, #tpu.memory_space<vmem>>
        %dma_wait3A_136 = tpu.memref_squeeze %dma_wait3A_135 : memref<1x384x16xf32, #tpu.memory_space<vmem>> -> memref<384x16xf32, #tpu.memory_space<vmem>>
        %dma_wait3A_137 = arith.constant 0 : i32
        %dma_wait3A_138 = arith.constant 0 : i32
        %dma_wait3A_139 = tpu.memref_slice %arg4[%dma_wait3A_137, %dma_wait3A_138] : memref<160000x16xf32, #tpu.memory_space<hbm>> -> memref<384x16xf32, #tpu.memory_space<hbm>>
        %dma_wait3A_140 = arith.constant 0 : i32
        %dma_wait3A_141 = arith.constant 0 : i32
        %dma_wait3A_142 = tpu.memref_slice %arg6[%rem3A_40, %dma_wait3A_140, %dma_wait3A_141] : memref<2x384x16xf32, #tpu.memory_space<vmem>> -> memref<1x384x16xf32, #tpu.memory_space<vmem>>
        %dma_wait3A_143 = tpu.memref_squeeze %dma_wait3A_142 : memref<1x384x16xf32, #tpu.memory_space<vmem>> -> memref<384x16xf32, #tpu.memory_space<vmem>>
        %dma_wait3A_144 = arith.constant 0 : i32
        %dma_wait3A_145 = arith.constant 0 : i32
        %dma_wait3A_146 = tpu.memref_slice %arg4[%dma_wait3A_144, %dma_wait3A_145] : memref<160000x16xf32, #tpu.memory_space<hbm>> -> memref<384x16xf32, #tpu.memory_space<hbm>>
        tpu.wait_dma2 semaphore(%arg9 : memref<!tpu.dma_semaphore, #tpu.memory_space<semaphore_mem>>) src(%dma_wait3A_146 : memref<384x16xf32, #tpu.memory_space<hbm>>) dst(%dma_wait3A_143 : memref<384x16xf32, #tpu.memory_space<vmem>>)
      } else {
      }
      %mul3A_45 = arith.constant 3 : i32
      %mul3A_46 = arith.muli %scan3A_39, %mul3A_45 : i32
      %add3A_47 = arith.constant 0 : i32
      %add3A_48 = arith.addi %mul3A_46, %add3A_47 : i32
      %dma_start3A = arith.constant 0 : i32
      %dma_start3A_49 = arith.constant 0 : i32
      %dma_start3A_50 = tpu.memref_slice %arg6[%rem3A_40, %dma_start3A, %dma_start3A_49] : memref<2x384x16xf32, #tpu.memory_space<vmem>> -> memref<1x128x16xf32, #tpu.memory_space<vmem>>
      %dma_start3A_51 = tpu.memref_squeeze %dma_start3A_50 : memref<1x128x16xf32, #tpu.memory_space<vmem>> -> memref<128x16xf32, #tpu.memory_space<vmem>>
      %dma_start3A_52 = arith.constant 0 : i32
      %dma_start3A_53 = tpu.memref_slice %arg5[%add3A_48, %dma_start3A_52] : memref<40x128xi32, #tpu.memory_space<vmem>> -> memref<1x128xi32, #tpu.memory_space<vmem>>
      %dma_start3A_54 = tpu.memref_squeeze %dma_start3A_53 : memref<1x128xi32, #tpu.memory_space<vmem>> -> memref<128xi32, #tpu.memory_space<vmem>>
      %dma_start3A_55 = arith.constant 0 : i32
      %dma_start3A_56 = arith.constant 0 : i32
      %dma_start3A_57 = tpu.memref_slice %arg2[%dma_start3A_55, %dma_start3A_56] : memref<10000x16xf32, #tpu.memory_space<hbm>> -> memref<10000x16xf32, #tpu.memory_space<hbm>>
      tpu.enqueue_indirect_dma source(%dma_start3A_57 : memref<10000x16xf32, #tpu.memory_space<hbm>>) target(%dma_start3A_51 : memref<128x16xf32, #tpu.memory_space<vmem>>) offsets(%dma_start3A_54 : memref<128xi32, #tpu.memory_space<vmem>>) semaphore(%arg8 : memref<!tpu.dma_semaphore, #tpu.memory_space<semaphore_mem>>)
      %mul3A_58 = arith.constant 3 : i32
      %mul3A_59 = arith.muli %scan3A_39, %mul3A_58 : i32
      %add3A_60 = arith.constant 1 : i32
      %add3A_61 = arith.addi %mul3A_59, %add3A_60 : i32
      %dma_start3A_62 = arith.constant 128 : i32
      %dma_start3A_63 = arith.constant 0 : i32
      %dma_start3A_64 = tpu.memref_slice %arg6[%rem3A_40, %dma_start3A_62, %dma_start3A_63] : memref<2x384x16xf32, #tpu.memory_space<vmem>> -> memref<1x128x16xf32, #tpu.memory_space<vmem>>
      %dma_start3A_65 = tpu.memref_squeeze %dma_start3A_64 : memref<1x128x16xf32, #tpu.memory_space<vmem>> -> memref<128x16xf32, #tpu.memory_space<vmem>>
      %dma_start3A_66 = arith.constant 0 : i32
      %dma_start3A_67 = tpu.memref_slice %arg5[%add3A_61, %dma_start3A_66] : memref<40x128xi32, #tpu.memory_space<vmem>> -> memref<1x128xi32, #tpu.memory_space<vmem>>
      %dma_start3A_68 = tpu.memref_squeeze %dma_start3A_67 : memref<1x128xi32, #tpu.memory_space<vmem>> -> memref<128xi32, #tpu.memory_space<vmem>>
      %dma_start3A_69 = arith.constant 0 : i32
      %dma_start3A_70 = arith.constant 0 : i32
      %dma_start3A_71 = tpu.memref_slice %arg2[%dma_start3A_69, %dma_start3A_70] : memref<10000x16xf32, #tpu.memory_space<hbm>> -> memref<10000x16xf32, #tpu.memory_space<hbm>>
      tpu.enqueue_indirect_dma source(%dma_start3A_71 : memref<10000x16xf32, #tpu.memory_space<hbm>>) target(%dma_start3A_65 : memref<128x16xf32, #tpu.memory_space<vmem>>) offsets(%dma_start3A_68 : memref<128xi32, #tpu.memory_space<vmem>>) semaphore(%arg8 : memref<!tpu.dma_semaphore, #tpu.memory_space<semaphore_mem>>)
      %mul3A_72 = arith.constant 3 : i32
      %mul3A_73 = arith.muli %scan3A_39, %mul3A_72 : i32
      %add3A_74 = arith.constant 2 : i32
      %add3A_75 = arith.addi %mul3A_73, %add3A_74 : i32
      %dma_start3A_76 = arith.constant 256 : i32
      %dma_start3A_77 = arith.constant 0 : i32
      %dma_start3A_78 = tpu.memref_slice %arg6[%rem3A_40, %dma_start3A_76, %dma_start3A_77] : memref<2x384x16xf32, #tpu.memory_space<vmem>> -> memref<1x128x16xf32, #tpu.memory_space<vmem>>
      %dma_start3A_79 = tpu.memref_squeeze %dma_start3A_78 : memref<1x128x16xf32, #tpu.memory_space<vmem>> -> memref<128x16xf32, #tpu.memory_space<vmem>>
      %dma_start3A_80 = arith.constant 0 : i32
      %dma_start3A_81 = tpu.memref_slice %arg5[%add3A_75, %dma_start3A_80] : memref<40x128xi32, #tpu.memory_space<vmem>> -> memref<1x128xi32, #tpu.memory_space<vmem>>
      %dma_start3A_82 = tpu.memref_squeeze %dma_start3A_81 : memref<1x128xi32, #tpu.memory_space<vmem>> -> memref<128xi32, #tpu.memory_space<vmem>>
      %dma_start3A_83 = arith.constant 0 : i32
      %dma_start3A_84 = arith.constant 0 : i32
      %dma_start3A_85 = tpu.memref_slice %arg2[%dma_start3A_83, %dma_start3A_84] : memref<10000x16xf32, #tpu.memory_space<hbm>> -> memref<10000x16xf32, #tpu.memory_space<hbm>>
      tpu.enqueue_indirect_dma source(%dma_start3A_85 : memref<10000x16xf32, #tpu.memory_space<hbm>>) target(%dma_start3A_79 : memref<128x16xf32, #tpu.memory_space<vmem>>) offsets(%dma_start3A_82 : memref<128xi32, #tpu.memory_space<vmem>>) semaphore(%arg8 : memref<!tpu.dma_semaphore, #tpu.memory_space<semaphore_mem>>)
      %dma_wait3A_86 = arith.constant 0 : i32
      %dma_wait3A_87 = arith.constant 0 : i32
      %dma_wait3A_88 = tpu.memref_slice %arg6[%rem3A_40, %dma_wait3A_86, %dma_wait3A_87] : memref<2x384x16xf32, #tpu.memory_space<vmem>> -> memref<1x128x16xf32, #tpu.memory_space<vmem>>
      %dma_wait3A_89 = tpu.memref_squeeze %dma_wait3A_88 : memref<1x128x16xf32, #tpu.memory_space<vmem>> -> memref<128x16xf32, #tpu.memory_space<vmem>>
      %dma_wait3A_90 = arith.constant 0 : i32
      %dma_wait3A_91 = tpu.memref_slice %arg5[%add3A_48, %dma_wait3A_90] : memref<40x128xi32, #tpu.memory_space<vmem>> -> memref<1x128xi32, #tpu.memory_space<vmem>>
      %dma_wait3A_92 = tpu.memref_squeeze %dma_wait3A_91 : memref<1x128xi32, #tpu.memory_space<vmem>> -> memref<128xi32, #tpu.memory_space<vmem>>
      %dma_wait3A_93 = arith.constant 0 : i32
      %dma_wait3A_94 = arith.constant 0 : i32
      %dma_wait3A_95 = tpu.memref_slice %arg2[%dma_wait3A_93, %dma_wait3A_94] : memref<10000x16xf32, #tpu.memory_space<hbm>> -> memref<10000x16xf32, #tpu.memory_space<hbm>>
      tpu.wait_indirect_dma semaphore(%arg8 : memref<!tpu.dma_semaphore, #tpu.memory_space<semaphore_mem>>) src(%dma_wait3A_95 : memref<10000x16xf32, #tpu.memory_space<hbm>>) dst(%dma_wait3A_89 : memref<128x16xf32, #tpu.memory_space<vmem>>)
      %dma_wait3A_96 = arith.constant 128 : i32
      %dma_wait3A_97 = arith.constant 0 : i32
      %dma_wait3A_98 = tpu.memref_slice %arg6[%rem3A_40, %dma_wait3A_96, %dma_wait3A_97] : memref<2x384x16xf32, #tpu.memory_space<vmem>> -> memref<1x128x16xf32, #tpu.memory_space<vmem>>
      %dma_wait3A_99 = tpu.memref_squeeze %dma_wait3A_98 : memref<1x128x16xf32, #tpu.memory_space<vmem>> -> memref<128x16xf32, #tpu.memory_space<vmem>>
      %dma_wait3A_100 = arith.constant 0 : i32
      %dma_wait3A_101 = tpu.memref_slice %arg5[%add3A_61, %dma_wait3A_100] : memref<40x128xi32, #tpu.memory_space<vmem>> -> memref<1x128xi32, #tpu.memory_space<vmem>>
      %dma_wait3A_102 = tpu.memref_squeeze %dma_wait3A_101 : memref<1x128xi32, #tpu.memory_space<vmem>> -> memref<128xi32, #tpu.memory_space<vmem>>
      %dma_wait3A_103 = arith.constant 0 : i32
      %dma_wait3A_104 = arith.constant 0 : i32
      %dma_wait3A_105 = tpu.memref_slice %arg2[%dma_wait3A_103, %dma_wait3A_104] : memref<10000x16xf32, #tpu.memory_space<hbm>> -> memref<10000x16xf32, #tpu.memory_space<hbm>>
      tpu.wait_indirect_dma semaphore(%arg8 : memref<!tpu.dma_semaphore, #tpu.memory_space<semaphore_mem>>) src(%dma_wait3A_105 : memref<10000x16xf32, #tpu.memory_space<hbm>>) dst(%dma_wait3A_99 : memref<128x16xf32, #tpu.memory_space<vmem>>)
      %dma_wait3A_106 = arith.constant 256 : i32
      %dma_wait3A_107 = arith.constant 0 : i32
      %dma_wait3A_108 = tpu.memref_slice %arg6[%rem3A_40, %dma_wait3A_106, %dma_wait3A_107] : memref<2x384x16xf32, #tpu.memory_space<vmem>> -> memref<1x128x16xf32, #tpu.memory_space<vmem>>
      %dma_wait3A_109 = tpu.memref_squeeze %dma_wait3A_108 : memref<1x128x16xf32, #tpu.memory_space<vmem>> -> memref<128x16xf32, #tpu.memory_space<vmem>>
      %dma_wait3A_110 = arith.constant 0 : i32
      %dma_wait3A_111 = tpu.memref_slice %arg5[%add3A_75, %dma_wait3A_110] : memref<40x128xi32, #tpu.memory_space<vmem>> -> memref<1x128xi32, #tpu.memory_space<vmem>>
      %dma_wait3A_112 = tpu.memref_squeeze %dma_wait3A_111 : memref<1x128xi32, #tpu.memory_space<vmem>> -> memref<128xi32, #tpu.memory_space<vmem>>
      %dma_wait3A_113 = arith.constant 0 : i32
      %dma_wait3A_114 = arith.constant 0 : i32
      %dma_wait3A_115 = tpu.memref_slice %arg2[%dma_wait3A_113, %dma_wait3A_114] : memref<10000x16xf32, #tpu.memory_space<hbm>> -> memref<10000x16xf32, #tpu.memory_space<hbm>>
      tpu.wait_indirect_dma semaphore(%arg8 : memref<!tpu.dma_semaphore, #tpu.memory_space<semaphore_mem>>) src(%dma_wait3A_115 : memref<10000x16xf32, #tpu.memory_space<hbm>>) dst(%dma_wait3A_109 : memref<128x16xf32, #tpu.memory_space<vmem>>)
      %mul3A_116 = arith.constant 3 : i32
      %mul3A_117 = arith.muli %scan3A_39, %mul3A_116 : i32
      %add3A_118 = arith.addi %mul3A_2, %mul3A_117 : i32
      %mul3A_119 = arith.constant 128 : i32
      %mul3A_120 = arith.muli %add3A_118, %mul3A_119 : i32
      %dma_start3A_121 = arith.constant 0 : i32
      %dma_start3A_122 = arith.constant 0 : i32
      %dma_start3A_123 = tpu.memref_slice %arg6[%rem3A_40, %dma_start3A_121, %dma_start3A_122] : memref<2x384x16xf32, #tpu.memory_space<vmem>> -> memref<1x384x16xf32, #tpu.memory_space<vmem>>
      %dma_start3A_124 = tpu.memref_squeeze %dma_start3A_123 : memref<1x384x16xf32, #tpu.memory_space<vmem>> -> memref<384x16xf32, #tpu.memory_space<vmem>>
      %dma_start3A_125 = arith.constant 0 : i32
      %dma_start3A_126 = tpu.memref_slice %arg4[%mul3A_120, %dma_start3A_125] : memref<160000x16xf32, #tpu.memory_space<hbm>> -> memref<384x16xf32, #tpu.memory_space<hbm>>
      %dma_start3A_127 = arith.constant 0 : i32
      %dma_start3A_128 = tpu.memref_slice %arg4[%mul3A_120, %dma_start3A_127] : memref<160000x16xf32, #tpu.memory_space<hbm>> -> memref<384x16xf32, #tpu.memory_space<hbm>>
      %dma_start3A_129 = arith.constant 0 : i32
      %dma_start3A_130 = arith.constant 0 : i32
      %dma_start3A_131 = tpu.memref_slice %arg6[%rem3A_40, %dma_start3A_129, %dma_start3A_130] : memref<2x384x16xf32, #tpu.memory_space<vmem>> -> memref<1x384x16xf32, #tpu.memory_space<vmem>>
      %dma_start3A_132 = tpu.memref_squeeze %dma_start3A_131 : memref<1x384x16xf32, #tpu.memory_space<vmem>> -> memref<384x16xf32, #tpu.memory_space<vmem>>
      tpu.enqueue_dma source(%dma_start3A_132 : memref<384x16xf32, #tpu.memory_space<vmem>>) target(%dma_start3A_128 : memref<384x16xf32, #tpu.memory_space<hbm>>) target_semaphore(%arg9 : memref<!tpu.dma_semaphore, #tpu.memory_space<semaphore_mem>>)
    }
    %scan3A_7 = arith.constant 13 : i32
    %dma_wait3A = arith.constant 0 : i32
    %dma_wait3A_8 = arith.constant 0 : i32
    %dma_wait3A_9 = arith.constant 0 : i32
    %dma_wait3A_10 = tpu.memref_slice %arg6[%dma_wait3A, %dma_wait3A_8, %dma_wait3A_9] : memref<2x384x16xf32, #tpu.memory_space<vmem>> -> memref<1x384x16xf32, #tpu.memory_space<vmem>>
    %dma_wait3A_11 = tpu.memref_squeeze %dma_wait3A_10 : memref<1x384x16xf32, #tpu.memory_space<vmem>> -> memref<384x16xf32, #tpu.memory_space<vmem>>
    %dma_wait3A_12 = arith.constant 0 : i32
    %dma_wait3A_13 = arith.constant 0 : i32
    %dma_wait3A_14 = tpu.memref_slice %arg4[%dma_wait3A_12, %dma_wait3A_13] : memref<160000x16xf32, #tpu.memory_space<hbm>> -> memref<384x16xf32, #tpu.memory_space<hbm>>
    %dma_wait3A_15 = arith.constant 0 : i32
    %dma_wait3A_16 = arith.constant 0 : i32
    %dma_wait3A_17 = tpu.memref_slice %arg6[%dma_wait3A, %dma_wait3A_15, %dma_wait3A_16] : memref<2x384x16xf32, #tpu.memory_space<vmem>> -> memref<1x384x16xf32, #tpu.memory_space<vmem>>
    %dma_wait3A_18 = tpu.memref_squeeze %dma_wait3A_17 : memref<1x384x16xf32, #tpu.memory_space<vmem>> -> memref<384x16xf32, #tpu.memory_space<vmem>>
    %dma_wait3A_19 = arith.constant 0 : i32
    %dma_wait3A_20 = arith.constant 0 : i32
    %dma_wait3A_21 = tpu.memref_slice %arg4[%dma_wait3A_19, %dma_wait3A_20] : memref<160000x16xf32, #tpu.memory_space<hbm>> -> memref<384x16xf32, #tpu.memory_space<hbm>>
    tpu.wait_dma2 semaphore(%arg9 : memref<!tpu.dma_semaphore, #tpu.memory_space<semaphore_mem>>) src(%dma_wait3A_21 : memref<384x16xf32, #tpu.memory_space<hbm>>) dst(%dma_wait3A_18 : memref<384x16xf32, #tpu.memory_space<vmem>>)
    %dma_wait3A_22 = arith.constant 1 : i32
    %dma_wait3A_23 = arith.constant 0 : i32
    %dma_wait3A_24 = arith.constant 0 : i32
    %dma_wait3A_25 = tpu.memref_slice %arg6[%dma_wait3A_22, %dma_wait3A_23, %dma_wait3A_24] : memref<2x384x16xf32, #tpu.memory_space<vmem>> -> memref<1x384x16xf32, #tpu.memory_space<vmem>>
    %dma_wait3A_26 = tpu.memref_squeeze %dma_wait3A_25 : memref<1x384x16xf32, #tpu.memory_space<vmem>> -> memref<384x16xf32, #tpu.memory_space<vmem>>
    %dma_wait3A_27 = arith.constant 0 : i32
    %dma_wait3A_28 = arith.constant 0 : i32
    %dma_wait3A_29 = tpu.memref_slice %arg4[%dma_wait3A_27, %dma_wait3A_28] : memref<160000x16xf32, #tpu.memory_space<hbm>> -> memref<384x16xf32, #tpu.memory_space<hbm>>
    %dma_wait3A_30 = arith.constant 0 : i32
    %dma_wait3A_31 = arith.constant 0 : i32
    %dma_wait3A_32 = tpu.memref_slice %arg6[%dma_wait3A_22, %dma_wait3A_30, %dma_wait3A_31] : memref<2x384x16xf32, #tpu.memory_space<vmem>> -> memref<1x384x16xf32, #tpu.memory_space<vmem>>
    %dma_wait3A_33 = tpu.memref_squeeze %dma_wait3A_32 : memref<1x384x16xf32, #tpu.memory_space<vmem>> -> memref<384x16xf32, #tpu.memory_space<vmem>>
    %dma_wait3A_34 = arith.constant 0 : i32
    %dma_wait3A_35 = arith.constant 0 : i32
    %dma_wait3A_36 = tpu.memref_slice %arg4[%dma_wait3A_34, %dma_wait3A_35] : memref<160000x16xf32, #tpu.memory_space<hbm>> -> memref<384x16xf32, #tpu.memory_space<hbm>>
    tpu.wait_dma2 semaphore(%arg9 : memref<!tpu.dma_semaphore, #tpu.memory_space<semaphore_mem>>) src(%dma_wait3A_36 : memref<384x16xf32, #tpu.memory_space<hbm>>) dst(%dma_wait3A_33 : memref<384x16xf32, #tpu.memory_space<vmem>>)
    %lt3A = arith.constant 2 : i32
    %lt3A_37 = arith.cmpi slt, %add3A, %lt3A : i32
    %convert_element_type3A = arith.extui %lt3A_37 : i1 to i32
    %cond3A = arith.constant 0 : i32
    %cond3A_38 = arith.cmpi ne, %convert_element_type3A, %cond3A : i32
    scf.if %cond3A_38 {
      %add3A_39 = arith.constant 1248 : i32
      %add3A_40 = arith.addi %add3A_39, %add3A : i32
      %run_scoped3A = arith.constant 39 : i32
      "tpu.region"() ({
        %run_scoped3A_56 = tpu.sem_alloc : memref<!tpu.dma_semaphore, #tpu.memory_space<semaphore_mem>>
        %dma_start3A_57 = arith.constant 0 : i32
        %dma_start3A_58 = tpu.memref_slice %arg5[%run_scoped3A, %dma_start3A_57] : memref<40x128xi32, #tpu.memory_space<vmem>> -> memref<1x128xi32, #tpu.memory_space<vmem>>
        %dma_start3A_59 = tpu.memref_squeeze %dma_start3A_58 : memref<1x128xi32, #tpu.memory_space<vmem>> -> memref<128xi32, #tpu.memory_space<vmem>>
        %dma_start3A_60 = arith.constant 0 : i32
        %dma_start3A_61 = tpu.memref_slice %arg3[%add3A_40, %dma_start3A_60] : memref<1250x128xi32, #tpu.memory_space<hbm>> -> memref<1x128xi32, #tpu.memory_space<hbm>>
        %dma_start3A_62 = tpu.memref_squeeze %dma_start3A_61 : memref<1x128xi32, #tpu.memory_space<hbm>> -> memref<128xi32, #tpu.memory_space<hbm>>
        %dma_start3A_63 = arith.constant 0 : i32
        %dma_start3A_64 = tpu.memref_slice %arg5[%run_scoped3A, %dma_start3A_63] : memref<40x128xi32, #tpu.memory_space<vmem>> -> memref<1x128xi32, #tpu.memory_space<vmem>>
        %dma_start3A_65 = tpu.memref_squeeze %dma_start3A_64 : memref<1x128xi32, #tpu.memory_space<vmem>> -> memref<128xi32, #tpu.memory_space<vmem>>
        %dma_start3A_66 = arith.constant 0 : i32
        %dma_start3A_67 = tpu.memref_slice %arg3[%add3A_40, %dma_start3A_66] : memref<1250x128xi32, #tpu.memory_space<hbm>> -> memref<1x128xi32, #tpu.memory_space<hbm>>
        %dma_start3A_68 = tpu.memref_squeeze %dma_start3A_67 : memref<1x128xi32, #tpu.memory_space<hbm>> -> memref<128xi32, #tpu.memory_space<hbm>>
        tpu.enqueue_dma source(%dma_start3A_68 : memref<128xi32, #tpu.memory_space<hbm>>) target(%dma_start3A_65 : memref<128xi32, #tpu.memory_space<vmem>>) target_semaphore(%run_scoped3A_56 : memref<!tpu.dma_semaphore, #tpu.memory_space<semaphore_mem>>)
        %dma_wait3A_69 = arith.constant 0 : i32
        %dma_wait3A_70 = tpu.memref_slice %arg5[%run_scoped3A, %dma_wait3A_69] : memref<40x128xi32, #tpu.memory_space<vmem>> -> memref<1x128xi32, #tpu.memory_space<vmem>>
        %dma_wait3A_71 = tpu.memref_squeeze %dma_wait3A_70 : memref<1x128xi32, #tpu.memory_space<vmem>> -> memref<128xi32, #tpu.memory_space<vmem>>
        %dma_wait3A_72 = arith.constant 0 : i32
        %dma_wait3A_73 = tpu.memref_slice %arg3[%add3A_40, %dma_wait3A_72] : memref<1250x128xi32, #tpu.memory_space<hbm>> -> memref<1x128xi32, #tpu.memory_space<hbm>>
        %dma_wait3A_74 = tpu.memref_squeeze %dma_wait3A_73 : memref<1x128xi32, #tpu.memory_space<hbm>> -> memref<128xi32, #tpu.memory_space<hbm>>
        %dma_wait3A_75 = arith.constant 0 : i32
        %dma_wait3A_76 = tpu.memref_slice %arg5[%run_scoped3A, %dma_wait3A_75] : memref<40x128xi32, #tpu.memory_space<vmem>> -> memref<1x128xi32, #tpu.memory_space<vmem>>
        %dma_wait3A_77 = tpu.memref_squeeze %dma_wait3A_76 : memref<1x128xi32, #tpu.memory_space<vmem>> -> memref<128xi32, #tpu.memory_space<vmem>>
        %dma_wait3A_78 = arith.constant 0 : i32
        %dma_wait3A_79 = tpu.memref_slice %arg3[%add3A_40, %dma_wait3A_78] : memref<1250x128xi32, #tpu.memory_space<hbm>> -> memref<1x128xi32, #tpu.memory_space<hbm>>
        %dma_wait3A_80 = tpu.memref_squeeze %dma_wait3A_79 : memref<1x128xi32, #tpu.memory_space<hbm>> -> memref<128xi32, #tpu.memory_space<hbm>>
        tpu.wait_dma2 semaphore(%run_scoped3A_56 : memref<!tpu.dma_semaphore, #tpu.memory_space<semaphore_mem>>) src(%dma_wait3A_80 : memref<128xi32, #tpu.memory_space<hbm>>) dst(%dma_wait3A_77 : memref<128xi32, #tpu.memory_space<vmem>>)
        tpu.yield
      }) : () -> ()
      %dma_start3A = arith.constant 39 : i32
      %dma_start3A_41 = arith.constant 0 : i32
      %dma_start3A_42 = tpu.memref_slice %arg5[%dma_start3A, %dma_start3A_41] : memref<40x128xi32, #tpu.memory_space<vmem>> -> memref<1x128xi32, #tpu.memory_space<vmem>>
      %dma_start3A_43 = tpu.memref_squeeze %dma_start3A_42 : memref<1x128xi32, #tpu.memory_space<vmem>> -> memref<128xi32, #tpu.memory_space<vmem>>
      %dma_start3A_44 = arith.constant 0 : i32
      %dma_start3A_45 = arith.constant 0 : i32
      %dma_start3A_46 = tpu.memref_slice %arg2[%dma_start3A_44, %dma_start3A_45] : memref<10000x16xf32, #tpu.memory_space<hbm>> -> memref<10000x16xf32, #tpu.memory_space<hbm>>
      tpu.enqueue_indirect_dma source(%dma_start3A_46 : memref<10000x16xf32, #tpu.memory_space<hbm>>) target(%arg7 : memref<128x16xf32, #tpu.memory_space<vmem>>) offsets(%dma_start3A_43 : memref<128xi32, #tpu.memory_space<vmem>>) semaphore(%arg8 : memref<!tpu.dma_semaphore, #tpu.memory_space<semaphore_mem>>)
      %dma_wait3A_47 = arith.constant 39 : i32
      %dma_wait3A_48 = arith.constant 0 : i32
      %dma_wait3A_49 = tpu.memref_slice %arg5[%dma_wait3A_47, %dma_wait3A_48] : memref<40x128xi32, #tpu.memory_space<vmem>> -> memref<1x128xi32, #tpu.memory_space<vmem>>
      %dma_wait3A_50 = tpu.memref_squeeze %dma_wait3A_49 : memref<1x128xi32, #tpu.memory_space<vmem>> -> memref<128xi32, #tpu.memory_space<vmem>>
      %dma_wait3A_51 = arith.constant 0 : i32
      %dma_wait3A_52 = arith.constant 0 : i32
      %dma_wait3A_53 = tpu.memref_slice %arg2[%dma_wait3A_51, %dma_wait3A_52] : memref<10000x16xf32, #tpu.memory_space<hbm>> -> memref<10000x16xf32, #tpu.memory_space<hbm>>
      tpu.wait_indirect_dma semaphore(%arg8 : memref<!tpu.dma_semaphore, #tpu.memory_space<semaphore_mem>>) src(%dma_wait3A_53 : memref<10000x16xf32, #tpu.memory_space<hbm>>) dst(%arg7 : memref<128x16xf32, #tpu.memory_space<vmem>>)
      %mul3A_54 = arith.constant 128 : i32
      %mul3A_55 = arith.muli %add3A_40, %mul3A_54 : i32
      "tpu.region"() ({
        %run_scoped3A_56 = tpu.sem_alloc : memref<!tpu.dma_semaphore, #tpu.memory_space<semaphore_mem>>
        %dma_start3A_57 = arith.constant 0 : i32
        %dma_start3A_58 = tpu.memref_slice %arg4[%mul3A_55, %dma_start3A_57] : memref<160000x16xf32, #tpu.memory_space<hbm>> -> memref<128x16xf32, #tpu.memory_space<hbm>>
        %dma_start3A_59 = arith.constant 0 : i32
        %dma_start3A_60 = tpu.memref_slice %arg4[%mul3A_55, %dma_start3A_59] : memref<160000x16xf32, #tpu.memory_space<hbm>> -> memref<128x16xf32, #tpu.memory_space<hbm>>
        tpu.enqueue_dma source(%arg7 : memref<128x16xf32, #tpu.memory_space<vmem>>) target(%dma_start3A_60 : memref<128x16xf32, #tpu.memory_space<hbm>>) target_semaphore(%run_scoped3A_56 : memref<!tpu.dma_semaphore, #tpu.memory_space<semaphore_mem>>)
        %dma_wait3A_61 = arith.constant 0 : i32
        %dma_wait3A_62 = tpu.memref_slice %arg4[%mul3A_55, %dma_wait3A_61] : memref<160000x16xf32, #tpu.memory_space<hbm>> -> memref<128x16xf32, #tpu.memory_space<hbm>>
        %dma_wait3A_63 = arith.constant 0 : i32
        %dma_wait3A_64 = tpu.memref_slice %arg4[%mul3A_55, %dma_wait3A_63] : memref<160000x16xf32, #tpu.memory_space<hbm>> -> memref<128x16xf32, #tpu.memory_space<hbm>>
        tpu.wait_dma2 semaphore(%run_scoped3A_56 : memref<!tpu.dma_semaphore, #tpu.memory_space<semaphore_mem>>) src(%arg7 : memref<128x16xf32, #tpu.memory_space<vmem>>) dst(%dma_wait3A_64 : memref<128x16xf32, #tpu.memory_space<hbm>>)
        tpu.yield
      }) : () -> ()
    } else {
    }
    return
  }
}

#map = affine_map<(d0, d1) -> (0, 0)>
module attributes {stable_mosaic.version = 14 : i64} {
  func.func @k(%arg0: i32, %arg1: i32, %arg2: memref<10000x16xf32, #tpu.memory_space<hbm>>, %arg3: memref<1250x128xi32, #tpu.memory_space<hbm>>, %arg4: memref<160000x16xf32, #tpu.memory_space<hbm>>, %arg5: memref<40x128xi32, #tpu.memory_space<vmem>>, %arg6: memref<2x384x16xf32, #tpu.memory_space<vmem>>, %arg7: memref<128x16xf32, #tpu.memory_space<vmem>>, %arg8: memref<!tpu.dma_semaphore, #tpu.memory_space<semaphore_mem>>, %arg9: memref<!tpu.dma_semaphore, #tpu.memory_space<semaphore_mem>>) attributes {dimension_semantics = [#tpu.dimension_semantics<core_parallel>, #tpu.dimension_semantics<subcore_parallel>], iteration_bounds = array<i64: 2, 16>, scalar_prefetch = 0 : i64, scratch_operands = 5 : i64, tpu.core_type = #tpu.core_type<sc_vector_subcore>, window_params = [{transform_indices = #map}, {transform_indices = #map}, {transform_indices = #map}]} {
    %mul3A = arith.constant 2 : i32
    %mul3A_0 = arith.muli %arg1, %mul3A : i32
    %add3A = arith.addi %mul3A_0, %arg0 : i32
    %mul3A_1 = arith.constant 39 : i32
    %mul3A_2 = arith.muli %add3A, %mul3A_1 : i32
    "tpu.region"() ({
      %run_scoped3A = tpu.sem_alloc : memref<!tpu.dma_semaphore, #tpu.memory_space<semaphore_mem>>
      %dma_start3A = arith.constant 0 : i32
      %dma_start3A_39 = arith.constant 0 : i32
      %dma_start3A_40 = tpu.memref_slice %arg5[%dma_start3A, %dma_start3A_39] : memref<40x128xi32, #tpu.memory_space<vmem>> -> memref<39x128xi32, #tpu.memory_space<vmem>>
      %dma_start3A_41 = arith.constant 0 : i32
      %dma_start3A_42 = tpu.memref_slice %arg3[%mul3A_2, %dma_start3A_41] : memref<1250x128xi32, #tpu.memory_space<hbm>> -> memref<39x128xi32, #tpu.memory_space<hbm>>
      %dma_start3A_43 = arith.constant 0 : i32
      %dma_start3A_44 = arith.constant 0 : i32
      %dma_start3A_45 = tpu.memref_slice %arg5[%dma_start3A_43, %dma_start3A_44] : memref<40x128xi32, #tpu.memory_space<vmem>> -> memref<39x128xi32, #tpu.memory_space<vmem>>
      %dma_start3A_46 = arith.constant 0 : i32
      %dma_start3A_47 = tpu.memref_slice %arg3[%mul3A_2, %dma_start3A_46] : memref<1250x128xi32, #tpu.memory_space<hbm>> -> memref<39x128xi32, #tpu.memory_space<hbm>>
      tpu.enqueue_dma source(%dma_start3A_47 : memref<39x128xi32, #tpu.memory_space<hbm>>) target(%dma_start3A_45 : memref<39x128xi32, #tpu.memory_space<vmem>>) target_semaphore(%run_scoped3A : memref<!tpu.dma_semaphore, #tpu.memory_space<semaphore_mem>>)
      %dma_wait3A_48 = arith.constant 0 : i32
      %dma_wait3A_49 = arith.constant 0 : i32
      %dma_wait3A_50 = tpu.memref_slice %arg5[%dma_wait3A_48, %dma_wait3A_49] : memref<40x128xi32, #tpu.memory_space<vmem>> -> memref<39x128xi32, #tpu.memory_space<vmem>>
      %dma_wait3A_51 = arith.constant 0 : i32
      %dma_wait3A_52 = tpu.memref_slice %arg3[%mul3A_2, %dma_wait3A_51] : memref<1250x128xi32, #tpu.memory_space<hbm>> -> memref<39x128xi32, #tpu.memory_space<hbm>>
      %dma_wait3A_53 = arith.constant 0 : i32
      %dma_wait3A_54 = arith.constant 0 : i32
      %dma_wait3A_55 = tpu.memref_slice %arg5[%dma_wait3A_53, %dma_wait3A_54] : memref<40x128xi32, #tpu.memory_space<vmem>> -> memref<39x128xi32, #tpu.memory_space<vmem>>
      %dma_wait3A_56 = arith.constant 0 : i32
      %dma_wait3A_57 = tpu.memref_slice %arg3[%mul3A_2, %dma_wait3A_56] : memref<1250x128xi32, #tpu.memory_space<hbm>> -> memref<39x128xi32, #tpu.memory_space<hbm>>
      tpu.wait_dma2 semaphore(%run_scoped3A : memref<!tpu.dma_semaphore, #tpu.memory_space<semaphore_mem>>) src(%dma_wait3A_57 : memref<39x128xi32, #tpu.memory_space<hbm>>) dst(%dma_wait3A_55 : memref<39x128xi32, #tpu.memory_space<vmem>>)
      tpu.yield
    }) : () -> ()
    %scan3A = arith.constant 0 : i32
    %scan3A_3 = arith.constant 0 : i32
    %scan3A_4 = arith.constant 13 : i32
    %scan3A_5 = arith.addi %scan3A_3, %scan3A_4 : i32
    %scan3A_6 = arith.constant 1 : i32
    scf.for %scan3A_39 = %scan3A_3 to %scan3A_5 step %scan3A_6  : i32 {
      %rem3A = arith.constant 2 : i32
      %rem3A_40 = arith.remsi %scan3A_39, %rem3A : i32
      %ge3A = arith.constant 2 : i32
      %ge3A_41 = arith.cmpi sge, %scan3A_39, %ge3A : i32
      %convert_element_type3A_42 = arith.extui %ge3A_41 : i1 to i32
      %cond3A_43 = arith.constant 0 : i32
      %cond3A_44 = arith.cmpi ne, %convert_element_type3A_42, %cond3A_43 : i32
      scf.if %cond3A_44 {
        %dma_wait3A_133 = arith.constant 0 : i32
        %dma_wait3A_134 = arith.constant 0 : i32
        %dma_wait3A_135 = tpu.memref_slice %arg6[%rem3A_40, %dma_wait3A_133, %dma_wait3A_134] : memref<2x384x16xf32, #tpu.memory_space<vmem>> -> memref<1x384x16xf32, #tpu.memory_space<vmem>>
        %dma_wait3A_136 = tpu.memref_squeeze %dma_wait3A_135 : memref<1x384x16xf32, #tpu.memory_space<vmem>> -> memref<384x16xf32, #tpu.memory_space<vmem>>
        %dma_wait3A_137 = arith.constant 0 : i32
        %dma_wait3A_138 = arith.constant 0 : i32
        %dma_wait3A_139 = tpu.memref_slice %arg4[%dma_wait3A_137, %dma_wait3A_138] : memref<160000x16xf32, #tpu.memory_space<hbm>> -> memref<384x16xf32, #tpu.memory_space<hbm>>
        %dma_wait3A_140 = arith.constant 0 : i32
        %dma_wait3A_141 = arith.constant 0 : i32
        %dma_wait3A_142 = tpu.memref_slice %arg6[%rem3A_40, %dma_wait3A_140, %dma_wait3A_141] : memref<2x384x16xf32, #tpu.memory_space<vmem>> -> memref<1x384x16xf32, #tpu.memory_space<vmem>>
        %dma_wait3A_143 = tpu.memref_squeeze %dma_wait3A_142 : memref<1x384x16xf32, #tpu.memory_space<vmem>> -> memref<384x16xf32, #tpu.memory_space<vmem>>
        %dma_wait3A_144 = arith.constant 0 : i32
        %dma_wait3A_145 = arith.constant 0 : i32
        %dma_wait3A_146 = tpu.memref_slice %arg4[%dma_wait3A_144, %dma_wait3A_145] : memref<160000x16xf32, #tpu.memory_space<hbm>> -> memref<384x16xf32, #tpu.memory_space<hbm>>
        tpu.wait_dma2 semaphore(%arg9 : memref<!tpu.dma_semaphore, #tpu.memory_space<semaphore_mem>>) src(%dma_wait3A_146 : memref<384x16xf32, #tpu.memory_space<hbm>>) dst(%dma_wait3A_143 : memref<384x16xf32, #tpu.memory_space<vmem>>)
      } else {
      }
      %mul3A_45 = arith.constant 3 : i32
      %mul3A_46 = arith.muli %scan3A_39, %mul3A_45 : i32
      %add3A_47 = arith.constant 0 : i32
      %add3A_48 = arith.addi %mul3A_46, %add3A_47 : i32
      %dma_start3A = arith.constant 0 : i32
      %dma_start3A_49 = arith.constant 0 : i32
      %dma_start3A_50 = tpu.memref_slice %arg6[%rem3A_40, %dma_start3A, %dma_start3A_49] : memref<2x384x16xf32, #tpu.memory_space<vmem>> -> memref<1x128x16xf32, #tpu.memory_space<vmem>>
      %dma_start3A_51 = tpu.memref_squeeze %dma_start3A_50 : memref<1x128x16xf32, #tpu.memory_space<vmem>> -> memref<128x16xf32, #tpu.memory_space<vmem>>
      %dma_start3A_52 = arith.constant 0 : i32
      %dma_start3A_53 = tpu.memref_slice %arg5[%add3A_48, %dma_start3A_52] : memref<40x128xi32, #tpu.memory_space<vmem>> -> memref<1x128xi32, #tpu.memory_space<vmem>>
      %dma_start3A_54 = tpu.memref_squeeze %dma_start3A_53 : memref<1x128xi32, #tpu.memory_space<vmem>> -> memref<128xi32, #tpu.memory_space<vmem>>
      %dma_start3A_55 = arith.constant 0 : i32
      %dma_start3A_56 = arith.constant 0 : i32
      %dma_start3A_57 = tpu.memref_slice %arg2[%dma_start3A_55, %dma_start3A_56] : memref<10000x16xf32, #tpu.memory_space<hbm>> -> memref<10000x16xf32, #tpu.memory_space<hbm>>
      tpu.enqueue_indirect_dma source(%dma_start3A_57 : memref<10000x16xf32, #tpu.memory_space<hbm>>) target(%dma_start3A_51 : memref<128x16xf32, #tpu.memory_space<vmem>>) offsets(%dma_start3A_54 : memref<128xi32, #tpu.memory_space<vmem>>) semaphore(%arg8 : memref<!tpu.dma_semaphore, #tpu.memory_space<semaphore_mem>>)
      %mul3A_58 = arith.constant 3 : i32
      %mul3A_59 = arith.muli %scan3A_39, %mul3A_58 : i32
      %add3A_60 = arith.constant 1 : i32
      %add3A_61 = arith.addi %mul3A_59, %add3A_60 : i32
      %dma_start3A_62 = arith.constant 128 : i32
      %dma_start3A_63 = arith.constant 0 : i32
      %dma_start3A_64 = tpu.memref_slice %arg6[%rem3A_40, %dma_start3A_62, %dma_start3A_63] : memref<2x384x16xf32, #tpu.memory_space<vmem>> -> memref<1x128x16xf32, #tpu.memory_space<vmem>>
      %dma_start3A_65 = tpu.memref_squeeze %dma_start3A_64 : memref<1x128x16xf32, #tpu.memory_space<vmem>> -> memref<128x16xf32, #tpu.memory_space<vmem>>
      %dma_start3A_66 = arith.constant 0 : i32
      %dma_start3A_67 = tpu.memref_slice %arg5[%add3A_61, %dma_start3A_66] : memref<40x128xi32, #tpu.memory_space<vmem>> -> memref<1x128xi32, #tpu.memory_space<vmem>>
      %dma_start3A_68 = tpu.memref_squeeze %dma_start3A_67 : memref<1x128xi32, #tpu.memory_space<vmem>> -> memref<128xi32, #tpu.memory_space<vmem>>
      %dma_start3A_69 = arith.constant 0 : i32
      %dma_start3A_70 = arith.constant 0 : i32
      %dma_start3A_71 = tpu.memref_slice %arg2[%dma_start3A_69, %dma_start3A_70] : memref<10000x16xf32, #tpu.memory_space<hbm>> -> memref<10000x16xf32, #tpu.memory_space<hbm>>
      tpu.enqueue_indirect_dma source(%dma_start3A_71 : memref<10000x16xf32, #tpu.memory_space<hbm>>) target(%dma_start3A_65 : memref<128x16xf32, #tpu.memory_space<vmem>>) offsets(%dma_start3A_68 : memref<128xi32, #tpu.memory_space<vmem>>) semaphore(%arg8 : memref<!tpu.dma_semaphore, #tpu.memory_space<semaphore_mem>>)
      %mul3A_72 = arith.constant 3 : i32
      %mul3A_73 = arith.muli %scan3A_39, %mul3A_72 : i32
      %add3A_74 = arith.constant 2 : i32
      %add3A_75 = arith.addi %mul3A_73, %add3A_74 : i32
      %dma_start3A_76 = arith.constant 256 : i32
      %dma_start3A_77 = arith.constant 0 : i32
      %dma_start3A_78 = tpu.memref_slice %arg6[%rem3A_40, %dma_start3A_76, %dma_start3A_77] : memref<2x384x16xf32, #tpu.memory_space<vmem>> -> memref<1x128x16xf32, #tpu.memory_space<vmem>>
      %dma_start3A_79 = tpu.memref_squeeze %dma_start3A_78 : memref<1x128x16xf32, #tpu.memory_space<vmem>> -> memref<128x16xf32, #tpu.memory_space<vmem>>
      %dma_start3A_80 = arith.constant 0 : i32
      %dma_start3A_81 = tpu.memref_slice %arg5[%add3A_75, %dma_start3A_80] : memref<40x128xi32, #tpu.memory_space<vmem>> -> memref<1x128xi32, #tpu.memory_space<vmem>>
      %dma_start3A_82 = tpu.memref_squeeze %dma_start3A_81 : memref<1x128xi32, #tpu.memory_space<vmem>> -> memref<128xi32, #tpu.memory_space<vmem>>
      %dma_start3A_83 = arith.constant 0 : i32
      %dma_start3A_84 = arith.constant 0 : i32
      %dma_start3A_85 = tpu.memref_slice %arg2[%dma_start3A_83, %dma_start3A_84] : memref<10000x16xf32, #tpu.memory_space<hbm>> -> memref<10000x16xf32, #tpu.memory_space<hbm>>
      tpu.enqueue_indirect_dma source(%dma_start3A_85 : memref<10000x16xf32, #tpu.memory_space<hbm>>) target(%dma_start3A_79 : memref<128x16xf32, #tpu.memory_space<vmem>>) offsets(%dma_start3A_82 : memref<128xi32, #tpu.memory_space<vmem>>) semaphore(%arg8 : memref<!tpu.dma_semaphore, #tpu.memory_space<semaphore_mem>>)
      %dma_wait3A_86 = arith.constant 0 : i32
      %dma_wait3A_87 = arith.constant 0 : i32
      %dma_wait3A_88 = tpu.memref_slice %arg6[%rem3A_40, %dma_wait3A_86, %dma_wait3A_87] : memref<2x384x16xf32, #tpu.memory_space<vmem>> -> memref<1x128x16xf32, #tpu.memory_space<vmem>>
      %dma_wait3A_89 = tpu.memref_squeeze %dma_wait3A_88 : memref<1x128x16xf32, #tpu.memory_space<vmem>> -> memref<128x16xf32, #tpu.memory_space<vmem>>
      %dma_wait3A_90 = arith.constant 0 : i32
      %dma_wait3A_91 = tpu.memref_slice %arg5[%add3A_48, %dma_wait3A_90] : memref<40x128xi32, #tpu.memory_space<vmem>> -> memref<1x128xi32, #tpu.memory_space<vmem>>
      %dma_wait3A_92 = tpu.memref_squeeze %dma_wait3A_91 : memref<1x128xi32, #tpu.memory_space<vmem>> -> memref<128xi32, #tpu.memory_space<vmem>>
      %dma_wait3A_93 = arith.constant 0 : i32
      %dma_wait3A_94 = arith.constant 0 : i32
      %dma_wait3A_95 = tpu.memref_slice %arg2[%dma_wait3A_93, %dma_wait3A_94] : memref<10000x16xf32, #tpu.memory_space<hbm>> -> memref<10000x16xf32, #tpu.memory_space<hbm>>
      tpu.wait_indirect_dma semaphore(%arg8 : memref<!tpu.dma_semaphore, #tpu.memory_space<semaphore_mem>>) src(%dma_wait3A_95 : memref<10000x16xf32, #tpu.memory_space<hbm>>) dst(%dma_wait3A_89 : memref<128x16xf32, #tpu.memory_space<vmem>>)
      %dma_wait3A_96 = arith.constant 128 : i32
      %dma_wait3A_97 = arith.constant 0 : i32
      %dma_wait3A_98 = tpu.memref_slice %arg6[%rem3A_40, %dma_wait3A_96, %dma_wait3A_97] : memref<2x384x16xf32, #tpu.memory_space<vmem>> -> memref<1x128x16xf32, #tpu.memory_space<vmem>>
      %dma_wait3A_99 = tpu.memref_squeeze %dma_wait3A_98 : memref<1x128x16xf32, #tpu.memory_space<vmem>> -> memref<128x16xf32, #tpu.memory_space<vmem>>
      %dma_wait3A_100 = arith.constant 0 : i32
      %dma_wait3A_101 = tpu.memref_slice %arg5[%add3A_61, %dma_wait3A_100] : memref<40x128xi32, #tpu.memory_space<vmem>> -> memref<1x128xi32, #tpu.memory_space<vmem>>
      %dma_wait3A_102 = tpu.memref_squeeze %dma_wait3A_101 : memref<1x128xi32, #tpu.memory_space<vmem>> -> memref<128xi32, #tpu.memory_space<vmem>>
      %dma_wait3A_103 = arith.constant 0 : i32
      %dma_wait3A_104 = arith.constant 0 : i32
      %dma_wait3A_105 = tpu.memref_slice %arg2[%dma_wait3A_103, %dma_wait3A_104] : memref<10000x16xf32, #tpu.memory_space<hbm>> -> memref<10000x16xf32, #tpu.memory_space<hbm>>
      tpu.wait_indirect_dma semaphore(%arg8 : memref<!tpu.dma_semaphore, #tpu.memory_space<semaphore_mem>>) src(%dma_wait3A_105 : memref<10000x16xf32, #tpu.memory_space<hbm>>) dst(%dma_wait3A_99 : memref<128x16xf32, #tpu.memory_space<vmem>>)
      %dma_wait3A_106 = arith.constant 256 : i32
      %dma_wait3A_107 = arith.constant 0 : i32
      %dma_wait3A_108 = tpu.memref_slice %arg6[%rem3A_40, %dma_wait3A_106, %dma_wait3A_107] : memref<2x384x16xf32, #tpu.memory_space<vmem>> -> memref<1x128x16xf32, #tpu.memory_space<vmem>>
      %dma_wait3A_109 = tpu.memref_squeeze %dma_wait3A_108 : memref<1x128x16xf32, #tpu.memory_space<vmem>> -> memref<128x16xf32, #tpu.memory_space<vmem>>
      %dma_wait3A_110 = arith.constant 0 : i32
      %dma_wait3A_111 = tpu.memref_slice %arg5[%add3A_75, %dma_wait3A_110] : memref<40x128xi32, #tpu.memory_space<vmem>> -> memref<1x128xi32, #tpu.memory_space<vmem>>
      %dma_wait3A_112 = tpu.memref_squeeze %dma_wait3A_111 : memref<1x128xi32, #tpu.memory_space<vmem>> -> memref<128xi32, #tpu.memory_space<vmem>>
      %dma_wait3A_113 = arith.constant 0 : i32
      %dma_wait3A_114 = arith.constant 0 : i32
      %dma_wait3A_115 = tpu.memref_slice %arg2[%dma_wait3A_113, %dma_wait3A_114] : memref<10000x16xf32, #tpu.memory_space<hbm>> -> memref<10000x16xf32, #tpu.memory_space<hbm>>
      tpu.wait_indirect_dma semaphore(%arg8 : memref<!tpu.dma_semaphore, #tpu.memory_space<semaphore_mem>>) src(%dma_wait3A_115 : memref<10000x16xf32, #tpu.memory_space<hbm>>) dst(%dma_wait3A_109 : memref<128x16xf32, #tpu.memory_space<vmem>>)
      %mul3A_116 = arith.constant 3 : i32
      %mul3A_117 = arith.muli %scan3A_39, %mul3A_116 : i32
      %add3A_118 = arith.addi %mul3A_2, %mul3A_117 : i32
      %mul3A_119 = arith.constant 128 : i32
      %mul3A_120 = arith.muli %add3A_118, %mul3A_119 : i32
      %dma_start3A_121 = arith.constant 0 : i32
      %dma_start3A_122 = arith.constant 0 : i32
      %dma_start3A_123 = tpu.memref_slice %arg6[%rem3A_40, %dma_start3A_121, %dma_start3A_122] : memref<2x384x16xf32, #tpu.memory_space<vmem>> -> memref<1x384x16xf32, #tpu.memory_space<vmem>>
      %dma_start3A_124 = tpu.memref_squeeze %dma_start3A_123 : memref<1x384x16xf32, #tpu.memory_space<vmem>> -> memref<384x16xf32, #tpu.memory_space<vmem>>
      %dma_start3A_125 = arith.constant 0 : i32
      %dma_start3A_126 = tpu.memref_slice %arg4[%mul3A_120, %dma_start3A_125] : memref<160000x16xf32, #tpu.memory_space<hbm>> -> memref<384x16xf32, #tpu.memory_space<hbm>>
      %dma_start3A_127 = arith.constant 0 : i32
      %dma_start3A_128 = tpu.memref_slice %arg4[%mul3A_120, %dma_start3A_127] : memref<160000x16xf32, #tpu.memory_space<hbm>> -> memref<384x16xf32, #tpu.memory_space<hbm>>
      %dma_start3A_129 = arith.constant 0 : i32
      %dma_start3A_130 = arith.constant 0 : i32
      %dma_start3A_131 = tpu.memref_slice %arg6[%rem3A_40, %dma_start3A_129, %dma_start3A_130] : memref<2x384x16xf32, #tpu.memory_space<vmem>> -> memref<1x384x16xf32, #tpu.memory_space<vmem>>
      %dma_start3A_132 = tpu.memref_squeeze %dma_start3A_131 : memref<1x384x16xf32, #tpu.memory_space<vmem>> -> memref<384x16xf32, #tpu.memory_space<vmem>>
      tpu.enqueue_dma source(%dma_start3A_132 : memref<384x16xf32, #tpu.memory_space<vmem>>) target(%dma_start3A_128 : memref<384x16xf32, #tpu.memory_space<hbm>>) target_semaphore(%arg9 : memref<!tpu.dma_semaphore, #tpu.memory_space<semaphore_mem>>)
    }
    %scan3A_7 = arith.constant 13 : i32
    %dma_wait3A = arith.constant 0 : i32
    %dma_wait3A_8 = arith.constant 0 : i32
    %dma_wait3A_9 = arith.constant 0 : i32
    %dma_wait3A_10 = tpu.memref_slice %arg6[%dma_wait3A, %dma_wait3A_8, %dma_wait3A_9] : memref<2x384x16xf32, #tpu.memory_space<vmem>> -> memref<1x384x16xf32, #tpu.memory_space<vmem>>
    %dma_wait3A_11 = tpu.memref_squeeze %dma_wait3A_10 : memref<1x384x16xf32, #tpu.memory_space<vmem>> -> memref<384x16xf32, #tpu.memory_space<vmem>>
    %dma_wait3A_12 = arith.constant 0 : i32
    %dma_wait3A_13 = arith.constant 0 : i32
    %dma_wait3A_14 = tpu.memref_slice %arg4[%dma_wait3A_12, %dma_wait3A_13] : memref<160000x16xf32, #tpu.memory_space<hbm>> -> memref<384x16xf32, #tpu.memory_space<hbm>>
    %dma_wait3A_15 = arith.constant 0 : i32
    %dma_wait3A_16 = arith.constant 0 : i32
    %dma_wait3A_17 = tpu.memref_slice %arg6[%dma_wait3A, %dma_wait3A_15, %dma_wait3A_16] : memref<2x384x16xf32, #tpu.memory_space<vmem>> -> memref<1x384x16xf32, #tpu.memory_space<vmem>>
    %dma_wait3A_18 = tpu.memref_squeeze %dma_wait3A_17 : memref<1x384x16xf32, #tpu.memory_space<vmem>> -> memref<384x16xf32, #tpu.memory_space<vmem>>
    %dma_wait3A_19 = arith.constant 0 : i32
    %dma_wait3A_20 = arith.constant 0 : i32
    %dma_wait3A_21 = tpu.memref_slice %arg4[%dma_wait3A_19, %dma_wait3A_20] : memref<160000x16xf32, #tpu.memory_space<hbm>> -> memref<384x16xf32, #tpu.memory_space<hbm>>
    tpu.wait_dma2 semaphore(%arg9 : memref<!tpu.dma_semaphore, #tpu.memory_space<semaphore_mem>>) src(%dma_wait3A_21 : memref<384x16xf32, #tpu.memory_space<hbm>>) dst(%dma_wait3A_18 : memref<384x16xf32, #tpu.memory_space<vmem>>)
    %dma_wait3A_22 = arith.constant 1 : i32
    %dma_wait3A_23 = arith.constant 0 : i32
    %dma_wait3A_24 = arith.constant 0 : i32
    %dma_wait3A_25 = tpu.memref_slice %arg6[%dma_wait3A_22, %dma_wait3A_23, %dma_wait3A_24] : memref<2x384x16xf32, #tpu.memory_space<vmem>> -> memref<1x384x16xf32, #tpu.memory_space<vmem>>
    %dma_wait3A_26 = tpu.memref_squeeze %dma_wait3A_25 : memref<1x384x16xf32, #tpu.memory_space<vmem>> -> memref<384x16xf32, #tpu.memory_space<vmem>>
    %dma_wait3A_27 = arith.constant 0 : i32
    %dma_wait3A_28 = arith.constant 0 : i32
    %dma_wait3A_29 = tpu.memref_slice %arg4[%dma_wait3A_27, %dma_wait3A_28] : memref<160000x16xf32, #tpu.memory_space<hbm>> -> memref<384x16xf32, #tpu.memory_space<hbm>>
    %dma_wait3A_30 = arith.constant 0 : i32
    %dma_wait3A_31 = arith.constant 0 : i32
    %dma_wait3A_32 = tpu.memref_slice %arg6[%dma_wait3A_22, %dma_wait3A_30, %dma_wait3A_31] : memref<2x384x16xf32, #tpu.memory_space<vmem>> -> memref<1x384x16xf32, #tpu.memory_space<vmem>>
    %dma_wait3A_33 = tpu.memref_squeeze %dma_wait3A_32 : memref<1x384x16xf32, #tpu.memory_space<vmem>> -> memref<384x16xf32, #tpu.memory_space<vmem>>
    %dma_wait3A_34 = arith.constant 0 : i32
    %dma_wait3A_35 = arith.constant 0 : i32
    %dma_wait3A_36 = tpu.memref_slice %arg4[%dma_wait3A_34, %dma_wait3A_35] : memref<160000x16xf32, #tpu.memory_space<hbm>> -> memref<384x16xf32, #tpu.memory_space<hbm>>
    tpu.wait_dma2 semaphore(%arg9 : memref<!tpu.dma_semaphore, #tpu.memory_space<semaphore_mem>>) src(%dma_wait3A_36 : memref<384x16xf32, #tpu.memory_space<hbm>>) dst(%dma_wait3A_33 : memref<384x16xf32, #tpu.memory_space<vmem>>)
    %lt3A = arith.constant 2 : i32
    %lt3A_37 = arith.cmpi slt, %add3A, %lt3A : i32
    %convert_element_type3A = arith.extui %lt3A_37 : i1 to i32
    %cond3A = arith.constant 0 : i32
    %cond3A_38 = arith.cmpi ne, %convert_element_type3A, %cond3A : i32
    scf.if %cond3A_38 {
      %add3A_39 = arith.constant 1248 : i32
      %add3A_40 = arith.addi %add3A_39, %add3A : i32
      %run_scoped3A = arith.constant 39 : i32
      "tpu.region"() ({
        %run_scoped3A_56 = tpu.sem_alloc : memref<!tpu.dma_semaphore, #tpu.memory_space<semaphore_mem>>
        %dma_start3A_57 = arith.constant 0 : i32
        %dma_start3A_58 = tpu.memref_slice %arg5[%run_scoped3A, %dma_start3A_57] : memref<40x128xi32, #tpu.memory_space<vmem>> -> memref<1x128xi32, #tpu.memory_space<vmem>>
        %dma_start3A_59 = tpu.memref_squeeze %dma_start3A_58 : memref<1x128xi32, #tpu.memory_space<vmem>> -> memref<128xi32, #tpu.memory_space<vmem>>
        %dma_start3A_60 = arith.constant 0 : i32
        %dma_start3A_61 = tpu.memref_slice %arg3[%add3A_40, %dma_start3A_60] : memref<1250x128xi32, #tpu.memory_space<hbm>> -> memref<1x128xi32, #tpu.memory_space<hbm>>
        %dma_start3A_62 = tpu.memref_squeeze %dma_start3A_61 : memref<1x128xi32, #tpu.memory_space<hbm>> -> memref<128xi32, #tpu.memory_space<hbm>>
        %dma_start3A_63 = arith.constant 0 : i32
        %dma_start3A_64 = tpu.memref_slice %arg5[%run_scoped3A, %dma_start3A_63] : memref<40x128xi32, #tpu.memory_space<vmem>> -> memref<1x128xi32, #tpu.memory_space<vmem>>
        %dma_start3A_65 = tpu.memref_squeeze %dma_start3A_64 : memref<1x128xi32, #tpu.memory_space<vmem>> -> memref<128xi32, #tpu.memory_space<vmem>>
        %dma_start3A_66 = arith.constant 0 : i32
        %dma_start3A_67 = tpu.memref_slice %arg3[%add3A_40, %dma_start3A_66] : memref<1250x128xi32, #tpu.memory_space<hbm>> -> memref<1x128xi32, #tpu.memory_space<hbm>>
        %dma_start3A_68 = tpu.memref_squeeze %dma_start3A_67 : memref<1x128xi32, #tpu.memory_space<hbm>> -> memref<128xi32, #tpu.memory_space<hbm>>
        tpu.enqueue_dma source(%dma_start3A_68 : memref<128xi32, #tpu.memory_space<hbm>>) target(%dma_start3A_65 : memref<128xi32, #tpu.memory_space<vmem>>) target_semaphore(%run_scoped3A_56 : memref<!tpu.dma_semaphore, #tpu.memory_space<semaphore_mem>>)
        %dma_wait3A_69 = arith.constant 0 : i32
        %dma_wait3A_70 = tpu.memref_slice %arg5[%run_scoped3A, %dma_wait3A_69] : memref<40x128xi32, #tpu.memory_space<vmem>> -> memref<1x128xi32, #tpu.memory_space<vmem>>
        %dma_wait3A_71 = tpu.memref_squeeze %dma_wait3A_70 : memref<1x128xi32, #tpu.memory_space<vmem>> -> memref<128xi32, #tpu.memory_space<vmem>>
        %dma_wait3A_72 = arith.constant 0 : i32
        %dma_wait3A_73 = tpu.memref_slice %arg3[%add3A_40, %dma_wait3A_72] : memref<1250x128xi32, #tpu.memory_space<hbm>> -> memref<1x128xi32, #tpu.memory_space<hbm>>
        %dma_wait3A_74 = tpu.memref_squeeze %dma_wait3A_73 : memref<1x128xi32, #tpu.memory_space<hbm>> -> memref<128xi32, #tpu.memory_space<hbm>>
        %dma_wait3A_75 = arith.constant 0 : i32
        %dma_wait3A_76 = tpu.memref_slice %arg5[%run_scoped3A, %dma_wait3A_75] : memref<40x128xi32, #tpu.memory_space<vmem>> -> memref<1x128xi32, #tpu.memory_space<vmem>>
        %dma_wait3A_77 = tpu.memref_squeeze %dma_wait3A_76 : memref<1x128xi32, #tpu.memory_space<vmem>> -> memref<128xi32, #tpu.memory_space<vmem>>
        %dma_wait3A_78 = arith.constant 0 : i32
        %dma_wait3A_79 = tpu.memref_slice %arg3[%add3A_40, %dma_wait3A_78] : memref<1250x128xi32, #tpu.memory_space<hbm>> -> memref<1x128xi32, #tpu.memory_space<hbm>>
        %dma_wait3A_80 = tpu.memref_squeeze %dma_wait3A_79 : memref<1x128xi32, #tpu.memory_space<hbm>> -> memref<128xi32, #tpu.memory_space<hbm>>
        tpu.wait_dma2 semaphore(%run_scoped3A_56 : memref<!tpu.dma_semaphore, #tpu.memory_space<semaphore_mem>>) src(%dma_wait3A_80 : memref<128xi32, #tpu.memory_space<hbm>>) dst(%dma_wait3A_77 : memref<128xi32, #tpu.memory_space<vmem>>)
        tpu.yield
      }) : () -> ()
      %dma_start3A = arith.constant 39 : i32
      %dma_start3A_41 = arith.constant 0 : i32
      %dma_start3A_42 = tpu.memref_slice %arg5[%dma_start3A, %dma_start3A_41] : memref<40x128xi32, #tpu.memory_space<vmem>> -> memref<1x128xi32, #tpu.memory_space<vmem>>
      %dma_start3A_43 = tpu.memref_squeeze %dma_start3A_42 : memref<1x128xi32, #tpu.memory_space<vmem>> -> memref<128xi32, #tpu.memory_space<vmem>>
      %dma_start3A_44 = arith.constant 0 : i32
      %dma_start3A_45 = arith.constant 0 : i32
      %dma_start3A_46 = tpu.memref_slice %arg2[%dma_start3A_44, %dma_start3A_45] : memref<10000x16xf32, #tpu.memory_space<hbm>> -> memref<10000x16xf32, #tpu.memory_space<hbm>>
      tpu.enqueue_indirect_dma source(%dma_start3A_46 : memref<10000x16xf32, #tpu.memory_space<hbm>>) target(%arg7 : memref<128x16xf32, #tpu.memory_space<vmem>>) offsets(%dma_start3A_43 : memref<128xi32, #tpu.memory_space<vmem>>) semaphore(%arg8 : memref<!tpu.dma_semaphore, #tpu.memory_space<semaphore_mem>>)
      %dma_wait3A_47 = arith.constant 39 : i32
      %dma_wait3A_48 = arith.constant 0 : i32
      %dma_wait3A_49 = tpu.memref_slice %arg5[%dma_wait3A_47, %dma_wait3A_48] : memref<40x128xi32, #tpu.memory_space<vmem>> -> memref<1x128xi32, #tpu.memory_space<vmem>>
      %dma_wait3A_50 = tpu.memref_squeeze %dma_wait3A_49 : memref<1x128xi32, #tpu.memory_space<vmem>> -> memref<128xi32, #tpu.memory_space<vmem>>
      %dma_wait3A_51 = arith.constant 0 : i32
      %dma_wait3A_52 = arith.constant 0 : i32
      %dma_wait3A_53 = tpu.memref_slice %arg2[%dma_wait3A_51, %dma_wait3A_52] : memref<10000x16xf32, #tpu.memory_space<hbm>> -> memref<10000x16xf32, #tpu.memory_space<hbm>>
      tpu.wait_indirect_dma semaphore(%arg8 : memref<!tpu.dma_semaphore, #tpu.memory_space<semaphore_mem>>) src(%dma_wait3A_53 : memref<10000x16xf32, #tpu.memory_space<hbm>>) dst(%arg7 : memref<128x16xf32, #tpu.memory_space<vmem>>)
      %mul3A_54 = arith.constant 128 : i32
      %mul3A_55 = arith.muli %add3A_40, %mul3A_54 : i32
      "tpu.region"() ({
        %run_scoped3A_56 = tpu.sem_alloc : memref<!tpu.dma_semaphore, #tpu.memory_space<semaphore_mem>>
        %dma_start3A_57 = arith.constant 0 : i32
        %dma_start3A_58 = tpu.memref_slice %arg4[%mul3A_55, %dma_start3A_57] : memref<160000x16xf32, #tpu.memory_space<hbm>> -> memref<128x16xf32, #tpu.memory_space<hbm>>
        %dma_start3A_59 = arith.constant 0 : i32
        %dma_start3A_60 = tpu.memref_slice %arg4[%mul3A_55, %dma_start3A_59] : memref<160000x16xf32, #tpu.memory_space<hbm>> -> memref<128x16xf32, #tpu.memory_space<hbm>>
        tpu.enqueue_dma source(%arg7 : memref<128x16xf32, #tpu.memory_space<vmem>>) target(%dma_start3A_60 : memref<128x16xf32, #tpu.memory_space<hbm>>) target_semaphore(%run_scoped3A_56 : memref<!tpu.dma_semaphore, #tpu.memory_space<semaphore_mem>>)
        %dma_wait3A_61 = arith.constant 0 : i32
        %dma_wait3A_62 = tpu.memref_slice %arg4[%mul3A_55, %dma_wait3A_61] : memref<160000x16xf32, #tpu.memory_space<hbm>> -> memref<128x16xf32, #tpu.memory_space<hbm>>
        %dma_wait3A_63 = arith.constant 0 : i32
        %dma_wait3A_64 = tpu.memref_slice %arg4[%mul3A_55, %dma_wait3A_63] : memref<160000x16xf32, #tpu.memory_space<hbm>> -> memref<128x16xf32, #tpu.memory_space<hbm>>
        tpu.wait_dma2 semaphore(%run_scoped3A_56 : memref<!tpu.dma_semaphore, #tpu.memory_space<semaphore_mem>>) src(%arg7 : memref<128x16xf32, #tpu.memory_space<vmem>>) dst(%dma_wait3A_64 : memref<128x16xf32, #tpu.memory_space<hbm>>)
        tpu.yield
      }) : () -> ()
    } else {
    }
    return
  }
}

#map = affine_map<(d0, d1) -> (0, 0)>
#map1 = affine_map<(d0, d1) -> (0, 0, 0)>
module attributes {stable_mosaic.version = 14 : i64} {
  func.func @k(%arg0: i32, %arg1: i32, %arg2: memref<160000x16xf32, #tpu.memory_space<hbm>>, %arg3: memref<1250x128xi32, #tpu.memory_space<hbm>>, %arg4: memref<2x10000x16xf32, #tpu.memory_space<hbm>>, %arg5: memref<40x128xi32, #tpu.memory_space<vmem>>, %arg6: memref<2x384x16xf32, #tpu.memory_space<vmem>>, %arg7: memref<128x16xf32, #tpu.memory_space<vmem>>, %arg8: memref<625x16xf32, #tpu.memory_space<vmem>>, %arg9: memref<10000x16xf32, #tpu.memory_space<vmem_shared>>, %arg10: memref<!tpu.dma_semaphore, #tpu.memory_space<semaphore_mem>>) attributes {dimension_semantics = [#tpu.dimension_semantics<core_parallel>, #tpu.dimension_semantics<subcore_parallel>], iteration_bounds = array<i64: 2, 16>, scalar_prefetch = 0 : i64, scratch_operands = 6 : i64, tpu.core_type = #tpu.core_type<sc_vector_subcore>, window_params = [{transform_indices = #map}, {transform_indices = #map}, {transform_indices = #map1}]} {
    %mul3A = arith.constant 2 : i32
    %mul3A_0 = arith.muli %arg1, %mul3A : i32
    %add3A = arith.addi %mul3A_0, %arg0 : i32
    %mul3A_1 = arith.constant 39 : i32
    %mul3A_2 = arith.muli %add3A, %mul3A_1 : i32
    %broadcast_in_dim3A = arith.constant 0.000000e+00 : f32
    %broadcast_in_dim3A_3 = vector.broadcast %broadcast_in_dim3A : f32 to vector<16xf32>
    %scan3A = arith.constant 0 : i32
    %scan3A_4 = arith.constant 0 : i32
    %scan3A_5 = arith.constant 625 : i32
    %scan3A_6 = arith.addi %scan3A_4, %scan3A_5 : i32
    %scan3A_7 = arith.constant 1 : i32
    scf.for %scan3A_38 = %scan3A_4 to %scan3A_6 step %scan3A_7  : i32 {
      %swap3A = arith.index_cast %scan3A_38 : i32 to index
      %swap3A_39 = arith.constant 0 : index
      %swap3A_40 = tpu.vector_load %arg8[%swap3A, %swap3A_39] {strides = array<i32>} : memref<625x16xf32, #tpu.memory_space<vmem>>, vector<1x16xf32>,
      %swap3A_41 = vector.shape_cast %swap3A_40 : vector<1x16xf32> to vector<16xf32>
      %swap3A_42 = vector.shape_cast %broadcast_in_dim3A_3 : vector<16xf32> to vector<1x16xf32>
      tpu.vector_store %arg8[%swap3A, %swap3A_39], %swap3A_42 {strides = array<i32>} : memref<625x16xf32, #tpu.memory_space<vmem>>, vector<1x16xf32>,
    }
    %scan3A_8 = arith.constant 625 : i32
    %mul3A_9 = arith.constant 625 : i32
    %mul3A_10 = arith.muli %arg1, %mul3A_9 : i32
    "tpu.region"() ({
      %run_scoped3A = tpu.sem_alloc : memref<!tpu.dma_semaphore, #tpu.memory_space<semaphore_mem>>
      %dma_start3A_38 = arith.constant 0 : i32
      %dma_start3A_39 = tpu.memref_slice %arg9[%mul3A_10, %dma_start3A_38] : memref<10000x16xf32, #tpu.memory_space<vmem_shared>> -> memref<625x16xf32, #tpu.memory_space<vmem_shared>>
      %dma_start3A_40 = arith.constant 0 : i32
      %dma_start3A_41 = tpu.memref_slice %arg9[%mul3A_10, %dma_start3A_40] : memref<10000x16xf32, #tpu.memory_space<vmem_shared>> -> memref<625x16xf32, #tpu.memory_space<vmem_shared>>
      tpu.enqueue_dma source(%arg8 : memref<625x16xf32, #tpu.memory_space<vmem>>) target(%dma_start3A_41 : memref<625x16xf32, #tpu.memory_space<vmem_shared>>) target_semaphore(%run_scoped3A : memref<!tpu.dma_semaphore, #tpu.memory_space<semaphore_mem>>)
      %dma_wait3A = arith.constant 0 : i32
      %dma_wait3A_42 = tpu.memref_slice %arg9[%mul3A_10, %dma_wait3A] : memref<10000x16xf32, #tpu.memory_space<vmem_shared>> -> memref<625x16xf32, #tpu.memory_space<vmem_shared>>
      %dma_wait3A_43 = arith.constant 0 : i32
      %dma_wait3A_44 = tpu.memref_slice %arg9[%mul3A_10, %dma_wait3A_43] : memref<10000x16xf32, #tpu.memory_space<vmem_shared>> -> memref<625x16xf32, #tpu.memory_space<vmem_shared>>
      tpu.wait_dma2 semaphore(%run_scoped3A : memref<!tpu.dma_semaphore, #tpu.memory_space<semaphore_mem>>) src(%arg8 : memref<625x16xf32, #tpu.memory_space<vmem>>) dst(%dma_wait3A_44 : memref<625x16xf32, #tpu.memory_space<vmem_shared>>)
      tpu.yield
    }) : () -> ()
    "tpu.region"() ({
      %run_scoped3A = tpu.sem_alloc : memref<!tpu.dma_semaphore, #tpu.memory_space<semaphore_mem>>
      %dma_start3A_38 = arith.constant 0 : i32
      %dma_start3A_39 = arith.constant 0 : i32
      %dma_start3A_40 = tpu.memref_slice %arg5[%dma_start3A_38, %dma_start3A_39] : memref<40x128xi32, #tpu.memory_space<vmem>> -> memref<39x128xi32, #tpu.memory_space<vmem>>
      %dma_start3A_41 = arith.constant 0 : i32
      %dma_start3A_42 = tpu.memref_slice %arg3[%mul3A_2, %dma_start3A_41] : memref<1250x128xi32, #tpu.memory_space<hbm>> -> memref<39x128xi32, #tpu.memory_space<hbm>>
      %dma_start3A_43 = arith.constant 0 : i32
      %dma_start3A_44 = arith.constant 0 : i32
      %dma_start3A_45 = tpu.memref_slice %arg5[%dma_start3A_43, %dma_start3A_44] : memref<40x128xi32, #tpu.memory_space<vmem>> -> memref<39x128xi32, #tpu.memory_space<vmem>>
      %dma_start3A_46 = arith.constant 0 : i32
      %dma_start3A_47 = tpu.memref_slice %arg3[%mul3A_2, %dma_start3A_46] : memref<1250x128xi32, #tpu.memory_space<hbm>> -> memref<39x128xi32, #tpu.memory_space<hbm>>
      tpu.enqueue_dma source(%dma_start3A_47 : memref<39x128xi32, #tpu.memory_space<hbm>>) target(%dma_start3A_45 : memref<39x128xi32, #tpu.memory_space<vmem>>) target_semaphore(%run_scoped3A : memref<!tpu.dma_semaphore, #tpu.memory_space<semaphore_mem>>)
      %dma_wait3A = arith.constant 0 : i32
      %dma_wait3A_48 = arith.constant 0 : i32
      %dma_wait3A_49 = tpu.memref_slice %arg5[%dma_wait3A, %dma_wait3A_48] : memref<40x128xi32, #tpu.memory_space<vmem>> -> memref<39x128xi32, #tpu.memory_space<vmem>>
      %dma_wait3A_50 = arith.constant 0 : i32
      %dma_wait3A_51 = tpu.memref_slice %arg3[%mul3A_2, %dma_wait3A_50] : memref<1250x128xi32, #tpu.memory_space<hbm>> -> memref<39x128xi32, #tpu.memory_space<hbm>>
      %dma_wait3A_52 = arith.constant 0 : i32
      %dma_wait3A_53 = arith.constant 0 : i32
      %dma_wait3A_54 = tpu.memref_slice %arg5[%dma_wait3A_52, %dma_wait3A_53] : memref<40x128xi32, #tpu.memory_space<vmem>> -> memref<39x128xi32, #tpu.memory_space<vmem>>
      %dma_wait3A_55 = arith.constant 0 : i32
      %dma_wait3A_56 = tpu.memref_slice %arg3[%mul3A_2, %dma_wait3A_55] : memref<1250x128xi32, #tpu.memory_space<hbm>> -> memref<39x128xi32, #tpu.memory_space<hbm>>
      tpu.wait_dma2 semaphore(%run_scoped3A : memref<!tpu.dma_semaphore, #tpu.memory_space<semaphore_mem>>) src(%dma_wait3A_56 : memref<39x128xi32, #tpu.memory_space<hbm>>) dst(%dma_wait3A_54 : memref<39x128xi32, #tpu.memory_space<vmem>>)
      tpu.yield
    }) : () -> ()
    %barrier3A = arith.constant 0 : index
    tpu.barrier barrier_id(%barrier3A)
    %mul3A_11 = arith.constant 128 : i32
    %mul3A_12 = arith.muli %mul3A_2, %mul3A_11 : i32
    %dma_start3A = arith.constant 0 : i32
    %dma_start3A_13 = arith.constant 0 : i32
    %dma_start3A_14 = arith.constant 0 : i32
    %dma_start3A_15 = tpu.memref_slice %arg6[%dma_start3A, %dma_start3A_13, %dma_start3A_14] : memref<2x384x16xf32, #tpu.memory_space<vmem>> -> memref<1x384x16xf32, #tpu.memory_space<vmem>>
    %dma_start3A_16 = tpu.memref_squeeze %dma_start3A_15 : memref<1x384x16xf32, #tpu.memory_space<vmem>> -> memref<384x16xf32, #tpu.memory_space<vmem>>
    %dma_start3A_17 = arith.constant 0 : i32
    %dma_start3A_18 = tpu.memref_slice %arg2[%mul3A_12, %dma_start3A_17] : memref<160000x16xf32, #tpu.memory_space<hbm>> -> memref<384x16xf32, #tpu.memory_space<hbm>>
    %dma_start3A_19 = arith.constant 0 : i32
    %dma_start3A_20 = arith.constant 0 : i32
    %dma_start3A_21 = tpu.memref_slice %arg6[%dma_start3A, %dma_start3A_19, %dma_start3A_20] : memref<2x384x16xf32, #tpu.memory_space<vmem>> -> memref<1x384x16xf32, #tpu.memory_space<vmem>>
    %dma_start3A_22 = tpu.memref_squeeze %dma_start3A_21 : memref<1x384x16xf32, #tpu.memory_space<vmem>> -> memref<384x16xf32, #tpu.memory_space<vmem>>
    %dma_start3A_23 = arith.constant 0 : i32
    %dma_start3A_24 = tpu.memref_slice %arg2[%mul3A_12, %dma_start3A_23] : memref<160000x16xf32, #tpu.memory_space<hbm>> -> memref<384x16xf32, #tpu.memory_space<hbm>>
    tpu.enqueue_dma source(%dma_start3A_24 : memref<384x16xf32, #tpu.memory_space<hbm>>) target(%dma_start3A_22 : memref<384x16xf32, #tpu.memory_space<vmem>>) target_semaphore(%arg10 : memref<!tpu.dma_semaphore, #tpu.memory_space<semaphore_mem>>)
    %scan3A_25 = arith.constant 0 : i32
    %scan3A_26 = arith.constant 0 : i32
    %scan3A_27 = arith.constant 13 : i32
    %scan3A_28 = arith.addi %scan3A_26, %scan3A_27 : i32
    %scan3A_29 = arith.constant 1 : i32
    scf.for %scan3A_38 = %scan3A_26 to %scan3A_28 step %scan3A_29  : i32 {
      %rem3A = arith.constant 2 : i32
      %rem3A_39 = arith.remsi %scan3A_38, %rem3A : i32
      %dma_wait3A = arith.constant 0 : i32
      %dma_wait3A_40 = arith.constant 0 : i32
      %dma_wait3A_41 = tpu.memref_slice %arg6[%rem3A_39, %dma_wait3A, %dma_wait3A_40] : memref<2x384x16xf32, #tpu.memory_space<vmem>> -> memref<1x384x16xf32, #tpu.memory_space<vmem>>
      %dma_wait3A_42 = tpu.memref_squeeze %dma_wait3A_41 : memref<1x384x16xf32, #tpu.memory_space<vmem>> -> memref<384x16xf32, #tpu.memory_space<vmem>>
      %dma_wait3A_43 = arith.constant 0 : i32
      %dma_wait3A_44 = arith.constant 0 : i32
      %dma_wait3A_45 = tpu.memref_slice %arg2[%dma_wait3A_43, %dma_wait3A_44] : memref<160000x16xf32, #tpu.memory_space<hbm>> -> memref<384x16xf32, #tpu.memory_space<hbm>>
      %dma_wait3A_46 = arith.constant 0 : i32
      %dma_wait3A_47 = arith.constant 0 : i32
      %dma_wait3A_48 = tpu.memref_slice %arg6[%rem3A_39, %dma_wait3A_46, %dma_wait3A_47] : memref<2x384x16xf32, #tpu.memory_space<vmem>> -> memref<1x384x16xf32, #tpu.memory_space<vmem>>
      %dma_wait3A_49 = tpu.memref_squeeze %dma_wait3A_48 : memref<1x384x16xf32, #tpu.memory_space<vmem>> -> memref<384x16xf32, #tpu.memory_space<vmem>>
      %dma_wait3A_50 = arith.constant 0 : i32
      %dma_wait3A_51 = arith.constant 0 : i32
      %dma_wait3A_52 = tpu.memref_slice %arg2[%dma_wait3A_50, %dma_wait3A_51] : memref<160000x16xf32, #tpu.memory_space<hbm>> -> memref<384x16xf32, #tpu.memory_space<hbm>>
      tpu.wait_dma2 semaphore(%arg10 : memref<!tpu.dma_semaphore, #tpu.memory_space<semaphore_mem>>) src(%dma_wait3A_52 : memref<384x16xf32, #tpu.memory_space<hbm>>) dst(%dma_wait3A_49 : memref<384x16xf32, #tpu.memory_space<vmem>>)
      %lt3A_53 = arith.constant 12 : i32
      %lt3A_54 = arith.cmpi slt, %scan3A_38, %lt3A_53 : i32
      %convert_element_type3A_55 = arith.extui %lt3A_54 : i1 to i32
      %cond3A_56 = arith.constant 0 : i32
      %cond3A_57 = arith.cmpi ne, %convert_element_type3A_55, %cond3A_56 : i32
      scf.if %cond3A_57 {
        %add3A_70 = arith.constant 1 : i32
        %add3A_71 = arith.addi %scan3A_38, %add3A_70 : i32
        %mul3A_72 = arith.constant 3 : i32
        %mul3A_73 = arith.muli %add3A_71, %mul3A_72 : i32
        %add3A_74 = arith.addi %mul3A_2, %mul3A_73 : i32
        %mul3A_75 = arith.constant 128 : i32
        %mul3A_76 = arith.muli %add3A_74, %mul3A_75 : i32
        %sub3A = arith.constant 1 : i32
        %sub3A_77 = arith.subi %sub3A, %rem3A_39 : i32
        %dma_start3A_78 = arith.constant 0 : i32
        %dma_start3A_79 = arith.constant 0 : i32
        %dma_start3A_80 = tpu.memref_slice %arg6[%sub3A_77, %dma_start3A_78, %dma_start3A_79] : memref<2x384x16xf32, #tpu.memory_space<vmem>> -> memref<1x384x16xf32, #tpu.memory_space<vmem>>
        %dma_start3A_81 = tpu.memref_squeeze %dma_start3A_80 : memref<1x384x16xf32, #tpu.memory_space<vmem>> -> memref<384x16xf32, #tpu.memory_space<vmem>>
        %dma_start3A_82 = arith.constant 0 : i32
        %dma_start3A_83 = tpu.memref_slice %arg2[%mul3A_76, %dma_start3A_82] : memref<160000x16xf32, #tpu.memory_space<hbm>> -> memref<384x16xf32, #tpu.memory_space<hbm>>
        %dma_start3A_84 = arith.constant 0 : i32
        %dma_start3A_85 = arith.constant 0 : i32
        %dma_start3A_86 = tpu.memref_slice %arg6[%sub3A_77, %dma_start3A_84, %dma_start3A_85] : memref<2x384x16xf32, #tpu.memory_space<vmem>> -> memref<1x384x16xf32, #tpu.memory_space<vmem>>
        %dma_start3A_87 = tpu.memref_squeeze %dma_start3A_86 : memref<1x384x16xf32, #tpu.memory_space<vmem>> -> memref<384x16xf32, #tpu.memory_space<vmem>>
        %dma_start3A_88 = arith.constant 0 : i32
        %dma_start3A_89 = tpu.memref_slice %arg2[%mul3A_76, %dma_start3A_88] : memref<160000x16xf32, #tpu.memory_space<hbm>> -> memref<384x16xf32, #tpu.memory_space<hbm>>
        tpu.enqueue_dma source(%dma_start3A_89 : memref<384x16xf32, #tpu.memory_space<hbm>>) target(%dma_start3A_87 : memref<384x16xf32, #tpu.memory_space<vmem>>) target_semaphore(%arg10 : memref<!tpu.dma_semaphore, #tpu.memory_space<semaphore_mem>>)
      } else {
      }
      %mul3A_58 = arith.constant 3 : i32
      %mul3A_59 = arith.muli %scan3A_38, %mul3A_58 : i32
      %add3A_60 = arith.constant 0 : i32
      %add3A_61 = arith.addi %mul3A_59, %add3A_60 : i32
      "tpu.region"() ({
        %run_scoped3A = tpu.sem_alloc : memref<!tpu.dma_semaphore, #tpu.memory_space<semaphore_mem>>
        %dma_start3A_70 = arith.constant 0 : i32
        %dma_start3A_71 = arith.constant 0 : i32
        %dma_start3A_72 = tpu.memref_slice %arg6[%rem3A_39, %dma_start3A_70, %dma_start3A_71] : memref<2x384x16xf32, #tpu.memory_space<vmem>> -> memref<1x128x16xf32, #tpu.memory_space<vmem>>
        %dma_start3A_73 = tpu.memref_squeeze %dma_start3A_72 : memref<1x128x16xf32, #tpu.memory_space<vmem>> -> memref<128x16xf32, #tpu.memory_space<vmem>>
        %dma_start3A_74 = arith.constant 0 : i32
        %dma_start3A_75 = tpu.memref_slice %arg5[%add3A_61, %dma_start3A_74] : memref<40x128xi32, #tpu.memory_space<vmem>> -> memref<1x128xi32, #tpu.memory_space<vmem>>
        %dma_start3A_76 = tpu.memref_squeeze %dma_start3A_75 : memref<1x128xi32, #tpu.memory_space<vmem>> -> memref<128xi32, #tpu.memory_space<vmem>>
        %dma_start3A_77 = arith.constant 0 : i32
        %dma_start3A_78 = arith.constant 0 : i32
        %dma_start3A_79 = tpu.memref_slice %arg9[%dma_start3A_77, %dma_start3A_78] : memref<10000x16xf32, #tpu.memory_space<vmem_shared>> -> memref<10000x16xf32, #tpu.memory_space<vmem_shared>>
        tpu.enqueue_indirect_dma source(%dma_start3A_73 : memref<128x16xf32, #tpu.memory_space<vmem>>) target(%dma_start3A_79 : memref<10000x16xf32, #tpu.memory_space<vmem_shared>>) offsets(%dma_start3A_76 : memref<128xi32, #tpu.memory_space<vmem>>) semaphore(%run_scoped3A : memref<!tpu.dma_semaphore, #tpu.memory_space<semaphore_mem>>) {add = true}
        %dma_wait3A_80 = arith.constant 0 : i32
        %dma_wait3A_81 = arith.constant 0 : i32
        %dma_wait3A_82 = tpu.memref_slice %arg6[%rem3A_39, %dma_wait3A_80, %dma_wait3A_81] : memref<2x384x16xf32, #tpu.memory_space<vmem>> -> memref<1x128x16xf32, #tpu.memory_space<vmem>>
        %dma_wait3A_83 = tpu.memref_squeeze %dma_wait3A_82 : memref<1x128x16xf32, #tpu.memory_space<vmem>> -> memref<128x16xf32, #tpu.memory_space<vmem>>
        %dma_wait3A_84 = arith.constant 0 : i32
        %dma_wait3A_85 = tpu.memref_slice %arg5[%add3A_61, %dma_wait3A_84] : memref<40x128xi32, #tpu.memory_space<vmem>> -> memref<1x128xi32, #tpu.memory_space<vmem>>
        %dma_wait3A_86 = tpu.memref_squeeze %dma_wait3A_85 : memref<1x128xi32, #tpu.memory_space<vmem>> -> memref<128xi32, #tpu.memory_space<vmem>>
        %dma_wait3A_87 = arith.constant 0 : i32
        %dma_wait3A_88 = arith.constant 0 : i32
        %dma_wait3A_89 = tpu.memref_slice %arg9[%dma_wait3A_87, %dma_wait3A_88] : memref<10000x16xf32, #tpu.memory_space<vmem_shared>> -> memref<10000x16xf32, #tpu.memory_space<vmem_shared>>
        tpu.wait_indirect_dma semaphore(%run_scoped3A : memref<!tpu.dma_semaphore, #tpu.memory_space<semaphore_mem>>) src(%dma_wait3A_83 : memref<128x16xf32, #tpu.memory_space<vmem>>) dst(%dma_wait3A_89 : memref<10000x16xf32, #tpu.memory_space<vmem_shared>>)
        tpu.yield
      }) : () -> ()
      %mul3A_62 = arith.constant 3 : i32
      %mul3A_63 = arith.muli %scan3A_38, %mul3A_62 : i32
      %add3A_64 = arith.constant 1 : i32
      %add3A_65 = arith.addi %mul3A_63, %add3A_64 : i32
      "tpu.region"() ({
        %run_scoped3A = tpu.sem_alloc : memref<!tpu.dma_semaphore, #tpu.memory_space<semaphore_mem>>
        %dma_start3A_70 = arith.constant 128 : i32
        %dma_start3A_71 = arith.constant 0 : i32
        %dma_start3A_72 = tpu.memref_slice %arg6[%rem3A_39, %dma_start3A_70, %dma_start3A_71] : memref<2x384x16xf32, #tpu.memory_space<vmem>> -> memref<1x128x16xf32, #tpu.memory_space<vmem>>
        %dma_start3A_73 = tpu.memref_squeeze %dma_start3A_72 : memref<1x128x16xf32, #tpu.memory_space<vmem>> -> memref<128x16xf32, #tpu.memory_space<vmem>>
        %dma_start3A_74 = arith.constant 0 : i32
        %dma_start3A_75 = tpu.memref_slice %arg5[%add3A_65, %dma_start3A_74] : memref<40x128xi32, #tpu.memory_space<vmem>> -> memref<1x128xi32, #tpu.memory_space<vmem>>
        %dma_start3A_76 = tpu.memref_squeeze %dma_start3A_75 : memref<1x128xi32, #tpu.memory_space<vmem>> -> memref<128xi32, #tpu.memory_space<vmem>>
        %dma_start3A_77 = arith.constant 0 : i32
        %dma_start3A_78 = arith.constant 0 : i32
        %dma_start3A_79 = tpu.memref_slice %arg9[%dma_start3A_77, %dma_start3A_78] : memref<10000x16xf32, #tpu.memory_space<vmem_shared>> -> memref<10000x16xf32, #tpu.memory_space<vmem_shared>>
        tpu.enqueue_indirect_dma source(%dma_start3A_73 : memref<128x16xf32, #tpu.memory_space<vmem>>) target(%dma_start3A_79 : memref<10000x16xf32, #tpu.memory_space<vmem_shared>>) offsets(%dma_start3A_76 : memref<128xi32, #tpu.memory_space<vmem>>) semaphore(%run_scoped3A : memref<!tpu.dma_semaphore, #tpu.memory_space<semaphore_mem>>) {add = true}
        %dma_wait3A_80 = arith.constant 128 : i32
        %dma_wait3A_81 = arith.constant 0 : i32
        %dma_wait3A_82 = tpu.memref_slice %arg6[%rem3A_39, %dma_wait3A_80, %dma_wait3A_81] : memref<2x384x16xf32, #tpu.memory_space<vmem>> -> memref<1x128x16xf32, #tpu.memory_space<vmem>>
        %dma_wait3A_83 = tpu.memref_squeeze %dma_wait3A_82 : memref<1x128x16xf32, #tpu.memory_space<vmem>> -> memref<128x16xf32, #tpu.memory_space<vmem>>
        %dma_wait3A_84 = arith.constant 0 : i32
        %dma_wait3A_85 = tpu.memref_slice %arg5[%add3A_65, %dma_wait3A_84] : memref<40x128xi32, #tpu.memory_space<vmem>> -> memref<1x128xi32, #tpu.memory_space<vmem>>
        %dma_wait3A_86 = tpu.memref_squeeze %dma_wait3A_85 : memref<1x128xi32, #tpu.memory_space<vmem>> -> memref<128xi32, #tpu.memory_space<vmem>>
        %dma_wait3A_87 = arith.constant 0 : i32
        %dma_wait3A_88 = arith.constant 0 : i32
        %dma_wait3A_89 = tpu.memref_slice %arg9[%dma_wait3A_87, %dma_wait3A_88] : memref<10000x16xf32, #tpu.memory_space<vmem_shared>> -> memref<10000x16xf32, #tpu.memory_space<vmem_shared>>
        tpu.wait_indirect_dma semaphore(%run_scoped3A : memref<!tpu.dma_semaphore, #tpu.memory_space<semaphore_mem>>) src(%dma_wait3A_83 : memref<128x16xf32, #tpu.memory_space<vmem>>) dst(%dma_wait3A_89 : memref<10000x16xf32, #tpu.memory_space<vmem_shared>>)
        tpu.yield
      }) : () -> ()
      %mul3A_66 = arith.constant 3 : i32
      %mul3A_67 = arith.muli %scan3A_38, %mul3A_66 : i32
      %add3A_68 = arith.constant 2 : i32
      %add3A_69 = arith.addi %mul3A_67, %add3A_68 : i32
      "tpu.region"() ({
        %run_scoped3A = tpu.sem_alloc : memref<!tpu.dma_semaphore, #tpu.memory_space<semaphore_mem>>
        %dma_start3A_70 = arith.constant 256 : i32
        %dma_start3A_71 = arith.constant 0 : i32
        %dma_start3A_72 = tpu.memref_slice %arg6[%rem3A_39, %dma_start3A_70, %dma_start3A_71] : memref<2x384x16xf32, #tpu.memory_space<vmem>> -> memref<1x128x16xf32, #tpu.memory_space<vmem>>
        %dma_start3A_73 = tpu.memref_squeeze %dma_start3A_72 : memref<1x128x16xf32, #tpu.memory_space<vmem>> -> memref<128x16xf32, #tpu.memory_space<vmem>>
        %dma_start3A_74 = arith.constant 0 : i32
        %dma_start3A_75 = tpu.memref_slice %arg5[%add3A_69, %dma_start3A_74] : memref<40x128xi32, #tpu.memory_space<vmem>> -> memref<1x128xi32, #tpu.memory_space<vmem>>
        %dma_start3A_76 = tpu.memref_squeeze %dma_start3A_75 : memref<1x128xi32, #tpu.memory_space<vmem>> -> memref<128xi32, #tpu.memory_space<vmem>>
        %dma_start3A_77 = arith.constant 0 : i32
        %dma_start3A_78 = arith.constant 0 : i32
        %dma_start3A_79 = tpu.memref_slice %arg9[%dma_start3A_77, %dma_start3A_78] : memref<10000x16xf32, #tpu.memory_space<vmem_shared>> -> memref<10000x16xf32, #tpu.memory_space<vmem_shared>>
        tpu.enqueue_indirect_dma source(%dma_start3A_73 : memref<128x16xf32, #tpu.memory_space<vmem>>) target(%dma_start3A_79 : memref<10000x16xf32, #tpu.memory_space<vmem_shared>>) offsets(%dma_start3A_76 : memref<128xi32, #tpu.memory_space<vmem>>) semaphore(%run_scoped3A : memref<!tpu.dma_semaphore, #tpu.memory_space<semaphore_mem>>) {add = true}
        %dma_wait3A_80 = arith.constant 256 : i32
        %dma_wait3A_81 = arith.constant 0 : i32
        %dma_wait3A_82 = tpu.memref_slice %arg6[%rem3A_39, %dma_wait3A_80, %dma_wait3A_81] : memref<2x384x16xf32, #tpu.memory_space<vmem>> -> memref<1x128x16xf32, #tpu.memory_space<vmem>>
        %dma_wait3A_83 = tpu.memref_squeeze %dma_wait3A_82 : memref<1x128x16xf32, #tpu.memory_space<vmem>> -> memref<128x16xf32, #tpu.memory_space<vmem>>
        %dma_wait3A_84 = arith.constant 0 : i32
        %dma_wait3A_85 = tpu.memref_slice %arg5[%add3A_69, %dma_wait3A_84] : memref<40x128xi32, #tpu.memory_space<vmem>> -> memref<1x128xi32, #tpu.memory_space<vmem>>
        %dma_wait3A_86 = tpu.memref_squeeze %dma_wait3A_85 : memref<1x128xi32, #tpu.memory_space<vmem>> -> memref<128xi32, #tpu.memory_space<vmem>>
        %dma_wait3A_87 = arith.constant 0 : i32
        %dma_wait3A_88 = arith.constant 0 : i32
        %dma_wait3A_89 = tpu.memref_slice %arg9[%dma_wait3A_87, %dma_wait3A_88] : memref<10000x16xf32, #tpu.memory_space<vmem_shared>> -> memref<10000x16xf32, #tpu.memory_space<vmem_shared>>
        tpu.wait_indirect_dma semaphore(%run_scoped3A : memref<!tpu.dma_semaphore, #tpu.memory_space<semaphore_mem>>) src(%dma_wait3A_83 : memref<128x16xf32, #tpu.memory_space<vmem>>) dst(%dma_wait3A_89 : memref<10000x16xf32, #tpu.memory_space<vmem_shared>>)
        tpu.yield
      }) : () -> ()
    }
    %scan3A_30 = arith.constant 13 : i32
    %lt3A = arith.constant 2 : i32
    %lt3A_31 = arith.cmpi slt, %add3A, %lt3A : i32
    %convert_element_type3A = arith.extui %lt3A_31 : i1 to i32
    %cond3A = arith.constant 0 : i32
    %cond3A_32 = arith.cmpi ne, %convert_element_type3A, %cond3A : i32
    scf.if %cond3A_32 {
      %add3A_38 = arith.constant 1248 : i32
      %add3A_39 = arith.addi %add3A_38, %add3A : i32
      %run_scoped3A = arith.constant 39 : i32
      "tpu.region"() ({
        %run_scoped3A_43 = tpu.sem_alloc : memref<!tpu.dma_semaphore, #tpu.memory_space<semaphore_mem>>
        %dma_start3A_44 = arith.constant 0 : i32
        %dma_start3A_45 = tpu.memref_slice %arg5[%run_scoped3A, %dma_start3A_44] : memref<40x128xi32, #tpu.memory_space<vmem>> -> memref<1x128xi32, #tpu.memory_space<vmem>>
        %dma_start3A_46 = tpu.memref_squeeze %dma_start3A_45 : memref<1x128xi32, #tpu.memory_space<vmem>> -> memref<128xi32, #tpu.memory_space<vmem>>
        %dma_start3A_47 = arith.constant 0 : i32
        %dma_start3A_48 = tpu.memref_slice %arg3[%add3A_39, %dma_start3A_47] : memref<1250x128xi32, #tpu.memory_space<hbm>> -> memref<1x128xi32, #tpu.memory_space<hbm>>
        %dma_start3A_49 = tpu.memref_squeeze %dma_start3A_48 : memref<1x128xi32, #tpu.memory_space<hbm>> -> memref<128xi32, #tpu.memory_space<hbm>>
        %dma_start3A_50 = arith.constant 0 : i32
        %dma_start3A_51 = tpu.memref_slice %arg5[%run_scoped3A, %dma_start3A_50] : memref<40x128xi32, #tpu.memory_space<vmem>> -> memref<1x128xi32, #tpu.memory_space<vmem>>
        %dma_start3A_52 = tpu.memref_squeeze %dma_start3A_51 : memref<1x128xi32, #tpu.memory_space<vmem>> -> memref<128xi32, #tpu.memory_space<vmem>>
        %dma_start3A_53 = arith.constant 0 : i32
        %dma_start3A_54 = tpu.memref_slice %arg3[%add3A_39, %dma_start3A_53] : memref<1250x128xi32, #tpu.memory_space<hbm>> -> memref<1x128xi32, #tpu.memory_space<hbm>>
        %dma_start3A_55 = tpu.memref_squeeze %dma_start3A_54 : memref<1x128xi32, #tpu.memory_space<hbm>> -> memref<128xi32, #tpu.memory_space<hbm>>
        tpu.enqueue_dma source(%dma_start3A_55 : memref<128xi32, #tpu.memory_space<hbm>>) target(%dma_start3A_52 : memref<128xi32, #tpu.memory_space<vmem>>) target_semaphore(%run_scoped3A_43 : memref<!tpu.dma_semaphore, #tpu.memory_space<semaphore_mem>>)
        %dma_wait3A = arith.constant 0 : i32
        %dma_wait3A_56 = tpu.memref_slice %arg5[%run_scoped3A, %dma_wait3A] : memref<40x128xi32, #tpu.memory_space<vmem>> -> memref<1x128xi32, #tpu.memory_space<vmem>>
        %dma_wait3A_57 = tpu.memref_squeeze %dma_wait3A_56 : memref<1x128xi32, #tpu.memory_space<vmem>> -> memref<128xi32, #tpu.memory_space<vmem>>
        %dma_wait3A_58 = arith.constant 0 : i32
        %dma_wait3A_59 = tpu.memref_slice %arg3[%add3A_39, %dma_wait3A_58] : memref<1250x128xi32, #tpu.memory_space<hbm>> -> memref<1x128xi32, #tpu.memory_space<hbm>>
        %dma_wait3A_60 = tpu.memref_squeeze %dma_wait3A_59 : memref<1x128xi32, #tpu.memory_space<hbm>> -> memref<128xi32, #tpu.memory_space<hbm>>
        %dma_wait3A_61 = arith.constant 0 : i32
        %dma_wait3A_62 = tpu.memref_slice %arg5[%run_scoped3A, %dma_wait3A_61] : memref<40x128xi32, #tpu.memory_space<vmem>> -> memref<1x128xi32, #tpu.memory_space<vmem>>
        %dma_wait3A_63 = tpu.memref_squeeze %dma_wait3A_62 : memref<1x128xi32, #tpu.memory_space<vmem>> -> memref<128xi32, #tpu.memory_space<vmem>>
        %dma_wait3A_64 = arith.constant 0 : i32
        %dma_wait3A_65 = tpu.memref_slice %arg3[%add3A_39, %dma_wait3A_64] : memref<1250x128xi32, #tpu.memory_space<hbm>> -> memref<1x128xi32, #tpu.memory_space<hbm>>
        %dma_wait3A_66 = tpu.memref_squeeze %dma_wait3A_65 : memref<1x128xi32, #tpu.memory_space<hbm>> -> memref<128xi32, #tpu.memory_space<hbm>>
        tpu.wait_dma2 semaphore(%run_scoped3A_43 : memref<!tpu.dma_semaphore, #tpu.memory_space<semaphore_mem>>) src(%dma_wait3A_66 : memref<128xi32, #tpu.memory_space<hbm>>) dst(%dma_wait3A_63 : memref<128xi32, #tpu.memory_space<vmem>>)
        tpu.yield
      }) : () -> ()
      %mul3A_40 = arith.constant 128 : i32
      %mul3A_41 = arith.muli %add3A_39, %mul3A_40 : i32
      "tpu.region"() ({
        %run_scoped3A_43 = tpu.sem_alloc : memref<!tpu.dma_semaphore, #tpu.memory_space<semaphore_mem>>
        %dma_start3A_44 = arith.constant 0 : i32
        %dma_start3A_45 = tpu.memref_slice %arg2[%mul3A_41, %dma_start3A_44] : memref<160000x16xf32, #tpu.memory_space<hbm>> -> memref<128x16xf32, #tpu.memory_space<hbm>>
        %dma_start3A_46 = arith.constant 0 : i32
        %dma_start3A_47 = tpu.memref_slice %arg2[%mul3A_41, %dma_start3A_46] : memref<160000x16xf32, #tpu.memory_space<hbm>> -> memref<128x16xf32, #tpu.memory_space<hbm>>
        tpu.enqueue_dma source(%dma_start3A_47 : memref<128x16xf32, #tpu.memory_space<hbm>>) target(%arg7 : memref<128x16xf32, #tpu.memory_space<vmem>>) target_semaphore(%run_scoped3A_43 : memref<!tpu.dma_semaphore, #tpu.memory_space<semaphore_mem>>)
        %dma_wait3A = arith.constant 0 : i32
        %dma_wait3A_48 = tpu.memref_slice %arg2[%mul3A_41, %dma_wait3A] : memref<160000x16xf32, #tpu.memory_space<hbm>> -> memref<128x16xf32, #tpu.memory_space<hbm>>
        %dma_wait3A_49 = arith.constant 0 : i32
        %dma_wait3A_50 = tpu.memref_slice %arg2[%mul3A_41, %dma_wait3A_49] : memref<160000x16xf32, #tpu.memory_space<hbm>> -> memref<128x16xf32, #tpu.memory_space<hbm>>
        tpu.wait_dma2 semaphore(%run_scoped3A_43 : memref<!tpu.dma_semaphore, #tpu.memory_space<semaphore_mem>>) src(%dma_wait3A_50 : memref<128x16xf32, #tpu.memory_space<hbm>>) dst(%arg7 : memref<128x16xf32, #tpu.memory_space<vmem>>)
        tpu.yield
      }) : () -> ()
      %run_scoped3A_42 = arith.constant 39 : i32
      "tpu.region"() ({
        %run_scoped3A_43 = tpu.sem_alloc : memref<!tpu.dma_semaphore, #tpu.memory_space<semaphore_mem>>
        %dma_start3A_44 = arith.constant 0 : i32
        %dma_start3A_45 = tpu.memref_slice %arg5[%run_scoped3A_42, %dma_start3A_44] : memref<40x128xi32, #tpu.memory_space<vmem>> -> memref<1x128xi32, #tpu.memory_space<vmem>>
        %dma_start3A_46 = tpu.memref_squeeze %dma_start3A_45 : memref<1x128xi32, #tpu.memory_space<vmem>> -> memref<128xi32, #tpu.memory_space<vmem>>
        %dma_start3A_47 = arith.constant 0 : i32
        %dma_start3A_48 = arith.constant 0 : i32
        %dma_start3A_49 = tpu.memref_slice %arg9[%dma_start3A_47, %dma_start3A_48] : memref<10000x16xf32, #tpu.memory_space<vmem_shared>> -> memref<10000x16xf32, #tpu.memory_space<vmem_shared>>
        tpu.enqueue_indirect_dma source(%arg7 : memref<128x16xf32, #tpu.memory_space<vmem>>) target(%dma_start3A_49 : memref<10000x16xf32, #tpu.memory_space<vmem_shared>>) offsets(%dma_start3A_46 : memref<128xi32, #tpu.memory_space<vmem>>) semaphore(%run_scoped3A_43 : memref<!tpu.dma_semaphore, #tpu.memory_space<semaphore_mem>>) {add = true}
        %dma_wait3A = arith.constant 0 : i32
        %dma_wait3A_50 = tpu.memref_slice %arg5[%run_scoped3A_42, %dma_wait3A] : memref<40x128xi32, #tpu.memory_space<vmem>> -> memref<1x128xi32, #tpu.memory_space<vmem>>
        %dma_wait3A_51 = tpu.memref_squeeze %dma_wait3A_50 : memref<1x128xi32, #tpu.memory_space<vmem>> -> memref<128xi32, #tpu.memory_space<vmem>>
        %dma_wait3A_52 = arith.constant 0 : i32
        %dma_wait3A_53 = arith.constant 0 : i32
        %dma_wait3A_54 = tpu.memref_slice %arg9[%dma_wait3A_52, %dma_wait3A_53] : memref<10000x16xf32, #tpu.memory_space<vmem_shared>> -> memref<10000x16xf32, #tpu.memory_space<vmem_shared>>
        tpu.wait_indirect_dma semaphore(%run_scoped3A_43 : memref<!tpu.dma_semaphore, #tpu.memory_space<semaphore_mem>>) src(%arg7 : memref<128x16xf32, #tpu.memory_space<vmem>>) dst(%dma_wait3A_54 : memref<10000x16xf32, #tpu.memory_space<vmem_shared>>)
        tpu.yield
      }) : () -> ()
    } else {
    }
    %barrier3A_33 = arith.constant 0 : index
    tpu.barrier barrier_id(%barrier3A_33)
    %mul3A_34 = arith.constant 625 : i32
    %mul3A_35 = arith.muli %arg1, %mul3A_34 : i32
    %mul3A_36 = arith.constant 625 : i32
    %mul3A_37 = arith.muli %arg1, %mul3A_36 : i32
    "tpu.region"() ({
      %run_scoped3A = tpu.sem_alloc : memref<!tpu.dma_semaphore, #tpu.memory_space<semaphore_mem>>
      %dma_start3A_38 = arith.constant 0 : i32
      %dma_start3A_39 = tpu.memref_slice %arg4[%arg0, %mul3A_37, %dma_start3A_38] : memref<2x10000x16xf32, #tpu.memory_space<hbm>> -> memref<1x625x16xf32, #tpu.memory_space<hbm>>
      %dma_start3A_40 = tpu.memref_squeeze %dma_start3A_39 : memref<1x625x16xf32, #tpu.memory_space<hbm>> -> memref<625x16xf32, #tpu.memory_space<hbm>>
      %dma_start3A_41 = arith.constant 0 : i32
      %dma_start3A_42 = tpu.memref_slice %arg9[%mul3A_35, %dma_start3A_41] : memref<10000x16xf32, #tpu.memory_space<vmem_shared>> -> memref<625x16xf32, #tpu.memory_space<vmem_shared>>
      tpu.enqueue_dma source(%dma_start3A_42 : memref<625x16xf32, #tpu.memory_space<vmem_shared>>) target(%dma_start3A_40 : memref<625x16xf32, #tpu.memory_space<hbm>>) target_semaphore(%run_scoped3A : memref<!tpu.dma_semaphore, #tpu.memory_space<semaphore_mem>>)
      %dma_wait3A = arith.constant 0 : i32
      %dma_wait3A_43 = tpu.memref_slice %arg4[%arg0, %mul3A_37, %dma_wait3A] : memref<2x10000x16xf32, #tpu.memory_space<hbm>> -> memref<1x625x16xf32, #tpu.memory_space<hbm>>
      %dma_wait3A_44 = tpu.memref_squeeze %dma_wait3A_43 : memref<1x625x16xf32, #tpu.memory_space<hbm>> -> memref<625x16xf32, #tpu.memory_space<hbm>>
      %dma_wait3A_45 = arith.constant 0 : i32
      %dma_wait3A_46 = tpu.memref_slice %arg9[%mul3A_35, %dma_wait3A_45] : memref<10000x16xf32, #tpu.memory_space<vmem_shared>> -> memref<625x16xf32, #tpu.memory_space<vmem_shared>>
      tpu.wait_dma2 semaphore(%run_scoped3A : memref<!tpu.dma_semaphore, #tpu.memory_space<semaphore_mem>>) src(%dma_wait3A_46 : memref<625x16xf32, #tpu.memory_space<vmem_shared>>) dst(%dma_wait3A_44 : memref<625x16xf32, #tpu.memory_space<hbm>>)
      tpu.yield
    }) : () -> ()
    return
  }
}

#map = affine_map<(d0, d1) -> (0, 0)>
#map1 = affine_map<(d0, d1) -> (0, 0, 0)>
module attributes {stable_mosaic.version = 14 : i64} {
  func.func @k(%arg0: i32, %arg1: i32, %arg2: memref<160000x16xf32, #tpu.memory_space<hbm>>, %arg3: memref<1250x128xi32, #tpu.memory_space<hbm>>, %arg4: memref<2x10000x16xf32, #tpu.memory_space<hbm>>, %arg5: memref<40x128xi32, #tpu.memory_space<vmem>>, %arg6: memref<2x384x16xf32, #tpu.memory_space<vmem>>, %arg7: memref<128x16xf32, #tpu.memory_space<vmem>>, %arg8: memref<625x16xf32, #tpu.memory_space<vmem>>, %arg9: memref<10000x16xf32, #tpu.memory_space<vmem_shared>>, %arg10: memref<!tpu.dma_semaphore, #tpu.memory_space<semaphore_mem>>) attributes {dimension_semantics = [#tpu.dimension_semantics<core_parallel>, #tpu.dimension_semantics<subcore_parallel>], iteration_bounds = array<i64: 2, 16>, scalar_prefetch = 0 : i64, scratch_operands = 6 : i64, tpu.core_type = #tpu.core_type<sc_vector_subcore>, window_params = [{transform_indices = #map}, {transform_indices = #map}, {transform_indices = #map1}]} {
    %mul3A = arith.constant 2 : i32
    %mul3A_0 = arith.muli %arg1, %mul3A : i32
    %add3A = arith.addi %mul3A_0, %arg0 : i32
    %mul3A_1 = arith.constant 39 : i32
    %mul3A_2 = arith.muli %add3A, %mul3A_1 : i32
    %broadcast_in_dim3A = arith.constant 0.000000e+00 : f32
    %broadcast_in_dim3A_3 = vector.broadcast %broadcast_in_dim3A : f32 to vector<16xf32>
    %scan3A = arith.constant 0 : i32
    %scan3A_4 = arith.constant 0 : i32
    %scan3A_5 = arith.constant 625 : i32
    %scan3A_6 = arith.addi %scan3A_4, %scan3A_5 : i32
    %scan3A_7 = arith.constant 1 : i32
    scf.for %scan3A_38 = %scan3A_4 to %scan3A_6 step %scan3A_7  : i32 {
      %swap3A = arith.index_cast %scan3A_38 : i32 to index
      %swap3A_39 = arith.constant 0 : index
      %swap3A_40 = tpu.vector_load %arg8[%swap3A, %swap3A_39] {strides = array<i32>} : memref<625x16xf32, #tpu.memory_space<vmem>>, vector<1x16xf32>,
      %swap3A_41 = vector.shape_cast %swap3A_40 : vector<1x16xf32> to vector<16xf32>
      %swap3A_42 = vector.shape_cast %broadcast_in_dim3A_3 : vector<16xf32> to vector<1x16xf32>
      tpu.vector_store %arg8[%swap3A, %swap3A_39], %swap3A_42 {strides = array<i32>} : memref<625x16xf32, #tpu.memory_space<vmem>>, vector<1x16xf32>,
    }
    %scan3A_8 = arith.constant 625 : i32
    %mul3A_9 = arith.constant 625 : i32
    %mul3A_10 = arith.muli %arg1, %mul3A_9 : i32
    "tpu.region"() ({
      %run_scoped3A = tpu.sem_alloc : memref<!tpu.dma_semaphore, #tpu.memory_space<semaphore_mem>>
      %dma_start3A_38 = arith.constant 0 : i32
      %dma_start3A_39 = tpu.memref_slice %arg9[%mul3A_10, %dma_start3A_38] : memref<10000x16xf32, #tpu.memory_space<vmem_shared>> -> memref<625x16xf32, #tpu.memory_space<vmem_shared>>
      %dma_start3A_40 = arith.constant 0 : i32
      %dma_start3A_41 = tpu.memref_slice %arg9[%mul3A_10, %dma_start3A_40] : memref<10000x16xf32, #tpu.memory_space<vmem_shared>> -> memref<625x16xf32, #tpu.memory_space<vmem_shared>>
      tpu.enqueue_dma source(%arg8 : memref<625x16xf32, #tpu.memory_space<vmem>>) target(%dma_start3A_41 : memref<625x16xf32, #tpu.memory_space<vmem_shared>>) target_semaphore(%run_scoped3A : memref<!tpu.dma_semaphore, #tpu.memory_space<semaphore_mem>>)
      %dma_wait3A = arith.constant 0 : i32
      %dma_wait3A_42 = tpu.memref_slice %arg9[%mul3A_10, %dma_wait3A] : memref<10000x16xf32, #tpu.memory_space<vmem_shared>> -> memref<625x16xf32, #tpu.memory_space<vmem_shared>>
      %dma_wait3A_43 = arith.constant 0 : i32
      %dma_wait3A_44 = tpu.memref_slice %arg9[%mul3A_10, %dma_wait3A_43] : memref<10000x16xf32, #tpu.memory_space<vmem_shared>> -> memref<625x16xf32, #tpu.memory_space<vmem_shared>>
      tpu.wait_dma2 semaphore(%run_scoped3A : memref<!tpu.dma_semaphore, #tpu.memory_space<semaphore_mem>>) src(%arg8 : memref<625x16xf32, #tpu.memory_space<vmem>>) dst(%dma_wait3A_44 : memref<625x16xf32, #tpu.memory_space<vmem_shared>>)
      tpu.yield
    }) : () -> ()
    "tpu.region"() ({
      %run_scoped3A = tpu.sem_alloc : memref<!tpu.dma_semaphore, #tpu.memory_space<semaphore_mem>>
      %dma_start3A_38 = arith.constant 0 : i32
      %dma_start3A_39 = arith.constant 0 : i32
      %dma_start3A_40 = tpu.memref_slice %arg5[%dma_start3A_38, %dma_start3A_39] : memref<40x128xi32, #tpu.memory_space<vmem>> -> memref<39x128xi32, #tpu.memory_space<vmem>>
      %dma_start3A_41 = arith.constant 0 : i32
      %dma_start3A_42 = tpu.memref_slice %arg3[%mul3A_2, %dma_start3A_41] : memref<1250x128xi32, #tpu.memory_space<hbm>> -> memref<39x128xi32, #tpu.memory_space<hbm>>
      %dma_start3A_43 = arith.constant 0 : i32
      %dma_start3A_44 = arith.constant 0 : i32
      %dma_start3A_45 = tpu.memref_slice %arg5[%dma_start3A_43, %dma_start3A_44] : memref<40x128xi32, #tpu.memory_space<vmem>> -> memref<39x128xi32, #tpu.memory_space<vmem>>
      %dma_start3A_46 = arith.constant 0 : i32
      %dma_start3A_47 = tpu.memref_slice %arg3[%mul3A_2, %dma_start3A_46] : memref<1250x128xi32, #tpu.memory_space<hbm>> -> memref<39x128xi32, #tpu.memory_space<hbm>>
      tpu.enqueue_dma source(%dma_start3A_47 : memref<39x128xi32, #tpu.memory_space<hbm>>) target(%dma_start3A_45 : memref<39x128xi32, #tpu.memory_space<vmem>>) target_semaphore(%run_scoped3A : memref<!tpu.dma_semaphore, #tpu.memory_space<semaphore_mem>>)
      %dma_wait3A = arith.constant 0 : i32
      %dma_wait3A_48 = arith.constant 0 : i32
      %dma_wait3A_49 = tpu.memref_slice %arg5[%dma_wait3A, %dma_wait3A_48] : memref<40x128xi32, #tpu.memory_space<vmem>> -> memref<39x128xi32, #tpu.memory_space<vmem>>
      %dma_wait3A_50 = arith.constant 0 : i32
      %dma_wait3A_51 = tpu.memref_slice %arg3[%mul3A_2, %dma_wait3A_50] : memref<1250x128xi32, #tpu.memory_space<hbm>> -> memref<39x128xi32, #tpu.memory_space<hbm>>
      %dma_wait3A_52 = arith.constant 0 : i32
      %dma_wait3A_53 = arith.constant 0 : i32
      %dma_wait3A_54 = tpu.memref_slice %arg5[%dma_wait3A_52, %dma_wait3A_53] : memref<40x128xi32, #tpu.memory_space<vmem>> -> memref<39x128xi32, #tpu.memory_space<vmem>>
      %dma_wait3A_55 = arith.constant 0 : i32
      %dma_wait3A_56 = tpu.memref_slice %arg3[%mul3A_2, %dma_wait3A_55] : memref<1250x128xi32, #tpu.memory_space<hbm>> -> memref<39x128xi32, #tpu.memory_space<hbm>>
      tpu.wait_dma2 semaphore(%run_scoped3A : memref<!tpu.dma_semaphore, #tpu.memory_space<semaphore_mem>>) src(%dma_wait3A_56 : memref<39x128xi32, #tpu.memory_space<hbm>>) dst(%dma_wait3A_54 : memref<39x128xi32, #tpu.memory_space<vmem>>)
      tpu.yield
    }) : () -> ()
    %barrier3A = arith.constant 0 : index
    tpu.barrier barrier_id(%barrier3A)
    %mul3A_11 = arith.constant 128 : i32
    %mul3A_12 = arith.muli %mul3A_2, %mul3A_11 : i32
    %dma_start3A = arith.constant 0 : i32
    %dma_start3A_13 = arith.constant 0 : i32
    %dma_start3A_14 = arith.constant 0 : i32
    %dma_start3A_15 = tpu.memref_slice %arg6[%dma_start3A, %dma_start3A_13, %dma_start3A_14] : memref<2x384x16xf32, #tpu.memory_space<vmem>> -> memref<1x384x16xf32, #tpu.memory_space<vmem>>
    %dma_start3A_16 = tpu.memref_squeeze %dma_start3A_15 : memref<1x384x16xf32, #tpu.memory_space<vmem>> -> memref<384x16xf32, #tpu.memory_space<vmem>>
    %dma_start3A_17 = arith.constant 0 : i32
    %dma_start3A_18 = tpu.memref_slice %arg2[%mul3A_12, %dma_start3A_17] : memref<160000x16xf32, #tpu.memory_space<hbm>> -> memref<384x16xf32, #tpu.memory_space<hbm>>
    %dma_start3A_19 = arith.constant 0 : i32
    %dma_start3A_20 = arith.constant 0 : i32
    %dma_start3A_21 = tpu.memref_slice %arg6[%dma_start3A, %dma_start3A_19, %dma_start3A_20] : memref<2x384x16xf32, #tpu.memory_space<vmem>> -> memref<1x384x16xf32, #tpu.memory_space<vmem>>
    %dma_start3A_22 = tpu.memref_squeeze %dma_start3A_21 : memref<1x384x16xf32, #tpu.memory_space<vmem>> -> memref<384x16xf32, #tpu.memory_space<vmem>>
    %dma_start3A_23 = arith.constant 0 : i32
    %dma_start3A_24 = tpu.memref_slice %arg2[%mul3A_12, %dma_start3A_23] : memref<160000x16xf32, #tpu.memory_space<hbm>> -> memref<384x16xf32, #tpu.memory_space<hbm>>
    tpu.enqueue_dma source(%dma_start3A_24 : memref<384x16xf32, #tpu.memory_space<hbm>>) target(%dma_start3A_22 : memref<384x16xf32, #tpu.memory_space<vmem>>) target_semaphore(%arg10 : memref<!tpu.dma_semaphore, #tpu.memory_space<semaphore_mem>>)
    %scan3A_25 = arith.constant 0 : i32
    %scan3A_26 = arith.constant 0 : i32
    %scan3A_27 = arith.constant 13 : i32
    %scan3A_28 = arith.addi %scan3A_26, %scan3A_27 : i32
    %scan3A_29 = arith.constant 1 : i32
    scf.for %scan3A_38 = %scan3A_26 to %scan3A_28 step %scan3A_29  : i32 {
      %rem3A = arith.constant 2 : i32
      %rem3A_39 = arith.remsi %scan3A_38, %rem3A : i32
      %dma_wait3A = arith.constant 0 : i32
      %dma_wait3A_40 = arith.constant 0 : i32
      %dma_wait3A_41 = tpu.memref_slice %arg6[%rem3A_39, %dma_wait3A, %dma_wait3A_40] : memref<2x384x16xf32, #tpu.memory_space<vmem>> -> memref<1x384x16xf32, #tpu.memory_space<vmem>>
      %dma_wait3A_42 = tpu.memref_squeeze %dma_wait3A_41 : memref<1x384x16xf32, #tpu.memory_space<vmem>> -> memref<384x16xf32, #tpu.memory_space<vmem>>
      %dma_wait3A_43 = arith.constant 0 : i32
      %dma_wait3A_44 = arith.constant 0 : i32
      %dma_wait3A_45 = tpu.memref_slice %arg2[%dma_wait3A_43, %dma_wait3A_44] : memref<160000x16xf32, #tpu.memory_space<hbm>> -> memref<384x16xf32, #tpu.memory_space<hbm>>
      %dma_wait3A_46 = arith.constant 0 : i32
      %dma_wait3A_47 = arith.constant 0 : i32
      %dma_wait3A_48 = tpu.memref_slice %arg6[%rem3A_39, %dma_wait3A_46, %dma_wait3A_47] : memref<2x384x16xf32, #tpu.memory_space<vmem>> -> memref<1x384x16xf32, #tpu.memory_space<vmem>>
      %dma_wait3A_49 = tpu.memref_squeeze %dma_wait3A_48 : memref<1x384x16xf32, #tpu.memory_space<vmem>> -> memref<384x16xf32, #tpu.memory_space<vmem>>
      %dma_wait3A_50 = arith.constant 0 : i32
      %dma_wait3A_51 = arith.constant 0 : i32
      %dma_wait3A_52 = tpu.memref_slice %arg2[%dma_wait3A_50, %dma_wait3A_51] : memref<160000x16xf32, #tpu.memory_space<hbm>> -> memref<384x16xf32, #tpu.memory_space<hbm>>
      tpu.wait_dma2 semaphore(%arg10 : memref<!tpu.dma_semaphore, #tpu.memory_space<semaphore_mem>>) src(%dma_wait3A_52 : memref<384x16xf32, #tpu.memory_space<hbm>>) dst(%dma_wait3A_49 : memref<384x16xf32, #tpu.memory_space<vmem>>)
      %lt3A_53 = arith.constant 12 : i32
      %lt3A_54 = arith.cmpi slt, %scan3A_38, %lt3A_53 : i32
      %convert_element_type3A_55 = arith.extui %lt3A_54 : i1 to i32
      %cond3A_56 = arith.constant 0 : i32
      %cond3A_57 = arith.cmpi ne, %convert_element_type3A_55, %cond3A_56 : i32
      scf.if %cond3A_57 {
        %add3A_70 = arith.constant 1 : i32
        %add3A_71 = arith.addi %scan3A_38, %add3A_70 : i32
        %mul3A_72 = arith.constant 3 : i32
        %mul3A_73 = arith.muli %add3A_71, %mul3A_72 : i32
        %add3A_74 = arith.addi %mul3A_2, %mul3A_73 : i32
        %mul3A_75 = arith.constant 128 : i32
        %mul3A_76 = arith.muli %add3A_74, %mul3A_75 : i32
        %sub3A = arith.constant 1 : i32
        %sub3A_77 = arith.subi %sub3A, %rem3A_39 : i32
        %dma_start3A_78 = arith.constant 0 : i32
        %dma_start3A_79 = arith.constant 0 : i32
        %dma_start3A_80 = tpu.memref_slice %arg6[%sub3A_77, %dma_start3A_78, %dma_start3A_79] : memref<2x384x16xf32, #tpu.memory_space<vmem>> -> memref<1x384x16xf32, #tpu.memory_space<vmem>>
        %dma_start3A_81 = tpu.memref_squeeze %dma_start3A_80 : memref<1x384x16xf32, #tpu.memory_space<vmem>> -> memref<384x16xf32, #tpu.memory_space<vmem>>
        %dma_start3A_82 = arith.constant 0 : i32
        %dma_start3A_83 = tpu.memref_slice %arg2[%mul3A_76, %dma_start3A_82] : memref<160000x16xf32, #tpu.memory_space<hbm>> -> memref<384x16xf32, #tpu.memory_space<hbm>>
        %dma_start3A_84 = arith.constant 0 : i32
        %dma_start3A_85 = arith.constant 0 : i32
        %dma_start3A_86 = tpu.memref_slice %arg6[%sub3A_77, %dma_start3A_84, %dma_start3A_85] : memref<2x384x16xf32, #tpu.memory_space<vmem>> -> memref<1x384x16xf32, #tpu.memory_space<vmem>>
        %dma_start3A_87 = tpu.memref_squeeze %dma_start3A_86 : memref<1x384x16xf32, #tpu.memory_space<vmem>> -> memref<384x16xf32, #tpu.memory_space<vmem>>
        %dma_start3A_88 = arith.constant 0 : i32
        %dma_start3A_89 = tpu.memref_slice %arg2[%mul3A_76, %dma_start3A_88] : memref<160000x16xf32, #tpu.memory_space<hbm>> -> memref<384x16xf32, #tpu.memory_space<hbm>>
        tpu.enqueue_dma source(%dma_start3A_89 : memref<384x16xf32, #tpu.memory_space<hbm>>) target(%dma_start3A_87 : memref<384x16xf32, #tpu.memory_space<vmem>>) target_semaphore(%arg10 : memref<!tpu.dma_semaphore, #tpu.memory_space<semaphore_mem>>)
      } else {
      }
      %mul3A_58 = arith.constant 3 : i32
      %mul3A_59 = arith.muli %scan3A_38, %mul3A_58 : i32
      %add3A_60 = arith.constant 0 : i32
      %add3A_61 = arith.addi %mul3A_59, %add3A_60 : i32
      "tpu.region"() ({
        %run_scoped3A = tpu.sem_alloc : memref<!tpu.dma_semaphore, #tpu.memory_space<semaphore_mem>>
        %dma_start3A_70 = arith.constant 0 : i32
        %dma_start3A_71 = arith.constant 0 : i32
        %dma_start3A_72 = tpu.memref_slice %arg6[%rem3A_39, %dma_start3A_70, %dma_start3A_71] : memref<2x384x16xf32, #tpu.memory_space<vmem>> -> memref<1x128x16xf32, #tpu.memory_space<vmem>>
        %dma_start3A_73 = tpu.memref_squeeze %dma_start3A_72 : memref<1x128x16xf32, #tpu.memory_space<vmem>> -> memref<128x16xf32, #tpu.memory_space<vmem>>
        %dma_start3A_74 = arith.constant 0 : i32
        %dma_start3A_75 = tpu.memref_slice %arg5[%add3A_61, %dma_start3A_74] : memref<40x128xi32, #tpu.memory_space<vmem>> -> memref<1x128xi32, #tpu.memory_space<vmem>>
        %dma_start3A_76 = tpu.memref_squeeze %dma_start3A_75 : memref<1x128xi32, #tpu.memory_space<vmem>> -> memref<128xi32, #tpu.memory_space<vmem>>
        %dma_start3A_77 = arith.constant 0 : i32
        %dma_start3A_78 = arith.constant 0 : i32
        %dma_start3A_79 = tpu.memref_slice %arg9[%dma_start3A_77, %dma_start3A_78] : memref<10000x16xf32, #tpu.memory_space<vmem_shared>> -> memref<10000x16xf32, #tpu.memory_space<vmem_shared>>
        tpu.enqueue_indirect_dma source(%dma_start3A_73 : memref<128x16xf32, #tpu.memory_space<vmem>>) target(%dma_start3A_79 : memref<10000x16xf32, #tpu.memory_space<vmem_shared>>) offsets(%dma_start3A_76 : memref<128xi32, #tpu.memory_space<vmem>>) semaphore(%run_scoped3A : memref<!tpu.dma_semaphore, #tpu.memory_space<semaphore_mem>>) {add = true}
        %dma_wait3A_80 = arith.constant 0 : i32
        %dma_wait3A_81 = arith.constant 0 : i32
        %dma_wait3A_82 = tpu.memref_slice %arg6[%rem3A_39, %dma_wait3A_80, %dma_wait3A_81] : memref<2x384x16xf32, #tpu.memory_space<vmem>> -> memref<1x128x16xf32, #tpu.memory_space<vmem>>
        %dma_wait3A_83 = tpu.memref_squeeze %dma_wait3A_82 : memref<1x128x16xf32, #tpu.memory_space<vmem>> -> memref<128x16xf32, #tpu.memory_space<vmem>>
        %dma_wait3A_84 = arith.constant 0 : i32
        %dma_wait3A_85 = tpu.memref_slice %arg5[%add3A_61, %dma_wait3A_84] : memref<40x128xi32, #tpu.memory_space<vmem>> -> memref<1x128xi32, #tpu.memory_space<vmem>>
        %dma_wait3A_86 = tpu.memref_squeeze %dma_wait3A_85 : memref<1x128xi32, #tpu.memory_space<vmem>> -> memref<128xi32, #tpu.memory_space<vmem>>
        %dma_wait3A_87 = arith.constant 0 : i32
        %dma_wait3A_88 = arith.constant 0 : i32
        %dma_wait3A_89 = tpu.memref_slice %arg9[%dma_wait3A_87, %dma_wait3A_88] : memref<10000x16xf32, #tpu.memory_space<vmem_shared>> -> memref<10000x16xf32, #tpu.memory_space<vmem_shared>>
        tpu.wait_indirect_dma semaphore(%run_scoped3A : memref<!tpu.dma_semaphore, #tpu.memory_space<semaphore_mem>>) src(%dma_wait3A_83 : memref<128x16xf32, #tpu.memory_space<vmem>>) dst(%dma_wait3A_89 : memref<10000x16xf32, #tpu.memory_space<vmem_shared>>)
        tpu.yield
      }) : () -> ()
      %mul3A_62 = arith.constant 3 : i32
      %mul3A_63 = arith.muli %scan3A_38, %mul3A_62 : i32
      %add3A_64 = arith.constant 1 : i32
      %add3A_65 = arith.addi %mul3A_63, %add3A_64 : i32
      "tpu.region"() ({
        %run_scoped3A = tpu.sem_alloc : memref<!tpu.dma_semaphore, #tpu.memory_space<semaphore_mem>>
        %dma_start3A_70 = arith.constant 128 : i32
        %dma_start3A_71 = arith.constant 0 : i32
        %dma_start3A_72 = tpu.memref_slice %arg6[%rem3A_39, %dma_start3A_70, %dma_start3A_71] : memref<2x384x16xf32, #tpu.memory_space<vmem>> -> memref<1x128x16xf32, #tpu.memory_space<vmem>>
        %dma_start3A_73 = tpu.memref_squeeze %dma_start3A_72 : memref<1x128x16xf32, #tpu.memory_space<vmem>> -> memref<128x16xf32, #tpu.memory_space<vmem>>
        %dma_start3A_74 = arith.constant 0 : i32
        %dma_start3A_75 = tpu.memref_slice %arg5[%add3A_65, %dma_start3A_74] : memref<40x128xi32, #tpu.memory_space<vmem>> -> memref<1x128xi32, #tpu.memory_space<vmem>>
        %dma_start3A_76 = tpu.memref_squeeze %dma_start3A_75 : memref<1x128xi32, #tpu.memory_space<vmem>> -> memref<128xi32, #tpu.memory_space<vmem>>
        %dma_start3A_77 = arith.constant 0 : i32
        %dma_start3A_78 = arith.constant 0 : i32
        %dma_start3A_79 = tpu.memref_slice %arg9[%dma_start3A_77, %dma_start3A_78] : memref<10000x16xf32, #tpu.memory_space<vmem_shared>> -> memref<10000x16xf32, #tpu.memory_space<vmem_shared>>
        tpu.enqueue_indirect_dma source(%dma_start3A_73 : memref<128x16xf32, #tpu.memory_space<vmem>>) target(%dma_start3A_79 : memref<10000x16xf32, #tpu.memory_space<vmem_shared>>) offsets(%dma_start3A_76 : memref<128xi32, #tpu.memory_space<vmem>>) semaphore(%run_scoped3A : memref<!tpu.dma_semaphore, #tpu.memory_space<semaphore_mem>>) {add = true}
        %dma_wait3A_80 = arith.constant 128 : i32
        %dma_wait3A_81 = arith.constant 0 : i32
        %dma_wait3A_82 = tpu.memref_slice %arg6[%rem3A_39, %dma_wait3A_80, %dma_wait3A_81] : memref<2x384x16xf32, #tpu.memory_space<vmem>> -> memref<1x128x16xf32, #tpu.memory_space<vmem>>
        %dma_wait3A_83 = tpu.memref_squeeze %dma_wait3A_82 : memref<1x128x16xf32, #tpu.memory_space<vmem>> -> memref<128x16xf32, #tpu.memory_space<vmem>>
        %dma_wait3A_84 = arith.constant 0 : i32
        %dma_wait3A_85 = tpu.memref_slice %arg5[%add3A_65, %dma_wait3A_84] : memref<40x128xi32, #tpu.memory_space<vmem>> -> memref<1x128xi32, #tpu.memory_space<vmem>>
        %dma_wait3A_86 = tpu.memref_squeeze %dma_wait3A_85 : memref<1x128xi32, #tpu.memory_space<vmem>> -> memref<128xi32, #tpu.memory_space<vmem>>
        %dma_wait3A_87 = arith.constant 0 : i32
        %dma_wait3A_88 = arith.constant 0 : i32
        %dma_wait3A_89 = tpu.memref_slice %arg9[%dma_wait3A_87, %dma_wait3A_88] : memref<10000x16xf32, #tpu.memory_space<vmem_shared>> -> memref<10000x16xf32, #tpu.memory_space<vmem_shared>>
        tpu.wait_indirect_dma semaphore(%run_scoped3A : memref<!tpu.dma_semaphore, #tpu.memory_space<semaphore_mem>>) src(%dma_wait3A_83 : memref<128x16xf32, #tpu.memory_space<vmem>>) dst(%dma_wait3A_89 : memref<10000x16xf32, #tpu.memory_space<vmem_shared>>)
        tpu.yield
      }) : () -> ()
      %mul3A_66 = arith.constant 3 : i32
      %mul3A_67 = arith.muli %scan3A_38, %mul3A_66 : i32
      %add3A_68 = arith.constant 2 : i32
      %add3A_69 = arith.addi %mul3A_67, %add3A_68 : i32
      "tpu.region"() ({
        %run_scoped3A = tpu.sem_alloc : memref<!tpu.dma_semaphore, #tpu.memory_space<semaphore_mem>>
        %dma_start3A_70 = arith.constant 256 : i32
        %dma_start3A_71 = arith.constant 0 : i32
        %dma_start3A_72 = tpu.memref_slice %arg6[%rem3A_39, %dma_start3A_70, %dma_start3A_71] : memref<2x384x16xf32, #tpu.memory_space<vmem>> -> memref<1x128x16xf32, #tpu.memory_space<vmem>>
        %dma_start3A_73 = tpu.memref_squeeze %dma_start3A_72 : memref<1x128x16xf32, #tpu.memory_space<vmem>> -> memref<128x16xf32, #tpu.memory_space<vmem>>
        %dma_start3A_74 = arith.constant 0 : i32
        %dma_start3A_75 = tpu.memref_slice %arg5[%add3A_69, %dma_start3A_74] : memref<40x128xi32, #tpu.memory_space<vmem>> -> memref<1x128xi32, #tpu.memory_space<vmem>>
        %dma_start3A_76 = tpu.memref_squeeze %dma_start3A_75 : memref<1x128xi32, #tpu.memory_space<vmem>> -> memref<128xi32, #tpu.memory_space<vmem>>
        %dma_start3A_77 = arith.constant 0 : i32
        %dma_start3A_78 = arith.constant 0 : i32
        %dma_start3A_79 = tpu.memref_slice %arg9[%dma_start3A_77, %dma_start3A_78] : memref<10000x16xf32, #tpu.memory_space<vmem_shared>> -> memref<10000x16xf32, #tpu.memory_space<vmem_shared>>
        tpu.enqueue_indirect_dma source(%dma_start3A_73 : memref<128x16xf32, #tpu.memory_space<vmem>>) target(%dma_start3A_79 : memref<10000x16xf32, #tpu.memory_space<vmem_shared>>) offsets(%dma_start3A_76 : memref<128xi32, #tpu.memory_space<vmem>>) semaphore(%run_scoped3A : memref<!tpu.dma_semaphore, #tpu.memory_space<semaphore_mem>>) {add = true}
        %dma_wait3A_80 = arith.constant 256 : i32
        %dma_wait3A_81 = arith.constant 0 : i32
        %dma_wait3A_82 = tpu.memref_slice %arg6[%rem3A_39, %dma_wait3A_80, %dma_wait3A_81] : memref<2x384x16xf32, #tpu.memory_space<vmem>> -> memref<1x128x16xf32, #tpu.memory_space<vmem>>
        %dma_wait3A_83 = tpu.memref_squeeze %dma_wait3A_82 : memref<1x128x16xf32, #tpu.memory_space<vmem>> -> memref<128x16xf32, #tpu.memory_space<vmem>>
        %dma_wait3A_84 = arith.constant 0 : i32
        %dma_wait3A_85 = tpu.memref_slice %arg5[%add3A_69, %dma_wait3A_84] : memref<40x128xi32, #tpu.memory_space<vmem>> -> memref<1x128xi32, #tpu.memory_space<vmem>>
        %dma_wait3A_86 = tpu.memref_squeeze %dma_wait3A_85 : memref<1x128xi32, #tpu.memory_space<vmem>> -> memref<128xi32, #tpu.memory_space<vmem>>
        %dma_wait3A_87 = arith.constant 0 : i32
        %dma_wait3A_88 = arith.constant 0 : i32
        %dma_wait3A_89 = tpu.memref_slice %arg9[%dma_wait3A_87, %dma_wait3A_88] : memref<10000x16xf32, #tpu.memory_space<vmem_shared>> -> memref<10000x16xf32, #tpu.memory_space<vmem_shared>>
        tpu.wait_indirect_dma semaphore(%run_scoped3A : memref<!tpu.dma_semaphore, #tpu.memory_space<semaphore_mem>>) src(%dma_wait3A_83 : memref<128x16xf32, #tpu.memory_space<vmem>>) dst(%dma_wait3A_89 : memref<10000x16xf32, #tpu.memory_space<vmem_shared>>)
        tpu.yield
      }) : () -> ()
    }
    %scan3A_30 = arith.constant 13 : i32
    %lt3A = arith.constant 2 : i32
    %lt3A_31 = arith.cmpi slt, %add3A, %lt3A : i32
    %convert_element_type3A = arith.extui %lt3A_31 : i1 to i32
    %cond3A = arith.constant 0 : i32
    %cond3A_32 = arith.cmpi ne, %convert_element_type3A, %cond3A : i32
    scf.if %cond3A_32 {
      %add3A_38 = arith.constant 1248 : i32
      %add3A_39 = arith.addi %add3A_38, %add3A : i32
      %run_scoped3A = arith.constant 39 : i32
      "tpu.region"() ({
        %run_scoped3A_43 = tpu.sem_alloc : memref<!tpu.dma_semaphore, #tpu.memory_space<semaphore_mem>>
        %dma_start3A_44 = arith.constant 0 : i32
        %dma_start3A_45 = tpu.memref_slice %arg5[%run_scoped3A, %dma_start3A_44] : memref<40x128xi32, #tpu.memory_space<vmem>> -> memref<1x128xi32, #tpu.memory_space<vmem>>
        %dma_start3A_46 = tpu.memref_squeeze %dma_start3A_45 : memref<1x128xi32, #tpu.memory_space<vmem>> -> memref<128xi32, #tpu.memory_space<vmem>>
        %dma_start3A_47 = arith.constant 0 : i32
        %dma_start3A_48 = tpu.memref_slice %arg3[%add3A_39, %dma_start3A_47] : memref<1250x128xi32, #tpu.memory_space<hbm>> -> memref<1x128xi32, #tpu.memory_space<hbm>>
        %dma_start3A_49 = tpu.memref_squeeze %dma_start3A_48 : memref<1x128xi32, #tpu.memory_space<hbm>> -> memref<128xi32, #tpu.memory_space<hbm>>
        %dma_start3A_50 = arith.constant 0 : i32
        %dma_start3A_51 = tpu.memref_slice %arg5[%run_scoped3A, %dma_start3A_50] : memref<40x128xi32, #tpu.memory_space<vmem>> -> memref<1x128xi32, #tpu.memory_space<vmem>>
        %dma_start3A_52 = tpu.memref_squeeze %dma_start3A_51 : memref<1x128xi32, #tpu.memory_space<vmem>> -> memref<128xi32, #tpu.memory_space<vmem>>
        %dma_start3A_53 = arith.constant 0 : i32
        %dma_start3A_54 = tpu.memref_slice %arg3[%add3A_39, %dma_start3A_53] : memref<1250x128xi32, #tpu.memory_space<hbm>> -> memref<1x128xi32, #tpu.memory_space<hbm>>
        %dma_start3A_55 = tpu.memref_squeeze %dma_start3A_54 : memref<1x128xi32, #tpu.memory_space<hbm>> -> memref<128xi32, #tpu.memory_space<hbm>>
        tpu.enqueue_dma source(%dma_start3A_55 : memref<128xi32, #tpu.memory_space<hbm>>) target(%dma_start3A_52 : memref<128xi32, #tpu.memory_space<vmem>>) target_semaphore(%run_scoped3A_43 : memref<!tpu.dma_semaphore, #tpu.memory_space<semaphore_mem>>)
        %dma_wait3A = arith.constant 0 : i32
        %dma_wait3A_56 = tpu.memref_slice %arg5[%run_scoped3A, %dma_wait3A] : memref<40x128xi32, #tpu.memory_space<vmem>> -> memref<1x128xi32, #tpu.memory_space<vmem>>
        %dma_wait3A_57 = tpu.memref_squeeze %dma_wait3A_56 : memref<1x128xi32, #tpu.memory_space<vmem>> -> memref<128xi32, #tpu.memory_space<vmem>>
        %dma_wait3A_58 = arith.constant 0 : i32
        %dma_wait3A_59 = tpu.memref_slice %arg3[%add3A_39, %dma_wait3A_58] : memref<1250x128xi32, #tpu.memory_space<hbm>> -> memref<1x128xi32, #tpu.memory_space<hbm>>
        %dma_wait3A_60 = tpu.memref_squeeze %dma_wait3A_59 : memref<1x128xi32, #tpu.memory_space<hbm>> -> memref<128xi32, #tpu.memory_space<hbm>>
        %dma_wait3A_61 = arith.constant 0 : i32
        %dma_wait3A_62 = tpu.memref_slice %arg5[%run_scoped3A, %dma_wait3A_61] : memref<40x128xi32, #tpu.memory_space<vmem>> -> memref<1x128xi32, #tpu.memory_space<vmem>>
        %dma_wait3A_63 = tpu.memref_squeeze %dma_wait3A_62 : memref<1x128xi32, #tpu.memory_space<vmem>> -> memref<128xi32, #tpu.memory_space<vmem>>
        %dma_wait3A_64 = arith.constant 0 : i32
        %dma_wait3A_65 = tpu.memref_slice %arg3[%add3A_39, %dma_wait3A_64] : memref<1250x128xi32, #tpu.memory_space<hbm>> -> memref<1x128xi32, #tpu.memory_space<hbm>>
        %dma_wait3A_66 = tpu.memref_squeeze %dma_wait3A_65 : memref<1x128xi32, #tpu.memory_space<hbm>> -> memref<128xi32, #tpu.memory_space<hbm>>
        tpu.wait_dma2 semaphore(%run_scoped3A_43 : memref<!tpu.dma_semaphore, #tpu.memory_space<semaphore_mem>>) src(%dma_wait3A_66 : memref<128xi32, #tpu.memory_space<hbm>>) dst(%dma_wait3A_63 : memref<128xi32, #tpu.memory_space<vmem>>)
        tpu.yield
      }) : () -> ()
      %mul3A_40 = arith.constant 128 : i32
      %mul3A_41 = arith.muli %add3A_39, %mul3A_40 : i32
      "tpu.region"() ({
        %run_scoped3A_43 = tpu.sem_alloc : memref<!tpu.dma_semaphore, #tpu.memory_space<semaphore_mem>>
        %dma_start3A_44 = arith.constant 0 : i32
        %dma_start3A_45 = tpu.memref_slice %arg2[%mul3A_41, %dma_start3A_44] : memref<160000x16xf32, #tpu.memory_space<hbm>> -> memref<128x16xf32, #tpu.memory_space<hbm>>
        %dma_start3A_46 = arith.constant 0 : i32
        %dma_start3A_47 = tpu.memref_slice %arg2[%mul3A_41, %dma_start3A_46] : memref<160000x16xf32, #tpu.memory_space<hbm>> -> memref<128x16xf32, #tpu.memory_space<hbm>>
        tpu.enqueue_dma source(%dma_start3A_47 : memref<128x16xf32, #tpu.memory_space<hbm>>) target(%arg7 : memref<128x16xf32, #tpu.memory_space<vmem>>) target_semaphore(%run_scoped3A_43 : memref<!tpu.dma_semaphore, #tpu.memory_space<semaphore_mem>>)
        %dma_wait3A = arith.constant 0 : i32
        %dma_wait3A_48 = tpu.memref_slice %arg2[%mul3A_41, %dma_wait3A] : memref<160000x16xf32, #tpu.memory_space<hbm>> -> memref<128x16xf32, #tpu.memory_space<hbm>>
        %dma_wait3A_49 = arith.constant 0 : i32
        %dma_wait3A_50 = tpu.memref_slice %arg2[%mul3A_41, %dma_wait3A_49] : memref<160000x16xf32, #tpu.memory_space<hbm>> -> memref<128x16xf32, #tpu.memory_space<hbm>>
        tpu.wait_dma2 semaphore(%run_scoped3A_43 : memref<!tpu.dma_semaphore, #tpu.memory_space<semaphore_mem>>) src(%dma_wait3A_50 : memref<128x16xf32, #tpu.memory_space<hbm>>) dst(%arg7 : memref<128x16xf32, #tpu.memory_space<vmem>>)
        tpu.yield
      }) : () -> ()
      %run_scoped3A_42 = arith.constant 39 : i32
      "tpu.region"() ({
        %run_scoped3A_43 = tpu.sem_alloc : memref<!tpu.dma_semaphore, #tpu.memory_space<semaphore_mem>>
        %dma_start3A_44 = arith.constant 0 : i32
        %dma_start3A_45 = tpu.memref_slice %arg5[%run_scoped3A_42, %dma_start3A_44] : memref<40x128xi32, #tpu.memory_space<vmem>> -> memref<1x128xi32, #tpu.memory_space<vmem>>
        %dma_start3A_46 = tpu.memref_squeeze %dma_start3A_45 : memref<1x128xi32, #tpu.memory_space<vmem>> -> memref<128xi32, #tpu.memory_space<vmem>>
        %dma_start3A_47 = arith.constant 0 : i32
        %dma_start3A_48 = arith.constant 0 : i32
        %dma_start3A_49 = tpu.memref_slice %arg9[%dma_start3A_47, %dma_start3A_48] : memref<10000x16xf32, #tpu.memory_space<vmem_shared>> -> memref<10000x16xf32, #tpu.memory_space<vmem_shared>>
        tpu.enqueue_indirect_dma source(%arg7 : memref<128x16xf32, #tpu.memory_space<vmem>>) target(%dma_start3A_49 : memref<10000x16xf32, #tpu.memory_space<vmem_shared>>) offsets(%dma_start3A_46 : memref<128xi32, #tpu.memory_space<vmem>>) semaphore(%run_scoped3A_43 : memref<!tpu.dma_semaphore, #tpu.memory_space<semaphore_mem>>) {add = true}
        %dma_wait3A = arith.constant 0 : i32
        %dma_wait3A_50 = tpu.memref_slice %arg5[%run_scoped3A_42, %dma_wait3A] : memref<40x128xi32, #tpu.memory_space<vmem>> -> memref<1x128xi32, #tpu.memory_space<vmem>>
        %dma_wait3A_51 = tpu.memref_squeeze %dma_wait3A_50 : memref<1x128xi32, #tpu.memory_space<vmem>> -> memref<128xi32, #tpu.memory_space<vmem>>
        %dma_wait3A_52 = arith.constant 0 : i32
        %dma_wait3A_53 = arith.constant 0 : i32
        %dma_wait3A_54 = tpu.memref_slice %arg9[%dma_wait3A_52, %dma_wait3A_53] : memref<10000x16xf32, #tpu.memory_space<vmem_shared>> -> memref<10000x16xf32, #tpu.memory_space<vmem_shared>>
        tpu.wait_indirect_dma semaphore(%run_scoped3A_43 : memref<!tpu.dma_semaphore, #tpu.memory_space<semaphore_mem>>) src(%arg7 : memref<128x16xf32, #tpu.memory_space<vmem>>) dst(%dma_wait3A_54 : memref<10000x16xf32, #tpu.memory_space<vmem_shared>>)
        tpu.yield
      }) : () -> ()
    } else {
    }
    %barrier3A_33 = arith.constant 0 : index
    tpu.barrier barrier_id(%barrier3A_33)
    %mul3A_34 = arith.constant 625 : i32
    %mul3A_35 = arith.muli %arg1, %mul3A_34 : i32
    %mul3A_36 = arith.constant 625 : i32
    %mul3A_37 = arith.muli %arg1, %mul3A_36 : i32
    "tpu.region"() ({
      %run_scoped3A = tpu.sem_alloc : memref<!tpu.dma_semaphore, #tpu.memory_space<semaphore_mem>>
      %dma_start3A_38 = arith.constant 0 : i32
      %dma_start3A_39 = tpu.memref_slice %arg4[%arg0, %mul3A_37, %dma_start3A_38] : memref<2x10000x16xf32, #tpu.memory_space<hbm>> -> memref<1x625x16xf32, #tpu.memory_space<hbm>>
      %dma_start3A_40 = tpu.memref_squeeze %dma_start3A_39 : memref<1x625x16xf32, #tpu.memory_space<hbm>> -> memref<625x16xf32, #tpu.memory_space<hbm>>
      %dma_start3A_41 = arith.constant 0 : i32
      %dma_start3A_42 = tpu.memref_slice %arg9[%mul3A_35, %dma_start3A_41] : memref<10000x16xf32, #tpu.memory_space<vmem_shared>> -> memref<625x16xf32, #tpu.memory_space<vmem_shared>>
      tpu.enqueue_dma source(%dma_start3A_42 : memref<625x16xf32, #tpu.memory_space<vmem_shared>>) target(%dma_start3A_40 : memref<625x16xf32, #tpu.memory_space<hbm>>) target_semaphore(%run_scoped3A : memref<!tpu.dma_semaphore, #tpu.memory_space<semaphore_mem>>)
      %dma_wait3A = arith.constant 0 : i32
      %dma_wait3A_43 = tpu.memref_slice %arg4[%arg0, %mul3A_37, %dma_wait3A] : memref<2x10000x16xf32, #tpu.memory_space<hbm>> -> memref<1x625x16xf32, #tpu.memory_space<hbm>>
      %dma_wait3A_44 = tpu.memref_squeeze %dma_wait3A_43 : memref<1x625x16xf32, #tpu.memory_space<hbm>> -> memref<625x16xf32, #tpu.memory_space<hbm>>
      %dma_wait3A_45 = arith.constant 0 : i32
      %dma_wait3A_46 = tpu.memref_slice %arg9[%mul3A_35, %dma_wait3A_45] : memref<10000x16xf32, #tpu.memory_space<vmem_shared>> -> memref<625x16xf32, #tpu.memory_space<vmem_shared>>
      tpu.wait_dma2 semaphore(%run_scoped3A : memref<!tpu.dma_semaphore, #tpu.memory_space<semaphore_mem>>) src(%dma_wait3A_46 : memref<625x16xf32, #tpu.memory_space<vmem_shared>>) dst(%dma_wait3A_44 : memref<625x16xf32, #tpu.memory_space<hbm>>)
      tpu.yield
    }) : () -> ()
    return
  }
}

module attributes {stable_mosaic.version = 14 : i64} {
  func.func @body(%arg0: i32, %arg1: memref<2000x128xf32, #tpu.memory_space<vmem>>, %arg2: memref<2000x128xf32, #tpu.memory_space<vmem>>, %arg3: memref<128x512xf32, #tpu.memory_space<vmem>>, %arg4: memref<1x512xf32, #tpu.memory_space<vmem>>, %arg5: memref<512x512xf32, #tpu.memory_space<vmem>>, %arg6: memref<1x512xf32, #tpu.memory_space<vmem>>, %arg7: memref<64x256xf32, #tpu.memory_space<vmem>>, %arg8: memref<1x2048xf32, #tpu.memory_space<vmem>>, %arg9: memref<128x2048xf32, #tpu.memory_space<vmem>>, %arg10: memref<2048x128xf32, #tpu.memory_space<vmem>>, %arg11: memref<2000x128xf32, #tpu.memory_space<vmem>>) attributes {dimension_semantics = [#tpu.dimension_semantics<arbitrary>], iteration_bounds = array<i64: 10>, scalar_prefetch = 0 : i64, scratch_operands = 0 : i64, tpu.core_type = #tpu.core_type<tc>, window_params = [{transform_indices = @transform_0, window_bounds = array<i64: 2000, 128>}, {transform_indices = @transform_1, window_bounds = array<i64: 2000, 128>}, {pipeline_mode = #tpu.pipeline_mode<synchronous>, transform_indices = @transform_2, window_bounds = array<i64: 128, 512>}, {pipeline_mode = #tpu.pipeline_mode<synchronous>, transform_indices = @transform_3, window_bounds = array<i64: 1, 512>}, {pipeline_mode = #tpu.pipeline_mode<synchronous>, transform_indices = @transform_4, window_bounds = array<i64: 512, 512>}, {pipeline_mode = #tpu.pipeline_mode<synchronous>, transform_indices = @transform_5, window_bounds = array<i64: 1, 512>}, {pipeline_mode = #tpu.pipeline_mode<synchronous>, transform_indices = @transform_6, window_bounds = array<i64: 64, 256>}, {pipeline_mode = #tpu.pipeline_mode<synchronous>, transform_indices = @transform_7, window_bounds = array<i64: 1, 2048>}, {pipeline_mode = #tpu.pipeline_mode<synchronous>, transform_indices = @transform_8, window_bounds = array<i64: 128, 2048>}, {pipeline_mode = #tpu.pipeline_mode<synchronous>, transform_indices = @transform_9, window_bounds = array<i64: 2048, 128>}, {transform_indices = @transform_10, window_bounds = array<i64: 2000, 128>}]} {
    %get3A = arith.constant 0 : index
    %get3A_0 = arith.constant 0 : index
    %get3A_1 = vector.load %arg1[%get3A, %get3A_0] : memref<2000x128xf32, #tpu.memory_space<vmem>>, vector<2000x128xf32>
    %get3A_2 = arith.constant 0 : index
    %get3A_3 = arith.constant 0 : index
    %get3A_4 = vector.load %arg3[%get3A_2, %get3A_3] : memref<128x512xf32, #tpu.memory_space<vmem>>, vector<128x512xf32>
    %dot_general3A = arith.constant dense<0.000000e+00> : vector<2000x512xf32>
    %dot_general3A_5 = tpu.matmul %get3A_1, %get3A_4, %dot_general3A {dimension_numbers = #tpu.dot_dimension_numbers<[1], [0], [0], [1], [0, 0, 1, 1], [], []>, transpose_lhs_hint = false} : vector<2000x128xf32>, vector<128x512xf32>, vector<2000x512xf32> -> vector<2000x512xf32>
    %get3A_6 = arith.constant 0 : index
    %get3A_7 = arith.constant 0 : index
    %get3A_8 = vector.load %arg4[%get3A_6, %get3A_7] : memref<1x512xf32, #tpu.memory_space<vmem>>, vector<1x512xf32>
    %add3A = vector.broadcast %get3A_8 : vector<1x512xf32> to vector<2000x512xf32>
    %add3A_9 = arith.addf %dot_general3A_5, %add3A : vector<2000x512xf32>
    %mul3A = arith.constant 5.000000e-01 : f32
    %mul3A_10 = vector.broadcast %mul3A : f32 to vector<2000x512xf32>
    %mul3A_11 = arith.mulf %mul3A_10, %add3A_9 : vector<2000x512xf32>
    %mul3A_12 = arith.constant 0.707106769 : f32
    %mul3A_13 = vector.broadcast %mul3A_12 : f32 to vector<2000x512xf32>
    %mul3A_14 = arith.mulf %add3A_9, %mul3A_13 : vector<2000x512xf32>
    %erf3A = math.erf %mul3A_14 : vector<2000x512xf32>
    %add3A_15 = arith.constant 1.000000e+00 : f32
    %add3A_16 = vector.broadcast %add3A_15 : f32 to vector<2000x512xf32>
    %add3A_17 = arith.addf %add3A_16, %erf3A : vector<2000x512xf32>
    %mul3A_18 = arith.mulf %mul3A_11, %add3A_17 : vector<2000x512xf32>
    %get3A_19 = arith.constant 0 : index
    %get3A_20 = arith.constant 0 : index
    %get3A_21 = vector.load %arg5[%get3A_19, %get3A_20] : memref<512x512xf32, #tpu.memory_space<vmem>>, vector<512x512xf32>
    %dot_general3A_22 = arith.constant dense<0.000000e+00> : vector<2000x512xf32>
    %dot_general3A_23 = tpu.matmul %mul3A_18, %get3A_21, %dot_general3A_22 {dimension_numbers = #tpu.dot_dimension_numbers<[1], [0], [0], [1], [0, 0, 1, 1], [], []>, transpose_lhs_hint = false} : vector<2000x512xf32>, vector<512x512xf32>, vector<2000x512xf32> -> vector<2000x512xf32>
    %get3A_24 = arith.constant 0 : index
    %get3A_25 = arith.constant 0 : index
    %get3A_26 = vector.load %arg6[%get3A_24, %get3A_25] : memref<1x512xf32, #tpu.memory_space<vmem>>, vector<1x512xf32>
    %add3A_27 = vector.broadcast %get3A_26 : vector<1x512xf32> to vector<2000x512xf32>
    %add3A_28 = arith.addf %dot_general3A_23, %add3A_27 : vector<2000x512xf32>
    %mul3A_29 = arith.constant 5.000000e-01 : f32
    %mul3A_30 = vector.broadcast %mul3A_29 : f32 to vector<2000x512xf32>
    %mul3A_31 = arith.mulf %mul3A_30, %add3A_28 : vector<2000x512xf32>
    %mul3A_32 = arith.constant 0.707106769 : f32
    %mul3A_33 = vector.broadcast %mul3A_32 : f32 to vector<2000x512xf32>
    %mul3A_34 = arith.mulf %add3A_28, %mul3A_33 : vector<2000x512xf32>
    %erf3A_35 = math.erf %mul3A_34 : vector<2000x512xf32>
    %add3A_36 = arith.constant 1.000000e+00 : f32
    %add3A_37 = vector.broadcast %add3A_36 : f32 to vector<2000x512xf32>
    %add3A_38 = arith.addf %add3A_37, %erf3A_35 : vector<2000x512xf32>
    %mul3A_39 = arith.mulf %mul3A_31, %add3A_38 : vector<2000x512xf32>
    %get3A_40 = arith.constant 0 : index
    %get3A_41 = arith.constant 0 : index
    %get3A_42 = vector.load %arg7[%get3A_40, %get3A_41] : memref<64x256xf32, #tpu.memory_space<vmem>>, vector<64x256xf32>
    %get3A_43 = arith.constant 0 : index
    %get3A_44 = arith.constant 0 : index
    %get3A_45 = vector.load %arg8[%get3A_43, %get3A_44] : memref<1x2048xf32, #tpu.memory_space<vmem>>, vector<1x2048xf32>
    %get3A_46 = arith.constant 0 : index
    %get3A_47 = arith.constant 0 : index
    %get3A_48 = vector.load %arg2[%get3A_46, %get3A_47] : memref<2000x128xf32, #tpu.memory_space<vmem>>, vector<2000x128xf32>
    %get3A_49 = arith.constant 0 : index
    %get3A_50 = arith.constant 0 : index
    %get3A_51 = vector.load %arg9[%get3A_49, %get3A_50] : memref<128x2048xf32, #tpu.memory_space<vmem>>, vector<128x2048xf32>
    %get3A_52 = arith.constant 0 : index
    %get3A_53 = arith.constant 0 : index
    %get3A_54 = vector.load %arg10[%get3A_52, %get3A_53] : memref<2048x128xf32, #tpu.memory_space<vmem>>, vector<2048x128xf32>
    %broadcast_in_dim3A = arith.constant 0.000000e+00 : f32
    %broadcast_in_dim3A_55 = vector.broadcast %broadcast_in_dim3A : f32 to vector<2000x128xf32>
    %slice3A = vector.extract_strided_slice %mul3A_39 {offsets = [0, 0], sizes = [2000, 64], strides = [1, 1]} : vector<2000x512xf32> to vector<2000x64xf32>
    %dot_general3A_56 = arith.constant dense<0.000000e+00> : vector<2000x256xf32>
    %dot_general3A_57 = tpu.matmul %slice3A, %get3A_42, %dot_general3A_56 {dimension_numbers = #tpu.dot_dimension_numbers<[1], [0], [0], [1], [0, 0, 1, 1], [], []>, transpose_lhs_hint = false} : vector<2000x64xf32>, vector<64x256xf32>, vector<2000x256xf32> -> vector<2000x256xf32>
    %slice3A_58 = vector.extract_strided_slice %get3A_45 {offsets = [0, 0], sizes = [1, 256], strides = [1, 1]} : vector<1x2048xf32> to vector<1x256xf32>
    %add3A_59 = vector.broadcast %slice3A_58 : vector<1x256xf32> to vector<2000x256xf32>
    %add3A_60 = arith.addf %dot_general3A_57, %add3A_59 : vector<2000x256xf32>
    %slice3A_61 = vector.extract_strided_slice %get3A_51 {offsets = [0, 0], sizes = [128, 256], strides = [1, 1]} : vector<128x2048xf32> to vector<128x256xf32>
    %dot_general3A_62 = arith.constant dense<0.000000e+00> : vector<2000x256xf32>
    %dot_general3A_63 = tpu.matmul %get3A_48, %slice3A_61, %dot_general3A_62 {dimension_numbers = #tpu.dot_dimension_numbers<[1], [0], [0], [1], [0, 0, 1, 1], [], []>, transpose_lhs_hint = false} : vector<2000x128xf32>, vector<128x256xf32>, vector<2000x256xf32> -> vector<2000x256xf32>
    %mul3A_64 = arith.mulf %dot_general3A_63, %add3A_60 : vector<2000x256xf32>
    %slice3A_65 = vector.extract_strided_slice %get3A_54 {offsets = [0, 0], sizes = [256, 128], strides = [1, 1]} : vector<2048x128xf32> to vector<256x128xf32>
    %dot_general3A_66 = arith.constant dense<0.000000e+00> : vector<2000x128xf32>
    %dot_general3A_67 = tpu.matmul %mul3A_64, %slice3A_65, %dot_general3A_66 {dimension_numbers = #tpu.dot_dimension_numbers<[1], [0], [0], [1], [0, 0, 1, 1], [], []>, transpose_lhs_hint = false} : vector<2000x256xf32>, vector<256x128xf32>, vector<2000x128xf32> -> vector<2000x128xf32>
    %add3A_68 = arith.addf %broadcast_in_dim3A_55, %dot_general3A_67 : vector<2000x128xf32>
    %slice3A_69 = vector.extract_strided_slice %mul3A_39 {offsets = [0, 64], sizes = [2000, 64], strides = [1, 1]} : vector<2000x512xf32> to vector<2000x64xf32>
    %dot_general3A_70 = arith.constant dense<0.000000e+00> : vector<2000x256xf32>
    %dot_general3A_71 = tpu.matmul %slice3A_69, %get3A_42, %dot_general3A_70 {dimension_numbers = #tpu.dot_dimension_numbers<[1], [0], [0], [1], [0, 0, 1, 1], [], []>, transpose_lhs_hint = false} : vector<2000x64xf32>, vector<64x256xf32>, vector<2000x256xf32> -> vector<2000x256xf32>
    %slice3A_72 = vector.extract_strided_slice %get3A_45 {offsets = [0, 256], sizes = [1, 256], strides = [1, 1]} : vector<1x2048xf32> to vector<1x256xf32>
    %add3A_73 = vector.broadcast %slice3A_72 : vector<1x256xf32> to vector<2000x256xf32>
    %add3A_74 = arith.addf %dot_general3A_71, %add3A_73 : vector<2000x256xf32>
    %slice3A_75 = vector.extract_strided_slice %get3A_51 {offsets = [0, 256], sizes = [128, 256], strides = [1, 1]} : vector<128x2048xf32> to vector<128x256xf32>
    %dot_general3A_76 = arith.constant dense<0.000000e+00> : vector<2000x256xf32>
    %dot_general3A_77 = tpu.matmul %get3A_48, %slice3A_75, %dot_general3A_76 {dimension_numbers = #tpu.dot_dimension_numbers<[1], [0], [0], [1], [0, 0, 1, 1], [], []>, transpose_lhs_hint = false} : vector<2000x128xf32>, vector<128x256xf32>, vector<2000x256xf32> -> vector<2000x256xf32>
    %mul3A_78 = arith.mulf %dot_general3A_77, %add3A_74 : vector<2000x256xf32>
    %slice3A_79 = vector.extract_strided_slice %get3A_54 {offsets = [256, 0], sizes = [256, 128], strides = [1, 1]} : vector<2048x128xf32> to vector<256x128xf32>
    %dot_general3A_80 = arith.constant dense<0.000000e+00> : vector<2000x128xf32>
    %dot_general3A_81 = tpu.matmul %mul3A_78, %slice3A_79, %dot_general3A_80 {dimension_numbers = #tpu.dot_dimension_numbers<[1], [0], [0], [1], [0, 0, 1, 1], [], []>, transpose_lhs_hint = false} : vector<2000x256xf32>, vector<256x128xf32>, vector<2000x128xf32> -> vector<2000x128xf32>
    %add3A_82 = arith.addf %add3A_68, %dot_general3A_81 : vector<2000x128xf32>
    %slice3A_83 = vector.extract_strided_slice %mul3A_39 {offsets = [0, 128], sizes = [2000, 64], strides = [1, 1]} : vector<2000x512xf32> to vector<2000x64xf32>
    %dot_general3A_84 = arith.constant dense<0.000000e+00> : vector<2000x256xf32>
    %dot_general3A_85 = tpu.matmul %slice3A_83, %get3A_42, %dot_general3A_84 {dimension_numbers = #tpu.dot_dimension_numbers<[1], [0], [0], [1], [0, 0, 1, 1], [], []>, transpose_lhs_hint = false} : vector<2000x64xf32>, vector<64x256xf32>, vector<2000x256xf32> -> vector<2000x256xf32>
    %slice3A_86 = vector.extract_strided_slice %get3A_45 {offsets = [0, 512], sizes = [1, 256], strides = [1, 1]} : vector<1x2048xf32> to vector<1x256xf32>
    %add3A_87 = vector.broadcast %slice3A_86 : vector<1x256xf32> to vector<2000x256xf32>
    %add3A_88 = arith.addf %dot_general3A_85, %add3A_87 : vector<2000x256xf32>
    %slice3A_89 = vector.extract_strided_slice %get3A_51 {offsets = [0, 512], sizes = [128, 256], strides = [1, 1]} : vector<128x2048xf32> to vector<128x256xf32>
    %dot_general3A_90 = arith.constant dense<0.000000e+00> : vector<2000x256xf32>
    %dot_general3A_91 = tpu.matmul %get3A_48, %slice3A_89, %dot_general3A_90 {dimension_numbers = #tpu.dot_dimension_numbers<[1], [0], [0], [1], [0, 0, 1, 1], [], []>, transpose_lhs_hint = false} : vector<2000x128xf32>, vector<128x256xf32>, vector<2000x256xf32> -> vector<2000x256xf32>
    %mul3A_92 = arith.mulf %dot_general3A_91, %add3A_88 : vector<2000x256xf32>
    %slice3A_93 = vector.extract_strided_slice %get3A_54 {offsets = [512, 0], sizes = [256, 128], strides = [1, 1]} : vector<2048x128xf32> to vector<256x128xf32>
    %dot_general3A_94 = arith.constant dense<0.000000e+00> : vector<2000x128xf32>
    %dot_general3A_95 = tpu.matmul %mul3A_92, %slice3A_93, %dot_general3A_94 {dimension_numbers = #tpu.dot_dimension_numbers<[1], [0], [0], [1], [0, 0, 1, 1], [], []>, transpose_lhs_hint = false} : vector<2000x256xf32>, vector<256x128xf32>, vector<2000x128xf32> -> vector<2000x128xf32>
    %add3A_96 = arith.addf %add3A_82, %dot_general3A_95 : vector<2000x128xf32>
    %slice3A_97 = vector.extract_strided_slice %mul3A_39 {offsets = [0, 192], sizes = [2000, 64], strides = [1, 1]} : vector<2000x512xf32> to vector<2000x64xf32>
    %dot_general3A_98 = arith.constant dense<0.000000e+00> : vector<2000x256xf32>
    %dot_general3A_99 = tpu.matmul %slice3A_97, %get3A_42, %dot_general3A_98 {dimension_numbers = #tpu.dot_dimension_numbers<[1], [0], [0], [1], [0, 0, 1, 1], [], []>, transpose_lhs_hint = false} : vector<2000x64xf32>, vector<64x256xf32>, vector<2000x256xf32> -> vector<2000x256xf32>
    %slice3A_100 = vector.extract_strided_slice %get3A_45 {offsets = [0, 768], sizes = [1, 256], strides = [1, 1]} : vector<1x2048xf32> to vector<1x256xf32>
    %add3A_101 = vector.broadcast %slice3A_100 : vector<1x256xf32> to vector<2000x256xf32>
    %add3A_102 = arith.addf %dot_general3A_99, %add3A_101 : vector<2000x256xf32>
    %slice3A_103 = vector.extract_strided_slice %get3A_51 {offsets = [0, 768], sizes = [128, 256], strides = [1, 1]} : vector<128x2048xf32> to vector<128x256xf32>
    %dot_general3A_104 = arith.constant dense<0.000000e+00> : vector<2000x256xf32>
    %dot_general3A_105 = tpu.matmul %get3A_48, %slice3A_103, %dot_general3A_104 {dimension_numbers = #tpu.dot_dimension_numbers<[1], [0], [0], [1], [0, 0, 1, 1], [], []>, transpose_lhs_hint = false} : vector<2000x128xf32>, vector<128x256xf32>, vector<2000x256xf32> -> vector<2000x256xf32>
    %mul3A_106 = arith.mulf %dot_general3A_105, %add3A_102 : vector<2000x256xf32>
    %slice3A_107 = vector.extract_strided_slice %get3A_54 {offsets = [768, 0], sizes = [256, 128], strides = [1, 1]} : vector<2048x128xf32> to vector<256x128xf32>
    %dot_general3A_108 = arith.constant dense<0.000000e+00> : vector<2000x128xf32>
    %dot_general3A_109 = tpu.matmul %mul3A_106, %slice3A_107, %dot_general3A_108 {dimension_numbers = #tpu.dot_dimension_numbers<[1], [0], [0], [1], [0, 0, 1, 1], [], []>, transpose_lhs_hint = false} : vector<2000x256xf32>, vector<256x128xf32>, vector<2000x128xf32> -> vector<2000x128xf32>
    %add3A_110 = arith.addf %add3A_96, %dot_general3A_109 : vector<2000x128xf32>
    %slice3A_111 = vector.extract_strided_slice %mul3A_39 {offsets = [0, 256], sizes = [2000, 64], strides = [1, 1]} : vector<2000x512xf32> to vector<2000x64xf32>
    %dot_general3A_112 = arith.constant dense<0.000000e+00> : vector<2000x256xf32>
    %dot_general3A_113 = tpu.matmul %slice3A_111, %get3A_42, %dot_general3A_112 {dimension_numbers = #tpu.dot_dimension_numbers<[1], [0], [0], [1], [0, 0, 1, 1], [], []>, transpose_lhs_hint = false} : vector<2000x64xf32>, vector<64x256xf32>, vector<2000x256xf32> -> vector<2000x256xf32>
    %slice3A_114 = vector.extract_strided_slice %get3A_45 {offsets = [0, 1024], sizes = [1, 256], strides = [1, 1]} : vector<1x2048xf32> to vector<1x256xf32>
    %add3A_115 = vector.broadcast %slice3A_114 : vector<1x256xf32> to vector<2000x256xf32>
    %add3A_116 = arith.addf %dot_general3A_113, %add3A_115 : vector<2000x256xf32>
    %slice3A_117 = vector.extract_strided_slice %get3A_51 {offsets = [0, 1024], sizes = [128, 256], strides = [1, 1]} : vector<128x2048xf32> to vector<128x256xf32>
    %dot_general3A_118 = arith.constant dense<0.000000e+00> : vector<2000x256xf32>
    %dot_general3A_119 = tpu.matmul %get3A_48, %slice3A_117, %dot_general3A_118 {dimension_numbers = #tpu.dot_dimension_numbers<[1], [0], [0], [1], [0, 0, 1, 1], [], []>, transpose_lhs_hint = false} : vector<2000x128xf32>, vector<128x256xf32>, vector<2000x256xf32> -> vector<2000x256xf32>
    %mul3A_120 = arith.mulf %dot_general3A_119, %add3A_116 : vector<2000x256xf32>
    %slice3A_121 = vector.extract_strided_slice %get3A_54 {offsets = [1024, 0], sizes = [256, 128], strides = [1, 1]} : vector<2048x128xf32> to vector<256x128xf32>
    %dot_general3A_122 = arith.constant dense<0.000000e+00> : vector<2000x128xf32>
    %dot_general3A_123 = tpu.matmul %mul3A_120, %slice3A_121, %dot_general3A_122 {dimension_numbers = #tpu.dot_dimension_numbers<[1], [0], [0], [1], [0, 0, 1, 1], [], []>, transpose_lhs_hint = false} : vector<2000x256xf32>, vector<256x128xf32>, vector<2000x128xf32> -> vector<2000x128xf32>
    %add3A_124 = arith.addf %add3A_110, %dot_general3A_123 : vector<2000x128xf32>
    %slice3A_125 = vector.extract_strided_slice %mul3A_39 {offsets = [0, 320], sizes = [2000, 64], strides = [1, 1]} : vector<2000x512xf32> to vector<2000x64xf32>
    %dot_general3A_126 = arith.constant dense<0.000000e+00> : vector<2000x256xf32>
    %dot_general3A_127 = tpu.matmul %slice3A_125, %get3A_42, %dot_general3A_126 {dimension_numbers = #tpu.dot_dimension_numbers<[1], [0], [0], [1], [0, 0, 1, 1], [], []>, transpose_lhs_hint = false} : vector<2000x64xf32>, vector<64x256xf32>, vector<2000x256xf32> -> vector<2000x256xf32>
    %slice3A_128 = vector.extract_strided_slice %get3A_45 {offsets = [0, 1280], sizes = [1, 256], strides = [1, 1]} : vector<1x2048xf32> to vector<1x256xf32>
    %add3A_129 = vector.broadcast %slice3A_128 : vector<1x256xf32> to vector<2000x256xf32>
    %add3A_130 = arith.addf %dot_general3A_127, %add3A_129 : vector<2000x256xf32>
    %slice3A_131 = vector.extract_strided_slice %get3A_51 {offsets = [0, 1280], sizes = [128, 256], strides = [1, 1]} : vector<128x2048xf32> to vector<128x256xf32>
    %dot_general3A_132 = arith.constant dense<0.000000e+00> : vector<2000x256xf32>
    %dot_general3A_133 = tpu.matmul %get3A_48, %slice3A_131, %dot_general3A_132 {dimension_numbers = #tpu.dot_dimension_numbers<[1], [0], [0], [1], [0, 0, 1, 1], [], []>, transpose_lhs_hint = false} : vector<2000x128xf32>, vector<128x256xf32>, vector<2000x256xf32> -> vector<2000x256xf32>
    %mul3A_134 = arith.mulf %dot_general3A_133, %add3A_130 : vector<2000x256xf32>
    %slice3A_135 = vector.extract_strided_slice %get3A_54 {offsets = [1280, 0], sizes = [256, 128], strides = [1, 1]} : vector<2048x128xf32> to vector<256x128xf32>
    %dot_general3A_136 = arith.constant dense<0.000000e+00> : vector<2000x128xf32>
    %dot_general3A_137 = tpu.matmul %mul3A_134, %slice3A_135, %dot_general3A_136 {dimension_numbers = #tpu.dot_dimension_numbers<[1], [0], [0], [1], [0, 0, 1, 1], [], []>, transpose_lhs_hint = false} : vector<2000x256xf32>, vector<256x128xf32>, vector<2000x128xf32> -> vector<2000x128xf32>
    %add3A_138 = arith.addf %add3A_124, %dot_general3A_137 : vector<2000x128xf32>
    %slice3A_139 = vector.extract_strided_slice %mul3A_39 {offsets = [0, 384], sizes = [2000, 64], strides = [1, 1]} : vector<2000x512xf32> to vector<2000x64xf32>
    %dot_general3A_140 = arith.constant dense<0.000000e+00> : vector<2000x256xf32>
    %dot_general3A_141 = tpu.matmul %slice3A_139, %get3A_42, %dot_general3A_140 {dimension_numbers = #tpu.dot_dimension_numbers<[1], [0], [0], [1], [0, 0, 1, 1], [], []>, transpose_lhs_hint = false} : vector<2000x64xf32>, vector<64x256xf32>, vector<2000x256xf32> -> vector<2000x256xf32>
    %slice3A_142 = vector.extract_strided_slice %get3A_45 {offsets = [0, 1536], sizes = [1, 256], strides = [1, 1]} : vector<1x2048xf32> to vector<1x256xf32>
    %add3A_143 = vector.broadcast %slice3A_142 : vector<1x256xf32> to vector<2000x256xf32>
    %add3A_144 = arith.addf %dot_general3A_141, %add3A_143 : vector<2000x256xf32>
    %slice3A_145 = vector.extract_strided_slice %get3A_51 {offsets = [0, 1536], sizes = [128, 256], strides = [1, 1]} : vector<128x2048xf32> to vector<128x256xf32>
    %dot_general3A_146 = arith.constant dense<0.000000e+00> : vector<2000x256xf32>
    %dot_general3A_147 = tpu.matmul %get3A_48, %slice3A_145, %dot_general3A_146 {dimension_numbers = #tpu.dot_dimension_numbers<[1], [0], [0], [1], [0, 0, 1, 1], [], []>, transpose_lhs_hint = false} : vector<2000x128xf32>, vector<128x256xf32>, vector<2000x256xf32> -> vector<2000x256xf32>
    %mul3A_148 = arith.mulf %dot_general3A_147, %add3A_144 : vector<2000x256xf32>
    %slice3A_149 = vector.extract_strided_slice %get3A_54 {offsets = [1536, 0], sizes = [256, 128], strides = [1, 1]} : vector<2048x128xf32> to vector<256x128xf32>
    %dot_general3A_150 = arith.constant dense<0.000000e+00> : vector<2000x128xf32>
    %dot_general3A_151 = tpu.matmul %mul3A_148, %slice3A_149, %dot_general3A_150 {dimension_numbers = #tpu.dot_dimension_numbers<[1], [0], [0], [1], [0, 0, 1, 1], [], []>, transpose_lhs_hint = false} : vector<2000x256xf32>, vector<256x128xf32>, vector<2000x128xf32> -> vector<2000x128xf32>
    %add3A_152 = arith.addf %add3A_138, %dot_general3A_151 : vector<2000x128xf32>
    %slice3A_153 = vector.extract_strided_slice %mul3A_39 {offsets = [0, 448], sizes = [2000, 64], strides = [1, 1]} : vector<2000x512xf32> to vector<2000x64xf32>
    %dot_general3A_154 = arith.constant dense<0.000000e+00> : vector<2000x256xf32>
    %dot_general3A_155 = tpu.matmul %slice3A_153, %get3A_42, %dot_general3A_154 {dimension_numbers = #tpu.dot_dimension_numbers<[1], [0], [0], [1], [0, 0, 1, 1], [], []>, transpose_lhs_hint = false} : vector<2000x64xf32>, vector<64x256xf32>, vector<2000x256xf32> -> vector<2000x256xf32>
    %slice3A_156 = vector.extract_strided_slice %get3A_45 {offsets = [0, 1792], sizes = [1, 256], strides = [1, 1]} : vector<1x2048xf32> to vector<1x256xf32>
    %add3A_157 = vector.broadcast %slice3A_156 : vector<1x256xf32> to vector<2000x256xf32>
    %add3A_158 = arith.addf %dot_general3A_155, %add3A_157 : vector<2000x256xf32>
    %slice3A_159 = vector.extract_strided_slice %get3A_51 {offsets = [0, 1792], sizes = [128, 256], strides = [1, 1]} : vector<128x2048xf32> to vector<128x256xf32>
    %dot_general3A_160 = arith.constant dense<0.000000e+00> : vector<2000x256xf32>
    %dot_general3A_161 = tpu.matmul %get3A_48, %slice3A_159, %dot_general3A_160 {dimension_numbers = #tpu.dot_dimension_numbers<[1], [0], [0], [1], [0, 0, 1, 1], [], []>, transpose_lhs_hint = false} : vector<2000x128xf32>, vector<128x256xf32>, vector<2000x256xf32> -> vector<2000x256xf32>
    %mul3A_162 = arith.mulf %dot_general3A_161, %add3A_158 : vector<2000x256xf32>
    %slice3A_163 = vector.extract_strided_slice %get3A_54 {offsets = [1792, 0], sizes = [256, 128], strides = [1, 1]} : vector<2048x128xf32> to vector<256x128xf32>
    %dot_general3A_164 = arith.constant dense<0.000000e+00> : vector<2000x128xf32>
    %dot_general3A_165 = tpu.matmul %mul3A_162, %slice3A_163, %dot_general3A_164 {dimension_numbers = #tpu.dot_dimension_numbers<[1], [0], [0], [1], [0, 0, 1, 1], [], []>, transpose_lhs_hint = false} : vector<2000x256xf32>, vector<256x128xf32>, vector<2000x128xf32> -> vector<2000x128xf32>
    %add3A_166 = arith.addf %add3A_152, %dot_general3A_165 : vector<2000x128xf32>
    %swap3A = arith.constant 0 : index
    %swap3A_167 = arith.constant 0 : index
    %swap3A_168 = vector.load %arg11[%swap3A, %swap3A_167] : memref<2000x128xf32, #tpu.memory_space<vmem>>, vector<2000x128xf32>
    tpu.vector_store %arg11[%swap3A, %swap3A_167], %add3A_166 {strides = array<i32>} : memref<2000x128xf32, #tpu.memory_space<vmem>>, vector<2000x128xf32>,
    return
  }
  func.func @transform_0(%arg0: i32) -> (i32, i32) {
    %add3A = arith.constant 0 : i32
    %add3A_0 = arith.addi %arg0, %add3A : i32
    %c0_i32 = arith.constant 0 : i32
    %c0_i32_1 = arith.constant 0 : i32
    return %add3A_0, %c0_i32 : i32, i32
  }
  func.func @transform_1(%arg0: i32) -> (i32, i32) {
    %c0_i32 = arith.constant 0 : i32
    %c0_i32_0 = arith.constant 0 : i32
    return %arg0, %c0_i32 : i32, i32
  }
  func.func @transform_2(%arg0: i32) -> (i32, i32) {
    %c0_i32 = arith.constant 0 : i32
    %c0_i32_0 = arith.constant 0 : i32
    %c0_i32_1 = arith.constant 0 : i32
    return %c0_i32, %c0_i32_0 : i32, i32
  }
  func.func @transform_3(%arg0: i32) -> (i32, i32) {
    %c0_i32 = arith.constant 0 : i32
    %c0_i32_0 = arith.constant 0 : i32
    %c0_i32_1 = arith.constant 0 : i32
    return %c0_i32, %c0_i32_0 : i32, i32
  }
  func.func @transform_4(%arg0: i32) -> (i32, i32) {
    %c0_i32 = arith.constant 0 : i32
    %c0_i32_0 = arith.constant 0 : i32
    %c0_i32_1 = arith.constant 0 : i32
    return %c0_i32, %c0_i32_0 : i32, i32
  }
  func.func @transform_5(%arg0: i32) -> (i32, i32) {
    %c0_i32 = arith.constant 0 : i32
    %c0_i32_0 = arith.constant 0 : i32
    %c0_i32_1 = arith.constant 0 : i32
    return %c0_i32, %c0_i32_0 : i32, i32
  }
  func.func @transform_6(%arg0: i32) -> (i32, i32) {
    %c0_i32 = arith.constant 0 : i32
    %c0_i32_0 = arith.constant 0 : i32
    %c0_i32_1 = arith.constant 0 : i32
    return %c0_i32, %c0_i32_0 : i32, i32
  }
  func.func @transform_7(%arg0: i32) -> (i32, i32) {
    %c0_i32 = arith.constant 0 : i32
    %c0_i32_0 = arith.constant 0 : i32
    %c0_i32_1 = arith.constant 0 : i32
    return %c0_i32, %c0_i32_0 : i32, i32
  }
  func.func @transform_8(%arg0: i32) -> (i32, i32) {
    %c0_i32 = arith.constant 0 : i32
    %c0_i32_0 = arith.constant 0 : i32
    %c0_i32_1 = arith.constant 0 : i32
    return %c0_i32, %c0_i32_0 : i32, i32
  }
  func.func @transform_9(%arg0: i32) -> (i32, i32) {
    %c0_i32 = arith.constant 0 : i32
    %c0_i32_0 = arith.constant 0 : i32
    %c0_i32_1 = arith.constant 0 : i32
    return %c0_i32, %c0_i32_0 : i32, i32
  }
  func.func @transform_10(%arg0: i32) -> (i32, i32) {
    %c0_i32 = arith.constant 0 : i32
    %c0_i32_0 = arith.constant 0 : i32
    return %arg0, %c0_i32 : i32, i32
  }
}

module attributes {stable_mosaic.version = 14 : i64} {
  func.func @body(%arg0: i32, %arg1: memref<2000x128xf32, #tpu.memory_space<vmem>>, %arg2: memref<2000x128xf32, #tpu.memory_space<vmem>>, %arg3: memref<128x512xf32, #tpu.memory_space<vmem>>, %arg4: memref<1x512xf32, #tpu.memory_space<vmem>>, %arg5: memref<512x512xf32, #tpu.memory_space<vmem>>, %arg6: memref<1x512xf32, #tpu.memory_space<vmem>>, %arg7: memref<64x256xf32, #tpu.memory_space<vmem>>, %arg8: memref<1x2048xf32, #tpu.memory_space<vmem>>, %arg9: memref<128x2048xf32, #tpu.memory_space<vmem>>, %arg10: memref<2048x128xf32, #tpu.memory_space<vmem>>, %arg11: memref<2000x128xf32, #tpu.memory_space<vmem>>) attributes {dimension_semantics = [#tpu.dimension_semantics<arbitrary>], iteration_bounds = array<i64: 10>, scalar_prefetch = 0 : i64, scratch_operands = 0 : i64, tpu.core_type = #tpu.core_type<tc>, window_params = [{transform_indices = @transform_0, window_bounds = array<i64: 2000, 128>}, {transform_indices = @transform_1, window_bounds = array<i64: 2000, 128>}, {pipeline_mode = #tpu.pipeline_mode<synchronous>, transform_indices = @transform_2, window_bounds = array<i64: 128, 512>}, {pipeline_mode = #tpu.pipeline_mode<synchronous>, transform_indices = @transform_3, window_bounds = array<i64: 1, 512>}, {pipeline_mode = #tpu.pipeline_mode<synchronous>, transform_indices = @transform_4, window_bounds = array<i64: 512, 512>}, {pipeline_mode = #tpu.pipeline_mode<synchronous>, transform_indices = @transform_5, window_bounds = array<i64: 1, 512>}, {pipeline_mode = #tpu.pipeline_mode<synchronous>, transform_indices = @transform_6, window_bounds = array<i64: 64, 256>}, {pipeline_mode = #tpu.pipeline_mode<synchronous>, transform_indices = @transform_7, window_bounds = array<i64: 1, 2048>}, {pipeline_mode = #tpu.pipeline_mode<synchronous>, transform_indices = @transform_8, window_bounds = array<i64: 128, 2048>}, {pipeline_mode = #tpu.pipeline_mode<synchronous>, transform_indices = @transform_9, window_bounds = array<i64: 2048, 128>}, {transform_indices = @transform_10, window_bounds = array<i64: 2000, 128>}]} {
    %get3A = arith.constant 0 : index
    %get3A_0 = arith.constant 0 : index
    %get3A_1 = vector.load %arg1[%get3A, %get3A_0] : memref<2000x128xf32, #tpu.memory_space<vmem>>, vector<2000x128xf32>
    %get3A_2 = arith.constant 0 : index
    %get3A_3 = arith.constant 0 : index
    %get3A_4 = vector.load %arg3[%get3A_2, %get3A_3] : memref<128x512xf32, #tpu.memory_space<vmem>>, vector<128x512xf32>
    %dot_general3A = arith.constant dense<0.000000e+00> : vector<2000x512xf32>
    %dot_general3A_5 = tpu.matmul %get3A_1, %get3A_4, %dot_general3A {dimension_numbers = #tpu.dot_dimension_numbers<[1], [0], [0], [1], [0, 0, 1, 1], [], []>, transpose_lhs_hint = false} : vector<2000x128xf32>, vector<128x512xf32>, vector<2000x512xf32> -> vector<2000x512xf32>
    %get3A_6 = arith.constant 0 : index
    %get3A_7 = arith.constant 0 : index
    %get3A_8 = vector.load %arg4[%get3A_6, %get3A_7] : memref<1x512xf32, #tpu.memory_space<vmem>>, vector<1x512xf32>
    %add3A = vector.broadcast %get3A_8 : vector<1x512xf32> to vector<2000x512xf32>
    %add3A_9 = arith.addf %dot_general3A_5, %add3A : vector<2000x512xf32>
    %mul3A = arith.constant 5.000000e-01 : f32
    %mul3A_10 = vector.broadcast %mul3A : f32 to vector<2000x512xf32>
    %mul3A_11 = arith.mulf %mul3A_10, %add3A_9 : vector<2000x512xf32>
    %mul3A_12 = arith.constant 0.707106769 : f32
    %mul3A_13 = vector.broadcast %mul3A_12 : f32 to vector<2000x512xf32>
    %mul3A_14 = arith.mulf %add3A_9, %mul3A_13 : vector<2000x512xf32>
    %erf3A = math.erf %mul3A_14 : vector<2000x512xf32>
    %add3A_15 = arith.constant 1.000000e+00 : f32
    %add3A_16 = vector.broadcast %add3A_15 : f32 to vector<2000x512xf32>
    %add3A_17 = arith.addf %add3A_16, %erf3A : vector<2000x512xf32>
    %mul3A_18 = arith.mulf %mul3A_11, %add3A_17 : vector<2000x512xf32>
    %get3A_19 = arith.constant 0 : index
    %get3A_20 = arith.constant 0 : index
    %get3A_21 = vector.load %arg5[%get3A_19, %get3A_20] : memref<512x512xf32, #tpu.memory_space<vmem>>, vector<512x512xf32>
    %dot_general3A_22 = arith.constant dense<0.000000e+00> : vector<2000x512xf32>
    %dot_general3A_23 = tpu.matmul %mul3A_18, %get3A_21, %dot_general3A_22 {dimension_numbers = #tpu.dot_dimension_numbers<[1], [0], [0], [1], [0, 0, 1, 1], [], []>, transpose_lhs_hint = false} : vector<2000x512xf32>, vector<512x512xf32>, vector<2000x512xf32> -> vector<2000x512xf32>
    %get3A_24 = arith.constant 0 : index
    %get3A_25 = arith.constant 0 : index
    %get3A_26 = vector.load %arg6[%get3A_24, %get3A_25] : memref<1x512xf32, #tpu.memory_space<vmem>>, vector<1x512xf32>
    %add3A_27 = vector.broadcast %get3A_26 : vector<1x512xf32> to vector<2000x512xf32>
    %add3A_28 = arith.addf %dot_general3A_23, %add3A_27 : vector<2000x512xf32>
    %mul3A_29 = arith.constant 5.000000e-01 : f32
    %mul3A_30 = vector.broadcast %mul3A_29 : f32 to vector<2000x512xf32>
    %mul3A_31 = arith.mulf %mul3A_30, %add3A_28 : vector<2000x512xf32>
    %mul3A_32 = arith.constant 0.707106769 : f32
    %mul3A_33 = vector.broadcast %mul3A_32 : f32 to vector<2000x512xf32>
    %mul3A_34 = arith.mulf %add3A_28, %mul3A_33 : vector<2000x512xf32>
    %erf3A_35 = math.erf %mul3A_34 : vector<2000x512xf32>
    %add3A_36 = arith.constant 1.000000e+00 : f32
    %add3A_37 = vector.broadcast %add3A_36 : f32 to vector<2000x512xf32>
    %add3A_38 = arith.addf %add3A_37, %erf3A_35 : vector<2000x512xf32>
    %mul3A_39 = arith.mulf %mul3A_31, %add3A_38 : vector<2000x512xf32>
    %get3A_40 = arith.constant 0 : index
    %get3A_41 = arith.constant 0 : index
    %get3A_42 = vector.load %arg7[%get3A_40, %get3A_41] : memref<64x256xf32, #tpu.memory_space<vmem>>, vector<64x256xf32>
    %get3A_43 = arith.constant 0 : index
    %get3A_44 = arith.constant 0 : index
    %get3A_45 = vector.load %arg8[%get3A_43, %get3A_44] : memref<1x2048xf32, #tpu.memory_space<vmem>>, vector<1x2048xf32>
    %get3A_46 = arith.constant 0 : index
    %get3A_47 = arith.constant 0 : index
    %get3A_48 = vector.load %arg2[%get3A_46, %get3A_47] : memref<2000x128xf32, #tpu.memory_space<vmem>>, vector<2000x128xf32>
    %get3A_49 = arith.constant 0 : index
    %get3A_50 = arith.constant 0 : index
    %get3A_51 = vector.load %arg9[%get3A_49, %get3A_50] : memref<128x2048xf32, #tpu.memory_space<vmem>>, vector<128x2048xf32>
    %get3A_52 = arith.constant 0 : index
    %get3A_53 = arith.constant 0 : index
    %get3A_54 = vector.load %arg10[%get3A_52, %get3A_53] : memref<2048x128xf32, #tpu.memory_space<vmem>>, vector<2048x128xf32>
    %broadcast_in_dim3A = arith.constant 0.000000e+00 : f32
    %broadcast_in_dim3A_55 = vector.broadcast %broadcast_in_dim3A : f32 to vector<2000x128xf32>
    %slice3A = vector.extract_strided_slice %mul3A_39 {offsets = [0, 0], sizes = [2000, 64], strides = [1, 1]} : vector<2000x512xf32> to vector<2000x64xf32>
    %dot_general3A_56 = arith.constant dense<0.000000e+00> : vector<2000x256xf32>
    %dot_general3A_57 = tpu.matmul %slice3A, %get3A_42, %dot_general3A_56 {dimension_numbers = #tpu.dot_dimension_numbers<[1], [0], [0], [1], [0, 0, 1, 1], [], []>, transpose_lhs_hint = false} : vector<2000x64xf32>, vector<64x256xf32>, vector<2000x256xf32> -> vector<2000x256xf32>
    %slice3A_58 = vector.extract_strided_slice %get3A_45 {offsets = [0, 0], sizes = [1, 256], strides = [1, 1]} : vector<1x2048xf32> to vector<1x256xf32>
    %add3A_59 = vector.broadcast %slice3A_58 : vector<1x256xf32> to vector<2000x256xf32>
    %add3A_60 = arith.addf %dot_general3A_57, %add3A_59 : vector<2000x256xf32>
    %slice3A_61 = vector.extract_strided_slice %get3A_51 {offsets = [0, 0], sizes = [128, 256], strides = [1, 1]} : vector<128x2048xf32> to vector<128x256xf32>
    %dot_general3A_62 = arith.constant dense<0.000000e+00> : vector<2000x256xf32>
    %dot_general3A_63 = tpu.matmul %get3A_48, %slice3A_61, %dot_general3A_62 {dimension_numbers = #tpu.dot_dimension_numbers<[1], [0], [0], [1], [0, 0, 1, 1], [], []>, transpose_lhs_hint = false} : vector<2000x128xf32>, vector<128x256xf32>, vector<2000x256xf32> -> vector<2000x256xf32>
    %mul3A_64 = arith.mulf %dot_general3A_63, %add3A_60 : vector<2000x256xf32>
    %slice3A_65 = vector.extract_strided_slice %get3A_54 {offsets = [0, 0], sizes = [256, 128], strides = [1, 1]} : vector<2048x128xf32> to vector<256x128xf32>
    %dot_general3A_66 = arith.constant dense<0.000000e+00> : vector<2000x128xf32>
    %dot_general3A_67 = tpu.matmul %mul3A_64, %slice3A_65, %dot_general3A_66 {dimension_numbers = #tpu.dot_dimension_numbers<[1], [0], [0], [1], [0, 0, 1, 1], [], []>, transpose_lhs_hint = false} : vector<2000x256xf32>, vector<256x128xf32>, vector<2000x128xf32> -> vector<2000x128xf32>
    %add3A_68 = arith.addf %broadcast_in_dim3A_55, %dot_general3A_67 : vector<2000x128xf32>
    %slice3A_69 = vector.extract_strided_slice %mul3A_39 {offsets = [0, 64], sizes = [2000, 64], strides = [1, 1]} : vector<2000x512xf32> to vector<2000x64xf32>
    %dot_general3A_70 = arith.constant dense<0.000000e+00> : vector<2000x256xf32>
    %dot_general3A_71 = tpu.matmul %slice3A_69, %get3A_42, %dot_general3A_70 {dimension_numbers = #tpu.dot_dimension_numbers<[1], [0], [0], [1], [0, 0, 1, 1], [], []>, transpose_lhs_hint = false} : vector<2000x64xf32>, vector<64x256xf32>, vector<2000x256xf32> -> vector<2000x256xf32>
    %slice3A_72 = vector.extract_strided_slice %get3A_45 {offsets = [0, 256], sizes = [1, 256], strides = [1, 1]} : vector<1x2048xf32> to vector<1x256xf32>
    %add3A_73 = vector.broadcast %slice3A_72 : vector<1x256xf32> to vector<2000x256xf32>
    %add3A_74 = arith.addf %dot_general3A_71, %add3A_73 : vector<2000x256xf32>
    %slice3A_75 = vector.extract_strided_slice %get3A_51 {offsets = [0, 256], sizes = [128, 256], strides = [1, 1]} : vector<128x2048xf32> to vector<128x256xf32>
    %dot_general3A_76 = arith.constant dense<0.000000e+00> : vector<2000x256xf32>
    %dot_general3A_77 = tpu.matmul %get3A_48, %slice3A_75, %dot_general3A_76 {dimension_numbers = #tpu.dot_dimension_numbers<[1], [0], [0], [1], [0, 0, 1, 1], [], []>, transpose_lhs_hint = false} : vector<2000x128xf32>, vector<128x256xf32>, vector<2000x256xf32> -> vector<2000x256xf32>
    %mul3A_78 = arith.mulf %dot_general3A_77, %add3A_74 : vector<2000x256xf32>
    %slice3A_79 = vector.extract_strided_slice %get3A_54 {offsets = [256, 0], sizes = [256, 128], strides = [1, 1]} : vector<2048x128xf32> to vector<256x128xf32>
    %dot_general3A_80 = arith.constant dense<0.000000e+00> : vector<2000x128xf32>
    %dot_general3A_81 = tpu.matmul %mul3A_78, %slice3A_79, %dot_general3A_80 {dimension_numbers = #tpu.dot_dimension_numbers<[1], [0], [0], [1], [0, 0, 1, 1], [], []>, transpose_lhs_hint = false} : vector<2000x256xf32>, vector<256x128xf32>, vector<2000x128xf32> -> vector<2000x128xf32>
    %add3A_82 = arith.addf %add3A_68, %dot_general3A_81 : vector<2000x128xf32>
    %slice3A_83 = vector.extract_strided_slice %mul3A_39 {offsets = [0, 128], sizes = [2000, 64], strides = [1, 1]} : vector<2000x512xf32> to vector<2000x64xf32>
    %dot_general3A_84 = arith.constant dense<0.000000e+00> : vector<2000x256xf32>
    %dot_general3A_85 = tpu.matmul %slice3A_83, %get3A_42, %dot_general3A_84 {dimension_numbers = #tpu.dot_dimension_numbers<[1], [0], [0], [1], [0, 0, 1, 1], [], []>, transpose_lhs_hint = false} : vector<2000x64xf32>, vector<64x256xf32>, vector<2000x256xf32> -> vector<2000x256xf32>
    %slice3A_86 = vector.extract_strided_slice %get3A_45 {offsets = [0, 512], sizes = [1, 256], strides = [1, 1]} : vector<1x2048xf32> to vector<1x256xf32>
    %add3A_87 = vector.broadcast %slice3A_86 : vector<1x256xf32> to vector<2000x256xf32>
    %add3A_88 = arith.addf %dot_general3A_85, %add3A_87 : vector<2000x256xf32>
    %slice3A_89 = vector.extract_strided_slice %get3A_51 {offsets = [0, 512], sizes = [128, 256], strides = [1, 1]} : vector<128x2048xf32> to vector<128x256xf32>
    %dot_general3A_90 = arith.constant dense<0.000000e+00> : vector<2000x256xf32>
    %dot_general3A_91 = tpu.matmul %get3A_48, %slice3A_89, %dot_general3A_90 {dimension_numbers = #tpu.dot_dimension_numbers<[1], [0], [0], [1], [0, 0, 1, 1], [], []>, transpose_lhs_hint = false} : vector<2000x128xf32>, vector<128x256xf32>, vector<2000x256xf32> -> vector<2000x256xf32>
    %mul3A_92 = arith.mulf %dot_general3A_91, %add3A_88 : vector<2000x256xf32>
    %slice3A_93 = vector.extract_strided_slice %get3A_54 {offsets = [512, 0], sizes = [256, 128], strides = [1, 1]} : vector<2048x128xf32> to vector<256x128xf32>
    %dot_general3A_94 = arith.constant dense<0.000000e+00> : vector<2000x128xf32>
    %dot_general3A_95 = tpu.matmul %mul3A_92, %slice3A_93, %dot_general3A_94 {dimension_numbers = #tpu.dot_dimension_numbers<[1], [0], [0], [1], [0, 0, 1, 1], [], []>, transpose_lhs_hint = false} : vector<2000x256xf32>, vector<256x128xf32>, vector<2000x128xf32> -> vector<2000x128xf32>
    %add3A_96 = arith.addf %add3A_82, %dot_general3A_95 : vector<2000x128xf32>
    %slice3A_97 = vector.extract_strided_slice %mul3A_39 {offsets = [0, 192], sizes = [2000, 64], strides = [1, 1]} : vector<2000x512xf32> to vector<2000x64xf32>
    %dot_general3A_98 = arith.constant dense<0.000000e+00> : vector<2000x256xf32>
    %dot_general3A_99 = tpu.matmul %slice3A_97, %get3A_42, %dot_general3A_98 {dimension_numbers = #tpu.dot_dimension_numbers<[1], [0], [0], [1], [0, 0, 1, 1], [], []>, transpose_lhs_hint = false} : vector<2000x64xf32>, vector<64x256xf32>, vector<2000x256xf32> -> vector<2000x256xf32>
    %slice3A_100 = vector.extract_strided_slice %get3A_45 {offsets = [0, 768], sizes = [1, 256], strides = [1, 1]} : vector<1x2048xf32> to vector<1x256xf32>
    %add3A_101 = vector.broadcast %slice3A_100 : vector<1x256xf32> to vector<2000x256xf32>
    %add3A_102 = arith.addf %dot_general3A_99, %add3A_101 : vector<2000x256xf32>
    %slice3A_103 = vector.extract_strided_slice %get3A_51 {offsets = [0, 768], sizes = [128, 256], strides = [1, 1]} : vector<128x2048xf32> to vector<128x256xf32>
    %dot_general3A_104 = arith.constant dense<0.000000e+00> : vector<2000x256xf32>
    %dot_general3A_105 = tpu.matmul %get3A_48, %slice3A_103, %dot_general3A_104 {dimension_numbers = #tpu.dot_dimension_numbers<[1], [0], [0], [1], [0, 0, 1, 1], [], []>, transpose_lhs_hint = false} : vector<2000x128xf32>, vector<128x256xf32>, vector<2000x256xf32> -> vector<2000x256xf32>
    %mul3A_106 = arith.mulf %dot_general3A_105, %add3A_102 : vector<2000x256xf32>
    %slice3A_107 = vector.extract_strided_slice %get3A_54 {offsets = [768, 0], sizes = [256, 128], strides = [1, 1]} : vector<2048x128xf32> to vector<256x128xf32>
    %dot_general3A_108 = arith.constant dense<0.000000e+00> : vector<2000x128xf32>
    %dot_general3A_109 = tpu.matmul %mul3A_106, %slice3A_107, %dot_general3A_108 {dimension_numbers = #tpu.dot_dimension_numbers<[1], [0], [0], [1], [0, 0, 1, 1], [], []>, transpose_lhs_hint = false} : vector<2000x256xf32>, vector<256x128xf32>, vector<2000x128xf32> -> vector<2000x128xf32>
    %add3A_110 = arith.addf %add3A_96, %dot_general3A_109 : vector<2000x128xf32>
    %slice3A_111 = vector.extract_strided_slice %mul3A_39 {offsets = [0, 256], sizes = [2000, 64], strides = [1, 1]} : vector<2000x512xf32> to vector<2000x64xf32>
    %dot_general3A_112 = arith.constant dense<0.000000e+00> : vector<2000x256xf32>
    %dot_general3A_113 = tpu.matmul %slice3A_111, %get3A_42, %dot_general3A_112 {dimension_numbers = #tpu.dot_dimension_numbers<[1], [0], [0], [1], [0, 0, 1, 1], [], []>, transpose_lhs_hint = false} : vector<2000x64xf32>, vector<64x256xf32>, vector<2000x256xf32> -> vector<2000x256xf32>
    %slice3A_114 = vector.extract_strided_slice %get3A_45 {offsets = [0, 1024], sizes = [1, 256], strides = [1, 1]} : vector<1x2048xf32> to vector<1x256xf32>
    %add3A_115 = vector.broadcast %slice3A_114 : vector<1x256xf32> to vector<2000x256xf32>
    %add3A_116 = arith.addf %dot_general3A_113, %add3A_115 : vector<2000x256xf32>
    %slice3A_117 = vector.extract_strided_slice %get3A_51 {offsets = [0, 1024], sizes = [128, 256], strides = [1, 1]} : vector<128x2048xf32> to vector<128x256xf32>
    %dot_general3A_118 = arith.constant dense<0.000000e+00> : vector<2000x256xf32>
    %dot_general3A_119 = tpu.matmul %get3A_48, %slice3A_117, %dot_general3A_118 {dimension_numbers = #tpu.dot_dimension_numbers<[1], [0], [0], [1], [0, 0, 1, 1], [], []>, transpose_lhs_hint = false} : vector<2000x128xf32>, vector<128x256xf32>, vector<2000x256xf32> -> vector<2000x256xf32>
    %mul3A_120 = arith.mulf %dot_general3A_119, %add3A_116 : vector<2000x256xf32>
    %slice3A_121 = vector.extract_strided_slice %get3A_54 {offsets = [1024, 0], sizes = [256, 128], strides = [1, 1]} : vector<2048x128xf32> to vector<256x128xf32>
    %dot_general3A_122 = arith.constant dense<0.000000e+00> : vector<2000x128xf32>
    %dot_general3A_123 = tpu.matmul %mul3A_120, %slice3A_121, %dot_general3A_122 {dimension_numbers = #tpu.dot_dimension_numbers<[1], [0], [0], [1], [0, 0, 1, 1], [], []>, transpose_lhs_hint = false} : vector<2000x256xf32>, vector<256x128xf32>, vector<2000x128xf32> -> vector<2000x128xf32>
    %add3A_124 = arith.addf %add3A_110, %dot_general3A_123 : vector<2000x128xf32>
    %slice3A_125 = vector.extract_strided_slice %mul3A_39 {offsets = [0, 320], sizes = [2000, 64], strides = [1, 1]} : vector<2000x512xf32> to vector<2000x64xf32>
    %dot_general3A_126 = arith.constant dense<0.000000e+00> : vector<2000x256xf32>
    %dot_general3A_127 = tpu.matmul %slice3A_125, %get3A_42, %dot_general3A_126 {dimension_numbers = #tpu.dot_dimension_numbers<[1], [0], [0], [1], [0, 0, 1, 1], [], []>, transpose_lhs_hint = false} : vector<2000x64xf32>, vector<64x256xf32>, vector<2000x256xf32> -> vector<2000x256xf32>
    %slice3A_128 = vector.extract_strided_slice %get3A_45 {offsets = [0, 1280], sizes = [1, 256], strides = [1, 1]} : vector<1x2048xf32> to vector<1x256xf32>
    %add3A_129 = vector.broadcast %slice3A_128 : vector<1x256xf32> to vector<2000x256xf32>
    %add3A_130 = arith.addf %dot_general3A_127, %add3A_129 : vector<2000x256xf32>
    %slice3A_131 = vector.extract_strided_slice %get3A_51 {offsets = [0, 1280], sizes = [128, 256], strides = [1, 1]} : vector<128x2048xf32> to vector<128x256xf32>
    %dot_general3A_132 = arith.constant dense<0.000000e+00> : vector<2000x256xf32>
    %dot_general3A_133 = tpu.matmul %get3A_48, %slice3A_131, %dot_general3A_132 {dimension_numbers = #tpu.dot_dimension_numbers<[1], [0], [0], [1], [0, 0, 1, 1], [], []>, transpose_lhs_hint = false} : vector<2000x128xf32>, vector<128x256xf32>, vector<2000x256xf32> -> vector<2000x256xf32>
    %mul3A_134 = arith.mulf %dot_general3A_133, %add3A_130 : vector<2000x256xf32>
    %slice3A_135 = vector.extract_strided_slice %get3A_54 {offsets = [1280, 0], sizes = [256, 128], strides = [1, 1]} : vector<2048x128xf32> to vector<256x128xf32>
    %dot_general3A_136 = arith.constant dense<0.000000e+00> : vector<2000x128xf32>
    %dot_general3A_137 = tpu.matmul %mul3A_134, %slice3A_135, %dot_general3A_136 {dimension_numbers = #tpu.dot_dimension_numbers<[1], [0], [0], [1], [0, 0, 1, 1], [], []>, transpose_lhs_hint = false} : vector<2000x256xf32>, vector<256x128xf32>, vector<2000x128xf32> -> vector<2000x128xf32>
    %add3A_138 = arith.addf %add3A_124, %dot_general3A_137 : vector<2000x128xf32>
    %slice3A_139 = vector.extract_strided_slice %mul3A_39 {offsets = [0, 384], sizes = [2000, 64], strides = [1, 1]} : vector<2000x512xf32> to vector<2000x64xf32>
    %dot_general3A_140 = arith.constant dense<0.000000e+00> : vector<2000x256xf32>
    %dot_general3A_141 = tpu.matmul %slice3A_139, %get3A_42, %dot_general3A_140 {dimension_numbers = #tpu.dot_dimension_numbers<[1], [0], [0], [1], [0, 0, 1, 1], [], []>, transpose_lhs_hint = false} : vector<2000x64xf32>, vector<64x256xf32>, vector<2000x256xf32> -> vector<2000x256xf32>
    %slice3A_142 = vector.extract_strided_slice %get3A_45 {offsets = [0, 1536], sizes = [1, 256], strides = [1, 1]} : vector<1x2048xf32> to vector<1x256xf32>
    %add3A_143 = vector.broadcast %slice3A_142 : vector<1x256xf32> to vector<2000x256xf32>
    %add3A_144 = arith.addf %dot_general3A_141, %add3A_143 : vector<2000x256xf32>
    %slice3A_145 = vector.extract_strided_slice %get3A_51 {offsets = [0, 1536], sizes = [128, 256], strides = [1, 1]} : vector<128x2048xf32> to vector<128x256xf32>
    %dot_general3A_146 = arith.constant dense<0.000000e+00> : vector<2000x256xf32>
    %dot_general3A_147 = tpu.matmul %get3A_48, %slice3A_145, %dot_general3A_146 {dimension_numbers = #tpu.dot_dimension_numbers<[1], [0], [0], [1], [0, 0, 1, 1], [], []>, transpose_lhs_hint = false} : vector<2000x128xf32>, vector<128x256xf32>, vector<2000x256xf32> -> vector<2000x256xf32>
    %mul3A_148 = arith.mulf %dot_general3A_147, %add3A_144 : vector<2000x256xf32>
    %slice3A_149 = vector.extract_strided_slice %get3A_54 {offsets = [1536, 0], sizes = [256, 128], strides = [1, 1]} : vector<2048x128xf32> to vector<256x128xf32>
    %dot_general3A_150 = arith.constant dense<0.000000e+00> : vector<2000x128xf32>
    %dot_general3A_151 = tpu.matmul %mul3A_148, %slice3A_149, %dot_general3A_150 {dimension_numbers = #tpu.dot_dimension_numbers<[1], [0], [0], [1], [0, 0, 1, 1], [], []>, transpose_lhs_hint = false} : vector<2000x256xf32>, vector<256x128xf32>, vector<2000x128xf32> -> vector<2000x128xf32>
    %add3A_152 = arith.addf %add3A_138, %dot_general3A_151 : vector<2000x128xf32>
    %slice3A_153 = vector.extract_strided_slice %mul3A_39 {offsets = [0, 448], sizes = [2000, 64], strides = [1, 1]} : vector<2000x512xf32> to vector<2000x64xf32>
    %dot_general3A_154 = arith.constant dense<0.000000e+00> : vector<2000x256xf32>
    %dot_general3A_155 = tpu.matmul %slice3A_153, %get3A_42, %dot_general3A_154 {dimension_numbers = #tpu.dot_dimension_numbers<[1], [0], [0], [1], [0, 0, 1, 1], [], []>, transpose_lhs_hint = false} : vector<2000x64xf32>, vector<64x256xf32>, vector<2000x256xf32> -> vector<2000x256xf32>
    %slice3A_156 = vector.extract_strided_slice %get3A_45 {offsets = [0, 1792], sizes = [1, 256], strides = [1, 1]} : vector<1x2048xf32> to vector<1x256xf32>
    %add3A_157 = vector.broadcast %slice3A_156 : vector<1x256xf32> to vector<2000x256xf32>
    %add3A_158 = arith.addf %dot_general3A_155, %add3A_157 : vector<2000x256xf32>
    %slice3A_159 = vector.extract_strided_slice %get3A_51 {offsets = [0, 1792], sizes = [128, 256], strides = [1, 1]} : vector<128x2048xf32> to vector<128x256xf32>
    %dot_general3A_160 = arith.constant dense<0.000000e+00> : vector<2000x256xf32>
    %dot_general3A_161 = tpu.matmul %get3A_48, %slice3A_159, %dot_general3A_160 {dimension_numbers = #tpu.dot_dimension_numbers<[1], [0], [0], [1], [0, 0, 1, 1], [], []>, transpose_lhs_hint = false} : vector<2000x128xf32>, vector<128x256xf32>, vector<2000x256xf32> -> vector<2000x256xf32>
    %mul3A_162 = arith.mulf %dot_general3A_161, %add3A_158 : vector<2000x256xf32>
    %slice3A_163 = vector.extract_strided_slice %get3A_54 {offsets = [1792, 0], sizes = [256, 128], strides = [1, 1]} : vector<2048x128xf32> to vector<256x128xf32>
    %dot_general3A_164 = arith.constant dense<0.000000e+00> : vector<2000x128xf32>
    %dot_general3A_165 = tpu.matmul %mul3A_162, %slice3A_163, %dot_general3A_164 {dimension_numbers = #tpu.dot_dimension_numbers<[1], [0], [0], [1], [0, 0, 1, 1], [], []>, transpose_lhs_hint = false} : vector<2000x256xf32>, vector<256x128xf32>, vector<2000x128xf32> -> vector<2000x128xf32>
    %add3A_166 = arith.addf %add3A_152, %dot_general3A_165 : vector<2000x128xf32>
    %swap3A = arith.constant 0 : index
    %swap3A_167 = arith.constant 0 : index
    %swap3A_168 = vector.load %arg11[%swap3A, %swap3A_167] : memref<2000x128xf32, #tpu.memory_space<vmem>>, vector<2000x128xf32>
    tpu.vector_store %arg11[%swap3A, %swap3A_167], %add3A_166 {strides = array<i32>} : memref<2000x128xf32, #tpu.memory_space<vmem>>, vector<2000x128xf32>,
    return
  }
  func.func @transform_0(%arg0: i32) -> (i32, i32) {
    %add3A = arith.constant 10 : i32
    %add3A_0 = arith.addi %arg0, %add3A : i32
    %c0_i32 = arith.constant 0 : i32
    %c0_i32_1 = arith.constant 0 : i32
    return %add3A_0, %c0_i32 : i32, i32
  }
  func.func @transform_1(%arg0: i32) -> (i32, i32) {
    %c0_i32 = arith.constant 0 : i32
    %c0_i32_0 = arith.constant 0 : i32
    return %arg0, %c0_i32 : i32, i32
  }
  func.func @transform_2(%arg0: i32) -> (i32, i32) {
    %c0_i32 = arith.constant 0 : i32
    %c0_i32_0 = arith.constant 0 : i32
    %c0_i32_1 = arith.constant 0 : i32
    return %c0_i32, %c0_i32_0 : i32, i32
  }
  func.func @transform_3(%arg0: i32) -> (i32, i32) {
    %c0_i32 = arith.constant 0 : i32
    %c0_i32_0 = arith.constant 0 : i32
    %c0_i32_1 = arith.constant 0 : i32
    return %c0_i32, %c0_i32_0 : i32, i32
  }
  func.func @transform_4(%arg0: i32) -> (i32, i32) {
    %c0_i32 = arith.constant 0 : i32
    %c0_i32_0 = arith.constant 0 : i32
    %c0_i32_1 = arith.constant 0 : i32
    return %c0_i32, %c0_i32_0 : i32, i32
  }
  func.func @transform_5(%arg0: i32) -> (i32, i32) {
    %c0_i32 = arith.constant 0 : i32
    %c0_i32_0 = arith.constant 0 : i32
    %c0_i32_1 = arith.constant 0 : i32
    return %c0_i32, %c0_i32_0 : i32, i32
  }
  func.func @transform_6(%arg0: i32) -> (i32, i32) {
    %c0_i32 = arith.constant 0 : i32
    %c0_i32_0 = arith.constant 0 : i32
    %c0_i32_1 = arith.constant 0 : i32
    return %c0_i32, %c0_i32_0 : i32, i32
  }
  func.func @transform_7(%arg0: i32) -> (i32, i32) {
    %c0_i32 = arith.constant 0 : i32
    %c0_i32_0 = arith.constant 0 : i32
    %c0_i32_1 = arith.constant 0 : i32
    return %c0_i32, %c0_i32_0 : i32, i32
  }
  func.func @transform_8(%arg0: i32) -> (i32, i32) {
    %c0_i32 = arith.constant 0 : i32
    %c0_i32_0 = arith.constant 0 : i32
    %c0_i32_1 = arith.constant 0 : i32
    return %c0_i32, %c0_i32_0 : i32, i32
  }
  func.func @transform_9(%arg0: i32) -> (i32, i32) {
    %c0_i32 = arith.constant 0 : i32
    %c0_i32_0 = arith.constant 0 : i32
    %c0_i32_1 = arith.constant 0 : i32
    return %c0_i32, %c0_i32_0 : i32, i32
  }
  func.func @transform_10(%arg0: i32) -> (i32, i32) {
    %c0_i32 = arith.constant 0 : i32
    %c0_i32_0 = arith.constant 0 : i32
    return %arg0, %c0_i32 : i32, i32
  }
}

module attributes {stable_mosaic.version = 14 : i64} {
  func.func @body(%arg0: memref<10000x16xf32, #tpu.memory_space<vmem>>, %arg1: memref<2x10000x16xf32, #tpu.memory_space<vmem>>, %arg2: memref<2x10000x16xf32, #tpu.memory_space<vmem>>, %arg3: memref<16x16xf32, #tpu.memory_space<vmem>>, %arg4: memref<1x16xf32, #tpu.memory_space<vmem>>, %arg5: memref<10000x16xf32, #tpu.memory_space<vmem>>) attributes {dimension_semantics = [], scalar_prefetch = 0 : i64, scratch_operands = 0 : i64, tpu.core_type = #tpu.core_type<tc>} {
    %get3A = arith.constant 0 : index
    %get3A_0 = arith.constant 0 : index
    %get3A_1 = arith.constant 0 : index
    %get3A_2 = vector.load %arg1[%get3A, %get3A_0, %get3A_1] : memref<2x10000x16xf32, #tpu.memory_space<vmem>>, vector<1x10000x16xf32>
    %get3A_3 = vector.shape_cast %get3A_2 : vector<1x10000x16xf32> to vector<10000x16xf32>
    %get3A_4 = arith.constant 1 : index
    %get3A_5 = arith.constant 0 : index
    %get3A_6 = arith.constant 0 : index
    %get3A_7 = vector.load %arg1[%get3A_4, %get3A_5, %get3A_6] : memref<2x10000x16xf32, #tpu.memory_space<vmem>>, vector<1x10000x16xf32>
    %get3A_8 = vector.shape_cast %get3A_7 : vector<1x10000x16xf32> to vector<10000x16xf32>
    %add3A = arith.addf %get3A_3, %get3A_8 : vector<10000x16xf32>
    %get3A_9 = arith.constant 0 : index
    %get3A_10 = arith.constant 0 : index
    %get3A_11 = arith.constant 0 : index
    %get3A_12 = vector.load %arg2[%get3A_9, %get3A_10, %get3A_11] : memref<2x10000x16xf32, #tpu.memory_space<vmem>>, vector<1x10000x16xf32>
    %get3A_13 = vector.shape_cast %get3A_12 : vector<1x10000x16xf32> to vector<10000x16xf32>
    %add3A_14 = arith.addf %add3A, %get3A_13 : vector<10000x16xf32>
    %get3A_15 = arith.constant 1 : index
    %get3A_16 = arith.constant 0 : index
    %get3A_17 = arith.constant 0 : index
    %get3A_18 = vector.load %arg2[%get3A_15, %get3A_16, %get3A_17] : memref<2x10000x16xf32, #tpu.memory_space<vmem>>, vector<1x10000x16xf32>
    %get3A_19 = vector.shape_cast %get3A_18 : vector<1x10000x16xf32> to vector<10000x16xf32>
    %add3A_20 = arith.addf %add3A_14, %get3A_19 : vector<10000x16xf32>
    %get3A_21 = arith.constant 0 : index
    %get3A_22 = arith.constant 0 : index
    %get3A_23 = vector.load %arg4[%get3A_21, %get3A_22] : memref<1x16xf32, #tpu.memory_space<vmem>>, vector<1x16xf32>
    %add3A_24 = vector.broadcast %get3A_23 : vector<1x16xf32> to vector<10000x16xf32>
    %add3A_25 = arith.addf %add3A_20, %add3A_24 : vector<10000x16xf32>
    %get3A_26 = arith.constant 0 : index
    %get3A_27 = arith.constant 0 : index
    %get3A_28 = vector.load %arg0[%get3A_26, %get3A_27] : memref<10000x16xf32, #tpu.memory_space<vmem>>, vector<10000x16xf32>
    %get3A_29 = arith.constant 0 : index
    %get3A_30 = arith.constant 0 : index
    %get3A_31 = vector.load %arg3[%get3A_29, %get3A_30] : memref<16x16xf32, #tpu.memory_space<vmem>>, vector<16x16xf32>
    %dot_general3A = arith.constant dense<0.000000e+00> : vector<10000x16xf32>
    %dot_general3A_32 = tpu.matmul %get3A_28, %get3A_31, %dot_general3A {dimension_numbers = #tpu.dot_dimension_numbers<[1], [0], [0], [1], [0, 0, 1, 1], [], []>, transpose_lhs_hint = false} : vector<10000x16xf32>, vector<16x16xf32>, vector<10000x16xf32> -> vector<10000x16xf32>
    %add3A_33 = arith.addf %add3A_25, %dot_general3A_32 : vector<10000x16xf32>
    %mul3A = arith.constant 5.000000e-01 : f32
    %mul3A_34 = vector.broadcast %mul3A : f32 to vector<10000x16xf32>
    %mul3A_35 = arith.mulf %mul3A_34, %add3A_33 : vector<10000x16xf32>
    %mul3A_36 = arith.constant 0.707106769 : f32
    %mul3A_37 = vector.broadcast %mul3A_36 : f32 to vector<10000x16xf32>
    %mul3A_38 = arith.mulf %add3A_33, %mul3A_37 : vector<10000x16xf32>
    %erf3A = math.erf %mul3A_38 : vector<10000x16xf32>
    %add3A_39 = arith.constant 1.000000e+00 : f32
    %add3A_40 = vector.broadcast %add3A_39 : f32 to vector<10000x16xf32>
    %add3A_41 = arith.addf %add3A_40, %erf3A : vector<10000x16xf32>
    %mul3A_42 = arith.mulf %mul3A_35, %add3A_41 : vector<10000x16xf32>
    %swap3A = arith.constant 0 : index
    %swap3A_43 = arith.constant 0 : index
    %swap3A_44 = vector.load %arg5[%swap3A, %swap3A_43] : memref<10000x16xf32, #tpu.memory_space<vmem>>, vector<10000x16xf32>
    tpu.vector_store %arg5[%swap3A, %swap3A_43], %mul3A_42 {strides = array<i32>} : memref<10000x16xf32, #tpu.memory_space<vmem>>, vector<10000x16xf32>,
    return
  }
}

module attributes {stable_mosaic.version = 14 : i64} {
  func.func @body(%arg0: memref<10000x16xf32, #tpu.memory_space<vmem>>, %arg1: memref<2x10000x16xf32, #tpu.memory_space<vmem>>, %arg2: memref<2x10000x16xf32, #tpu.memory_space<vmem>>, %arg3: memref<16x16xf32, #tpu.memory_space<vmem>>, %arg4: memref<1x16xf32, #tpu.memory_space<vmem>>, %arg5: memref<10000x16xf32, #tpu.memory_space<vmem>>) attributes {dimension_semantics = [], scalar_prefetch = 0 : i64, scratch_operands = 0 : i64, tpu.core_type = #tpu.core_type<tc>} {
    %get3A = arith.constant 0 : index
    %get3A_0 = arith.constant 0 : index
    %get3A_1 = arith.constant 0 : index
    %get3A_2 = vector.load %arg1[%get3A, %get3A_0, %get3A_1] : memref<2x10000x16xf32, #tpu.memory_space<vmem>>, vector<1x10000x16xf32>
    %get3A_3 = vector.shape_cast %get3A_2 : vector<1x10000x16xf32> to vector<10000x16xf32>
    %get3A_4 = arith.constant 1 : index
    %get3A_5 = arith.constant 0 : index
    %get3A_6 = arith.constant 0 : index
    %get3A_7 = vector.load %arg1[%get3A_4, %get3A_5, %get3A_6] : memref<2x10000x16xf32, #tpu.memory_space<vmem>>, vector<1x10000x16xf32>
    %get3A_8 = vector.shape_cast %get3A_7 : vector<1x10000x16xf32> to vector<10000x16xf32>
    %add3A = arith.addf %get3A_3, %get3A_8 : vector<10000x16xf32>
    %get3A_9 = arith.constant 0 : index
    %get3A_10 = arith.constant 0 : index
    %get3A_11 = arith.constant 0 : index
    %get3A_12 = vector.load %arg2[%get3A_9, %get3A_10, %get3A_11] : memref<2x10000x16xf32, #tpu.memory_space<vmem>>, vector<1x10000x16xf32>
    %get3A_13 = vector.shape_cast %get3A_12 : vector<1x10000x16xf32> to vector<10000x16xf32>
    %add3A_14 = arith.addf %add3A, %get3A_13 : vector<10000x16xf32>
    %get3A_15 = arith.constant 1 : index
    %get3A_16 = arith.constant 0 : index
    %get3A_17 = arith.constant 0 : index
    %get3A_18 = vector.load %arg2[%get3A_15, %get3A_16, %get3A_17] : memref<2x10000x16xf32, #tpu.memory_space<vmem>>, vector<1x10000x16xf32>
    %get3A_19 = vector.shape_cast %get3A_18 : vector<1x10000x16xf32> to vector<10000x16xf32>
    %add3A_20 = arith.addf %add3A_14, %get3A_19 : vector<10000x16xf32>
    %get3A_21 = arith.constant 0 : index
    %get3A_22 = arith.constant 0 : index
    %get3A_23 = vector.load %arg4[%get3A_21, %get3A_22] : memref<1x16xf32, #tpu.memory_space<vmem>>, vector<1x16xf32>
    %add3A_24 = vector.broadcast %get3A_23 : vector<1x16xf32> to vector<10000x16xf32>
    %add3A_25 = arith.addf %add3A_20, %add3A_24 : vector<10000x16xf32>
    %get3A_26 = arith.constant 0 : index
    %get3A_27 = arith.constant 0 : index
    %get3A_28 = vector.load %arg0[%get3A_26, %get3A_27] : memref<10000x16xf32, #tpu.memory_space<vmem>>, vector<10000x16xf32>
    %get3A_29 = arith.constant 0 : index
    %get3A_30 = arith.constant 0 : index
    %get3A_31 = vector.load %arg3[%get3A_29, %get3A_30] : memref<16x16xf32, #tpu.memory_space<vmem>>, vector<16x16xf32>
    %dot_general3A = arith.constant dense<0.000000e+00> : vector<10000x16xf32>
    %dot_general3A_32 = tpu.matmul %get3A_28, %get3A_31, %dot_general3A {dimension_numbers = #tpu.dot_dimension_numbers<[1], [0], [0], [1], [0, 0, 1, 1], [], []>, transpose_lhs_hint = false} : vector<10000x16xf32>, vector<16x16xf32>, vector<10000x16xf32> -> vector<10000x16xf32>
    %add3A_33 = arith.addf %add3A_25, %dot_general3A_32 : vector<10000x16xf32>
    %swap3A = arith.constant 0 : index
    %swap3A_34 = arith.constant 0 : index
    %swap3A_35 = vector.load %arg5[%swap3A, %swap3A_34] : memref<10000x16xf32, #tpu.memory_space<vmem>>, vector<10000x16xf32>
    tpu.vector_store %arg5[%swap3A, %swap3A_34], %add3A_33 {strides = array<i32>} : memref<10000x16xf32, #tpu.memory_space<vmem>>, vector<10000x16xf32>,
    return
  }
}

</mosaic_0001>

<sc_bundles>
// kernel: kernel.16.cloned.1.call-start
scs
__scs_entry_jumppad:
0x0: {  	(pc) =	sbr.rel $0x88, $3  }
0x1: {  	(tag) =	ssettag $0x0;
	lr =	simm.s32 $0x1  }
0x2: {  	[smem:$0x3F94] =	sst lr;
	_ =	strace $0xD0000000  }
0x3: {  	_ = 	snop  }
0x4: {  	_ = 	snop  }
0x5: {  	_ = 	snop  }
0x6: {  	_ = 	snop  }
0x7: {  	_ = 	snop  }
__scs_overlays_trampoline_lowered:
0x8: {  	[smem:$0x3FA3] =	sst s0  }
0x9: {  	[smem:$0x3FA4] =	sst s1  }
0xa: {  	[smem:$0x3FA5] =	sst s2  }
0xb: {  	[smem:$0x3FA6] =	sst s3  }
0xc: {  	[smem:$0x3FA7] =	sst s4  }
0xd: {  	[smem:$0x3FA8] =	sst s5  }
0xe: {  	[smem:$0x3FA9] =	sst s6  }
0xf: {  	[smem:$0x3FAA] =	sst s7  }
0x10: {  	[smem:$0x3FAB] =	sst s8  }
0x11: {  	[smem:$0x3FAC] =	sst s9;
	s0 =	simm.s32 @!p0 $0x0  }
0x12: {  	s1 =	sld [smem:$0x3F92];
	s0 =	simm.s32 @p0 $0x1  }
0x13: {  	[smem:$0x3FAD] =	sst s0;
	s0 =	simm.s32 @!p1 $0x0  }
0x14: {  	s2 =	sld [smem:$0x3F91];
	s0 =	simm.s32 @p1 $0x1  }
0x15: {  	[smem:$0x3FAE] =	sst s0;
	s0 =	simm.s32 @!p2 $0x0  }
0x16: {  	s3 =	sld [smem:$0x3FDB];
	s0 =	simm.s32 @p2 $0x1  }
0x17: {  	s4 =	simm.s32 $0x1BF5;
	[smem:$0x3FB0] =	sst s0  }
0x18: {  	s0 =	sld [smem:$0x3F93];
	_ =	swait.ge [sflag:s4], $0x0  }
0x19: {  	s7 =	sld [smem:$0x3F94]  }
0x1a: {  	s8 =	sadd.s32 $0xFFFFE003, lr  }
0x1b: {  	s9 =	sadd.s32 $0xFFFFFEF7, lr;
	s5 =	simm.s32 $0xFFFFFFFF;
	p2 =	slt.u32 s8, $0xFFFFF086  }
0x1c: {  	p1 =	slt.u32 s9, $0xF7A;
	s5 =	simm.s32 @!p2 $0x0  }
0x1d: {  	s5 =	simm.s32 @p1 $0x1;
	p0 =	seq.s32 s7, s2  }
0x1e: {  	s7 =	smul.u32 @!p0 $0xF7A, s2;
	p2 =	seq.s32 @!p0 s5, $0x0  }
0x1f: {  	s9 =	smul.u32 $0xF7A, s1;
	s8 =	simm.s32 @!p0 $0x1BF5;
	p2 =	por !p2, p0  }
0x20: {  	[sflag:s8] =	ssyncset.s32 @!p0 $0xFFFFF086;
	s6 =	sadd.s32 @!p0 s3, s7;
	s7 =	simm.s32 @!p0 $0x108  }
0x21: {  	s3 =	sadd.s32 s3, s9;
	s6 =	sadd.s32 @!p0 $0x88, s6;
	s7 =	simm.s32 @p2 $0x1082  }
0x22: {  	[simem:s7], [sflag:s8] =	dma.local @!p0 [hbm:s6], $0xF7A  }
0x23: {  	s9 =	sor.u32 $0xD0000000, s2;
	s6 =	simm.s32 $0x108;
	_ =	swait.ge @!p0 [sflag:s8], $0x0  }
0x24: {  	s3 =	sadd.s32 $0x88, s3;
	s6 =	simm.s32 @!p1 $0x1082;
	[sflag:s4] =	ssyncset.s32 $0xFFFFF086  }
0x25: {  	[simem:s6], [sflag:s4] =	dma.local [hbm:s3], $0xF7A  }
0x26: {  	[smem:$0x3F94] =	sst s1;
	(tag) =	ssettag s2;
	_ =	strace s9  }
0x27: {  	s1 =	sld [smem:$0x3FA4]  }
0x28: {  	s2 =	sld [smem:$0x3FA5]  }
0x29: {  	s4 =	sld [smem:$0x3FA7]  }
0x2a: {  	p0 =	seq.s32 s5, $0x0;
	s5 =	sld [smem:$0x3FA8]  }
0x2b: {  	s6 =	sld [smem:$0x3FA9]  }
0x2c: {  	s7 =	sld [smem:$0x3FAA]  }
0x2d: {  	s3 =	simm.s32 $0x108;
	s8 =	sld [smem:$0x3FAB]  }
0x2e: {  	s3 =	simm.s32 @!p0 $0x1082;
	s9 =	sld [smem:$0x3FAC]  }
0x2f: {  	lr =	sadd.s32 s0, s3;
	s0 =	sld [smem:$0x3FA3]  }
0x30: {  	s3 =	sld [smem:$0x3FA6]  }
0x31: {  	[smem:$0x3FAF] =	sst s10  }
0x32: {  	s10 =	sld [smem:$0x3FAD];
	_ =	sdelay $0x3  }
0x33: {  	p0 =	seq.s32 s10, $0x1;
	s10 =	sld [smem:$0x3FAF];
	_ =	sdelay $0x3  }
0x34: {  	[smem:$0x3FAF] =	sst s10  }
0x35: {  	s10 =	sld [smem:$0x3FAE];
	_ =	sdelay $0x3  }
0x36: {  	p1 =	seq.s32 s10, $0x1;
	s10 =	sld [smem:$0x3FAF];
	_ =	sdelay $0x3  }
0x37: {  	[smem:$0x3FAF] =	sst s10  }
0x38: {  	s10 =	sld [smem:$0x3FB0]  }
0x39: {  	_ = 	snop;
	(pc) =	sbr.ind lr, $3  }
0x3a: {  	_ = 	snop  }
0x3b: {  	_ = 	snop  }
0x3c: {  	p2 =	seq.s32 s10, $0x1;
	s10 =	sld [smem:$0x3FAF]  }
0x3d: {  	_ =	shalt  }
0x3e: {  	_ =	shalt  }
0x3f: {  	_ =	shalt  }
0x40: {  	_ =	shalt  }
0x41: {  	_ =	shalt  }
0x42: {  	_ =	shalt  }
0x43: {  	_ =	shalt  }
0x44: {  	_ =	shalt  }
0x45: {  	_ =	shalt  }
0x46: {  	_ =	shalt  }
0x47: {  	_ =	shalt  }
0x48: {  	_ =	shalt  }
0x49: {  	_ =	shalt  }
0x4a: {  	_ =	shalt  }
0x4b: {  	_ =	shalt  }
0x4c: {  	_ =	shalt  }
0x4d: {  	_ =	shalt  }
0x4e: {  	_ =	shalt  }
0x4f: {  	_ =	shalt  }
0x50: {  	_ =	shalt  }
0x51: {  	_ =	shalt  }
0x52: {  	_ =	shalt  }
0x53: {  	_ =	shalt  }
0x54: {  	_ =	shalt  }
0x55: {  	_ =	shalt  }
0x56: {  	_ =	shalt  }
0x57: {  	_ =	shalt  }
0x58: {  	_ =	shalt  }
0x59: {  	_ =	shalt  }
0x5a: {  	_ =	shalt  }
0x5b: {  	_ =	shalt  }
0x5c: {  	_ =	shalt  }
0x5d: {  	_ =	shalt  }
0x5e: {  	_ =	shalt  }
0x5f: {  	_ =	shalt  }
0x60: {  	_ =	shalt  }
0x61: {  	_ =	shalt  }
0x62: {  	_ =	shalt  }
0x63: {  	_ =	shalt  }
0x64: {  	_ =	shalt  }
0x65: {  	_ =	shalt  }
0x66: {  	_ =	shalt  }
0x67: {  	_ =	shalt  }
0x68: {  	_ =	shalt  }
0x69: {  	_ =	shalt  }
0x6a: {  	_ =	shalt  }
0x6b: {  	_ =	shalt  }
0x6c: {  	_ =	shalt  }
0x6d: {  	_ =	shalt  }
0x6e: {  	_ =	shalt  }
0x6f: {  	_ =	shalt  }
0x70: {  	_ =	shalt  }
0x71: {  	_ =	shalt  }
0x72: {  	_ =	shalt  }
0x73: {  	_ =	shalt  }
0x74: {  	_ =	shalt  }
0x75: {  	_ =	shalt  }
0x76: {  	_ =	shalt  }
0x77: {  	_ =	shalt  }
0x78: {  	_ =	shalt  }
0x79: {  	_ =	shalt  }
0x7a: {  	_ =	shalt  }
0x7b: {  	_ =	shalt  }
0x7c: {  	_ =	shalt  }
0x7d: {  	_ =	shalt  }
0x7e: {  	_ =	shalt  }
0x7f: {  	_ =	shalt  }
0x80: {  	_ =	shalt  }
0x81: {  	_ =	shalt  }
0x82: {  	_ =	shalt  }
0x83: {  	_ =	shalt  }
0x84: {  	_ =	shalt  }
0x85: {  	_ =	shalt  }
0x86: {  	_ =	shalt  }
0x87: {  	_ =	shalt  }
.Lfunc_end0:
.L_simem_size_0:
called_computation_lowered:
.L_overlay_start_0:
0x88: {  	s2 =	sld [smem:$0x3FD9]  }
0x89: {  	s3 =	sld [smem:$0x3FFE];
	_ =	sdelay $0x1  }
0x8a: {  	s1 =	srdreg.scid  }
0x8b: {  	s0 =	sand.u32 $0x1, s1  }
0x8c: {  	s17 =	sshll.u32 s0, $0xA;
	s2 =	sadd.s32 s3, s2  }
0x8d: {  	s2 =	sadd.s32 s2, s17  }
0x8e: {  	[smem:$0x3FBB] =	sst s2  }
0x8f: {  	_ = 	snop  }
0x90: {  	s2 =	sld [smem:$0x3FD0];
	(tm) =	ssettm $0x1  }
0x91: {  	s18 =	sld [smem:$0x3FFB];
	_ =	sdelay $0x3  }
0x92: {  	_ =	strace s18  }
0x93: {  	s3 =	sld [smem:$0x3FFC];
	_ =	sdelay $0x3  }
0x94: {  	_ =	strace s3  }
0x95: {  	s3 =	sld [smem:$0x3FFD];
	_ =	sdelay $0x3  }
0x96: {  	_ =	strace s3  }
0x97: {  	_ =	strace $0x8FFFFFFF  }
0x98: {  	s19 =	sld [smem:$0x3FDB];
	_ =	sdelay $0x1  }
0x99: {  	s4 =	simm.s32 $_scs_section_size  }
0x9a: {  	s5 =	simm.s32 $_size__tile_overlayer_lowered;
	s6 =	simm.s32 $_tile_overlayer_lowered  }
0x9b: {  	s22 =	simm.s32 $0x1BFF;
	s21 =	sshll.u32 s6, $0x1;
	s3 =	sadd.s32 s4, s19  }
0x9c: {  	s7 =	simm.s32 $0x0;
	s20 =	sshll.u32 s5, $0x1;
	s5 =	sadd.s32 s21, s3  }
0x9d: {  	[timem:s7], [sflag:s22] =	dma.local [hbm:s5], s20  }
0x9e: {  	_ =	swait.ge [sflag:s22], s20  }
0x9f: {  	s4 =	ssub.s32 $0x0, s20;
	[sflag:s22] =	ssyncset.done $0x0  }
0xa0: {  	[sflag:s22] =	ssyncadd.s32 s4;
	_ =	sdelay $0x1  }
0xa1: {  	s23 =	simm.s32 $0x1B8B  }
0xa2: {  	_ =	swait.ge [sflag:s23], $0x1  }
0xa3: {  	[sflag:s23] =	ssyncset.done $0x0  }
0xa4: {  	s25 =	simm.s32 $0x1B8E;
	s24 =	sld [smem:$0x3FFE];
	[sflag:s23] =	ssyncadd.s32 $0xFFFFFFFF  }
0xa5: {  	s26 =	simm.s32 $execute0_lowered;
	[smem:$0x3FD2] =	sst s25  }
0xa6: {  	s5 =	sshll.u32 s26, $0x1;
	_ =	strace $0x80000046;
	[dreg:$0x1] =	wrdreg $0xFFFFFFFF  }
0xa7: {  	s28 =	simm.s32 $_size_execute0_lowered;
	s3 =	sadd.s32 s3, s5;
	[dreg:$0x0] =	wrdreg $0x0  }
0xa8: {  	s5 =	sshll.u32 s28, $0x1;
	[dreg:$0x2] =	wrdreg s3  }
0xa9: {  	[dreg:$0x3] =	wrdreg s5  }
0xaa: {  	[dreg:$0x4] =	wrdreg $0xC0  }
0xab: {  	_ =	task [dreg:s7], $0x5FFFF  }
0xac: {  	[dreg:$0x1] =	wrdreg $0xFFFFFFFF  }
0xad: {  	[dreg:$0x0] =	wrdreg $0x60  }
0xae: {  	[dreg:$0x2] =	wrdreg s2  }
0xaf: {  	[dreg:$0x3] =	wrdreg s24  }
0xb0: {  	[dreg:$0x4] =	wrdreg $0xA  }
0xb1: {  	_ =	task.clear_ibuf [dreg:s7], $0x5FFFF;
	_ =	strace $0x90000046  }
0xb2: {  	s29 =	simm.s32 $0xA;
	_ =	strace $0x80000048  }
0xb3: {  	_ =	swait.ge [sflag:s29], $0x1  }
0xb4: {  	[sflag:s29] =	ssyncadd.s32 $0xFFFFFFFF  }
0xb5: {  	_ =	strace $0x90000048  }
0xb6: {  	_ =	sfence  }
0xb7: {  	s30 =	sld [smem:$0x0];
	_ =	sdelay $0x2  }
0xb8: {  	s31 =	sshll.u32 s1, $0xD;
	s1 =	sshrl.u32 s1, $0x2  }
0xb9: {  	s3 =	sand.u32 $0x4000, s31;
	s1 =	sadd.s32 s1, s30  }
0xba: {  	s0 =	sor.u32 s3, s0;
	s1 =	sshll.u32 s1, $0x11  }
0xbb: {  	s0 =	sor.u32 s1, s0  }
0xbc: {  	s0 =	sadd.s32 $0x8F2B, s0  }
0xbd: {  	[sflag:s0] =	ssyncadd.remote.s32 $0x1  }
0xbe: {  	_ =	sfence.sel $0xFFFF  }
0xbf: {  	[dreg:$0x0] =	wrdreg $0xFFFFFFFF;
	(pc) =	sbr.abs _section_cstart, $3  }
0xc0: {  	[dreg:$0x1] =	wrdreg $0xFFFFFFFF  }
0xc1: {  	_ =	task.clear_ibuf [dreg:s7], $0x2FFFF;
	_ =	strace $0x9FFFFFFF  }
0xc2: {  	(tm) =	ssettm $0x7FFFFFFF  }
0xc3: {  	_ =	shalt  }
tec
execute0_lowered:
.L_overlay_start_1:
0x0: {  	(tag) =	ssettag $0x1  }
0x1: {  	s1 =	rddreg [dreg:$0x0]  }
0x2: {  	s3 =	rddreg [dreg:$0x1];
	s2 =	simm.s32 $0x0;
	s4 =	srdreg.scid  }
0x3: {  	s24 =	stileid.u32;
	s15 =	simm.s32 $0x2400;
	s16 =	simm.s32 $0x1  }
0x4: {  	s17 =	simm.s32 $0x180;
	s18 =	simm.s32 $0x2C00;
	s19 =	simm.s32 $0x200  }
0x5: {  	s20 =	simm.s32 $0x3400;
	s21 =	simm.s32 $0x280;
	s22 =	simm.s32 $0x3C00  }
0x6: {  	s23 =	simm.s32 $0x2;
	[smem:$0x7FF] =	sst s2;
	s4 =	sand.u32 $0x1, s4  }
0x7: {  	s5 =	sshll.u32 s24, $0x1;
	s6 =	sadd.s32 $0x2C200, s3;
	s8 =	sadd.s32 $0x36200, s3  }
0x8: {  	s31 =	smul.u32 $0x4E00, s24;
	p0 =	sne.s32 s24, $0x0;
	s24 =	simm.s32 $0x0  }
0x9: {  	_ =	strace $0x80000047;
	s5 =	sor.u32 s4, s5;
	s12 =	smul.u32 $0x2700, s4  }
0xa: {  	s7 =	ssub.s32 $0x2, s4;
	s10 =	sshll.u32 s4, $0x7;
	s9 =	smul.u32 $0x270, s5  }
0xb: {  	s29 =	sshrl.u32 s7, $0x1;
	s11 =	smul.u32 $0x2700, s5;
	s30 =	sor.u32 $0x27000, s10  }
0xc: {  	s7 =	ssub.s32 s7, s29;
	s10 =	sshrl.u32 s30, $0x3;
	s5 =	sshll.u32 s30, $0x1  }
0xd: {  	s3 =	sadd.s32 s6, s9;
	s4 =	sadd.s32 s6, s10;
	s5 =	sadd.s32 s8, s5  }
0xe: {  	s9 =	sadd.s32 s31, s8;
	s6 =	smax.u32 s7, $0x1;
	s7 =	sadd.s32 s8, s11  }
0xf: {  	s10 =	simm.s32 $0x3;
	s11 =	simm.s32 $0x80;
	s9 =	sadd.s32 s12, s9  }
0x10: {  	s8 =	sadd.s32 $0x300, s7;
	s12 =	simm.s32 $0x1400;
	s9 =	sadd.s32 $0x600, s9  }
.LBB2_1:
0x11: {  	[tilespmem:s2], [sflag:$0x3] =	stream.linear.gather [hbm4b:s3+s2], $0x1380, $0x38;
	[tilespmem:$0x4C00] =	vst v63  }
0x12: {  	_ =	swait.ge [sflag:s10], $0x1380  }
0x13: {  	[sflag:s10] =	ssyncset.done $0x0  }
0x14: {  	[sflag:s10] =	ssyncadd.s32 $0xFFFFEC80  }
0x15: {  	[tilespmem:s12], [sflag:$0x1] =	stream.indirect.gather [hbm4b:s1+s11], $0x10, s2, s11, $0xb8;
	[tilespmem:$0x4C00] =	vst v63  }
0x16: {  	s0 =	simm.s32 $0x1C00  }
0x17: {  	[tilespmem:s0], [sflag:$0x1] =	stream.indirect.gather [hbm4b:s1+s11], $0x10, s11, s11, $0xb8;
	[tilespmem:$0x4C00] =	vst v63  }
0x18: {  	s26 =	simm.s32 $0x100  }
0x19: {  	[tilespmem:s15], [sflag:$0x1] =	stream.indirect.gather [hbm4b:s1+s11], $0x10, s26, s11, $0xb8;
	[tilespmem:$0x4C00] =	vst v63  }
0x1a: {  	_ =	swait.ge [sflag:s16], $0x800  }
0x1b: {  	[sflag:s16] =	ssyncset.done $0x0  }
0x1c: {  	[sflag:s16] =	ssyncadd.s32 $0xFFFFF800  }
0x1d: {  	_ =	swait.ge [sflag:s16], $0x800  }
0x1e: {  	[sflag:s16] =	ssyncset.done $0x0  }
0x1f: {  	[sflag:s16] =	ssyncadd.s32 $0xFFFFF800  }
0x20: {  	_ =	swait.ge [sflag:s16], $0x800  }
0x21: {  	[sflag:s16] =	ssyncset.done $0x0  }
0x22: {  	[sflag:s16] =	ssyncadd.s32 $0xFFFFF800  }
0x23: {  	[hbm4b:s7+s2] =	stream.linear.scatter [tilespmem:s12], [sflag:$0x2], $0x1800, $0x38;
	[tilespmem:$0x4C00] =	vst v63  }
0x24: {  	_ = 	snop  }
0x25: {  	[tilespmem:s18], [sflag:$0x1] =	stream.indirect.gather [hbm4b:s1+s11], $0x10, s17, s11, $0xb8;
	[tilespmem:$0x4C00] =	vst v63  }
0x26: {  	_ = 	snop  }
0x27: {  	[tilespmem:s20], [sflag:$0x1] =	stream.indirect.gather [hbm4b:s1+s11], $0x10, s19, s11, $0xb8;
	[tilespmem:$0x4C00] =	vst v63  }
0x28: {  	_ = 	snop  }
0x29: {  	[tilespmem:s22], [sflag:$0x1] =	stream.indirect.gather [hbm4b:s1+s11], $0x10, s21, s11, $0xb8;
	[tilespmem:$0x4C00] =	vst v63  }
0x2a: {  	_ =	swait.ge [sflag:s16], $0x800  }
0x2b: {  	[sflag:s16] =	ssyncset.done $0x0  }
0x2c: {  	[sflag:s16] =	ssyncadd.s32 $0xFFFFF800  }
0x2d: {  	_ =	swait.ge [sflag:s16], $0x800  }
0x2e: {  	[sflag:s16] =	ssyncset.done $0x0  }
0x2f: {  	[sflag:s16] =	ssyncadd.s32 $0xFFFFF800  }
0x30: {  	_ =	swait.ge [sflag:s16], $0x800  }
0x31: {  	[sflag:s16] =	ssyncset.done $0x0  }
0x32: {  	s25 =	sand.u32 $0x1, s23;
	[sflag:s16] =	ssyncadd.s32 $0xFFFFF800  }
0x33: {  	[hbm4b:s8+s2] =	stream.linear.scatter [tilespmem:s18], [sflag:$0x2], $0x1800, $0x38;
	[tilespmem:$0x4C00] =	vst v63  }
0x34: {  	p1 =	seq.s32 s25, $0x1;
	s25 =	simm.s32 $0x1800;
	_ =	swait.ge [sflag:s23], $0x1800  }
0x35: {  	s25 =	simm.s32 @!p1 $0x0;
	[sflag:s23] =	ssyncset.done $0x0  }
0x36: {  	s28 =	sadd.s32 $0x1400, s25;
	s26 =	simm.s32 $0x300;
	[sflag:s23] =	ssyncadd.s32 $0xFFFFE800  }
0x37: {  	[tilespmem:s28], [sflag:$0x1] =	stream.indirect.gather [hbm4b:s1+s11], $0x10, s26, s11, $0xb8;
	[tilespmem:$0x4C00] =	vst v63  }
0x38: {  	s29 =	simm.s32 $0x380;
	s13 =	sadd.s32 $0x1C00, s25  }
0x39: {  	[tilespmem:s13], [sflag:$0x1] =	stream.indirect.gather [hbm4b:s1+s11], $0x10, s29, s11, $0xb8;
	[tilespmem:$0x4C00] =	vst v63  }
0x3a: {  	s14 =	simm.s32 $0x400;
	s25 =	sor.u32 $0x2400, s25  }
0x3b: {  	[tilespmem:s25], [sflag:$0x1] =	stream.indirect.gather [hbm4b:s1+s11], $0x10, s14, s11, $0xb8;
	[tilespmem:$0x4C00] =	vst v63  }
0x3c: {  	_ =	swait.ge [sflag:s16], $0x800  }
0x3d: {  	[sflag:s16] =	ssyncset.done $0x0  }
0x3e: {  	[sflag:s16] =	ssyncadd.s32 $0xFFFFF800  }
0x3f: {  	_ =	swait.ge [sflag:s16], $0x800  }
0x40: {  	[sflag:s16] =	ssyncset.done $0x0  }
0x41: {  	[sflag:s16] =	ssyncadd.s32 $0xFFFFF800  }
0x42: {  	s31 =	simm.s32 $0x4;
	s26 =	simm.s32 $0x3;
	_ =	swait.ge [sflag:s16], $0x800  }
0x43: {  	s30 =	smov.u32 s9;
	s29 =	sand.u32 $0x1, s26;
	[sflag:s16] =	ssyncset.done $0x0  }
0x44: {  	s26 =	simm.s32 $0x580;
	s25 =	sadd.s32 $0x300, s9;
	[sflag:s16] =	ssyncadd.s32 $0xFFFFF800  }
.LBB2_2:
0x45: {  	[hbm4b:s30+s2] =	stream.linear.scatter [tilespmem:s28], [sflag:$0x2], $0x1800, $0x38;
	[tilespmem:$0x4C00] =	vst v63  }
0x46: {  	s28 =	smov.u32 s31;
	s30 =	smov.u32 s25;
	p1 =	seq.s32 s29, $0x1  }
0x47: {  	s29 =	sand.u32 $0x1, s31;
	s13 =	simm.s32 $0x1800;
	_ =	swait.ge [sflag:s23], $0x1800  }
0x48: {  	s0 =	sadd.s32 $0x1, s31;
	s13 =	simm.s32 @!p1 $0x0;
	[sflag:s23] =	ssyncset.done $0x0  }
0x49: {  	s14 =	sadd.s32 $0xFFFFFF00, s26;
	s28 =	sadd.s32 $0x1400, s13;
	[sflag:s23] =	ssyncadd.s32 $0xFFFFE800  }
0x4a: {  	[tilespmem:s28], [sflag:$0x1] =	stream.indirect.gather [hbm4b:s1+s11], $0x10, s14, s11, $0xb8;
	[tilespmem:$0x4C00] =	vst v63  }
0x4b: {  	p1 =	sne.s32 s31, $0xC;
	s31 =	sadd.s32 $0xFFFFFF80, s26;
	s14 =	sadd.s32 $0x1C00, s13  }
0x4c: {  	[tilespmem:s14], [sflag:$0x1] =	stream.indirect.gather [hbm4b:s1+s11], $0x10, s31, s11, $0xb8;
	[tilespmem:$0x4C00] =	vst v63  }
0x4d: {  	s13 =	sor.u32 $0x2400, s13  }
0x4e: {  	[tilespmem:s13], [sflag:$0x1] =	stream.indirect.gather [hbm4b:s1+s11], $0x10, s26, s11, $0xb8;
	[tilespmem:$0x4C00] =	vst v63  }
0x4f: {  	_ =	swait.ge [sflag:s16], $0x800  }
0x50: {  	[sflag:s16] =	ssyncset.done $0x0  }
0x51: {  	[sflag:s16] =	ssyncadd.s32 $0xFFFFF800  }
0x52: {  	_ =	swait.ge [sflag:s16], $0x800  }
.Ltmp0:
0x53: {  	[sflag:s16] =	ssyncset.done $0x0;
	(pc) =	sbr.rel @p1 .LBB2_2-.Ltmp0, $4  }
0x54: {  	[sflag:s16] =	ssyncadd.s32 $0xFFFFF800  }
0x55: {  	_ =	swait.ge [sflag:s16], $0x800  }
0x56: {  	s25 =	sadd.s32 $0x300, s25;
	[sflag:s16] =	ssyncset.done $0x0  }
0x57: {  	s31 =	smov.u32 s0;
	s26 =	sadd.s32 $0x180, s26;
	[sflag:s16] =	ssyncadd.s32 $0xFFFFF800  }
0x58: {  	[hbm4b:s30+s2] =	stream.linear.scatter [tilespmem:s28], [sflag:$0x2], $0x1800, $0x38;
	[tilespmem:$0x4C00] =	vst v63  }
0x59: {  	p1 =	seq.s32 s29, $0x1;
	s0 =	simm.s32 $0x1800;
	_ =	swait.ge [sflag:s23], $0x1800  }
0x5a: {  	s0 =	simm.s32 @!p1 $0x0;
	[sflag:s23] =	ssyncset.done $0x0  }
0x5b: {  	s14 =	sadd.s32 $0xFFFFFF00, s26;
	s13 =	sadd.s32 $0x1400, s0;
	[sflag:s23] =	ssyncadd.s32 $0xFFFFE800  }
0x5c: {  	[tilespmem:s13], [sflag:$0x1] =	stream.indirect.gather [hbm4b:s1+s11], $0x10, s14, s11, $0xb8;
	[tilespmem:$0x4C00] =	vst v63  }
0x5d: {  	s31 =	sadd.s32 $0xFFFFFF80, s26;
	s30 =	sadd.s32 $0x1C00, s0  }
0x5e: {  	[tilespmem:s30], [sflag:$0x1] =	stream.indirect.gather [hbm4b:s1+s11], $0x10, s31, s11, $0xb8;
	[tilespmem:$0x4C00] =	vst v63  }
0x5f: {  	s0 =	sor.u32 $0x2400, s0  }
0x60: {  	[tilespmem:s0], [sflag:$0x1] =	stream.indirect.gather [hbm4b:s1+s11], $0x10, s26, s11, $0xb8;
	[tilespmem:$0x4C00] =	vst v63  }
0x61: {  	_ =	swait.ge [sflag:s16], $0x800  }
0x62: {  	[sflag:s16] =	ssyncset.done $0x0  }
0x63: {  	[sflag:s16] =	ssyncadd.s32 $0xFFFFF800  }
0x64: {  	_ =	swait.ge [sflag:s16], $0x800  }
0x65: {  	[sflag:s16] =	ssyncset.done $0x0  }
0x66: {  	[sflag:s16] =	ssyncadd.s32 $0xFFFFF800  }
0x67: {  	_ =	swait.ge [sflag:s16], $0x800  }
0x68: {  	[sflag:s16] =	ssyncset.done $0x0  }
0x69: {  	[sflag:s16] =	ssyncadd.s32 $0xFFFFF800  }
0x6a: {  	[hbm4b:s25+s2] =	stream.linear.scatter [tilespmem:s13], [sflag:$0x2], $0x1800, $0x38;
	[tilespmem:$0x4C00] =	vst v63  }
0x6b: {  	_ =	swait.ge [sflag:s23], $0x1800  }
0x6c: {  	[sflag:s23] =	ssyncset.done $0x0  }
0x6d: {  	[sflag:s23] =	ssyncadd.s32 $0xFFFFE800  }
0x6e: {  	_ =	swait.ge [sflag:s23], $0x1800  }
0x6f: {  	s14 =	simm.s32 @!p0 $0x3;
	[sflag:s23] =	ssyncset.done $0x0  }
0x70: {  	s0 =	simm.s32 @!p0 $0x0;
	s13 =	simm.s32 @!p0 $0x1380;
	[sflag:s23] =	ssyncadd.s32 $0xFFFFE800  }
0x71: {  	[tilespmem:s13], [sflag:$0x3] =	stream.linear.gather @!p0 [hbm4b:s4+s0], $0x80, $0x38;
	[tilespmem:$0x4C00] =	vst v63  }
0x72: {  	_ =	swait.ge @!p0 [sflag:s14], $0x80  }
0x73: {  	[sflag:s14] =	ssyncset.done @!p0 $0x0  }
0x74: {  	s26 =	simm.s32 @!p0 $0x4400;
	s25 =	simm.s32 @!p0 $0x80;
	[sflag:s14] =	ssyncadd.s32 @!p0 $0xFFFFFF80  }
0x75: {  	[tilespmem:s26], [sflag:$0x1] =	stream.indirect.gather @!p0 [hbm4b:s1+s25], $0x10, s13, s25, $0xb8;
	[tilespmem:$0x4C00] =	vst v63  }
0x76: {  	s13 =	simm.s32 @!p0 $0x1  }
0x77: {  	s24 =	sadd.s32 $0x1, s24;
	_ =	swait.ge @!p0 [sflag:s13], $0x800  }
0x78: {  	p1 =	sne.s32 s24, s6;
	[sflag:s13] =	ssyncset.done @!p0 $0x0  }
.Ltmp1:
0x79: {  	[sflag:s13] =	ssyncadd.s32 @!p0 $0xFFFFF800;
	(pc) =	sbr.rel @p1 .LBB2_1-.Ltmp1, $4  }
0x7a: {  	[hbm4b:s5+s0] =	stream.linear.scatter @!p0 [tilespmem:s26], [sflag:$0x3], $0x800, $0x38;
	[tilespmem:$0x4C00] =	vst v63  }
0x7b: {  	_ =	swait.ge @!p0 [sflag:s14], $0x800  }
0x7c: {  	[sflag:s14] =	ssyncset.done @!p0 $0x0  }
0x7d: {  	[sflag:s14] =	ssyncadd.s32 @!p0 $0xFFFFF800  }
0x7e: {  	_ =	sfence.sel $0x180000  }
0x7f: {  	[bflag:$0x0] =	sbarrier.arrive $0xFFFF  }
0x80: {  	_ =	strace $0x90000047  }
0x81: {  	[bflag:$0x2] =	sbarrier.arrive $0xFFFF  }
0x82: {  	s0 =	rddreg [dreg:$0x2]  }
0x83: {  	s0 =	sadd.s32 @!p0 $0x100000, s0  }
0x84: {  	[sflag:s0] =	ssyncadd.tile.s32 @!p0 $0x1;
	_ =	shalt  }
.Lfunc_end2:
_tile_overlayer_lowered:
.L_overlay_start_2:
0x85: {  	(tag) =	ssettag $0x2  }
0x86: {  	s0 =	rddreg [dreg:$0x0];
	s2 =	stileid.u32  }
0x87: {  	s1 =	rddreg [dreg:$0x1];
	p0 =	sne.s32 s2, $0x0  }
0x88: {  	s3 =	rddreg [dreg:$0x2];
	[bflag:$0x3] =	sbarrier.arrive $0xFFFF;
	s2 =	simm.s32 @!p0 $0x1C03  }
0x89: {  	[timem:s3], [sflag:s2] =	dma.local @!p0 [hbm:s0], s1  }
0x8a: {  	s0 =	simm.s32 @!p0 $0x3  }
0x8b: {  	_ =	swait.ge @!p0 [sflag:s0], s1  }
0x8c: {  	s1 =	ssub.s32 @!p0 $0x0, s1;
	[sflag:s0] =	ssyncset.done @!p0 $0x0  }
0x8d: {  	[sflag:s0] =	ssyncadd.s32 @!p0 s1  }
0x8e: {  	[bflag:$0x3] =	sbarrier.arrive $0xFFFF  }
0x8f: {  	_ =	shalt  }

// kernel: kernel.19.cloned.1.call-start
scs
__scs_entry_jumppad:
0x0: {  	(pc) =	sbr.rel $0x88, $3  }
0x1: {  	(tag) =	ssettag $0x0;
	lr =	simm.s32 $0x1  }
0x2: {  	[smem:$0x3F94] =	sst lr;
	_ =	strace $0xD0000000  }
0x3: {  	_ = 	snop  }
0x4: {  	_ = 	snop  }
0x5: {  	_ = 	snop  }
0x6: {  	_ = 	snop  }
0x7: {  	_ = 	snop  }
__scs_overlays_trampoline_lowered:
0x8: {  	[smem:$0x3FA3] =	sst s0  }
0x9: {  	[smem:$0x3FA4] =	sst s1  }
0xa: {  	[smem:$0x3FA5] =	sst s2  }
0xb: {  	[smem:$0x3FA6] =	sst s3  }
0xc: {  	[smem:$0x3FA7] =	sst s4  }
0xd: {  	[smem:$0x3FA8] =	sst s5  }
0xe: {  	[smem:$0x3FA9] =	sst s6  }
0xf: {  	[smem:$0x3FAA] =	sst s7  }
0x10: {  	[smem:$0x3FAB] =	sst s8  }
0x11: {  	[smem:$0x3FAC] =	sst s9;
	s0 =	simm.s32 @!p0 $0x0  }
0x12: {  	s1 =	sld [smem:$0x3F92];
	s0 =	simm.s32 @p0 $0x1  }
0x13: {  	[smem:$0x3FAD] =	sst s0;
	s0 =	simm.s32 @!p1 $0x0  }
0x14: {  	s2 =	sld [smem:$0x3F91];
	s0 =	simm.s32 @p1 $0x1  }
0x15: {  	[smem:$0x3FAE] =	sst s0;
	s0 =	simm.s32 @!p2 $0x0  }
0x16: {  	s3 =	sld [smem:$0x3FDB];
	s0 =	simm.s32 @p2 $0x1  }
0x17: {  	s4 =	simm.s32 $0x1BF5;
	[smem:$0x3FB0] =	sst s0  }
0x18: {  	s0 =	sld [smem:$0x3F93];
	_ =	swait.ge [sflag:s4], $0x0  }
0x19: {  	s7 =	sld [smem:$0x3F94]  }
0x1a: {  	s8 =	sadd.s32 $0xFFFFE003, lr  }
0x1b: {  	s9 =	sadd.s32 $0xFFFFFEF7, lr;
	s5 =	simm.s32 $0xFFFFFFFF;
	p2 =	slt.u32 s8, $0xFFFFF086  }
0x1c: {  	p1 =	slt.u32 s9, $0xF7A;
	s5 =	simm.s32 @!p2 $0x0  }
0x1d: {  	s5 =	simm.s32 @p1 $0x1;
	p0 =	seq.s32 s7, s2  }
0x1e: {  	s7 =	smul.u32 @!p0 $0xF7A, s2;
	p2 =	seq.s32 @!p0 s5, $0x0  }
0x1f: {  	s9 =	smul.u32 $0xF7A, s1;
	s8 =	simm.s32 @!p0 $0x1BF5;
	p2 =	por !p2, p0  }
0x20: {  	[sflag:s8] =	ssyncset.s32 @!p0 $0xFFFFF086;
	s6 =	sadd.s32 @!p0 s3, s7;
	s7 =	simm.s32 @!p0 $0x108  }
0x21: {  	s3 =	sadd.s32 s3, s9;
	s6 =	sadd.s32 @!p0 $0x88, s6;
	s7 =	simm.s32 @p2 $0x1082  }
0x22: {  	[simem:s7], [sflag:s8] =	dma.local @!p0 [hbm:s6], $0xF7A  }
0x23: {  	s9 =	sor.u32 $0xD0000000, s2;
	s6 =	simm.s32 $0x108;
	_ =	swait.ge @!p0 [sflag:s8], $0x0  }
0x24: {  	s3 =	sadd.s32 $0x88, s3;
	s6 =	simm.s32 @!p1 $0x1082;
	[sflag:s4] =	ssyncset.s32 $0xFFFFF086  }
0x25: {  	[simem:s6], [sflag:s4] =	dma.local [hbm:s3], $0xF7A  }
0x26: {  	[smem:$0x3F94] =	sst s1;
	(tag) =	ssettag s2;
	_ =	strace s9  }
0x27: {  	s1 =	sld [smem:$0x3FA4]  }
0x28: {  	s2 =	sld [smem:$0x3FA5]  }
0x29: {  	s4 =	sld [smem:$0x3FA7]  }
0x2a: {  	p0 =	seq.s32 s5, $0x0;
	s5 =	sld [smem:$0x3FA8]  }
0x2b: {  	s6 =	sld [smem:$0x3FA9]  }
0x2c: {  	s7 =	sld [smem:$0x3FAA]  }
0x2d: {  	s3 =	simm.s32 $0x108;
	s8 =	sld [smem:$0x3FAB]  }
0x2e: {  	s3 =	simm.s32 @!p0 $0x1082;
	s9 =	sld [smem:$0x3FAC]  }
0x2f: {  	lr =	sadd.s32 s0, s3;
	s0 =	sld [smem:$0x3FA3]  }
0x30: {  	s3 =	sld [smem:$0x3FA6]  }
0x31: {  	[smem:$0x3FAF] =	sst s10  }
0x32: {  	s10 =	sld [smem:$0x3FAD];
	_ =	sdelay $0x3  }
0x33: {  	p0 =	seq.s32 s10, $0x1;
	s10 =	sld [smem:$0x3FAF];
	_ =	sdelay $0x3  }
0x34: {  	[smem:$0x3FAF] =	sst s10  }
0x35: {  	s10 =	sld [smem:$0x3FAE];
	_ =	sdelay $0x3  }
0x36: {  	p1 =	seq.s32 s10, $0x1;
	s10 =	sld [smem:$0x3FAF];
	_ =	sdelay $0x3  }
0x37: {  	[smem:$0x3FAF] =	sst s10  }
0x38: {  	s10 =	sld [smem:$0x3FB0]  }
0x39: {  	_ = 	snop;
	(pc) =	sbr.ind lr, $3  }
0x3a: {  	_ = 	snop  }
0x3b: {  	_ = 	snop  }
0x3c: {  	p2 =	seq.s32 s10, $0x1;
	s10 =	sld [smem:$0x3FAF]  }
0x3d: {  	_ =	shalt  }
0x3e: {  	_ =	shalt  }
0x3f: {  	_ =	shalt  }
0x40: {  	_ =	shalt  }
0x41: {  	_ =	shalt  }
0x42: {  	_ =	shalt  }
0x43: {  	_ =	shalt  }
0x44: {  	_ =	shalt  }
0x45: {  	_ =	shalt  }
0x46: {  	_ =	shalt  }
0x47: {  	_ =	shalt  }
0x48: {  	_ =	shalt  }
0x49: {  	_ =	shalt  }
0x4a: {  	_ =	shalt  }
0x4b: {  	_ =	shalt  }
0x4c: {  	_ =	shalt  }
0x4d: {  	_ =	shalt  }
0x4e: {  	_ =	shalt  }
0x4f: {  	_ =	shalt  }
0x50: {  	_ =	shalt  }
0x51: {  	_ =	shalt  }
0x52: {  	_ =	shalt  }
0x53: {  	_ =	shalt  }
0x54: {  	_ =	shalt  }
0x55: {  	_ =	shalt  }
0x56: {  	_ =	shalt  }
0x57: {  	_ =	shalt  }
0x58: {  	_ =	shalt  }
0x59: {  	_ =	shalt  }
0x5a: {  	_ =	shalt  }
0x5b: {  	_ =	shalt  }
0x5c: {  	_ =	shalt  }
0x5d: {  	_ =	shalt  }
0x5e: {  	_ =	shalt  }
0x5f: {  	_ =	shalt  }
0x60: {  	_ =	shalt  }
0x61: {  	_ =	shalt  }
0x62: {  	_ =	shalt  }
0x63: {  	_ =	shalt  }
0x64: {  	_ =	shalt  }
0x65: {  	_ =	shalt  }
0x66: {  	_ =	shalt  }
0x67: {  	_ =	shalt  }
0x68: {  	_ =	shalt  }
0x69: {  	_ =	shalt  }
0x6a: {  	_ =	shalt  }
0x6b: {  	_ =	shalt  }
0x6c: {  	_ =	shalt  }
0x6d: {  	_ =	shalt  }
0x6e: {  	_ =	shalt  }
0x6f: {  	_ =	shalt  }
0x70: {  	_ =	shalt  }
0x71: {  	_ =	shalt  }
0x72: {  	_ =	shalt  }
0x73: {  	_ =	shalt  }
0x74: {  	_ =	shalt  }
0x75: {  	_ =	shalt  }
0x76: {  	_ =	shalt  }
0x77: {  	_ =	shalt  }
0x78: {  	_ =	shalt  }
0x79: {  	_ =	shalt  }
0x7a: {  	_ =	shalt  }
0x7b: {  	_ =	shalt  }
0x7c: {  	_ =	shalt  }
0x7d: {  	_ =	shalt  }
0x7e: {  	_ =	shalt  }
0x7f: {  	_ =	shalt  }
0x80: {  	_ =	shalt  }
0x81: {  	_ =	shalt  }
0x82: {  	_ =	shalt  }
0x83: {  	_ =	shalt  }
0x84: {  	_ =	shalt  }
0x85: {  	_ =	shalt  }
0x86: {  	_ =	shalt  }
0x87: {  	_ =	shalt  }
.Lfunc_end0:
.L_simem_size_0:
called_computation.1_lowered:
.L_overlay_start_0:
0x88: {  	s2 =	sld [smem:$0x3FD9]  }
0x89: {  	s3 =	sld [smem:$0x3FFE];
	_ =	sdelay $0x1  }
0x8a: {  	s1 =	srdreg.scid  }
0x8b: {  	s0 =	sand.u32 $0x1, s1  }
0x8c: {  	s17 =	sshll.u32 s0, $0xA;
	s2 =	sadd.s32 s3, s2  }
0x8d: {  	s2 =	sadd.s32 s2, s17  }
0x8e: {  	[smem:$0x3FBB] =	sst s2  }
0x8f: {  	_ = 	snop  }
0x90: {  	s18 =	sld [smem:$0x3FD0];
	(tm) =	ssettm $0x1  }
0x91: {  	s19 =	sld [smem:$0x3FFB];
	_ =	sdelay $0x3  }
0x92: {  	_ =	strace s19  }
0x93: {  	s2 =	sld [smem:$0x3FFC];
	_ =	sdelay $0x3  }
0x94: {  	_ =	strace s2  }
0x95: {  	s2 =	sld [smem:$0x3FFD];
	_ =	sdelay $0x3  }
0x96: {  	_ =	strace s2  }
0x97: {  	_ =	strace $0x8FFFFFFF  }
0x98: {  	s20 =	sld [smem:$0x3FDB];
	_ =	sdelay $0x1  }
0x99: {  	s4 =	simm.s32 $_scs_section_size  }
0x9a: {  	s5 =	simm.s32 $_size__tile_overlayer_lowered;
	s6 =	simm.s32 $_tile_overlayer_lowered  }
0x9b: {  	s7 =	simm.s32 $0x1BFF;
	s21 =	sshll.u32 s6, $0x1;
	s4 =	sadd.s32 s4, s20  }
0x9c: {  	s22 =	simm.s32 $0x0;
	s5 =	sshll.u32 s5, $0x1;
	s6 =	sadd.s32 s21, s4  }
0x9d: {  	[timem:s22], [sflag:s7] =	dma.local [hbm:s6], s5  }
0x9e: {  	_ =	swait.ge [sflag:s7], s5  }
0x9f: {  	s5 =	ssub.s32 $0x0, s5;
	[sflag:s7] =	ssyncset.done $0x0  }
0xa0: {  	[sflag:s7] =	ssyncadd.s32 s5;
	_ =	sdelay $0x1  }
0xa1: {  	s23 =	simm.s32 $0x1B8B  }
0xa2: {  	_ =	swait.ge [sflag:s23], $0x1  }
0xa3: {  	[sflag:s23] =	ssyncset.done $0x0  }
0xa4: {  	[sflag:s23] =	ssyncadd.s32 $0xFFFFFFFF  }
0xa5: {  	s5 =	sld [smem:$0x0]  }
0xa6: {  	s6 =	sand.u32 $0xFFFFFFFE, s1  }
0xa7: {  	p0 =	sne.s32 s1, s6  }
0xa8: {  	s6 =	sshll.u32 @p0 s6, $0xE  }
0xa9: {  	s6 =	sadd.s32 @p0 $0x11B8D, s6;
	s7 =	sshll.u32 @p0 s5, $0x11  }
0xaa: {  	s6 =	sor.u32 @p0 s7, s6  }
0xab: {  	[sflag:s6] =	ssyncadd.remote.s32 @p0 $0x1;
	_ =	sdelay $0x1  }
0xac: {  	s6 =	simm.s32 @p0 $0x1B8D  }
0xad: {  	_ =	swait.eq @p0 [sflag:s6], $0x1  }
0xae: {  	[sflag:s6] =	ssyncadd.s32 @p0 $0xFFFFFFFF  }
0xaf: {  	s7 =	sshll.u32 @!p0 s1, $0xE  }
0xb0: {  	s7 =	sor.u32 @!p0 $0x4000, s7;
	s6 =	simm.s32 @!p0 $0x1B8D  }
0xb1: {  	s5 =	sshll.u32 @!p0 s5, $0x11;
	s7 =	sadd.s32 @!p0 $0x11B8D, s7;
	_ =	swait.eq @!p0 [sflag:s6], $0x1  }
0xb2: {  	s5 =	sor.u32 @!p0 s5, s7;
	[sflag:s6] =	ssyncadd.s32 @!p0 $0xFFFFFFFF  }
0xb3: {  	s25 =	simm.s32 $0x1B8E;
	s24 =	sld [smem:$0x3FFE];
	[sflag:s5] =	ssyncadd.remote.s32 @!p0 $0x1  }
0xb4: {  	s26 =	simm.s32 $execute0_lowered;
	[smem:$0x3FD2] =	sst s25  }
0xb5: {  	s6 =	sshll.u32 s26, $0x1;
	_ =	strace $0x80000049;
	[dreg:$0x1] =	wrdreg $0xFFFFFFFF  }
0xb6: {  	s28 =	simm.s32 $_size_execute0_lowered;
	s4 =	sadd.s32 s4, s6;
	[dreg:$0x0] =	wrdreg $0x0  }
0xb7: {  	s6 =	sshll.u32 s28, $0x1;
	[dreg:$0x2] =	wrdreg s4  }
0xb8: {  	[dreg:$0x3] =	wrdreg s6  }
0xb9: {  	[dreg:$0x4] =	wrdreg $0xC0  }
0xba: {  	_ =	task [dreg:s22], $0x5FFFF  }
0xbb: {  	[dreg:$0x1] =	wrdreg $0xFFFFFFFF  }
0xbc: {  	[dreg:$0x0] =	wrdreg $0x60  }
0xbd: {  	[dreg:$0x2] =	wrdreg s18  }
0xbe: {  	[dreg:$0x3] =	wrdreg s24  }
0xbf: {  	[dreg:$0x4] =	wrdreg $0x9  }
0xc0: {  	_ =	task.clear_ibuf [dreg:s22], $0x5FFFF;
	_ =	strace $0x90000049  }
0xc1: {  	s29 =	simm.s32 $0x9;
	_ =	strace $0x8000004B  }
0xc2: {  	_ =	swait.ge [sflag:s29], $0x1  }
0xc3: {  	[sflag:s29] =	ssyncadd.s32 $0xFFFFFFFF  }
0xc4: {  	_ =	strace $0x9000004B  }
0xc5: {  	_ =	sfence  }
0xc6: {  	s30 =	sld [smem:$0x0];
	_ =	sdelay $0x2  }
0xc7: {  	s31 =	sshll.u32 s1, $0xD;
	s1 =	sshrl.u32 s1, $0x2  }
0xc8: {  	s4 =	sand.u32 $0x4000, s31;
	s1 =	sadd.s32 s1, s30  }
0xc9: {  	s0 =	sor.u32 s4, s0;
	s1 =	sshll.u32 s1, $0x11  }
0xca: {  	s0 =	sor.u32 s1, s0  }
0xcb: {  	s0 =	sadd.s32 $0x8F2B, s0  }
0xcc: {  	[sflag:s0] =	ssyncadd.remote.s32 $0x1  }
0xcd: {  	_ =	sfence.sel $0xFFFF  }
0xce: {  	[dreg:$0x0] =	wrdreg $0xFFFFFFFF;
	(pc) =	sbr.abs _section_cstart, $3  }
0xcf: {  	[dreg:$0x1] =	wrdreg $0xFFFFFFFF  }
0xd0: {  	_ =	task.clear_ibuf [dreg:s22], $0x2FFFF;
	_ =	strace $0x9FFFFFFF  }
0xd1: {  	(tm) =	ssettm $0x7FFFFFFF  }
tec
execute0_lowered:
.L_overlay_start_1:
0x0: {  	(tag) =	ssettag $0x1  }
0x1: {  	s1 =	rddreg [dreg:$0x0]  }
0x2: {  	s3 =	rddreg [dreg:$0x1];
	s2 =	simm.s32 $0x0;
	s4 =	srdreg.scid  }
0x3: {  	s24 =	stileid.u32;
	s15 =	simm.s32 $0x2400;
	s16 =	simm.s32 $0x1  }
0x4: {  	s17 =	simm.s32 $0x180;
	s18 =	simm.s32 $0x2C00;
	s19 =	simm.s32 $0x200  }
0x5: {  	s20 =	simm.s32 $0x3400;
	s21 =	simm.s32 $0x280;
	s22 =	simm.s32 $0x3C00  }
0x6: {  	s23 =	simm.s32 $0x2;
	[smem:$0x7FF] =	sst s2;
	s4 =	sand.u32 $0x1, s4  }
0x7: {  	s5 =	sshll.u32 s24, $0x1;
	s6 =	sadd.s32 $0x84400, s3;
	s8 =	sadd.s32 $0x89400, s3  }
0x8: {  	s31 =	smul.u32 $0x4E00, s24;
	p0 =	sne.s32 s24, $0x0;
	s24 =	simm.s32 $0x0  }
0x9: {  	_ =	strace $0x8000004A;
	s5 =	sor.u32 s4, s5;
	s12 =	smul.u32 $0x2700, s4  }
0xa: {  	s7 =	ssub.s32 $0x2, s4;
	s10 =	sshll.u32 s4, $0x7;
	s9 =	smul.u32 $0x270, s5  }
0xb: {  	s29 =	sshrl.u32 s7, $0x1;
	s11 =	smul.u32 $0x2700, s5;
	s30 =	sor.u32 $0x27000, s10  }
0xc: {  	s7 =	ssub.s32 s7, s29;
	s10 =	sshrl.u32 s30, $0x3;
	s5 =	sshll.u32 s30, $0x1  }
0xd: {  	s3 =	sadd.s32 s6, s9;
	s4 =	sadd.s32 s6, s10;
	s5 =	sadd.s32 s8, s5  }
0xe: {  	s9 =	sadd.s32 s31, s8;
	s6 =	smax.u32 s7, $0x1;
	s7 =	sadd.s32 s8, s11  }
0xf: {  	s10 =	simm.s32 $0x3;
	s11 =	simm.s32 $0x80;
	s9 =	sadd.s32 s12, s9  }
0x10: {  	s8 =	sadd.s32 $0x300, s7;
	s12 =	simm.s32 $0x1400;
	s9 =	sadd.s32 $0x600, s9  }
.LBB2_1:
0x11: {  	[tilespmem:s2], [sflag:$0x3] =	stream.linear.gather [hbm4b:s3+s2], $0x1380, $0x38;
	[tilespmem:$0x4C00] =	vst v63  }
0x12: {  	_ =	swait.ge [sflag:s10], $0x1380  }
0x13: {  	[sflag:s10] =	ssyncset.done $0x0  }
0x14: {  	[sflag:s10] =	ssyncadd.s32 $0xFFFFEC80  }
0x15: {  	[tilespmem:s12], [sflag:$0x1] =	stream.indirect.gather [hbm4b:s1+s11], $0x10, s2, s11, $0xb8;
	[tilespmem:$0x4C00] =	vst v63  }
0x16: {  	s0 =	simm.s32 $0x1C00  }
0x17: {  	[tilespmem:s0], [sflag:$0x1] =	stream.indirect.gather [hbm4b:s1+s11], $0x10, s11, s11, $0xb8;
	[tilespmem:$0x4C00] =	vst v63  }
0x18: {  	s26 =	simm.s32 $0x100  }
0x19: {  	[tilespmem:s15], [sflag:$0x1] =	stream.indirect.gather [hbm4b:s1+s11], $0x10, s26, s11, $0xb8;
	[tilespmem:$0x4C00] =	vst v63  }
0x1a: {  	_ =	swait.ge [sflag:s16], $0x800  }
0x1b: {  	[sflag:s16] =	ssyncset.done $0x0  }
0x1c: {  	[sflag:s16] =	ssyncadd.s32 $0xFFFFF800  }
0x1d: {  	_ =	swait.ge [sflag:s16], $0x800  }
0x1e: {  	[sflag:s16] =	ssyncset.done $0x0  }
0x1f: {  	[sflag:s16] =	ssyncadd.s32 $0xFFFFF800  }
0x20: {  	_ =	swait.ge [sflag:s16], $0x800  }
0x21: {  	[sflag:s16] =	ssyncset.done $0x0  }
0x22: {  	[sflag:s16] =	ssyncadd.s32 $0xFFFFF800  }
0x23: {  	[hbm4b:s7+s2] =	stream.linear.scatter [tilespmem:s12], [sflag:$0x2], $0x1800, $0x38;
	[tilespmem:$0x4C00] =	vst v63  }
0x24: {  	_ = 	snop  }
0x25: {  	[tilespmem:s18], [sflag:$0x1] =	stream.indirect.gather [hbm4b:s1+s11], $0x10, s17, s11, $0xb8;
	[tilespmem:$0x4C00] =	vst v63  }
0x26: {  	_ = 	snop  }
0x27: {  	[tilespmem:s20], [sflag:$0x1] =	stream.indirect.gather [hbm4b:s1+s11], $0x10, s19, s11, $0xb8;
	[tilespmem:$0x4C00] =	vst v63  }
0x28: {  	_ = 	snop  }
0x29: {  	[tilespmem:s22], [sflag:$0x1] =	stream.indirect.gather [hbm4b:s1+s11], $0x10, s21, s11, $0xb8;
	[tilespmem:$0x4C00] =	vst v63  }
0x2a: {  	_ =	swait.ge [sflag:s16], $0x800  }
0x2b: {  	[sflag:s16] =	ssyncset.done $0x0  }
0x2c: {  	[sflag:s16] =	ssyncadd.s32 $0xFFFFF800  }
0x2d: {  	_ =	swait.ge [sflag:s16], $0x800  }
0x2e: {  	[sflag:s16] =	ssyncset.done $0x0  }
0x2f: {  	[sflag:s16] =	ssyncadd.s32 $0xFFFFF800  }
0x30: {  	_ =	swait.ge [sflag:s16], $0x800  }
0x31: {  	[sflag:s16] =	ssyncset.done $0x0  }
0x32: {  	s25 =	sand.u32 $0x1, s23;
	[sflag:s16] =	ssyncadd.s32 $0xFFFFF800  }
0x33: {  	[hbm4b:s8+s2] =	stream.linear.scatter [tilespmem:s18], [sflag:$0x2], $0x1800, $0x38;
	[tilespmem:$0x4C00] =	vst v63  }
0x34: {  	p1 =	seq.s32 s25, $0x1;
	s25 =	simm.s32 $0x1800;
	_ =	swait.ge [sflag:s23], $0x1800  }
0x35: {  	s25 =	simm.s32 @!p1 $0x0;
	[sflag:s23] =	ssyncset.done $0x0  }
0x36: {  	s28 =	sadd.s32 $0x1400, s25;
	s26 =	simm.s32 $0x300;
	[sflag:s23] =	ssyncadd.s32 $0xFFFFE800  }
0x37: {  	[tilespmem:s28], [sflag:$0x1] =	stream.indirect.gather [hbm4b:s1+s11], $0x10, s26, s11, $0xb8;
	[tilespmem:$0x4C00] =	vst v63  }
0x38: {  	s29 =	simm.s32 $0x380;
	s13 =	sadd.s32 $0x1C00, s25  }
0x39: {  	[tilespmem:s13], [sflag:$0x1] =	stream.indirect.gather [hbm4b:s1+s11], $0x10, s29, s11, $0xb8;
	[tilespmem:$0x4C00] =	vst v63  }
0x3a: {  	s14 =	simm.s32 $0x400;
	s25 =	sor.u32 $0x2400, s25  }
0x3b: {  	[tilespmem:s25], [sflag:$0x1] =	stream.indirect.gather [hbm4b:s1+s11], $0x10, s14, s11, $0xb8;
	[tilespmem:$0x4C00] =	vst v63  }
0x3c: {  	_ =	swait.ge [sflag:s16], $0x800  }
0x3d: {  	[sflag:s16] =	ssyncset.done $0x0  }
0x3e: {  	[sflag:s16] =	ssyncadd.s32 $0xFFFFF800  }
0x3f: {  	_ =	swait.ge [sflag:s16], $0x800  }
0x40: {  	[sflag:s16] =	ssyncset.done $0x0  }
0x41: {  	[sflag:s16] =	ssyncadd.s32 $0xFFFFF800  }
0x42: {  	s31 =	simm.s32 $0x4;
	s26 =	simm.s32 $0x3;
	_ =	swait.ge [sflag:s16], $0x800  }
0x43: {  	s30 =	smov.u32 s9;
	s29 =	sand.u32 $0x1, s26;
	[sflag:s16] =	ssyncset.done $0x0  }
0x44: {  	s26 =	simm.s32 $0x580;
	s25 =	sadd.s32 $0x300, s9;
	[sflag:s16] =	ssyncadd.s32 $0xFFFFF800  }
.LBB2_2:
0x45: {  	[hbm4b:s30+s2] =	stream.linear.scatter [tilespmem:s28], [sflag:$0x2], $0x1800, $0x38;
	[tilespmem:$0x4C00] =	vst v63  }
0x46: {  	s28 =	smov.u32 s31;
	s30 =	smov.u32 s25;
	p1 =	seq.s32 s29, $0x1  }
0x47: {  	s29 =	sand.u32 $0x1, s31;
	s13 =	simm.s32 $0x1800;
	_ =	swait.ge [sflag:s23], $0x1800  }
0x48: {  	s0 =	sadd.s32 $0x1, s31;
	s13 =	simm.s32 @!p1 $0x0;
	[sflag:s23] =	ssyncset.done $0x0  }
0x49: {  	s14 =	sadd.s32 $0xFFFFFF00, s26;
	s28 =	sadd.s32 $0x1400, s13;
	[sflag:s23] =	ssyncadd.s32 $0xFFFFE800  }
0x4a: {  	[tilespmem:s28], [sflag:$0x1] =	stream.indirect.gather [hbm4b:s1+s11], $0x10, s14, s11, $0xb8;
	[tilespmem:$0x4C00] =	vst v63  }
0x4b: {  	p1 =	sne.s32 s31, $0xC;
	s31 =	sadd.s32 $0xFFFFFF80, s26;
	s14 =	sadd.s32 $0x1C00, s13  }
0x4c: {  	[tilespmem:s14], [sflag:$0x1] =	stream.indirect.gather [hbm4b:s1+s11], $0x10, s31, s11, $0xb8;
	[tilespmem:$0x4C00] =	vst v63  }
0x4d: {  	s13 =	sor.u32 $0x2400, s13  }
0x4e: {  	[tilespmem:s13], [sflag:$0x1] =	stream.indirect.gather [hbm4b:s1+s11], $0x10, s26, s11, $0xb8;
	[tilespmem:$0x4C00] =	vst v63  }
0x4f: {  	_ =	swait.ge [sflag:s16], $0x800  }
0x50: {  	[sflag:s16] =	ssyncset.done $0x0  }
0x51: {  	[sflag:s16] =	ssyncadd.s32 $0xFFFFF800  }
0x52: {  	_ =	swait.ge [sflag:s16], $0x800  }
.Ltmp0:
0x53: {  	[sflag:s16] =	ssyncset.done $0x0;
	(pc) =	sbr.rel @p1 .LBB2_2-.Ltmp0, $4  }
0x54: {  	[sflag:s16] =	ssyncadd.s32 $0xFFFFF800  }
0x55: {  	_ =	swait.ge [sflag:s16], $0x800  }
0x56: {  	s25 =	sadd.s32 $0x300, s25;
	[sflag:s16] =	ssyncset.done $0x0  }
0x57: {  	s31 =	smov.u32 s0;
	s26 =	sadd.s32 $0x180, s26;
	[sflag:s16] =	ssyncadd.s32 $0xFFFFF800  }
0x58: {  	[hbm4b:s30+s2] =	stream.linear.scatter [tilespmem:s28], [sflag:$0x2], $0x1800, $0x38;
	[tilespmem:$0x4C00] =	vst v63  }
0x59: {  	p1 =	seq.s32 s29, $0x1;
	s0 =	simm.s32 $0x1800;
	_ =	swait.ge [sflag:s23], $0x1800  }
0x5a: {  	s0 =	simm.s32 @!p1 $0x0;
	[sflag:s23] =	ssyncset.done $0x0  }
0x5b: {  	s14 =	sadd.s32 $0xFFFFFF00, s26;
	s13 =	sadd.s32 $0x1400, s0;
	[sflag:s23] =	ssyncadd.s32 $0xFFFFE800  }
0x5c: {  	[tilespmem:s13], [sflag:$0x1] =	stream.indirect.gather [hbm4b:s1+s11], $0x10, s14, s11, $0xb8;
	[tilespmem:$0x4C00] =	vst v63  }
0x5d: {  	s31 =	sadd.s32 $0xFFFFFF80, s26;
	s30 =	sadd.s32 $0x1C00, s0  }
0x5e: {  	[tilespmem:s30], [sflag:$0x1] =	stream.indirect.gather [hbm4b:s1+s11], $0x10, s31, s11, $0xb8;
	[tilespmem:$0x4C00] =	vst v63  }
0x5f: {  	s0 =	sor.u32 $0x2400, s0  }
0x60: {  	[tilespmem:s0], [sflag:$0x1] =	stream.indirect.gather [hbm4b:s1+s11], $0x10, s26, s11, $0xb8;
	[tilespmem:$0x4C00] =	vst v63  }
0x61: {  	_ =	swait.ge [sflag:s16], $0x800  }
0x62: {  	[sflag:s16] =	ssyncset.done $0x0  }
0x63: {  	[sflag:s16] =	ssyncadd.s32 $0xFFFFF800  }
0x64: {  	_ =	swait.ge [sflag:s16], $0x800  }
0x65: {  	[sflag:s16] =	ssyncset.done $0x0  }
0x66: {  	[sflag:s16] =	ssyncadd.s32 $0xFFFFF800  }
0x67: {  	_ =	swait.ge [sflag:s16], $0x800  }
0x68: {  	[sflag:s16] =	ssyncset.done $0x0  }
0x69: {  	[sflag:s16] =	ssyncadd.s32 $0xFFFFF800  }
0x6a: {  	[hbm4b:s25+s2] =	stream.linear.scatter [tilespmem:s13], [sflag:$0x2], $0x1800, $0x38;
	[tilespmem:$0x4C00] =	vst v63  }
0x6b: {  	_ =	swait.ge [sflag:s23], $0x1800  }
0x6c: {  	[sflag:s23] =	ssyncset.done $0x0  }
0x6d: {  	[sflag:s23] =	ssyncadd.s32 $0xFFFFE800  }
0x6e: {  	_ =	swait.ge [sflag:s23], $0x1800  }
0x6f: {  	s14 =	simm.s32 @!p0 $0x3;
	[sflag:s23] =	ssyncset.done $0x0  }
0x70: {  	s0 =	simm.s32 @!p0 $0x0;
	s13 =	simm.s32 @!p0 $0x1380;
	[sflag:s23] =	ssyncadd.s32 $0xFFFFE800  }
0x71: {  	[tilespmem:s13], [sflag:$0x3] =	stream.linear.gather @!p0 [hbm4b:s4+s0], $0x80, $0x38;
	[tilespmem:$0x4C00] =	vst v63  }
0x72: {  	_ =	swait.ge @!p0 [sflag:s14], $0x80  }
0x73: {  	[sflag:s14] =	ssyncset.done @!p0 $0x0  }
0x74: {  	s26 =	simm.s32 @!p0 $0x4400;
	s25 =	simm.s32 @!p0 $0x80;
	[sflag:s14] =	ssyncadd.s32 @!p0 $0xFFFFFF80  }
0x75: {  	[tilespmem:s26], [sflag:$0x1] =	stream.indirect.gather @!p0 [hbm4b:s1+s25], $0x10, s13, s25, $0xb8;
	[tilespmem:$0x4C00] =	vst v63  }
0x76: {  	s13 =	simm.s32 @!p0 $0x1  }
0x77: {  	s24 =	sadd.s32 $0x1, s24;
	_ =	swait.ge @!p0 [sflag:s13], $0x800  }
0x78: {  	p1 =	sne.s32 s24, s6;
	[sflag:s13] =	ssyncset.done @!p0 $0x0  }
.Ltmp1:
0x79: {  	[sflag:s13] =	ssyncadd.s32 @!p0 $0xFFFFF800;
	(pc) =	sbr.rel @p1 .LBB2_1-.Ltmp1, $4  }
0x7a: {  	[hbm4b:s5+s0] =	stream.linear.scatter @!p0 [tilespmem:s26], [sflag:$0x3], $0x800, $0x38;
	[tilespmem:$0x4C00] =	vst v63  }
0x7b: {  	_ =	swait.ge @!p0 [sflag:s14], $0x800  }
0x7c: {  	[sflag:s14] =	ssyncset.done @!p0 $0x0  }
0x7d: {  	[sflag:s14] =	ssyncadd.s32 @!p0 $0xFFFFF800  }
0x7e: {  	_ =	sfence.sel $0x180000  }
0x7f: {  	[bflag:$0x0] =	sbarrier.arrive $0xFFFF  }
0x80: {  	_ =	strace $0x9000004A  }
0x81: {  	[bflag:$0x2] =	sbarrier.arrive $0xFFFF  }
0x82: {  	s0 =	rddreg [dreg:$0x2]  }
0x83: {  	s0 =	sadd.s32 @!p0 $0x100000, s0  }
0x84: {  	[sflag:s0] =	ssyncadd.tile.s32 @!p0 $0x1;
	_ =	shalt  }
.Lfunc_end2:
_tile_overlayer_lowered:
.L_overlay_start_2:
0x85: {  	(tag) =	ssettag $0x2  }
0x86: {  	s0 =	rddreg [dreg:$0x0];
	s2 =	stileid.u32  }
0x87: {  	s1 =	rddreg [dreg:$0x1];
	p0 =	sne.s32 s2, $0x0  }
0x88: {  	s3 =	rddreg [dreg:$0x2];
	[bflag:$0x3] =	sbarrier.arrive $0xFFFF;
	s2 =	simm.s32 @!p0 $0x1C03  }
0x89: {  	[timem:s3], [sflag:s2] =	dma.local @!p0 [hbm:s0], s1  }
0x8a: {  	s0 =	simm.s32 @!p0 $0x3  }
0x8b: {  	_ =	swait.ge @!p0 [sflag:s0], s1  }
0x8c: {  	s1 =	ssub.s32 @!p0 $0x0, s1;
	[sflag:s0] =	ssyncset.done @!p0 $0x0  }
0x8d: {  	[sflag:s0] =	ssyncadd.s32 @!p0 s1  }
0x8e: {  	[bflag:$0x3] =	sbarrier.arrive $0xFFFF  }
0x8f: {  	_ =	shalt  }

// kernel: kernel.22.cloned.1.call-start
scs
__scs_entry_jumppad:
0x0: {  	(pc) =	sbr.rel $0x88, $3  }
0x1: {  	(tag) =	ssettag $0x0;
	lr =	simm.s32 $0x1  }
0x2: {  	[smem:$0x3F94] =	sst lr;
	_ =	strace $0xD0000000  }
0x3: {  	_ = 	snop  }
0x4: {  	_ = 	snop  }
0x5: {  	_ = 	snop  }
0x6: {  	_ = 	snop  }
0x7: {  	_ = 	snop  }
__scs_overlays_trampoline_lowered:
0x8: {  	[smem:$0x3FA3] =	sst s0  }
0x9: {  	[smem:$0x3FA4] =	sst s1  }
0xa: {  	[smem:$0x3FA5] =	sst s2  }
0xb: {  	[smem:$0x3FA6] =	sst s3  }
0xc: {  	[smem:$0x3FA7] =	sst s4  }
0xd: {  	[smem:$0x3FA8] =	sst s5  }
0xe: {  	[smem:$0x3FA9] =	sst s6  }
0xf: {  	[smem:$0x3FAA] =	sst s7  }
0x10: {  	[smem:$0x3FAB] =	sst s8  }
0x11: {  	[smem:$0x3FAC] =	sst s9;
	s0 =	simm.s32 @!p0 $0x0  }
0x12: {  	s1 =	sld [smem:$0x3F92];
	s0 =	simm.s32 @p0 $0x1  }
0x13: {  	[smem:$0x3FAD] =	sst s0;
	s0 =	simm.s32 @!p1 $0x0  }
0x14: {  	s2 =	sld [smem:$0x3F91];
	s0 =	simm.s32 @p1 $0x1  }
0x15: {  	[smem:$0x3FAE] =	sst s0;
	s0 =	simm.s32 @!p2 $0x0  }
0x16: {  	s3 =	sld [smem:$0x3FDB];
	s0 =	simm.s32 @p2 $0x1  }
0x17: {  	s4 =	simm.s32 $0x1BF5;
	[smem:$0x3FB0] =	sst s0  }
0x18: {  	s0 =	sld [smem:$0x3F93];
	_ =	swait.ge [sflag:s4], $0x0  }
0x19: {  	s7 =	sld [smem:$0x3F94]  }
0x1a: {  	s8 =	sadd.s32 $0xFFFFE003, lr  }
0x1b: {  	s9 =	sadd.s32 $0xFFFFFEF7, lr;
	s5 =	simm.s32 $0xFFFFFFFF;
	p2 =	slt.u32 s8, $0xFFFFF086  }
0x1c: {  	p1 =	slt.u32 s9, $0xF7A;
	s5 =	simm.s32 @!p2 $0x0  }
0x1d: {  	s5 =	simm.s32 @p1 $0x1;
	p0 =	seq.s32 s7, s2  }
0x1e: {  	s7 =	smul.u32 @!p0 $0xF7A, s2;
	p2 =	seq.s32 @!p0 s5, $0x0  }
0x1f: {  	s9 =	smul.u32 $0xF7A, s1;
	s8 =	simm.s32 @!p0 $0x1BF5;
	p2 =	por !p2, p0  }
0x20: {  	[sflag:s8] =	ssyncset.s32 @!p0 $0xFFFFF086;
	s6 =	sadd.s32 @!p0 s3, s7;
	s7 =	simm.s32 @!p0 $0x108  }
0x21: {  	s3 =	sadd.s32 s3, s9;
	s6 =	sadd.s32 @!p0 $0x88, s6;
	s7 =	simm.s32 @p2 $0x1082  }
0x22: {  	[simem:s7], [sflag:s8] =	dma.local @!p0 [hbm:s6], $0xF7A  }
0x23: {  	s9 =	sor.u32 $0xD0000000, s2;
	s6 =	simm.s32 $0x108;
	_ =	swait.ge @!p0 [sflag:s8], $0x0  }
0x24: {  	s3 =	sadd.s32 $0x88, s3;
	s6 =	simm.s32 @!p1 $0x1082;
	[sflag:s4] =	ssyncset.s32 $0xFFFFF086  }
0x25: {  	[simem:s6], [sflag:s4] =	dma.local [hbm:s3], $0xF7A  }
0x26: {  	[smem:$0x3F94] =	sst s1;
	(tag) =	ssettag s2;
	_ =	strace s9  }
0x27: {  	s1 =	sld [smem:$0x3FA4]  }
0x28: {  	s2 =	sld [smem:$0x3FA5]  }
0x29: {  	s4 =	sld [smem:$0x3FA7]  }
0x2a: {  	p0 =	seq.s32 s5, $0x0;
	s5 =	sld [smem:$0x3FA8]  }
0x2b: {  	s6 =	sld [smem:$0x3FA9]  }
0x2c: {  	s7 =	sld [smem:$0x3FAA]  }
0x2d: {  	s3 =	simm.s32 $0x108;
	s8 =	sld [smem:$0x3FAB]  }
0x2e: {  	s3 =	simm.s32 @!p0 $0x1082;
	s9 =	sld [smem:$0x3FAC]  }
0x2f: {  	lr =	sadd.s32 s0, s3;
	s0 =	sld [smem:$0x3FA3]  }
0x30: {  	s3 =	sld [smem:$0x3FA6]  }
0x31: {  	[smem:$0x3FAF] =	sst s10  }
0x32: {  	s10 =	sld [smem:$0x3FAD];
	_ =	sdelay $0x3  }
0x33: {  	p0 =	seq.s32 s10, $0x1;
	s10 =	sld [smem:$0x3FAF];
	_ =	sdelay $0x3  }
0x34: {  	[smem:$0x3FAF] =	sst s10  }
0x35: {  	s10 =	sld [smem:$0x3FAE];
	_ =	sdelay $0x3  }
0x36: {  	p1 =	seq.s32 s10, $0x1;
	s10 =	sld [smem:$0x3FAF];
	_ =	sdelay $0x3  }
0x37: {  	[smem:$0x3FAF] =	sst s10  }
0x38: {  	s10 =	sld [smem:$0x3FB0]  }
0x39: {  	_ = 	snop;
	(pc) =	sbr.ind lr, $3  }
0x3a: {  	_ = 	snop  }
0x3b: {  	_ = 	snop  }
0x3c: {  	p2 =	seq.s32 s10, $0x1;
	s10 =	sld [smem:$0x3FAF]  }
0x3d: {  	_ =	shalt  }
0x3e: {  	_ =	shalt  }
0x3f: {  	_ =	shalt  }
0x40: {  	_ =	shalt  }
0x41: {  	_ =	shalt  }
0x42: {  	_ =	shalt  }
0x43: {  	_ =	shalt  }
0x44: {  	_ =	shalt  }
0x45: {  	_ =	shalt  }
0x46: {  	_ =	shalt  }
0x47: {  	_ =	shalt  }
0x48: {  	_ =	shalt  }
0x49: {  	_ =	shalt  }
0x4a: {  	_ =	shalt  }
0x4b: {  	_ =	shalt  }
0x4c: {  	_ =	shalt  }
0x4d: {  	_ =	shalt  }
0x4e: {  	_ =	shalt  }
0x4f: {  	_ =	shalt  }
0x50: {  	_ =	shalt  }
0x51: {  	_ =	shalt  }
0x52: {  	_ =	shalt  }
0x53: {  	_ =	shalt  }
0x54: {  	_ =	shalt  }
0x55: {  	_ =	shalt  }
0x56: {  	_ =	shalt  }
0x57: {  	_ =	shalt  }
0x58: {  	_ =	shalt  }
0x59: {  	_ =	shalt  }
0x5a: {  	_ =	shalt  }
0x5b: {  	_ =	shalt  }
0x5c: {  	_ =	shalt  }
0x5d: {  	_ =	shalt  }
0x5e: {  	_ =	shalt  }
0x5f: {  	_ =	shalt  }
0x60: {  	_ =	shalt  }
0x61: {  	_ =	shalt  }
0x62: {  	_ =	shalt  }
0x63: {  	_ =	shalt  }
0x64: {  	_ =	shalt  }
0x65: {  	_ =	shalt  }
0x66: {  	_ =	shalt  }
0x67: {  	_ =	shalt  }
0x68: {  	_ =	shalt  }
0x69: {  	_ =	shalt  }
0x6a: {  	_ =	shalt  }
0x6b: {  	_ =	shalt  }
0x6c: {  	_ =	shalt  }
0x6d: {  	_ =	shalt  }
0x6e: {  	_ =	shalt  }
0x6f: {  	_ =	shalt  }
0x70: {  	_ =	shalt  }
0x71: {  	_ =	shalt  }
0x72: {  	_ =	shalt  }
0x73: {  	_ =	shalt  }
0x74: {  	_ =	shalt  }
0x75: {  	_ =	shalt  }
0x76: {  	_ =	shalt  }
0x77: {  	_ =	shalt  }
0x78: {  	_ =	shalt  }
0x79: {  	_ =	shalt  }
0x7a: {  	_ =	shalt  }
0x7b: {  	_ =	shalt  }
0x7c: {  	_ =	shalt  }
0x7d: {  	_ =	shalt  }
0x7e: {  	_ =	shalt  }
0x7f: {  	_ =	shalt  }
0x80: {  	_ =	shalt  }
0x81: {  	_ =	shalt  }
0x82: {  	_ =	shalt  }
0x83: {  	_ =	shalt  }
0x84: {  	_ =	shalt  }
0x85: {  	_ =	shalt  }
0x86: {  	_ =	shalt  }
0x87: {  	_ =	shalt  }
.Lfunc_end0:
.L_simem_size_0:
called_computation.2_lowered:
.L_overlay_start_0:
0x88: {  	s2 =	sld [smem:$0x3FD9]  }
0x89: {  	s3 =	sld [smem:$0x3FFE];
	_ =	sdelay $0x1  }
0x8a: {  	s1 =	srdreg.scid  }
0x8b: {  	s0 =	sand.u32 $0x1, s1  }
0x8c: {  	s17 =	sshll.u32 s0, $0xA;
	s2 =	sadd.s32 s3, s2  }
0x8d: {  	s2 =	sadd.s32 s2, s17  }
0x8e: {  	[smem:$0x3FBB] =	sst s2  }
0x8f: {  	_ = 	snop  }
0x90: {  	(tm) =	ssettm $0x1  }
0x91: {  	s18 =	sld [smem:$0x3FFB];
	_ =	sdelay $0x3  }
0x92: {  	_ =	strace s18  }
0x93: {  	s2 =	sld [smem:$0x3FFC];
	_ =	sdelay $0x3  }
0x94: {  	_ =	strace s2  }
0x95: {  	s2 =	sld [smem:$0x3FFD];
	_ =	sdelay $0x3  }
0x96: {  	_ =	strace s2  }
0x97: {  	_ =	strace $0x8FFFFFFF  }
0x98: {  	s19 =	sld [smem:$0x3FDB];
	_ =	sdelay $0x1  }
0x99: {  	s20 =	simm.s32 $_scs_section_size  }
0x9a: {  	s4 =	simm.s32 $_size__tile_overlayer_lowered;
	s5 =	simm.s32 $_tile_overlayer_lowered  }
0x9b: {  	s6 =	simm.s32 $0x1BFF;
	s21 =	sshll.u32 s5, $0x1;
	s3 =	sadd.s32 s20, s19  }
0x9c: {  	s22 =	simm.s32 $0x0;
	s4 =	sshll.u32 s4, $0x1;
	s5 =	sadd.s32 s21, s3  }
0x9d: {  	[timem:s22], [sflag:s6] =	dma.local [hbm:s5], s4  }
0x9e: {  	_ =	swait.ge [sflag:s6], s4  }
0x9f: {  	s4 =	ssub.s32 $0x0, s4;
	[sflag:s6] =	ssyncset.done $0x0  }
0xa0: {  	[sflag:s6] =	ssyncadd.s32 s4;
	_ =	sdelay $0x1  }
0xa1: {  	s23 =	simm.s32 $0x1B8B  }
0xa2: {  	_ =	swait.ge [sflag:s23], $0x1  }
0xa3: {  	[sflag:s23] =	ssyncset.done $0x0  }
0xa4: {  	[sflag:s23] =	ssyncadd.s32 $0xFFFFFFFF  }
0xa5: {  	s4 =	sld [smem:$0x0]  }
0xa6: {  	s5 =	sand.u32 $0xFFFFFFFE, s1  }
0xa7: {  	p0 =	sne.s32 s1, s5  }
0xa8: {  	s5 =	sshll.u32 @p0 s5, $0xE  }
0xa9: {  	s5 =	sadd.s32 @p0 $0x11B8D, s5;
	s6 =	sshll.u32 @p0 s4, $0x11  }
0xaa: {  	s5 =	sor.u32 @p0 s6, s5  }
0xab: {  	[sflag:s5] =	ssyncadd.remote.s32 @p0 $0x1;
	_ =	sdelay $0x1  }
0xac: {  	s5 =	simm.s32 @p0 $0x1B8D  }
0xad: {  	_ =	swait.eq @p0 [sflag:s5], $0x1  }
0xae: {  	[sflag:s5] =	ssyncadd.s32 @p0 $0xFFFFFFFF  }
0xaf: {  	s6 =	sshll.u32 @!p0 s1, $0xE  }
0xb0: {  	s6 =	sor.u32 @!p0 $0x4000, s6;
	s5 =	simm.s32 @!p0 $0x1B8D  }
0xb1: {  	s4 =	sshll.u32 @!p0 s4, $0x11;
	s6 =	sadd.s32 @!p0 $0x11B8D, s6;
	_ =	swait.eq @!p0 [sflag:s5], $0x1  }
0xb2: {  	s4 =	sor.u32 @!p0 s4, s6;
	[sflag:s5] =	ssyncadd.s32 @!p0 $0xFFFFFFFF  }
0xb3: {  	s25 =	simm.s32 $0x1B8E;
	s24 =	sld [smem:$0x3FFE];
	[sflag:s4] =	ssyncadd.remote.s32 @!p0 $0x1  }
0xb4: {  	s26 =	simm.s32 $execute0_lowered;
	[smem:$0x3FD2] =	sst s25  }
0xb5: {  	s5 =	sshll.u32 s26, $0x1;
	_ =	strace $0x8000004C;
	[dreg:$0x1] =	wrdreg $0xFFFFFFFF  }
0xb6: {  	s28 =	simm.s32 $_size_execute0_lowered;
	s3 =	sadd.s32 s3, s5;
	[dreg:$0x0] =	wrdreg $0x0  }
0xb7: {  	s5 =	sshll.u32 s28, $0x1;
	[dreg:$0x2] =	wrdreg s3  }
0xb8: {  	[dreg:$0x3] =	wrdreg s5  }
0xb9: {  	[dreg:$0x4] =	wrdreg $0xC0  }
0xba: {  	_ =	task [dreg:s22], $0x5FFFF  }
0xbb: {  	[dreg:$0x1] =	wrdreg $0xFFFFFFFF  }
0xbc: {  	[dreg:$0x0] =	wrdreg $0x60  }
0xbd: {  	[dreg:$0x2] =	wrdreg s24  }
0xbe: {  	[dreg:$0x3] =	wrdreg $0x73100  }
0xbf: {  	[dreg:$0x4] =	wrdreg $0xA  }
0xc0: {  	_ =	task.clear_ibuf [dreg:s22], $0x5FFFF;
	_ =	strace $0x9000004C  }
0xc1: {  	s29 =	simm.s32 $0xA;
	_ =	strace $0x8000004E  }
0xc2: {  	_ =	swait.ge [sflag:s29], $0x1  }
0xc3: {  	[sflag:s29] =	ssyncadd.s32 $0xFFFFFFFF  }
0xc4: {  	_ =	strace $0x9000004E  }
0xc5: {  	_ =	sfence  }
0xc6: {  	s30 =	sld [smem:$0x0];
	_ =	sdelay $0x2  }
0xc7: {  	s31 =	sshll.u32 s1, $0xD;
	s1 =	sshrl.u32 s1, $0x2  }
0xc8: {  	s4 =	sand.u32 $0x4000, s31;
	s1 =	sadd.s32 s1, s30  }
0xc9: {  	s0 =	sor.u32 s4, s0;
	s1 =	sshll.u32 s1, $0x11  }
0xca: {  	s0 =	sor.u32 s1, s0  }
0xcb: {  	s0 =	sadd.s32 $0x8F2B, s0  }
0xcc: {  	[sflag:s0] =	ssyncadd.remote.s32 $0x1  }
0xcd: {  	_ =	sfence.sel $0xFFFF  }
0xce: {  	[dreg:$0x0] =	wrdreg $0xFFFFFFFF;
	(pc) =	sbr.abs _section_cstart, $3  }
0xcf: {  	[dreg:$0x1] =	wrdreg $0xFFFFFFFF  }
0xd0: {  	_ =	task.clear_ibuf [dreg:s22], $0x2FFFF;
	_ =	strace $0x9FFFFFFF  }
0xd1: {  	(tm) =	ssettm $0x7FFFFFFF  }
tec
execute0_lowered:
.L_overlay_start_1:
0x0: {  	(tag) =	ssettag $0x1  }
0x1: {  	s4 =	rddreg [dreg:$0x0]  }
0x2: {  	s1 =	rddreg [dreg:$0x1]  }
0x3: {  	s0 =	rddreg [dreg:$0x2];
	s2 =	simm.s32 $0x0  }
0x4: {  	s5 =	srdreg.scid;
	s3 =	stileid.u32;
	s16 =	simm.s32 $0x80  }
0x5: {  	s17 =	simm.s32 $0x1200;
	s18 =	simm.s32 $0x1280;
	s19 =	simm.s32 $0x1C00  }
0x6: {  	s20 =	simm.s32 $0x1300;
	s21 =	simm.s32 $0x2400;
	s22 =	simm.s32 $0x0  }
0x7: {  	[smem:$0x7FF] =	sst s2;
	s6 =	sand.u32 $0x1, s5;
	s25 =	smul.u32 $0x2710, s3  }
0x8: {  	s7 =	sshll.u32 s3, $0x1;
	s9 =	sadd.s32 $0x36200, s4;
	s14 =	smul.u32 $0x4E, s3  }
0x9: {  	s10 =	sadd.s32 $0x31200, s4;
	p0 =	sne.s32 s3, $0x0;
	s8 =	smul.u32 $0x27100, s6  }
0xa: {  	_ =	strace $0x8000004D;
	s7 =	sor.u32 s6, s7;
	s26 =	smul.u32 $0x27, s6  }
0xb: {  	s12 =	ssub.s32 $0x2, s6;
	s28 =	sshll.u32 s6, $0x7;
	s11 =	smul.u32 $0x270, s7  }
0xc: {  	s7 =	smul.u32 $0x2700, s7;
	s13 =	sshrl.u32 s12, $0x1;
	s29 =	sor.u32 $0x27000, s28  }
0xd: {  	s8 =	sadd.s32 s25, s8;
	s12 =	ssub.s32 s12, s13;
	s30 =	sshll.u32 s29, $0x1  }
0xe: {  	s13 =	simm.s32 $0x2;
	s8 =	sshrl.u32 s8, $0x3;
	s5 =	sadd.s32 s10, s11  }
0xf: {  	s6 =	sadd.s32 s9, s7;
	s11 =	sshrl.u32 s29, $0x3;
	s15 =	sadd.s32 s8, s4  }
0x10: {  	s4 =	sadd.s32 s25, s1;
	s8 =	sadd.s32 s26, s14;
	s7 =	sadd.s32 s10, s11  }
0x11: {  	s10 =	smax.u32 s12, $0x1;
	s12 =	simm.s32 $0x4C00;
	s14 =	sshll.u32 s8, $0x8  }
0x12: {  	s8 =	sadd.s32 s9, s30;
	s31 =	sadd.s32 s14, s9;
	s9 =	sadd.s32 $0xD7600, s15  }
0x13: {  	v0 =	vimm.f32 $0.0e+00;
	s14 =	simm.s32 $0x1400;
	s15 =	simm.s32 $0x1;
	s11 =	sadd.s32 $0x300, s31  }
.LBB2_1:
0x14: {  	s23 =	simm.s32 $0x40;
	s24 =	simm.s32 $0x0  }
.LBB2_2:
0x15: {  	p1 =	sne.s32 s23, $0x9C00;
	[tilespmem:s24+$0x4C00] =	vst v0;
	s24 =	smov.u32 s23;
	s23 =	sadd.s32 $0x40, s23  }
.Ltmp0:
0x16: {  	(pc) =	sbr.rel @p1 .LBB2_2-.Ltmp0, $2  }
0x17: {  	_ =	sdelay $0x2  }
0x18: {  	s24 =	sshra.s32 s24, $0x2  }
0x19: {  	[tilespmem:s24+$0x4C00] =	vst v0  }
0x1a: {  	[spmem:s4] =	stream.linear.scatter [tilespmem:s12], [sflag:$0x2], $0x2710, $0x38;
	[tilespmem:$0x9A20] =	vst v63  }
0x1b: {  	_ =	swait.ge [sflag:s13], $0x2710  }
0x1c: {  	[sflag:s13] =	ssyncset.done $0x0  }
0x1d: {  	s23 =	simm.s32 $0x0;
	[sflag:s13] =	ssyncadd.s32 $0xFFFFD8F0  }
0x1e: {  	[tilespmem:s23], [sflag:$0x2] =	stream.linear.gather [hbm4b:s5+s23], $0x1380, $0x38;
	[tilespmem:$0x9A20] =	vst v63  }
0x1f: {  	_ =	swait.ge [sflag:s13], $0x1380  }
0x20: {  	[sflag:s13] =	ssyncset.done $0x0  }
0x21: {  	[sflag:s13] =	ssyncadd.s32 $0xFFFFEC80  }
0x22: {  	[bflag:$0x0] =	sbarrier.arrive $0xFFFF  }
0x23: {  	[tilespmem:s14], [sflag:$0x1] =	stream.linear.gather [hbm4b:s6+s23], $0x1800, $0x38;
	[tilespmem:$0x9A20] =	vst v63  }
0x24: {  	s23 =	sand.u32 $0x1, s23  }
0x25: {  	s30 =	sxor.u32 $0x1, s23  }
0x26: {  	s24 =	smul.u32 $0x6000, s30  }
0x27: {  	s23 =	smul.u32 $0x6000, s23;
	_ =	swait.ge [sflag:s15], $0x1800  }
0x28: {  	[sflag:s15] =	ssyncset.done $0x0;
	s24 =	sshrl.u32 s24, $0x2  }
0x29: {  	s23 =	sshrl.u32 s23, $0x2;
	[sflag:s15] =	ssyncadd.s32 $0xFFFFE800;
	s24 =	sadd.s32 $0x1400, s24  }
0x2a: {  	[tilespmem:s24], [sflag:$0x1] =	stream.linear.gather [hbm4b:s11+s2], $0x1800, $0x38;
	[tilespmem:$0x9A20] =	vst v63  }
0x2b: {  	s25 =	simm.s32 $0x0;
	s31 =	sadd.s32 $0x1400, s23  }
0x2c: {  	[spmem:s1] =	stream.indirect.scatter.add.f32 [tilespmem:s31], [sflag:$0x2], $0x10, s25, s16, $0xb8;
	[tilespmem:$0x9A20] =	vst v63  }
0x2d: {  	_ =	swait.ge [sflag:s13], $0x800  }
0x2e: {  	[sflag:s13] =	ssyncset.done $0x0  }
0x2f: {  	s29 =	simm.s32 $0x80;
	s26 =	sadd.s32 $0x1C00, s23;
	[sflag:s13] =	ssyncadd.s32 $0xFFFFF800  }
0x30: {  	[spmem:s1] =	stream.indirect.scatter.add.f32 [tilespmem:s26], [sflag:$0x2], $0x10, s29, s16, $0xb8;
	[tilespmem:$0x9A20] =	vst v63  }
0x31: {  	s28 =	simm.s32 $0x1;
	_ =	swait.ge [sflag:s13], $0x800  }
0x32: {  	s30 =	simm.s32 $0x100;
	s23 =	sor.u32 $0x2400, s23;
	[sflag:s13] =	ssyncset.done $0x0  }
0x33: {  	s24 =	sadd.s32 $0x300, s11;
	s31 =	sand.u32 $0x1, s28;
	[sflag:s13] =	ssyncadd.s32 $0xFFFFF800  }
0x34: {  	[spmem:s1] =	stream.indirect.scatter.add.f32 [tilespmem:s23], [sflag:$0x2], $0x10, s30, s16, $0xb8;
	[tilespmem:$0x9A20] =	vst v63  }
0x35: {  	s28 =	sxor.u32 $0x1, s31;
	s25 =	smul.u32 $0x6000, s31;
	_ =	swait.ge [sflag:s13], $0x800  }
0x36: {  	s26 =	simm.s32 $0x2;
	s23 =	simm.s32 $0x280;
	[sflag:s13] =	ssyncset.done $0x0  }
.LBB2_4:
0x37: {  	s28 =	smul.u32 $0x6000, s28  }
0x38: {  	[sflag:s13] =	ssyncadd.s32 $0xFFFFF800;
	s29 =	smov.u32 s26;
	s30 =	sadd.s32 $0x1, s26  }
0x39: {  	p1 =	sne.s32 s26, $0xB;
	_ =	swait.ge [sflag:s15], $0x1800;
	s25 =	sshrl.u32 s25, $0x2  }
0x3a: {  	[sflag:s15] =	ssyncset.done $0x0;
	s26 =	sshrl.u32 s28, $0x2  }
0x3b: {  	[sflag:s15] =	ssyncadd.s32 $0xFFFFE800;
	s26 =	sadd.s32 $0x1400, s26  }
0x3c: {  	[tilespmem:s26], [sflag:$0x1] =	stream.linear.gather [hbm4b:s24+s2], $0x1800, $0x38;
	[tilespmem:$0x9A20] =	vst v63  }
0x3d: {  	s28 =	sadd.s32 $0xFFFFFF00, s23;
	s26 =	sadd.s32 $0x1400, s25  }
0x3e: {  	[spmem:s1] =	stream.indirect.scatter.add.f32 [tilespmem:s26], [sflag:$0x2], $0x10, s28, s16, $0xb8;
	[tilespmem:$0x9A20] =	vst v63  }
0x3f: {  	_ =	swait.ge [sflag:s13], $0x800  }
0x40: {  	[sflag:s13] =	ssyncset.done $0x0  }
0x41: {  	s26 =	sadd.s32 $0x1C00, s25;
	s28 =	sadd.s32 $0xFFFFFF80, s23;
	[sflag:s13] =	ssyncadd.s32 $0xFFFFF800  }
0x42: {  	[spmem:s1] =	stream.indirect.scatter.add.f32 [tilespmem:s26], [sflag:$0x2], $0x10, s28, s16, $0xb8;
	[tilespmem:$0x9A20] =	vst v63  }
0x43: {  	_ =	swait.ge [sflag:s13], $0x800  }
.Ltmp1:
0x44: {  	s24 =	sadd.s32 $0x300, s24;
	[sflag:s13] =	ssyncset.done $0x0;
	(pc) =	sbr.rel @p1 .LBB2_4-.Ltmp1, $4  }
0x45: {  	s25 =	sor.u32 $0x2400, s25;
	s26 =	smov.u32 s30;
	[sflag:s13] =	ssyncadd.s32 $0xFFFFF800  }
0x46: {  	[spmem:s1] =	stream.indirect.scatter.add.f32 [tilespmem:s25], [sflag:$0x2], $0x10, s23, s16, $0xb8;
	[tilespmem:$0x9A20] =	vst v63  }
0x47: {  	s25 =	sand.u32 $0x1, s29;
	s23 =	sadd.s32 $0x180, s23;
	_ =	swait.ge [sflag:s13], $0x800  }
0x48: {  	s28 =	sxor.u32 $0x1, s25;
	s25 =	smul.u32 $0x6000, s25;
	[sflag:s13] =	ssyncset.done $0x0  }
0x49: {  	s26 =	smul.u32 $0x6000, s28;
	[sflag:s13] =	ssyncadd.s32 $0xFFFFF800  }
0x4a: {  	_ =	swait.ge [sflag:s15], $0x1800  }
0x4b: {  	[sflag:s15] =	ssyncset.done $0x0;
	s26 =	sshrl.u32 s26, $0x2  }
0x4c: {  	s25 =	sshrl.u32 s25, $0x2;
	[sflag:s15] =	ssyncadd.s32 $0xFFFFE800;
	s26 =	sadd.s32 $0x1400, s26  }
0x4d: {  	[tilespmem:s26], [sflag:$0x1] =	stream.linear.gather [hbm4b:s24+s2], $0x1800, $0x38;
	[tilespmem:$0x9A20] =	vst v63  }
0x4e: {  	s31 =	sadd.s32 $0xFFFFFF00, s23;
	s30 =	sadd.s32 $0x1400, s25  }
0x4f: {  	[spmem:s1] =	stream.indirect.scatter.add.f32 [tilespmem:s30], [sflag:$0x2], $0x10, s31, s16, $0xb8;
	[tilespmem:$0x9A20] =	vst v63  }
0x50: {  	_ =	swait.ge [sflag:s13], $0x800  }
0x51: {  	[sflag:s13] =	ssyncset.done $0x0  }
0x52: {  	s28 =	sadd.s32 $0xFFFFFF80, s23;
	s26 =	sadd.s32 $0x1C00, s25;
	[sflag:s13] =	ssyncadd.s32 $0xFFFFF800  }
0x53: {  	[spmem:s1] =	stream.indirect.scatter.add.f32 [tilespmem:s26], [sflag:$0x2], $0x10, s28, s16, $0xb8;
	[tilespmem:$0x9A20] =	vst v63  }
0x54: {  	_ =	swait.ge [sflag:s13], $0x800  }
0x55: {  	[sflag:s13] =	ssyncset.done $0x0  }
0x56: {  	s29 =	sor.u32 $0x2400, s25;
	[sflag:s13] =	ssyncadd.s32 $0xFFFFF800  }
0x57: {  	[spmem:s1] =	stream.indirect.scatter.add.f32 [tilespmem:s29], [sflag:$0x2], $0x10, s23, s16, $0xb8;
	[tilespmem:$0x9A20] =	vst v63  }
0x58: {  	_ =	swait.ge [sflag:s13], $0x800  }
0x59: {  	[sflag:s13] =	ssyncset.done $0x0  }
0x5a: {  	[sflag:s13] =	ssyncadd.s32 $0xFFFFF800  }
0x5b: {  	_ =	swait.ge [sflag:s15], $0x1800  }
0x5c: {  	[sflag:s15] =	ssyncset.done $0x0  }
0x5d: {  	[sflag:s15] =	ssyncadd.s32 $0xFFFFE800  }
0x5e: {  	[spmem:s1] =	stream.indirect.scatter.add.f32 [tilespmem:s14], [sflag:$0x2], $0x10, s17, s16, $0xb8;
	[tilespmem:$0x9A20] =	vst v63  }
0x5f: {  	_ =	swait.ge [sflag:s13], $0x800  }
0x60: {  	[sflag:s13] =	ssyncset.done $0x0  }
0x61: {  	[sflag:s13] =	ssyncadd.s32 $0xFFFFF800  }
0x62: {  	[spmem:s1] =	stream.indirect.scatter.add.f32 [tilespmem:s19], [sflag:$0x2], $0x10, s18, s16, $0xb8;
	[tilespmem:$0x9A20] =	vst v63  }
0x63: {  	_ =	swait.ge [sflag:s13], $0x800  }
0x64: {  	[sflag:s13] =	ssyncset.done $0x0  }
0x65: {  	[sflag:s13] =	ssyncadd.s32 $0xFFFFF800  }
0x66: {  	[spmem:s1] =	stream.indirect.scatter.add.f32 [tilespmem:s21], [sflag:$0x2], $0x10, s20, s16, $0xb8;
	[tilespmem:$0x9A20] =	vst v63  }
0x67: {  	_ =	swait.ge [sflag:s13], $0x800  }
0x68: {  	s24 =	simm.s32 @!p0 $0x1380;
	[sflag:s13] =	ssyncset.done $0x0  }
0x69: {  	s25 =	simm.s32 @!p0 $0x2;
	s23 =	simm.s32 @!p0 $0x0;
	[sflag:s13] =	ssyncadd.s32 $0xFFFFF800  }
0x6a: {  	[tilespmem:s24], [sflag:$0x2] =	stream.linear.gather @!p0 [hbm4b:s7+s23], $0x80, $0x38;
	[tilespmem:$0x9A20] =	vst v63  }
0x6b: {  	_ =	swait.ge @!p0 [sflag:s25], $0x80  }
0x6c: {  	[sflag:s25] =	ssyncset.done @!p0 $0x0  }
0x6d: {  	s26 =	simm.s32 @!p0 $0x4400;
	[sflag:s25] =	ssyncadd.s32 @!p0 $0xFFFFFF80  }
0x6e: {  	[tilespmem:s26], [sflag:$0x2] =	stream.linear.gather @!p0 [hbm4b:s8+s23], $0x800, $0x38;
	[tilespmem:$0x9A20] =	vst v63  }
0x6f: {  	_ =	swait.ge @!p0 [sflag:s25], $0x800  }
0x70: {  	[sflag:s25] =	ssyncset.done @!p0 $0x0  }
0x71: {  	s23 =	simm.s32 @!p0 $0x80;
	[sflag:s25] =	ssyncadd.s32 @!p0 $0xFFFFF800  }
0x72: {  	[spmem:s1] =	stream.indirect.scatter.add.f32 @!p0 [tilespmem:s26], [sflag:$0x2], $0x10, s24, s23, $0xb8;
	[tilespmem:$0x9A20] =	vst v63  }
0x73: {  	s22 =	sadd.s32 $0x1, s22;
	_ =	swait.ge @!p0 [sflag:s25], $0x800  }
0x74: {  	p1 =	sne.s32 s22, s10;
	[sflag:s25] =	ssyncset.done @!p0 $0x0  }
0x75: {  	s30 =	sshll.u32 s3, $0x6;
	s31 =	sshrl.u32 s4, $0x3;
	[sflag:s25] =	ssyncadd.s32 @!p0 $0xFFFFF800  }
.Ltmp2:
0x76: {  	s23 =	sor.u32 $0x1C02, s30;
	[bflag:$0x0] =	sbarrier.arrive $0xFFFF;
	(pc) =	sbr.rel @p1 .LBB2_1-.Ltmp2, $4  }
0x77: {  	[hbm:s9], [sflag:s23] =	dma.local [spmem:s31], $0x4E2  }
0x78: {  	_ =	swait.ge [sflag:s13], $0x4E2  }
0x79: {  	[sflag:s13] =	ssyncset.done $0x0  }
0x7a: {  	[sflag:s13] =	ssyncadd.s32 $0xFFFFFB1E  }
0x7b: {  	_ =	sfence.sel $0x180000  }
0x7c: {  	[bflag:$0x0] =	sbarrier.arrive $0xFFFF  }
0x7d: {  	_ =	strace $0x9000004D  }
0x7e: {  	s0 =	sadd.s32 @!p0 $0x100000, s0;
	[bflag:$0x2] =	sbarrier.arrive $0xFFFF  }
0x7f: {  	[sflag:s0] =	ssyncadd.tile.s32 @!p0 $0x1;
	_ =	shalt  }
.Lfunc_end2:
_tile_overlayer_lowered:
.L_overlay_start_2:
0x80: {  	(tag) =	ssettag $0x2  }
0x81: {  	s0 =	rddreg [dreg:$0x0];
	s2 =	stileid.u32  }
0x82: {  	s1 =	rddreg [dreg:$0x1];
	p0 =	sne.s32 s2, $0x0  }
0x83: {  	s3 =	rddreg [dreg:$0x2];
	[bflag:$0x3] =	sbarrier.arrive $0xFFFF;
	s2 =	simm.s32 @!p0 $0x1C02  }
0x84: {  	[timem:s3], [sflag:s2] =	dma.local @!p0 [hbm:s0], s1  }
0x85: {  	s0 =	simm.s32 @!p0 $0x2  }
0x86: {  	_ =	swait.ge @!p0 [sflag:s0], s1  }
0x87: {  	s1 =	ssub.s32 @!p0 $0x0, s1;
	[sflag:s0] =	ssyncset.done @!p0 $0x0  }
0x88: {  	[sflag:s0] =	ssyncadd.s32 @!p0 s1  }
0x89: {  	[bflag:$0x3] =	sbarrier.arrive $0xFFFF  }
0x8a: {  	_ =	shalt  }

// kernel: kernel.25.cloned.1.call-start
scs
__scs_entry_jumppad:
0x0: {  	(pc) =	sbr.rel $0x88, $3  }
0x1: {  	(tag) =	ssettag $0x0;
	lr =	simm.s32 $0x1  }
0x2: {  	[smem:$0x3F94] =	sst lr;
	_ =	strace $0xD0000000  }
0x3: {  	_ = 	snop  }
0x4: {  	_ = 	snop  }
0x5: {  	_ = 	snop  }
0x6: {  	_ = 	snop  }
0x7: {  	_ = 	snop  }
__scs_overlays_trampoline_lowered:
0x8: {  	[smem:$0x3FA3] =	sst s0  }
0x9: {  	[smem:$0x3FA4] =	sst s1  }
0xa: {  	[smem:$0x3FA5] =	sst s2  }
0xb: {  	[smem:$0x3FA6] =	sst s3  }
0xc: {  	[smem:$0x3FA7] =	sst s4  }
0xd: {  	[smem:$0x3FA8] =	sst s5  }
0xe: {  	[smem:$0x3FA9] =	sst s6  }
0xf: {  	[smem:$0x3FAA] =	sst s7  }
0x10: {  	[smem:$0x3FAB] =	sst s8  }
0x11: {  	[smem:$0x3FAC] =	sst s9;
	s0 =	simm.s32 @!p0 $0x0  }
0x12: {  	s1 =	sld [smem:$0x3F92];
	s0 =	simm.s32 @p0 $0x1  }
0x13: {  	[smem:$0x3FAD] =	sst s0;
	s0 =	simm.s32 @!p1 $0x0  }
0x14: {  	s2 =	sld [smem:$0x3F91];
	s0 =	simm.s32 @p1 $0x1  }
0x15: {  	[smem:$0x3FAE] =	sst s0;
	s0 =	simm.s32 @!p2 $0x0  }
0x16: {  	s3 =	sld [smem:$0x3FDB];
	s0 =	simm.s32 @p2 $0x1  }
0x17: {  	s4 =	simm.s32 $0x1BF5;
	[smem:$0x3FB0] =	sst s0  }
0x18: {  	s0 =	sld [smem:$0x3F93];
	_ =	swait.ge [sflag:s4], $0x0  }
0x19: {  	s7 =	sld [smem:$0x3F94]  }
0x1a: {  	s8 =	sadd.s32 $0xFFFFE003, lr  }
0x1b: {  	s9 =	sadd.s32 $0xFFFFFEF7, lr;
	s5 =	simm.s32 $0xFFFFFFFF;
	p2 =	slt.u32 s8, $0xFFFFF086  }
0x1c: {  	p1 =	slt.u32 s9, $0xF7A;
	s5 =	simm.s32 @!p2 $0x0  }
0x1d: {  	s5 =	simm.s32 @p1 $0x1;
	p0 =	seq.s32 s7, s2  }
0x1e: {  	s7 =	smul.u32 @!p0 $0xF7A, s2;
	p2 =	seq.s32 @!p0 s5, $0x0  }
0x1f: {  	s9 =	smul.u32 $0xF7A, s1;
	s8 =	simm.s32 @!p0 $0x1BF5;
	p2 =	por !p2, p0  }
0x20: {  	[sflag:s8] =	ssyncset.s32 @!p0 $0xFFFFF086;
	s6 =	sadd.s32 @!p0 s3, s7;
	s7 =	simm.s32 @!p0 $0x108  }
0x21: {  	s3 =	sadd.s32 s3, s9;
	s6 =	sadd.s32 @!p0 $0x88, s6;
	s7 =	simm.s32 @p2 $0x1082  }
0x22: {  	[simem:s7], [sflag:s8] =	dma.local @!p0 [hbm:s6], $0xF7A  }
0x23: {  	s9 =	sor.u32 $0xD0000000, s2;
	s6 =	simm.s32 $0x108;
	_ =	swait.ge @!p0 [sflag:s8], $0x0  }
0x24: {  	s3 =	sadd.s32 $0x88, s3;
	s6 =	simm.s32 @!p1 $0x1082;
	[sflag:s4] =	ssyncset.s32 $0xFFFFF086  }
0x25: {  	[simem:s6], [sflag:s4] =	dma.local [hbm:s3], $0xF7A  }
0x26: {  	[smem:$0x3F94] =	sst s1;
	(tag) =	ssettag s2;
	_ =	strace s9  }
0x27: {  	s1 =	sld [smem:$0x3FA4]  }
0x28: {  	s2 =	sld [smem:$0x3FA5]  }
0x29: {  	s4 =	sld [smem:$0x3FA7]  }
0x2a: {  	p0 =	seq.s32 s5, $0x0;
	s5 =	sld [smem:$0x3FA8]  }
0x2b: {  	s6 =	sld [smem:$0x3FA9]  }
0x2c: {  	s7 =	sld [smem:$0x3FAA]  }
0x2d: {  	s3 =	simm.s32 $0x108;
	s8 =	sld [smem:$0x3FAB]  }
0x2e: {  	s3 =	simm.s32 @!p0 $0x1082;
	s9 =	sld [smem:$0x3FAC]  }
0x2f: {  	lr =	sadd.s32 s0, s3;
	s0 =	sld [smem:$0x3FA3]  }
0x30: {  	s3 =	sld [smem:$0x3FA6]  }
0x31: {  	[smem:$0x3FAF] =	sst s10  }
0x32: {  	s10 =	sld [smem:$0x3FAD];
	_ =	sdelay $0x3  }
0x33: {  	p0 =	seq.s32 s10, $0x1;
	s10 =	sld [smem:$0x3FAF];
	_ =	sdelay $0x3  }
0x34: {  	[smem:$0x3FAF] =	sst s10  }
0x35: {  	s10 =	sld [smem:$0x3FAE];
	_ =	sdelay $0x3  }
0x36: {  	p1 =	seq.s32 s10, $0x1;
	s10 =	sld [smem:$0x3FAF];
	_ =	sdelay $0x3  }
0x37: {  	[smem:$0x3FAF] =	sst s10  }
0x38: {  	s10 =	sld [smem:$0x3FB0]  }
0x39: {  	_ = 	snop;
	(pc) =	sbr.ind lr, $3  }
0x3a: {  	_ = 	snop  }
0x3b: {  	_ = 	snop  }
0x3c: {  	p2 =	seq.s32 s10, $0x1;
	s10 =	sld [smem:$0x3FAF]  }
0x3d: {  	_ =	shalt  }
0x3e: {  	_ =	shalt  }
0x3f: {  	_ =	shalt  }
0x40: {  	_ =	shalt  }
0x41: {  	_ =	shalt  }
0x42: {  	_ =	shalt  }
0x43: {  	_ =	shalt  }
0x44: {  	_ =	shalt  }
0x45: {  	_ =	shalt  }
0x46: {  	_ =	shalt  }
0x47: {  	_ =	shalt  }
0x48: {  	_ =	shalt  }
0x49: {  	_ =	shalt  }
0x4a: {  	_ =	shalt  }
0x4b: {  	_ =	shalt  }
0x4c: {  	_ =	shalt  }
0x4d: {  	_ =	shalt  }
0x4e: {  	_ =	shalt  }
0x4f: {  	_ =	shalt  }
0x50: {  	_ =	shalt  }
0x51: {  	_ =	shalt  }
0x52: {  	_ =	shalt  }
0x53: {  	_ =	shalt  }
0x54: {  	_ =	shalt  }
0x55: {  	_ =	shalt  }
0x56: {  	_ =	shalt  }
0x57: {  	_ =	shalt  }
0x58: {  	_ =	shalt  }
0x59: {  	_ =	shalt  }
0x5a: {  	_ =	shalt  }
0x5b: {  	_ =	shalt  }
0x5c: {  	_ =	shalt  }
0x5d: {  	_ =	shalt  }
0x5e: {  	_ =	shalt  }
0x5f: {  	_ =	shalt  }
0x60: {  	_ =	shalt  }
0x61: {  	_ =	shalt  }
0x62: {  	_ =	shalt  }
0x63: {  	_ =	shalt  }
0x64: {  	_ =	shalt  }
0x65: {  	_ =	shalt  }
0x66: {  	_ =	shalt  }
0x67: {  	_ =	shalt  }
0x68: {  	_ =	shalt  }
0x69: {  	_ =	shalt  }
0x6a: {  	_ =	shalt  }
0x6b: {  	_ =	shalt  }
0x6c: {  	_ =	shalt  }
0x6d: {  	_ =	shalt  }
0x6e: {  	_ =	shalt  }
0x6f: {  	_ =	shalt  }
0x70: {  	_ =	shalt  }
0x71: {  	_ =	shalt  }
0x72: {  	_ =	shalt  }
0x73: {  	_ =	shalt  }
0x74: {  	_ =	shalt  }
0x75: {  	_ =	shalt  }
0x76: {  	_ =	shalt  }
0x77: {  	_ =	shalt  }
0x78: {  	_ =	shalt  }
0x79: {  	_ =	shalt  }
0x7a: {  	_ =	shalt  }
0x7b: {  	_ =	shalt  }
0x7c: {  	_ =	shalt  }
0x7d: {  	_ =	shalt  }
0x7e: {  	_ =	shalt  }
0x7f: {  	_ =	shalt  }
0x80: {  	_ =	shalt  }
0x81: {  	_ =	shalt  }
0x82: {  	_ =	shalt  }
0x83: {  	_ =	shalt  }
0x84: {  	_ =	shalt  }
0x85: {  	_ =	shalt  }
0x86: {  	_ =	shalt  }
0x87: {  	_ =	shalt  }
.Lfunc_end0:
.L_simem_size_0:
called_computation.3_lowered:
.L_overlay_start_0:
0x88: {  	s2 =	sld [smem:$0x3FD9]  }
0x89: {  	s3 =	sld [smem:$0x3FFE];
	_ =	sdelay $0x1  }
0x8a: {  	s1 =	srdreg.scid  }
0x8b: {  	s0 =	sand.u32 $0x1, s1  }
0x8c: {  	s17 =	sshll.u32 s0, $0xA;
	s2 =	sadd.s32 s3, s2  }
0x8d: {  	s2 =	sadd.s32 s2, s17  }
0x8e: {  	[smem:$0x3FBB] =	sst s2  }
0x8f: {  	_ = 	snop  }
0x90: {  	(tm) =	ssettm $0x1  }
0x91: {  	s18 =	sld [smem:$0x3FFB];
	_ =	sdelay $0x3  }
0x92: {  	_ =	strace s18  }
0x93: {  	s2 =	sld [smem:$0x3FFC];
	_ =	sdelay $0x3  }
0x94: {  	_ =	strace s2  }
0x95: {  	s2 =	sld [smem:$0x3FFD];
	_ =	sdelay $0x3  }
0x96: {  	_ =	strace s2  }
0x97: {  	_ =	strace $0x8FFFFFFF  }
0x98: {  	s19 =	sld [smem:$0x3FDB];
	_ =	sdelay $0x1  }
0x99: {  	s20 =	simm.s32 $_scs_section_size  }
0x9a: {  	s4 =	simm.s32 $_size__tile_overlayer_lowered;
	s5 =	simm.s32 $_tile_overlayer_lowered  }
0x9b: {  	s6 =	simm.s32 $0x1BFF;
	s21 =	sshll.u32 s5, $0x1;
	s3 =	sadd.s32 s20, s19  }
0x9c: {  	s22 =	simm.s32 $0x0;
	s4 =	sshll.u32 s4, $0x1;
	s5 =	sadd.s32 s21, s3  }
0x9d: {  	[timem:s22], [sflag:s6] =	dma.local [hbm:s5], s4  }
0x9e: {  	_ =	swait.ge [sflag:s6], s4  }
0x9f: {  	s4 =	ssub.s32 $0x0, s4;
	[sflag:s6] =	ssyncset.done $0x0  }
0xa0: {  	[sflag:s6] =	ssyncadd.s32 s4;
	_ =	sdelay $0x1  }
0xa1: {  	s23 =	simm.s32 $0x1B8B  }
0xa2: {  	_ =	swait.ge [sflag:s23], $0x1  }
0xa3: {  	[sflag:s23] =	ssyncset.done $0x0  }
0xa4: {  	[sflag:s23] =	ssyncadd.s32 $0xFFFFFFFF  }
0xa5: {  	s4 =	sld [smem:$0x0]  }
0xa6: {  	s5 =	sand.u32 $0xFFFFFFFE, s1  }
0xa7: {  	p0 =	sne.s32 s1, s5  }
0xa8: {  	s5 =	sshll.u32 @p0 s5, $0xE  }
0xa9: {  	s5 =	sadd.s32 @p0 $0x11B8D, s5;
	s6 =	sshll.u32 @p0 s4, $0x11  }
0xaa: {  	s5 =	sor.u32 @p0 s6, s5  }
0xab: {  	[sflag:s5] =	ssyncadd.remote.s32 @p0 $0x1;
	_ =	sdelay $0x1  }
0xac: {  	s5 =	simm.s32 @p0 $0x1B8D  }
0xad: {  	_ =	swait.eq @p0 [sflag:s5], $0x1  }
0xae: {  	[sflag:s5] =	ssyncadd.s32 @p0 $0xFFFFFFFF  }
0xaf: {  	s6 =	sshll.u32 @!p0 s1, $0xE  }
0xb0: {  	s6 =	sor.u32 @!p0 $0x4000, s6;
	s5 =	simm.s32 @!p0 $0x1B8D  }
0xb1: {  	s4 =	sshll.u32 @!p0 s4, $0x11;
	s6 =	sadd.s32 @!p0 $0x11B8D, s6;
	_ =	swait.eq @!p0 [sflag:s5], $0x1  }
0xb2: {  	s4 =	sor.u32 @!p0 s4, s6;
	[sflag:s5] =	ssyncadd.s32 @!p0 $0xFFFFFFFF  }
0xb3: {  	s25 =	simm.s32 $0x1B8E;
	s24 =	sld [smem:$0x3FFE];
	[sflag:s4] =	ssyncadd.remote.s32 @!p0 $0x1  }
0xb4: {  	s26 =	simm.s32 $execute0_lowered;
	[smem:$0x3FD2] =	sst s25  }
0xb5: {  	s5 =	sshll.u32 s26, $0x1;
	_ =	strace $0x8000004F;
	[dreg:$0x1] =	wrdreg $0xFFFFFFFF  }
0xb6: {  	s28 =	simm.s32 $_size_execute0_lowered;
	s3 =	sadd.s32 s3, s5;
	[dreg:$0x0] =	wrdreg $0x0  }
0xb7: {  	s5 =	sshll.u32 s28, $0x1;
	[dreg:$0x2] =	wrdreg s3  }
0xb8: {  	[dreg:$0x3] =	wrdreg s5  }
0xb9: {  	[dreg:$0x4] =	wrdreg $0xC0  }
0xba: {  	_ =	task [dreg:s22], $0x5FFFF  }
0xbb: {  	[dreg:$0x1] =	wrdreg $0xFFFFFFFF  }
0xbc: {  	[dreg:$0x0] =	wrdreg $0x60  }
0xbd: {  	[dreg:$0x2] =	wrdreg s24  }
0xbe: {  	[dreg:$0x3] =	wrdreg $0x73100  }
0xbf: {  	[dreg:$0x4] =	wrdreg $0x9  }
0xc0: {  	_ =	task.clear_ibuf [dreg:s22], $0x5FFFF;
	_ =	strace $0x9000004F  }
0xc1: {  	s29 =	simm.s32 $0x9;
	_ =	strace $0x80000051  }
0xc2: {  	_ =	swait.ge [sflag:s29], $0x1  }
0xc3: {  	[sflag:s29] =	ssyncadd.s32 $0xFFFFFFFF  }
0xc4: {  	_ =	strace $0x90000051  }
0xc5: {  	_ =	sfence  }
0xc6: {  	s30 =	sld [smem:$0x0];
	_ =	sdelay $0x2  }
0xc7: {  	s31 =	sshll.u32 s1, $0xD;
	s1 =	sshrl.u32 s1, $0x2  }
0xc8: {  	s4 =	sand.u32 $0x4000, s31;
	s1 =	sadd.s32 s1, s30  }
0xc9: {  	s0 =	sor.u32 s4, s0;
	s1 =	sshll.u32 s1, $0x11  }
0xca: {  	s0 =	sor.u32 s1, s0  }
0xcb: {  	s0 =	sadd.s32 $0x8F2B, s0  }
0xcc: {  	[sflag:s0] =	ssyncadd.remote.s32 $0x1  }
0xcd: {  	_ =	sfence.sel $0xFFFF  }
0xce: {  	[dreg:$0x0] =	wrdreg $0xFFFFFFFF;
	(pc) =	sbr.abs _section_cstart, $3  }
0xcf: {  	[dreg:$0x1] =	wrdreg $0xFFFFFFFF  }
0xd0: {  	_ =	task.clear_ibuf [dreg:s22], $0x2FFFF;
	_ =	strace $0x9FFFFFFF  }
0xd1: {  	(tm) =	ssettm $0x7FFFFFFF  }
tec
execute0_lowered:
.L_overlay_start_1:
0x0: {  	(tag) =	ssettag $0x1  }
0x1: {  	s4 =	rddreg [dreg:$0x0]  }
0x2: {  	s1 =	rddreg [dreg:$0x1]  }
0x3: {  	s0 =	rddreg [dreg:$0x2];
	s2 =	simm.s32 $0x0  }
0x4: {  	s5 =	srdreg.scid;
	s3 =	stileid.u32;
	s16 =	simm.s32 $0x80  }
0x5: {  	s17 =	simm.s32 $0x1200;
	s18 =	simm.s32 $0x1280;
	s19 =	simm.s32 $0x1C00  }
0x6: {  	s20 =	simm.s32 $0x1300;
	s21 =	simm.s32 $0x2400;
	s22 =	simm.s32 $0x0  }
0x7: {  	[smem:$0x7FF] =	sst s2;
	s6 =	sand.u32 $0x1, s5;
	s25 =	smul.u32 $0x2710, s3  }
0x8: {  	s7 =	sshll.u32 s3, $0x1;
	s9 =	sadd.s32 $0x89400, s4;
	s14 =	smul.u32 $0x4E, s3  }
0x9: {  	s10 =	sadd.s32 $0xE1400, s4;
	p0 =	sne.s32 s3, $0x0;
	s8 =	smul.u32 $0x27100, s6  }
0xa: {  	_ =	strace $0x80000050;
	s7 =	sor.u32 s6, s7;
	s26 =	smul.u32 $0x27, s6  }
0xb: {  	s12 =	ssub.s32 $0x2, s6;
	s28 =	sshll.u32 s6, $0x7;
	s11 =	smul.u32 $0x270, s7  }
0xc: {  	s7 =	smul.u32 $0x2700, s7;
	s13 =	sshrl.u32 s12, $0x1;
	s29 =	sor.u32 $0x27000, s28  }
0xd: {  	s8 =	sadd.s32 s25, s8;
	s12 =	ssub.s32 s12, s13;
	s30 =	sshll.u32 s29, $0x1  }
0xe: {  	s13 =	simm.s32 $0x2;
	s8 =	sshrl.u32 s8, $0x3;
	s5 =	sadd.s32 s10, s11  }
0xf: {  	s6 =	sadd.s32 s9, s7;
	s11 =	sshrl.u32 s29, $0x3;
	s15 =	sadd.s32 s8, s4  }
0x10: {  	s4 =	sadd.s32 s25, s1;
	s8 =	sadd.s32 s26, s14;
	s7 =	sadd.s32 s10, s11  }
0x11: {  	s10 =	smax.u32 s12, $0x1;
	s12 =	simm.s32 $0x4C00;
	s14 =	sshll.u32 s8, $0x8  }
0x12: {  	s8 =	sadd.s32 s9, s30;
	s31 =	sadd.s32 s14, s9;
	s9 =	sadd.s32 $0xE6400, s15  }
0x13: {  	v0 =	vimm.f32 $0.0e+00;
	s14 =	simm.s32 $0x1400;
	s15 =	simm.s32 $0x1;
	s11 =	sadd.s32 $0x300, s31  }
.LBB2_1:
0x14: {  	s23 =	simm.s32 $0x40;
	s24 =	simm.s32 $0x0  }
.LBB2_2:
0x15: {  	p1 =	sne.s32 s23, $0x9C00;
	[tilespmem:s24+$0x4C00] =	vst v0;
	s24 =	smov.u32 s23;
	s23 =	sadd.s32 $0x40, s23  }
.Ltmp0:
0x16: {  	(pc) =	sbr.rel @p1 .LBB2_2-.Ltmp0, $2  }
0x17: {  	_ =	sdelay $0x2  }
0x18: {  	s24 =	sshra.s32 s24, $0x2  }
0x19: {  	[tilespmem:s24+$0x4C00] =	vst v0  }
0x1a: {  	[spmem:s4] =	stream.linear.scatter [tilespmem:s12], [sflag:$0x2], $0x2710, $0x38;
	[tilespmem:$0x9A20] =	vst v63  }
0x1b: {  	_ =	swait.ge [sflag:s13], $0x2710  }
0x1c: {  	[sflag:s13] =	ssyncset.done $0x0  }
0x1d: {  	s23 =	simm.s32 $0x0;
	[sflag:s13] =	ssyncadd.s32 $0xFFFFD8F0  }
0x1e: {  	[tilespmem:s23], [sflag:$0x2] =	stream.linear.gather [hbm4b:s5+s23], $0x1380, $0x38;
	[tilespmem:$0x9A20] =	vst v63  }
0x1f: {  	_ =	swait.ge [sflag:s13], $0x1380  }
0x20: {  	[sflag:s13] =	ssyncset.done $0x0  }
0x21: {  	[sflag:s13] =	ssyncadd.s32 $0xFFFFEC80  }
0x22: {  	[bflag:$0x0] =	sbarrier.arrive $0xFFFF  }
0x23: {  	[tilespmem:s14], [sflag:$0x1] =	stream.linear.gather [hbm4b:s6+s23], $0x1800, $0x38;
	[tilespmem:$0x9A20] =	vst v63  }
0x24: {  	s23 =	sand.u32 $0x1, s23  }
0x25: {  	s30 =	sxor.u32 $0x1, s23  }
0x26: {  	s24 =	smul.u32 $0x6000, s30  }
0x27: {  	s23 =	smul.u32 $0x6000, s23;
	_ =	swait.ge [sflag:s15], $0x1800  }
0x28: {  	[sflag:s15] =	ssyncset.done $0x0;
	s24 =	sshrl.u32 s24, $0x2  }
0x29: {  	s23 =	sshrl.u32 s23, $0x2;
	[sflag:s15] =	ssyncadd.s32 $0xFFFFE800;
	s24 =	sadd.s32 $0x1400, s24  }
0x2a: {  	[tilespmem:s24], [sflag:$0x1] =	stream.linear.gather [hbm4b:s11+s2], $0x1800, $0x38;
	[tilespmem:$0x9A20] =	vst v63  }
0x2b: {  	s25 =	simm.s32 $0x0;
	s31 =	sadd.s32 $0x1400, s23  }
0x2c: {  	[spmem:s1] =	stream.indirect.scatter.add.f32 [tilespmem:s31], [sflag:$0x2], $0x10, s25, s16, $0xb8;
	[tilespmem:$0x9A20] =	vst v63  }
0x2d: {  	_ =	swait.ge [sflag:s13], $0x800  }
0x2e: {  	[sflag:s13] =	ssyncset.done $0x0  }
0x2f: {  	s29 =	simm.s32 $0x80;
	s26 =	sadd.s32 $0x1C00, s23;
	[sflag:s13] =	ssyncadd.s32 $0xFFFFF800  }
0x30: {  	[spmem:s1] =	stream.indirect.scatter.add.f32 [tilespmem:s26], [sflag:$0x2], $0x10, s29, s16, $0xb8;
	[tilespmem:$0x9A20] =	vst v63  }
0x31: {  	s28 =	simm.s32 $0x1;
	_ =	swait.ge [sflag:s13], $0x800  }
0x32: {  	s30 =	simm.s32 $0x100;
	s23 =	sor.u32 $0x2400, s23;
	[sflag:s13] =	ssyncset.done $0x0  }
0x33: {  	s24 =	sadd.s32 $0x300, s11;
	s31 =	sand.u32 $0x1, s28;
	[sflag:s13] =	ssyncadd.s32 $0xFFFFF800  }
0x34: {  	[spmem:s1] =	stream.indirect.scatter.add.f32 [tilespmem:s23], [sflag:$0x2], $0x10, s30, s16, $0xb8;
	[tilespmem:$0x9A20] =	vst v63  }
0x35: {  	s28 =	sxor.u32 $0x1, s31;
	s25 =	smul.u32 $0x6000, s31;
	_ =	swait.ge [sflag:s13], $0x800  }
0x36: {  	s26 =	simm.s32 $0x2;
	s23 =	simm.s32 $0x280;
	[sflag:s13] =	ssyncset.done $0x0  }
.LBB2_4:
0x37: {  	s28 =	smul.u32 $0x6000, s28  }
0x38: {  	[sflag:s13] =	ssyncadd.s32 $0xFFFFF800;
	s29 =	smov.u32 s26;
	s30 =	sadd.s32 $0x1, s26  }
0x39: {  	p1 =	sne.s32 s26, $0xB;
	_ =	swait.ge [sflag:s15], $0x1800;
	s25 =	sshrl.u32 s25, $0x2  }
0x3a: {  	[sflag:s15] =	ssyncset.done $0x0;
	s26 =	sshrl.u32 s28, $0x2  }
0x3b: {  	[sflag:s15] =	ssyncadd.s32 $0xFFFFE800;
	s26 =	sadd.s32 $0x1400, s26  }
0x3c: {  	[tilespmem:s26], [sflag:$0x1] =	stream.linear.gather [hbm4b:s24+s2], $0x1800, $0x38;
	[tilespmem:$0x9A20] =	vst v63  }
0x3d: {  	s28 =	sadd.s32 $0xFFFFFF00, s23;
	s26 =	sadd.s32 $0x1400, s25  }
0x3e: {  	[spmem:s1] =	stream.indirect.scatter.add.f32 [tilespmem:s26], [sflag:$0x2], $0x10, s28, s16, $0xb8;
	[tilespmem:$0x9A20] =	vst v63  }
0x3f: {  	_ =	swait.ge [sflag:s13], $0x800  }
0x40: {  	[sflag:s13] =	ssyncset.done $0x0  }
0x41: {  	s26 =	sadd.s32 $0x1C00, s25;
	s28 =	sadd.s32 $0xFFFFFF80, s23;
	[sflag:s13] =	ssyncadd.s32 $0xFFFFF800  }
0x42: {  	[spmem:s1] =	stream.indirect.scatter.add.f32 [tilespmem:s26], [sflag:$0x2], $0x10, s28, s16, $0xb8;
	[tilespmem:$0x9A20] =	vst v63  }
0x43: {  	_ =	swait.ge [sflag:s13], $0x800  }
.Ltmp1:
0x44: {  	s24 =	sadd.s32 $0x300, s24;
	[sflag:s13] =	ssyncset.done $0x0;
	(pc) =	sbr.rel @p1 .LBB2_4-.Ltmp1, $4  }
0x45: {  	s25 =	sor.u32 $0x2400, s25;
	s26 =	smov.u32 s30;
	[sflag:s13] =	ssyncadd.s32 $0xFFFFF800  }
0x46: {  	[spmem:s1] =	stream.indirect.scatter.add.f32 [tilespmem:s25], [sflag:$0x2], $0x10, s23, s16, $0xb8;
	[tilespmem:$0x9A20] =	vst v63  }
0x47: {  	s25 =	sand.u32 $0x1, s29;
	s23 =	sadd.s32 $0x180, s23;
	_ =	swait.ge [sflag:s13], $0x800  }
0x48: {  	s28 =	sxor.u32 $0x1, s25;
	s25 =	smul.u32 $0x6000, s25;
	[sflag:s13] =	ssyncset.done $0x0  }
0x49: {  	s26 =	smul.u32 $0x6000, s28;
	[sflag:s13] =	ssyncadd.s32 $0xFFFFF800  }
0x4a: {  	_ =	swait.ge [sflag:s15], $0x1800  }
0x4b: {  	[sflag:s15] =	ssyncset.done $0x0;
	s26 =	sshrl.u32 s26, $0x2  }
0x4c: {  	s25 =	sshrl.u32 s25, $0x2;
	[sflag:s15] =	ssyncadd.s32 $0xFFFFE800;
	s26 =	sadd.s32 $0x1400, s26  }
0x4d: {  	[tilespmem:s26], [sflag:$0x1] =	stream.linear.gather [hbm4b:s24+s2], $0x1800, $0x38;
	[tilespmem:$0x9A20] =	vst v63  }
0x4e: {  	s31 =	sadd.s32 $0xFFFFFF00, s23;
	s30 =	sadd.s32 $0x1400, s25  }
0x4f: {  	[spmem:s1] =	stream.indirect.scatter.add.f32 [tilespmem:s30], [sflag:$0x2], $0x10, s31, s16, $0xb8;
	[tilespmem:$0x9A20] =	vst v63  }
0x50: {  	_ =	swait.ge [sflag:s13], $0x800  }
0x51: {  	[sflag:s13] =	ssyncset.done $0x0  }
0x52: {  	s28 =	sadd.s32 $0xFFFFFF80, s23;
	s26 =	sadd.s32 $0x1C00, s25;
	[sflag:s13] =	ssyncadd.s32 $0xFFFFF800  }
0x53: {  	[spmem:s1] =	stream.indirect.scatter.add.f32 [tilespmem:s26], [sflag:$0x2], $0x10, s28, s16, $0xb8;
	[tilespmem:$0x9A20] =	vst v63  }
0x54: {  	_ =	swait.ge [sflag:s13], $0x800  }
0x55: {  	[sflag:s13] =	ssyncset.done $0x0  }
0x56: {  	s29 =	sor.u32 $0x2400, s25;
	[sflag:s13] =	ssyncadd.s32 $0xFFFFF800  }
0x57: {  	[spmem:s1] =	stream.indirect.scatter.add.f32 [tilespmem:s29], [sflag:$0x2], $0x10, s23, s16, $0xb8;
	[tilespmem:$0x9A20] =	vst v63  }
0x58: {  	_ =	swait.ge [sflag:s13], $0x800  }
0x59: {  	[sflag:s13] =	ssyncset.done $0x0  }
0x5a: {  	[sflag:s13] =	ssyncadd.s32 $0xFFFFF800  }
0x5b: {  	_ =	swait.ge [sflag:s15], $0x1800  }
0x5c: {  	[sflag:s15] =	ssyncset.done $0x0  }
0x5d: {  	[sflag:s15] =	ssyncadd.s32 $0xFFFFE800  }
0x5e: {  	[spmem:s1] =	stream.indirect.scatter.add.f32 [tilespmem:s14], [sflag:$0x2], $0x10, s17, s16, $0xb8;
	[tilespmem:$0x9A20] =	vst v63  }
0x5f: {  	_ =	swait.ge [sflag:s13], $0x800  }
0x60: {  	[sflag:s13] =	ssyncset.done $0x0  }
0x61: {  	[sflag:s13] =	ssyncadd.s32 $0xFFFFF800  }
0x62: {  	[spmem:s1] =	stream.indirect.scatter.add.f32 [tilespmem:s19], [sflag:$0x2], $0x10, s18, s16, $0xb8;
	[tilespmem:$0x9A20] =	vst v63  }
0x63: {  	_ =	swait.ge [sflag:s13], $0x800  }
0x64: {  	[sflag:s13] =	ssyncset.done $0x0  }
0x65: {  	[sflag:s13] =	ssyncadd.s32 $0xFFFFF800  }
0x66: {  	[spmem:s1] =	stream.indirect.scatter.add.f32 [tilespmem:s21], [sflag:$0x2], $0x10, s20, s16, $0xb8;
	[tilespmem:$0x9A20] =	vst v63  }
0x67: {  	_ =	swait.ge [sflag:s13], $0x800  }
0x68: {  	s24 =	simm.s32 @!p0 $0x1380;
	[sflag:s13] =	ssyncset.done $0x0  }
0x69: {  	s25 =	simm.s32 @!p0 $0x2;
	s23 =	simm.s32 @!p0 $0x0;
	[sflag:s13] =	ssyncadd.s32 $0xFFFFF800  }
0x6a: {  	[tilespmem:s24], [sflag:$0x2] =	stream.linear.gather @!p0 [hbm4b:s7+s23], $0x80, $0x38;
	[tilespmem:$0x9A20] =	vst v63  }
0x6b: {  	_ =	swait.ge @!p0 [sflag:s25], $0x80  }
0x6c: {  	[sflag:s25] =	ssyncset.done @!p0 $0x0  }
0x6d: {  	s26 =	simm.s32 @!p0 $0x4400;
	[sflag:s25] =	ssyncadd.s32 @!p0 $0xFFFFFF80  }
0x6e: {  	[tilespmem:s26], [sflag:$0x2] =	stream.linear.gather @!p0 [hbm4b:s8+s23], $0x800, $0x38;
	[tilespmem:$0x9A20] =	vst v63  }
0x6f: {  	_ =	swait.ge @!p0 [sflag:s25], $0x800  }
0x70: {  	[sflag:s25] =	ssyncset.done @!p0 $0x0  }
0x71: {  	s23 =	simm.s32 @!p0 $0x80;
	[sflag:s25] =	ssyncadd.s32 @!p0 $0xFFFFF800  }
0x72: {  	[spmem:s1] =	stream.indirect.scatter.add.f32 @!p0 [tilespmem:s26], [sflag:$0x2], $0x10, s24, s23, $0xb8;
	[tilespmem:$0x9A20] =	vst v63  }
0x73: {  	s22 =	sadd.s32 $0x1, s22;
	_ =	swait.ge @!p0 [sflag:s25], $0x800  }
0x74: {  	p1 =	sne.s32 s22, s10;
	[sflag:s25] =	ssyncset.done @!p0 $0x0  }
0x75: {  	s30 =	sshll.u32 s3, $0x6;
	s31 =	sshrl.u32 s4, $0x3;
	[sflag:s25] =	ssyncadd.s32 @!p0 $0xFFFFF800  }
.Ltmp2:
0x76: {  	s23 =	sor.u32 $0x1C02, s30;
	[bflag:$0x0] =	sbarrier.arrive $0xFFFF;
	(pc) =	sbr.rel @p1 .LBB2_1-.Ltmp2, $4  }
0x77: {  	[hbm:s9], [sflag:s23] =	dma.local [spmem:s31], $0x4E2  }
0x78: {  	_ =	swait.ge [sflag:s13], $0x4E2  }
0x79: {  	[sflag:s13] =	ssyncset.done $0x0  }
0x7a: {  	[sflag:s13] =	ssyncadd.s32 $0xFFFFFB1E  }
0x7b: {  	_ =	sfence.sel $0x180000  }
0x7c: {  	[bflag:$0x0] =	sbarrier.arrive $0xFFFF  }
0x7d: {  	_ =	strace $0x90000050  }
0x7e: {  	s0 =	sadd.s32 @!p0 $0x100000, s0;
	[bflag:$0x2] =	sbarrier.arrive $0xFFFF  }
0x7f: {  	[sflag:s0] =	ssyncadd.tile.s32 @!p0 $0x1;
	_ =	shalt  }
.Lfunc_end2:
_tile_overlayer_lowered:
.L_overlay_start_2:
0x80: {  	(tag) =	ssettag $0x2  }
0x81: {  	s0 =	rddreg [dreg:$0x0];
	s2 =	stileid.u32  }
0x82: {  	s1 =	rddreg [dreg:$0x1];
	p0 =	sne.s32 s2, $0x0  }
0x83: {  	s3 =	rddreg [dreg:$0x2];
	[bflag:$0x3] =	sbarrier.arrive $0xFFFF;
	s2 =	simm.s32 @!p0 $0x1C02  }
0x84: {  	[timem:s3], [sflag:s2] =	dma.local @!p0 [hbm:s0], s1  }
0x85: {  	s0 =	simm.s32 @!p0 $0x2  }
0x86: {  	_ =	swait.ge @!p0 [sflag:s0], s1  }
0x87: {  	s1 =	ssub.s32 @!p0 $0x0, s1;
	[sflag:s0] =	ssyncset.done @!p0 $0x0  }
0x88: {  	[sflag:s0] =	ssyncadd.s32 @!p0 s1  }
0x89: {  	[bflag:$0x3] =	sbarrier.arrive $0xFFFF  }
0x8a: {  	_ =	shalt  }

// kernel: kernel.28.cloned.1.call-start
scs
__scs_entry_jumppad:
0x0: {  	(pc) =	sbr.rel $0x88, $3  }
0x1: {  	(tag) =	ssettag $0x0;
	lr =	simm.s32 $0x1  }
0x2: {  	[smem:$0x3F94] =	sst lr;
	_ =	strace $0xD0000000  }
0x3: {  	_ = 	snop  }
0x4: {  	_ = 	snop  }
0x5: {  	_ = 	snop  }
0x6: {  	_ = 	snop  }
0x7: {  	_ = 	snop  }
__scs_overlays_trampoline_lowered:
0x8: {  	[smem:$0x3FA3] =	sst s0  }
0x9: {  	[smem:$0x3FA4] =	sst s1  }
0xa: {  	[smem:$0x3FA5] =	sst s2  }
0xb: {  	[smem:$0x3FA6] =	sst s3  }
0xc: {  	[smem:$0x3FA7] =	sst s4  }
0xd: {  	[smem:$0x3FA8] =	sst s5  }
0xe: {  	[smem:$0x3FA9] =	sst s6  }
0xf: {  	[smem:$0x3FAA] =	sst s7  }
0x10: {  	[smem:$0x3FAB] =	sst s8  }
0x11: {  	[smem:$0x3FAC] =	sst s9;
	s0 =	simm.s32 @!p0 $0x0  }
0x12: {  	s1 =	sld [smem:$0x3F92];
	s0 =	simm.s32 @p0 $0x1  }
0x13: {  	[smem:$0x3FAD] =	sst s0;
	s0 =	simm.s32 @!p1 $0x0  }
0x14: {  	s2 =	sld [smem:$0x3F91];
	s0 =	simm.s32 @p1 $0x1  }
0x15: {  	[smem:$0x3FAE] =	sst s0;
	s0 =	simm.s32 @!p2 $0x0  }
0x16: {  	s3 =	sld [smem:$0x3FDB];
	s0 =	simm.s32 @p2 $0x1  }
0x17: {  	s4 =	simm.s32 $0x1BF5;
	[smem:$0x3FB0] =	sst s0  }
0x18: {  	s0 =	sld [smem:$0x3F93];
	_ =	swait.ge [sflag:s4], $0x0  }
0x19: {  	s7 =	sld [smem:$0x3F94]  }
0x1a: {  	s8 =	sadd.s32 $0xFFFFE003, lr  }
0x1b: {  	s9 =	sadd.s32 $0xFFFFFEF7, lr;
	s5 =	simm.s32 $0xFFFFFFFF;
	p2 =	slt.u32 s8, $0xFFFFF086  }
0x1c: {  	p1 =	slt.u32 s9, $0xF7A;
	s5 =	simm.s32 @!p2 $0x0  }
0x1d: {  	s5 =	simm.s32 @p1 $0x1;
	p0 =	seq.s32 s7, s2  }
0x1e: {  	s7 =	smul.u32 @!p0 $0xF7A, s2;
	p2 =	seq.s32 @!p0 s5, $0x0  }
0x1f: {  	s9 =	smul.u32 $0xF7A, s1;
	s8 =	simm.s32 @!p0 $0x1BF5;
	p2 =	por !p2, p0  }
0x20: {  	[sflag:s8] =	ssyncset.s32 @!p0 $0xFFFFF086;
	s6 =	sadd.s32 @!p0 s3, s7;
	s7 =	simm.s32 @!p0 $0x108  }
0x21: {  	s3 =	sadd.s32 s3, s9;
	s6 =	sadd.s32 @!p0 $0x88, s6;
	s7 =	simm.s32 @p2 $0x1082  }
0x22: {  	[simem:s7], [sflag:s8] =	dma.local @!p0 [hbm:s6], $0xF7A  }
0x23: {  	s9 =	sor.u32 $0xD0000000, s2;
	s6 =	simm.s32 $0x108;
	_ =	swait.ge @!p0 [sflag:s8], $0x0  }
0x24: {  	s3 =	sadd.s32 $0x88, s3;
	s6 =	simm.s32 @!p1 $0x1082;
	[sflag:s4] =	ssyncset.s32 $0xFFFFF086  }
0x25: {  	[simem:s6], [sflag:s4] =	dma.local [hbm:s3], $0xF7A  }
0x26: {  	[smem:$0x3F94] =	sst s1;
	(tag) =	ssettag s2;
	_ =	strace s9  }
0x27: {  	s1 =	sld [smem:$0x3FA4]  }
0x28: {  	s2 =	sld [smem:$0x3FA5]  }
0x29: {  	s4 =	sld [smem:$0x3FA7]  }
0x2a: {  	p0 =	seq.s32 s5, $0x0;
	s5 =	sld [smem:$0x3FA8]  }
0x2b: {  	s6 =	sld [smem:$0x3FA9]  }
0x2c: {  	s7 =	sld [smem:$0x3FAA]  }
0x2d: {  	s3 =	simm.s32 $0x108;
	s8 =	sld [smem:$0x3FAB]  }
0x2e: {  	s3 =	simm.s32 @!p0 $0x1082;
	s9 =	sld [smem:$0x3FAC]  }
0x2f: {  	lr =	sadd.s32 s0, s3;
	s0 =	sld [smem:$0x3FA3]  }
0x30: {  	s3 =	sld [smem:$0x3FA6]  }
0x31: {  	[smem:$0x3FAF] =	sst s10  }
0x32: {  	s10 =	sld [smem:$0x3FAD];
	_ =	sdelay $0x3  }
0x33: {  	p0 =	seq.s32 s10, $0x1;
	s10 =	sld [smem:$0x3FAF];
	_ =	sdelay $0x3  }
0x34: {  	[smem:$0x3FAF] =	sst s10  }
0x35: {  	s10 =	sld [smem:$0x3FAE];
	_ =	sdelay $0x3  }
0x36: {  	p1 =	seq.s32 s10, $0x1;
	s10 =	sld [smem:$0x3FAF];
	_ =	sdelay $0x3  }
0x37: {  	[smem:$0x3FAF] =	sst s10  }
0x38: {  	s10 =	sld [smem:$0x3FB0]  }
0x39: {  	_ = 	snop;
	(pc) =	sbr.ind lr, $3  }
0x3a: {  	_ = 	snop  }
0x3b: {  	_ = 	snop  }
0x3c: {  	p2 =	seq.s32 s10, $0x1;
	s10 =	sld [smem:$0x3FAF]  }
0x3d: {  	_ =	shalt  }
0x3e: {  	_ =	shalt  }
0x3f: {  	_ =	shalt  }
0x40: {  	_ =	shalt  }
0x41: {  	_ =	shalt  }
0x42: {  	_ =	shalt  }
0x43: {  	_ =	shalt  }
0x44: {  	_ =	shalt  }
0x45: {  	_ =	shalt  }
0x46: {  	_ =	shalt  }
0x47: {  	_ =	shalt  }
0x48: {  	_ =	shalt  }
0x49: {  	_ =	shalt  }
0x4a: {  	_ =	shalt  }
0x4b: {  	_ =	shalt  }
0x4c: {  	_ =	shalt  }
0x4d: {  	_ =	shalt  }
0x4e: {  	_ =	shalt  }
0x4f: {  	_ =	shalt  }
0x50: {  	_ =	shalt  }
0x51: {  	_ =	shalt  }
0x52: {  	_ =	shalt  }
0x53: {  	_ =	shalt  }
0x54: {  	_ =	shalt  }
0x55: {  	_ =	shalt  }
0x56: {  	_ =	shalt  }
0x57: {  	_ =	shalt  }
0x58: {  	_ =	shalt  }
0x59: {  	_ =	shalt  }
0x5a: {  	_ =	shalt  }
0x5b: {  	_ =	shalt  }
0x5c: {  	_ =	shalt  }
0x5d: {  	_ =	shalt  }
0x5e: {  	_ =	shalt  }
0x5f: {  	_ =	shalt  }
0x60: {  	_ =	shalt  }
0x61: {  	_ =	shalt  }
0x62: {  	_ =	shalt  }
0x63: {  	_ =	shalt  }
0x64: {  	_ =	shalt  }
0x65: {  	_ =	shalt  }
0x66: {  	_ =	shalt  }
0x67: {  	_ =	shalt  }
0x68: {  	_ =	shalt  }
0x69: {  	_ =	shalt  }
0x6a: {  	_ =	shalt  }
0x6b: {  	_ =	shalt  }
0x6c: {  	_ =	shalt  }
0x6d: {  	_ =	shalt  }
0x6e: {  	_ =	shalt  }
0x6f: {  	_ =	shalt  }
0x70: {  	_ =	shalt  }
0x71: {  	_ =	shalt  }
0x72: {  	_ =	shalt  }
0x73: {  	_ =	shalt  }
0x74: {  	_ =	shalt  }
0x75: {  	_ =	shalt  }
0x76: {  	_ =	shalt  }
0x77: {  	_ =	shalt  }
0x78: {  	_ =	shalt  }
0x79: {  	_ =	shalt  }
0x7a: {  	_ =	shalt  }
0x7b: {  	_ =	shalt  }
0x7c: {  	_ =	shalt  }
0x7d: {  	_ =	shalt  }
0x7e: {  	_ =	shalt  }
0x7f: {  	_ =	shalt  }
0x80: {  	_ =	shalt  }
0x81: {  	_ =	shalt  }
0x82: {  	_ =	shalt  }
0x83: {  	_ =	shalt  }
0x84: {  	_ =	shalt  }
0x85: {  	_ =	shalt  }
0x86: {  	_ =	shalt  }
0x87: {  	_ =	shalt  }
.Lfunc_end0:
.L_simem_size_0:
called_computation.4_lowered:
.L_overlay_start_0:
0x88: {  	s2 =	sld [smem:$0x3FD9]  }
0x89: {  	s3 =	sld [smem:$0x3FFE];
	_ =	sdelay $0x1  }
0x8a: {  	s1 =	srdreg.scid  }
0x8b: {  	s0 =	sand.u32 $0x1, s1  }
0x8c: {  	s17 =	sshll.u32 s0, $0xA;
	s2 =	sadd.s32 s3, s2  }
0x8d: {  	s2 =	sadd.s32 s2, s17  }
0x8e: {  	[smem:$0x3FBB] =	sst s2  }
0x8f: {  	_ = 	snop  }
0x90: {  	s2 =	sld [smem:$0x3FD0];
	(tm) =	ssettm $0x1  }
0x91: {  	s18 =	sld [smem:$0x3FFB];
	_ =	sdelay $0x3  }
0x92: {  	_ =	strace s18  }
0x93: {  	s3 =	sld [smem:$0x3FFC];
	_ =	sdelay $0x3  }
0x94: {  	_ =	strace s3  }
0x95: {  	s3 =	sld [smem:$0x3FFD];
	_ =	sdelay $0x3  }
0x96: {  	_ =	strace s3  }
0x97: {  	_ =	strace $0x8FFFFFFF  }
0x98: {  	s19 =	sld [smem:$0x3FDB];
	_ =	sdelay $0x1  }
0x99: {  	s4 =	simm.s32 $_scs_section_size  }
0x9a: {  	s5 =	simm.s32 $_size__tile_overlayer_lowered;
	s6 =	simm.s32 $_tile_overlayer_lowered  }
0x9b: {  	s22 =	simm.s32 $0x1BFF;
	s21 =	sshll.u32 s6, $0x1;
	s3 =	sadd.s32 s4, s19  }
0x9c: {  	s7 =	simm.s32 $0x0;
	s20 =	sshll.u32 s5, $0x1;
	s5 =	sadd.s32 s21, s3  }
0x9d: {  	[timem:s7], [sflag:s22] =	dma.local [hbm:s5], s20  }
0x9e: {  	_ =	swait.ge [sflag:s22], s20  }
0x9f: {  	s4 =	ssub.s32 $0x0, s20;
	[sflag:s22] =	ssyncset.done $0x0  }
0xa0: {  	[sflag:s22] =	ssyncadd.s32 s4;
	_ =	sdelay $0x1  }
0xa1: {  	s23 =	simm.s32 $0x1B8B  }
0xa2: {  	_ =	swait.ge [sflag:s23], $0x1  }
0xa3: {  	[sflag:s23] =	ssyncset.done $0x0  }
0xa4: {  	s25 =	simm.s32 $0x1B8E;
	s24 =	sld [smem:$0x3FFE];
	[sflag:s23] =	ssyncadd.s32 $0xFFFFFFFF  }
0xa5: {  	s26 =	simm.s32 $execute0_lowered;
	[smem:$0x3FD2] =	sst s25  }
0xa6: {  	s5 =	sshll.u32 s26, $0x1;
	_ =	strace $0x80000052;
	[dreg:$0x1] =	wrdreg $0xFFFFFFFF  }
0xa7: {  	s28 =	simm.s32 $_size_execute0_lowered;
	s3 =	sadd.s32 s3, s5;
	[dreg:$0x0] =	wrdreg $0x0  }
0xa8: {  	s5 =	sshll.u32 s28, $0x1;
	[dreg:$0x2] =	wrdreg s3  }
0xa9: {  	[dreg:$0x3] =	wrdreg s5  }
0xaa: {  	[dreg:$0x4] =	wrdreg $0xC0  }
0xab: {  	_ =	task [dreg:s7], $0x5FFFF  }
0xac: {  	[dreg:$0x1] =	wrdreg $0xFFFFFFFF  }
0xad: {  	[dreg:$0x0] =	wrdreg $0x60  }
0xae: {  	[dreg:$0x2] =	wrdreg s2  }
0xaf: {  	[dreg:$0x3] =	wrdreg s24  }
0xb0: {  	[dreg:$0x4] =	wrdreg $0xA  }
0xb1: {  	_ =	task.clear_ibuf [dreg:s7], $0x5FFFF;
	_ =	strace $0x90000052  }
0xb2: {  	s29 =	simm.s32 $0xA;
	_ =	strace $0x80000054  }
0xb3: {  	_ =	swait.ge [sflag:s29], $0x1  }
0xb4: {  	[sflag:s29] =	ssyncadd.s32 $0xFFFFFFFF  }
0xb5: {  	_ =	strace $0x90000054  }
0xb6: {  	_ =	sfence  }
0xb7: {  	s30 =	sld [smem:$0x0];
	_ =	sdelay $0x2  }
0xb8: {  	s31 =	sshll.u32 s1, $0xD;
	s1 =	sshrl.u32 s1, $0x2  }
0xb9: {  	s3 =	sand.u32 $0x4000, s31;
	s1 =	sadd.s32 s1, s30  }
0xba: {  	s0 =	sor.u32 s3, s0;
	s1 =	sshll.u32 s1, $0x11  }
0xbb: {  	s0 =	sor.u32 s1, s0  }
0xbc: {  	s0 =	sadd.s32 $0x8F2B, s0  }
0xbd: {  	[sflag:s0] =	ssyncadd.remote.s32 $0x1  }
0xbe: {  	_ =	sfence.sel $0xFFFF  }
0xbf: {  	[dreg:$0x0] =	wrdreg $0xFFFFFFFF;
	(pc) =	sbr.abs _section_cstart, $3  }
0xc0: {  	[dreg:$0x1] =	wrdreg $0xFFFFFFFF  }
0xc1: {  	_ =	task.clear_ibuf [dreg:s7], $0x2FFFF;
	_ =	strace $0x9FFFFFFF  }
0xc2: {  	(tm) =	ssettm $0x7FFFFFFF  }
0xc3: {  	_ =	shalt  }
tec
execute0_lowered:
.L_overlay_start_1:
0x0: {  	(tag) =	ssettag $0x1  }
0x1: {  	s1 =	rddreg [dreg:$0x0]  }
0x2: {  	s3 =	rddreg [dreg:$0x1];
	s2 =	simm.s32 $0x0;
	s4 =	srdreg.scid  }
0x3: {  	s24 =	stileid.u32;
	s15 =	simm.s32 $0x2400;
	s16 =	simm.s32 $0x1  }
0x4: {  	s17 =	simm.s32 $0x180;
	s18 =	simm.s32 $0x2C00;
	s19 =	simm.s32 $0x200  }
0x5: {  	s20 =	simm.s32 $0x3400;
	s21 =	simm.s32 $0x280;
	s22 =	simm.s32 $0x3C00  }
0x6: {  	s23 =	simm.s32 $0x2;
	[smem:$0x7FF] =	sst s2;
	s4 =	sand.u32 $0x1, s4  }
0x7: {  	s5 =	sshll.u32 s24, $0x1;
	s6 =	sadd.s32 $0x2C200, s3;
	s8 =	sadd.s32 $0x36200, s3  }
0x8: {  	s31 =	smul.u32 $0x4E00, s24;
	p0 =	sne.s32 s24, $0x0;
	s24 =	simm.s32 $0x0  }
0x9: {  	_ =	strace $0x80000053;
	s5 =	sor.u32 s4, s5;
	s12 =	smul.u32 $0x2700, s4  }
0xa: {  	s7 =	ssub.s32 $0x2, s4;
	s10 =	sshll.u32 s4, $0x7;
	s9 =	smul.u32 $0x270, s5  }
0xb: {  	s29 =	sshrl.u32 s7, $0x1;
	s11 =	smul.u32 $0x2700, s5;
	s30 =	sor.u32 $0x27000, s10  }
0xc: {  	s7 =	ssub.s32 s7, s29;
	s10 =	sshrl.u32 s30, $0x3;
	s5 =	sshll.u32 s30, $0x1  }
0xd: {  	s3 =	sadd.s32 s6, s9;
	s4 =	sadd.s32 s6, s10;
	s5 =	sadd.s32 s8, s5  }
0xe: {  	s9 =	sadd.s32 s31, s8;
	s6 =	smax.u32 s7, $0x1;
	s7 =	sadd.s32 s8, s11  }
0xf: {  	s10 =	simm.s32 $0x3;
	s11 =	simm.s32 $0x80;
	s9 =	sadd.s32 s12, s9  }
0x10: {  	s8 =	sadd.s32 $0x300, s7;
	s12 =	simm.s32 $0x1400;
	s9 =	sadd.s32 $0x600, s9  }
.LBB2_1:
0x11: {  	[tilespmem:s2], [sflag:$0x3] =	stream.linear.gather [hbm4b:s3+s2], $0x1380, $0x38;
	[tilespmem:$0x4C00] =	vst v63  }
0x12: {  	_ =	swait.ge [sflag:s10], $0x1380  }
0x13: {  	[sflag:s10] =	ssyncset.done $0x0  }
0x14: {  	[sflag:s10] =	ssyncadd.s32 $0xFFFFEC80  }
0x15: {  	[tilespmem:s12], [sflag:$0x1] =	stream.indirect.gather [hbm4b:s1+s11], $0x10, s2, s11, $0xb8;
	[tilespmem:$0x4C00] =	vst v63  }
0x16: {  	s0 =	simm.s32 $0x1C00  }
0x17: {  	[tilespmem:s0], [sflag:$0x1] =	stream.indirect.gather [hbm4b:s1+s11], $0x10, s11, s11, $0xb8;
	[tilespmem:$0x4C00] =	vst v63  }
0x18: {  	s26 =	simm.s32 $0x100  }
0x19: {  	[tilespmem:s15], [sflag:$0x1] =	stream.indirect.gather [hbm4b:s1+s11], $0x10, s26, s11, $0xb8;
	[tilespmem:$0x4C00] =	vst v63  }
0x1a: {  	_ =	swait.ge [sflag:s16], $0x800  }
0x1b: {  	[sflag:s16] =	ssyncset.done $0x0  }
0x1c: {  	[sflag:s16] =	ssyncadd.s32 $0xFFFFF800  }
0x1d: {  	_ =	swait.ge [sflag:s16], $0x800  }
0x1e: {  	[sflag:s16] =	ssyncset.done $0x0  }
0x1f: {  	[sflag:s16] =	ssyncadd.s32 $0xFFFFF800  }
0x20: {  	_ =	swait.ge [sflag:s16], $0x800  }
0x21: {  	[sflag:s16] =	ssyncset.done $0x0  }
0x22: {  	[sflag:s16] =	ssyncadd.s32 $0xFFFFF800  }
0x23: {  	[hbm4b:s7+s2] =	stream.linear.scatter [tilespmem:s12], [sflag:$0x2], $0x1800, $0x38;
	[tilespmem:$0x4C00] =	vst v63  }
0x24: {  	_ = 	snop  }
0x25: {  	[tilespmem:s18], [sflag:$0x1] =	stream.indirect.gather [hbm4b:s1+s11], $0x10, s17, s11, $0xb8;
	[tilespmem:$0x4C00] =	vst v63  }
0x26: {  	_ = 	snop  }
0x27: {  	[tilespmem:s20], [sflag:$0x1] =	stream.indirect.gather [hbm4b:s1+s11], $0x10, s19, s11, $0xb8;
	[tilespmem:$0x4C00] =	vst v63  }
0x28: {  	_ = 	snop  }
0x29: {  	[tilespmem:s22], [sflag:$0x1] =	stream.indirect.gather [hbm4b:s1+s11], $0x10, s21, s11, $0xb8;
	[tilespmem:$0x4C00] =	vst v63  }
0x2a: {  	_ =	swait.ge [sflag:s16], $0x800  }
0x2b: {  	[sflag:s16] =	ssyncset.done $0x0  }
0x2c: {  	[sflag:s16] =	ssyncadd.s32 $0xFFFFF800  }
0x2d: {  	_ =	swait.ge [sflag:s16], $0x800  }
0x2e: {  	[sflag:s16] =	ssyncset.done $0x0  }
0x2f: {  	[sflag:s16] =	ssyncadd.s32 $0xFFFFF800  }
0x30: {  	_ =	swait.ge [sflag:s16], $0x800  }
0x31: {  	[sflag:s16] =	ssyncset.done $0x0  }
0x32: {  	s25 =	sand.u32 $0x1, s23;
	[sflag:s16] =	ssyncadd.s32 $0xFFFFF800  }
0x33: {  	[hbm4b:s8+s2] =	stream.linear.scatter [tilespmem:s18], [sflag:$0x2], $0x1800, $0x38;
	[tilespmem:$0x4C00] =	vst v63  }
0x34: {  	p1 =	seq.s32 s25, $0x1;
	s25 =	simm.s32 $0x1800;
	_ =	swait.ge [sflag:s23], $0x1800  }
0x35: {  	s25 =	simm.s32 @!p1 $0x0;
	[sflag:s23] =	ssyncset.done $0x0  }
0x36: {  	s28 =	sadd.s32 $0x1400, s25;
	s26 =	simm.s32 $0x300;
	[sflag:s23] =	ssyncadd.s32 $0xFFFFE800  }
0x37: {  	[tilespmem:s28], [sflag:$0x1] =	stream.indirect.gather [hbm4b:s1+s11], $0x10, s26, s11, $0xb8;
	[tilespmem:$0x4C00] =	vst v63  }
0x38: {  	s29 =	simm.s32 $0x380;
	s13 =	sadd.s32 $0x1C00, s25  }
0x39: {  	[tilespmem:s13], [sflag:$0x1] =	stream.indirect.gather [hbm4b:s1+s11], $0x10, s29, s11, $0xb8;
	[tilespmem:$0x4C00] =	vst v63  }
0x3a: {  	s14 =	simm.s32 $0x400;
	s25 =	sor.u32 $0x2400, s25  }
0x3b: {  	[tilespmem:s25], [sflag:$0x1] =	stream.indirect.gather [hbm4b:s1+s11], $0x10, s14, s11, $0xb8;
	[tilespmem:$0x4C00] =	vst v63  }
0x3c: {  	_ =	swait.ge [sflag:s16], $0x800  }
0x3d: {  	[sflag:s16] =	ssyncset.done $0x0  }
0x3e: {  	[sflag:s16] =	ssyncadd.s32 $0xFFFFF800  }
0x3f: {  	_ =	swait.ge [sflag:s16], $0x800  }
0x40: {  	[sflag:s16] =	ssyncset.done $0x0  }
0x41: {  	[sflag:s16] =	ssyncadd.s32 $0xFFFFF800  }
0x42: {  	s31 =	simm.s32 $0x4;
	s26 =	simm.s32 $0x3;
	_ =	swait.ge [sflag:s16], $0x800  }
0x43: {  	s30 =	smov.u32 s9;
	s29 =	sand.u32 $0x1, s26;
	[sflag:s16] =	ssyncset.done $0x0  }
0x44: {  	s26 =	simm.s32 $0x580;
	s25 =	sadd.s32 $0x300, s9;
	[sflag:s16] =	ssyncadd.s32 $0xFFFFF800  }
.LBB2_2:
0x45: {  	[hbm4b:s30+s2] =	stream.linear.scatter [tilespmem:s28], [sflag:$0x2], $0x1800, $0x38;
	[tilespmem:$0x4C00] =	vst v63  }
0x46: {  	s28 =	smov.u32 s31;
	s30 =	smov.u32 s25;
	p1 =	seq.s32 s29, $0x1  }
0x47: {  	s29 =	sand.u32 $0x1, s31;
	s13 =	simm.s32 $0x1800;
	_ =	swait.ge [sflag:s23], $0x1800  }
0x48: {  	s0 =	sadd.s32 $0x1, s31;
	s13 =	simm.s32 @!p1 $0x0;
	[sflag:s23] =	ssyncset.done $0x0  }
0x49: {  	s14 =	sadd.s32 $0xFFFFFF00, s26;
	s28 =	sadd.s32 $0x1400, s13;
	[sflag:s23] =	ssyncadd.s32 $0xFFFFE800  }
0x4a: {  	[tilespmem:s28], [sflag:$0x1] =	stream.indirect.gather [hbm4b:s1+s11], $0x10, s14, s11, $0xb8;
	[tilespmem:$0x4C00] =	vst v63  }
0x4b: {  	p1 =	sne.s32 s31, $0xC;
	s31 =	sadd.s32 $0xFFFFFF80, s26;
	s14 =	sadd.s32 $0x1C00, s13  }
0x4c: {  	[tilespmem:s14], [sflag:$0x1] =	stream.indirect.gather [hbm4b:s1+s11], $0x10, s31, s11, $0xb8;
	[tilespmem:$0x4C00] =	vst v63  }
0x4d: {  	s13 =	sor.u32 $0x2400, s13  }
0x4e: {  	[tilespmem:s13], [sflag:$0x1] =	stream.indirect.gather [hbm4b:s1+s11], $0x10, s26, s11, $0xb8;
	[tilespmem:$0x4C00] =	vst v63  }
0x4f: {  	_ =	swait.ge [sflag:s16], $0x800  }
0x50: {  	[sflag:s16] =	ssyncset.done $0x0  }
0x51: {  	[sflag:s16] =	ssyncadd.s32 $0xFFFFF800  }
0x52: {  	_ =	swait.ge [sflag:s16], $0x800  }
.Ltmp0:
0x53: {  	[sflag:s16] =	ssyncset.done $0x0;
	(pc) =	sbr.rel @p1 .LBB2_2-.Ltmp0, $4  }
0x54: {  	[sflag:s16] =	ssyncadd.s32 $0xFFFFF800  }
0x55: {  	_ =	swait.ge [sflag:s16], $0x800  }
0x56: {  	s25 =	sadd.s32 $0x300, s25;
	[sflag:s16] =	ssyncset.done $0x0  }
0x57: {  	s31 =	smov.u32 s0;
	s26 =	sadd.s32 $0x180, s26;
	[sflag:s16] =	ssyncadd.s32 $0xFFFFF800  }
0x58: {  	[hbm4b:s30+s2] =	stream.linear.scatter [tilespmem:s28], [sflag:$0x2], $0x1800, $0x38;
	[tilespmem:$0x4C00] =	vst v63  }
0x59: {  	p1 =	seq.s32 s29, $0x1;
	s0 =	simm.s32 $0x1800;
	_ =	swait.ge [sflag:s23], $0x1800  }
0x5a: {  	s0 =	simm.s32 @!p1 $0x0;
	[sflag:s23] =	ssyncset.done $0x0  }
0x5b: {  	s14 =	sadd.s32 $0xFFFFFF00, s26;
	s13 =	sadd.s32 $0x1400, s0;
	[sflag:s23] =	ssyncadd.s32 $0xFFFFE800  }
0x5c: {  	[tilespmem:s13], [sflag:$0x1] =	stream.indirect.gather [hbm4b:s1+s11], $0x10, s14, s11, $0xb8;
	[tilespmem:$0x4C00] =	vst v63  }
0x5d: {  	s31 =	sadd.s32 $0xFFFFFF80, s26;
	s30 =	sadd.s32 $0x1C00, s0  }
0x5e: {  	[tilespmem:s30], [sflag:$0x1] =	stream.indirect.gather [hbm4b:s1+s11], $0x10, s31, s11, $0xb8;
	[tilespmem:$0x4C00] =	vst v63  }
0x5f: {  	s0 =	sor.u32 $0x2400, s0  }
0x60: {  	[tilespmem:s0], [sflag:$0x1] =	stream.indirect.gather [hbm4b:s1+s11], $0x10, s26, s11, $0xb8;
	[tilespmem:$0x4C00] =	vst v63  }
0x61: {  	_ =	swait.ge [sflag:s16], $0x800  }
0x62: {  	[sflag:s16] =	ssyncset.done $0x0  }
0x63: {  	[sflag:s16] =	ssyncadd.s32 $0xFFFFF800  }
0x64: {  	_ =	swait.ge [sflag:s16], $0x800  }
0x65: {  	[sflag:s16] =	ssyncset.done $0x0  }
0x66: {  	[sflag:s16] =	ssyncadd.s32 $0xFFFFF800  }
0x67: {  	_ =	swait.ge [sflag:s16], $0x800  }
0x68: {  	[sflag:s16] =	ssyncset.done $0x0  }
0x69: {  	[sflag:s16] =	ssyncadd.s32 $0xFFFFF800  }
0x6a: {  	[hbm4b:s25+s2] =	stream.linear.scatter [tilespmem:s13], [sflag:$0x2], $0x1800, $0x38;
	[tilespmem:$0x4C00] =	vst v63  }
0x6b: {  	_ =	swait.ge [sflag:s23], $0x1800  }
0x6c: {  	[sflag:s23] =	ssyncset.done $0x0  }
0x6d: {  	[sflag:s23] =	ssyncadd.s32 $0xFFFFE800  }
0x6e: {  	_ =	swait.ge [sflag:s23], $0x1800  }
0x6f: {  	s14 =	simm.s32 @!p0 $0x3;
	[sflag:s23] =	ssyncset.done $0x0  }
0x70: {  	s0 =	simm.s32 @!p0 $0x0;
	s13 =	simm.s32 @!p0 $0x1380;
	[sflag:s23] =	ssyncadd.s32 $0xFFFFE800  }
0x71: {  	[tilespmem:s13], [sflag:$0x3] =	stream.linear.gather @!p0 [hbm4b:s4+s0], $0x80, $0x38;
	[tilespmem:$0x4C00] =	vst v63  }
0x72: {  	_ =	swait.ge @!p0 [sflag:s14], $0x80  }
0x73: {  	[sflag:s14] =	ssyncset.done @!p0 $0x0  }
0x74: {  	s26 =	simm.s32 @!p0 $0x4400;
	s25 =	simm.s32 @!p0 $0x80;
	[sflag:s14] =	ssyncadd.s32 @!p0 $0xFFFFFF80  }
0x75: {  	[tilespmem:s26], [sflag:$0x1] =	stream.indirect.gather @!p0 [hbm4b:s1+s25], $0x10, s13, s25, $0xb8;
	[tilespmem:$0x4C00] =	vst v63  }
0x76: {  	s13 =	simm.s32 @!p0 $0x1  }
0x77: {  	s24 =	sadd.s32 $0x1, s24;
	_ =	swait.ge @!p0 [sflag:s13], $0x800  }
0x78: {  	p1 =	sne.s32 s24, s6;
	[sflag:s13] =	ssyncset.done @!p0 $0x0  }
.Ltmp1:
0x79: {  	[sflag:s13] =	ssyncadd.s32 @!p0 $0xFFFFF800;
	(pc) =	sbr.rel @p1 .LBB2_1-.Ltmp1, $4  }
0x7a: {  	[hbm4b:s5+s0] =	stream.linear.scatter @!p0 [tilespmem:s26], [sflag:$0x3], $0x800, $0x38;
	[tilespmem:$0x4C00] =	vst v63  }
0x7b: {  	_ =	swait.ge @!p0 [sflag:s14], $0x800  }
0x7c: {  	[sflag:s14] =	ssyncset.done @!p0 $0x0  }
0x7d: {  	[sflag:s14] =	ssyncadd.s32 @!p0 $0xFFFFF800  }
0x7e: {  	_ =	sfence.sel $0x180000  }
0x7f: {  	[bflag:$0x0] =	sbarrier.arrive $0xFFFF  }
0x80: {  	_ =	strace $0x90000053  }
0x81: {  	[bflag:$0x2] =	sbarrier.arrive $0xFFFF  }
0x82: {  	s0 =	rddreg [dreg:$0x2]  }
0x83: {  	s0 =	sadd.s32 @!p0 $0x100000, s0  }
0x84: {  	[sflag:s0] =	ssyncadd.tile.s32 @!p0 $0x1;
	_ =	shalt  }
.Lfunc_end2:
_tile_overlayer_lowered:
.L_overlay_start_2:
0x85: {  	(tag) =	ssettag $0x2  }
0x86: {  	s0 =	rddreg [dreg:$0x0];
	s2 =	stileid.u32  }
0x87: {  	s1 =	rddreg [dreg:$0x1];
	p0 =	sne.s32 s2, $0x0  }
0x88: {  	s3 =	rddreg [dreg:$0x2];
	[bflag:$0x3] =	sbarrier.arrive $0xFFFF;
	s2 =	simm.s32 @!p0 $0x1C03  }
0x89: {  	[timem:s3], [sflag:s2] =	dma.local @!p0 [hbm:s0], s1  }
0x8a: {  	s0 =	simm.s32 @!p0 $0x3  }
0x8b: {  	_ =	swait.ge @!p0 [sflag:s0], s1  }
0x8c: {  	s1 =	ssub.s32 @!p0 $0x0, s1;
	[sflag:s0] =	ssyncset.done @!p0 $0x0  }
0x8d: {  	[sflag:s0] =	ssyncadd.s32 @!p0 s1  }
0x8e: {  	[bflag:$0x3] =	sbarrier.arrive $0xFFFF  }
0x8f: {  	_ =	shalt  }

// kernel: kernel.31.cloned.1.call-start
scs
__scs_entry_jumppad:
0x0: {  	(pc) =	sbr.rel $0x88, $3  }
0x1: {  	(tag) =	ssettag $0x0;
	lr =	simm.s32 $0x1  }
0x2: {  	[smem:$0x3F94] =	sst lr;
	_ =	strace $0xD0000000  }
0x3: {  	_ = 	snop  }
0x4: {  	_ = 	snop  }
0x5: {  	_ = 	snop  }
0x6: {  	_ = 	snop  }
0x7: {  	_ = 	snop  }
__scs_overlays_trampoline_lowered:
0x8: {  	[smem:$0x3FA3] =	sst s0  }
0x9: {  	[smem:$0x3FA4] =	sst s1  }
0xa: {  	[smem:$0x3FA5] =	sst s2  }
0xb: {  	[smem:$0x3FA6] =	sst s3  }
0xc: {  	[smem:$0x3FA7] =	sst s4  }
0xd: {  	[smem:$0x3FA8] =	sst s5  }
0xe: {  	[smem:$0x3FA9] =	sst s6  }
0xf: {  	[smem:$0x3FAA] =	sst s7  }
0x10: {  	[smem:$0x3FAB] =	sst s8  }
0x11: {  	[smem:$0x3FAC] =	sst s9;
	s0 =	simm.s32 @!p0 $0x0  }
0x12: {  	s1 =	sld [smem:$0x3F92];
	s0 =	simm.s32 @p0 $0x1  }
0x13: {  	[smem:$0x3FAD] =	sst s0;
	s0 =	simm.s32 @!p1 $0x0  }
0x14: {  	s2 =	sld [smem:$0x3F91];
	s0 =	simm.s32 @p1 $0x1  }
0x15: {  	[smem:$0x3FAE] =	sst s0;
	s0 =	simm.s32 @!p2 $0x0  }
0x16: {  	s3 =	sld [smem:$0x3FDB];
	s0 =	simm.s32 @p2 $0x1  }
0x17: {  	s4 =	simm.s32 $0x1BF5;
	[smem:$0x3FB0] =	sst s0  }
0x18: {  	s0 =	sld [smem:$0x3F93];
	_ =	swait.ge [sflag:s4], $0x0  }
0x19: {  	s7 =	sld [smem:$0x3F94]  }
0x1a: {  	s8 =	sadd.s32 $0xFFFFE003, lr  }
0x1b: {  	s9 =	sadd.s32 $0xFFFFFEF7, lr;
	s5 =	simm.s32 $0xFFFFFFFF;
	p2 =	slt.u32 s8, $0xFFFFF086  }
0x1c: {  	p1 =	slt.u32 s9, $0xF7A;
	s5 =	simm.s32 @!p2 $0x0  }
0x1d: {  	s5 =	simm.s32 @p1 $0x1;
	p0 =	seq.s32 s7, s2  }
0x1e: {  	s7 =	smul.u32 @!p0 $0xF7A, s2;
	p2 =	seq.s32 @!p0 s5, $0x0  }
0x1f: {  	s9 =	smul.u32 $0xF7A, s1;
	s8 =	simm.s32 @!p0 $0x1BF5;
	p2 =	por !p2, p0  }
0x20: {  	[sflag:s8] =	ssyncset.s32 @!p0 $0xFFFFF086;
	s6 =	sadd.s32 @!p0 s3, s7;
	s7 =	simm.s32 @!p0 $0x108  }
0x21: {  	s3 =	sadd.s32 s3, s9;
	s6 =	sadd.s32 @!p0 $0x88, s6;
	s7 =	simm.s32 @p2 $0x1082  }
0x22: {  	[simem:s7], [sflag:s8] =	dma.local @!p0 [hbm:s6], $0xF7A  }
0x23: {  	s9 =	sor.u32 $0xD0000000, s2;
	s6 =	simm.s32 $0x108;
	_ =	swait.ge @!p0 [sflag:s8], $0x0  }
0x24: {  	s3 =	sadd.s32 $0x88, s3;
	s6 =	simm.s32 @!p1 $0x1082;
	[sflag:s4] =	ssyncset.s32 $0xFFFFF086  }
0x25: {  	[simem:s6], [sflag:s4] =	dma.local [hbm:s3], $0xF7A  }
0x26: {  	[smem:$0x3F94] =	sst s1;
	(tag) =	ssettag s2;
	_ =	strace s9  }
0x27: {  	s1 =	sld [smem:$0x3FA4]  }
0x28: {  	s2 =	sld [smem:$0x3FA5]  }
0x29: {  	s4 =	sld [smem:$0x3FA7]  }
0x2a: {  	p0 =	seq.s32 s5, $0x0;
	s5 =	sld [smem:$0x3FA8]  }
0x2b: {  	s6 =	sld [smem:$0x3FA9]  }
0x2c: {  	s7 =	sld [smem:$0x3FAA]  }
0x2d: {  	s3 =	simm.s32 $0x108;
	s8 =	sld [smem:$0x3FAB]  }
0x2e: {  	s3 =	simm.s32 @!p0 $0x1082;
	s9 =	sld [smem:$0x3FAC]  }
0x2f: {  	lr =	sadd.s32 s0, s3;
	s0 =	sld [smem:$0x3FA3]  }
0x30: {  	s3 =	sld [smem:$0x3FA6]  }
0x31: {  	[smem:$0x3FAF] =	sst s10  }
0x32: {  	s10 =	sld [smem:$0x3FAD];
	_ =	sdelay $0x3  }
0x33: {  	p0 =	seq.s32 s10, $0x1;
	s10 =	sld [smem:$0x3FAF];
	_ =	sdelay $0x3  }
0x34: {  	[smem:$0x3FAF] =	sst s10  }
0x35: {  	s10 =	sld [smem:$0x3FAE];
	_ =	sdelay $0x3  }
0x36: {  	p1 =	seq.s32 s10, $0x1;
	s10 =	sld [smem:$0x3FAF];
	_ =	sdelay $0x3  }
0x37: {  	[smem:$0x3FAF] =	sst s10  }
0x38: {  	s10 =	sld [smem:$0x3FB0]  }
0x39: {  	_ = 	snop;
	(pc) =	sbr.ind lr, $3  }
0x3a: {  	_ = 	snop  }
0x3b: {  	_ = 	snop  }
0x3c: {  	p2 =	seq.s32 s10, $0x1;
	s10 =	sld [smem:$0x3FAF]  }
0x3d: {  	_ =	shalt  }
0x3e: {  	_ =	shalt  }
0x3f: {  	_ =	shalt  }
0x40: {  	_ =	shalt  }
0x41: {  	_ =	shalt  }
0x42: {  	_ =	shalt  }
0x43: {  	_ =	shalt  }
0x44: {  	_ =	shalt  }
0x45: {  	_ =	shalt  }
0x46: {  	_ =	shalt  }
0x47: {  	_ =	shalt  }
0x48: {  	_ =	shalt  }
0x49: {  	_ =	shalt  }
0x4a: {  	_ =	shalt  }
0x4b: {  	_ =	shalt  }
0x4c: {  	_ =	shalt  }
0x4d: {  	_ =	shalt  }
0x4e: {  	_ =	shalt  }
0x4f: {  	_ =	shalt  }
0x50: {  	_ =	shalt  }
0x51: {  	_ =	shalt  }
0x52: {  	_ =	shalt  }
0x53: {  	_ =	shalt  }
0x54: {  	_ =	shalt  }
0x55: {  	_ =	shalt  }
0x56: {  	_ =	shalt  }
0x57: {  	_ =	shalt  }
0x58: {  	_ =	shalt  }
0x59: {  	_ =	shalt  }
0x5a: {  	_ =	shalt  }
0x5b: {  	_ =	shalt  }
0x5c: {  	_ =	shalt  }
0x5d: {  	_ =	shalt  }
0x5e: {  	_ =	shalt  }
0x5f: {  	_ =	shalt  }
0x60: {  	_ =	shalt  }
0x61: {  	_ =	shalt  }
0x62: {  	_ =	shalt  }
0x63: {  	_ =	shalt  }
0x64: {  	_ =	shalt  }
0x65: {  	_ =	shalt  }
0x66: {  	_ =	shalt  }
0x67: {  	_ =	shalt  }
0x68: {  	_ =	shalt  }
0x69: {  	_ =	shalt  }
0x6a: {  	_ =	shalt  }
0x6b: {  	_ =	shalt  }
0x6c: {  	_ =	shalt  }
0x6d: {  	_ =	shalt  }
0x6e: {  	_ =	shalt  }
0x6f: {  	_ =	shalt  }
0x70: {  	_ =	shalt  }
0x71: {  	_ =	shalt  }
0x72: {  	_ =	shalt  }
0x73: {  	_ =	shalt  }
0x74: {  	_ =	shalt  }
0x75: {  	_ =	shalt  }
0x76: {  	_ =	shalt  }
0x77: {  	_ =	shalt  }
0x78: {  	_ =	shalt  }
0x79: {  	_ =	shalt  }
0x7a: {  	_ =	shalt  }
0x7b: {  	_ =	shalt  }
0x7c: {  	_ =	shalt  }
0x7d: {  	_ =	shalt  }
0x7e: {  	_ =	shalt  }
0x7f: {  	_ =	shalt  }
0x80: {  	_ =	shalt  }
0x81: {  	_ =	shalt  }
0x82: {  	_ =	shalt  }
0x83: {  	_ =	shalt  }
0x84: {  	_ =	shalt  }
0x85: {  	_ =	shalt  }
0x86: {  	_ =	shalt  }
0x87: {  	_ =	shalt  }
.Lfunc_end0:
.L_simem_size_0:
called_computation.5_lowered:
.L_overlay_start_0:
0x88: {  	s2 =	sld [smem:$0x3FD9]  }
0x89: {  	s3 =	sld [smem:$0x3FFE];
	_ =	sdelay $0x1  }
0x8a: {  	s1 =	srdreg.scid  }
0x8b: {  	s0 =	sand.u32 $0x1, s1  }
0x8c: {  	s17 =	sshll.u32 s0, $0xA;
	s2 =	sadd.s32 s3, s2  }
0x8d: {  	s2 =	sadd.s32 s2, s17  }
0x8e: {  	[smem:$0x3FBB] =	sst s2  }
0x8f: {  	_ = 	snop  }
0x90: {  	s18 =	sld [smem:$0x3FD0];
	(tm) =	ssettm $0x1  }
0x91: {  	s19 =	sld [smem:$0x3FFB];
	_ =	sdelay $0x3  }
0x92: {  	_ =	strace s19  }
0x93: {  	s2 =	sld [smem:$0x3FFC];
	_ =	sdelay $0x3  }
0x94: {  	_ =	strace s2  }
0x95: {  	s2 =	sld [smem:$0x3FFD];
	_ =	sdelay $0x3  }
0x96: {  	_ =	strace s2  }
0x97: {  	_ =	strace $0x8FFFFFFF  }
0x98: {  	s20 =	sld [smem:$0x3FDB];
	_ =	sdelay $0x1  }
0x99: {  	s4 =	simm.s32 $_scs_section_size  }
0x9a: {  	s5 =	simm.s32 $_size__tile_overlayer_lowered;
	s6 =	simm.s32 $_tile_overlayer_lowered  }
0x9b: {  	s7 =	simm.s32 $0x1BFF;
	s21 =	sshll.u32 s6, $0x1;
	s4 =	sadd.s32 s4, s20  }
0x9c: {  	s22 =	simm.s32 $0x0;
	s5 =	sshll.u32 s5, $0x1;
	s6 =	sadd.s32 s21, s4  }
0x9d: {  	[timem:s22], [sflag:s7] =	dma.local [hbm:s6], s5  }
0x9e: {  	_ =	swait.ge [sflag:s7], s5  }
0x9f: {  	s5 =	ssub.s32 $0x0, s5;
	[sflag:s7] =	ssyncset.done $0x0  }
0xa0: {  	[sflag:s7] =	ssyncadd.s32 s5;
	_ =	sdelay $0x1  }
0xa1: {  	s23 =	simm.s32 $0x1B8B  }
0xa2: {  	_ =	swait.ge [sflag:s23], $0x1  }
0xa3: {  	[sflag:s23] =	ssyncset.done $0x0  }
0xa4: {  	[sflag:s23] =	ssyncadd.s32 $0xFFFFFFFF  }
0xa5: {  	s5 =	sld [smem:$0x0]  }
0xa6: {  	s6 =	sand.u32 $0xFFFFFFFE, s1  }
0xa7: {  	p0 =	sne.s32 s1, s6  }
0xa8: {  	s6 =	sshll.u32 @p0 s6, $0xE  }
0xa9: {  	s6 =	sadd.s32 @p0 $0x11B8D, s6;
	s7 =	sshll.u32 @p0 s5, $0x11  }
0xaa: {  	s6 =	sor.u32 @p0 s7, s6  }
0xab: {  	[sflag:s6] =	ssyncadd.remote.s32 @p0 $0x1;
	_ =	sdelay $0x1  }
0xac: {  	s6 =	simm.s32 @p0 $0x1B8D  }
0xad: {  	_ =	swait.eq @p0 [sflag:s6], $0x1  }
0xae: {  	[sflag:s6] =	ssyncadd.s32 @p0 $0xFFFFFFFF  }
0xaf: {  	s7 =	sshll.u32 @!p0 s1, $0xE  }
0xb0: {  	s7 =	sor.u32 @!p0 $0x4000, s7;
	s6 =	simm.s32 @!p0 $0x1B8D  }
0xb1: {  	s5 =	sshll.u32 @!p0 s5, $0x11;
	s7 =	sadd.s32 @!p0 $0x11B8D, s7;
	_ =	swait.eq @!p0 [sflag:s6], $0x1  }
0xb2: {  	s5 =	sor.u32 @!p0 s5, s7;
	[sflag:s6] =	ssyncadd.s32 @!p0 $0xFFFFFFFF  }
0xb3: {  	s25 =	simm.s32 $0x1B8E;
	s24 =	sld [smem:$0x3FFE];
	[sflag:s5] =	ssyncadd.remote.s32 @!p0 $0x1  }
0xb4: {  	s26 =	simm.s32 $execute0_lowered;
	[smem:$0x3FD2] =	sst s25  }
0xb5: {  	s6 =	sshll.u32 s26, $0x1;
	_ =	strace $0x80000055;
	[dreg:$0x1] =	wrdreg $0xFFFFFFFF  }
0xb6: {  	s28 =	simm.s32 $_size_execute0_lowered;
	s4 =	sadd.s32 s4, s6;
	[dreg:$0x0] =	wrdreg $0x0  }
0xb7: {  	s6 =	sshll.u32 s28, $0x1;
	[dreg:$0x2] =	wrdreg s4  }
0xb8: {  	[dreg:$0x3] =	wrdreg s6  }
0xb9: {  	[dreg:$0x4] =	wrdreg $0xC0  }
0xba: {  	_ =	task [dreg:s22], $0x5FFFF  }
0xbb: {  	[dreg:$0x1] =	wrdreg $0xFFFFFFFF  }
0xbc: {  	[dreg:$0x0] =	wrdreg $0x60  }
0xbd: {  	[dreg:$0x2] =	wrdreg s18  }
0xbe: {  	[dreg:$0x3] =	wrdreg s24  }
0xbf: {  	[dreg:$0x4] =	wrdreg $0x9  }
0xc0: {  	_ =	task.clear_ibuf [dreg:s22], $0x5FFFF;
	_ =	strace $0x90000055  }
0xc1: {  	s29 =	simm.s32 $0x9;
	_ =	strace $0x80000057  }
0xc2: {  	_ =	swait.ge [sflag:s29], $0x1  }
0xc3: {  	[sflag:s29] =	ssyncadd.s32 $0xFFFFFFFF  }
0xc4: {  	_ =	strace $0x90000057  }
0xc5: {  	_ =	sfence  }
0xc6: {  	s30 =	sld [smem:$0x0];
	_ =	sdelay $0x2  }
0xc7: {  	s31 =	sshll.u32 s1, $0xD;
	s1 =	sshrl.u32 s1, $0x2  }
0xc8: {  	s4 =	sand.u32 $0x4000, s31;
	s1 =	sadd.s32 s1, s30  }
0xc9: {  	s0 =	sor.u32 s4, s0;
	s1 =	sshll.u32 s1, $0x11  }
0xca: {  	s0 =	sor.u32 s1, s0  }
0xcb: {  	s0 =	sadd.s32 $0x8F2B, s0  }
0xcc: {  	[sflag:s0] =	ssyncadd.remote.s32 $0x1  }
0xcd: {  	_ =	sfence.sel $0xFFFF  }
0xce: {  	[dreg:$0x0] =	wrdreg $0xFFFFFFFF;
	(pc) =	sbr.abs _section_cstart, $3  }
0xcf: {  	[dreg:$0x1] =	wrdreg $0xFFFFFFFF  }
0xd0: {  	_ =	task.clear_ibuf [dreg:s22], $0x2FFFF;
	_ =	strace $0x9FFFFFFF  }
0xd1: {  	(tm) =	ssettm $0x7FFFFFFF  }
tec
execute0_lowered:
.L_overlay_start_1:
0x0: {  	(tag) =	ssettag $0x1  }
0x1: {  	s1 =	rddreg [dreg:$0x0]  }
0x2: {  	s3 =	rddreg [dreg:$0x1];
	s2 =	simm.s32 $0x0;
	s4 =	srdreg.scid  }
0x3: {  	s24 =	stileid.u32;
	s15 =	simm.s32 $0x2400;
	s16 =	simm.s32 $0x1  }
0x4: {  	s17 =	simm.s32 $0x180;
	s18 =	simm.s32 $0x2C00;
	s19 =	simm.s32 $0x200  }
0x5: {  	s20 =	simm.s32 $0x3400;
	s21 =	simm.s32 $0x280;
	s22 =	simm.s32 $0x3C00  }
0x6: {  	s23 =	simm.s32 $0x2;
	[smem:$0x7FF] =	sst s2;
	s4 =	sand.u32 $0x1, s4  }
0x7: {  	s5 =	sshll.u32 s24, $0x1;
	s6 =	sadd.s32 $0x84400, s3;
	s8 =	sadd.s32 $0x89400, s3  }
0x8: {  	s31 =	smul.u32 $0x4E00, s24;
	p0 =	sne.s32 s24, $0x0;
	s24 =	simm.s32 $0x0  }
0x9: {  	_ =	strace $0x80000056;
	s5 =	sor.u32 s4, s5;
	s12 =	smul.u32 $0x2700, s4  }
0xa: {  	s7 =	ssub.s32 $0x2, s4;
	s10 =	sshll.u32 s4, $0x7;
	s9 =	smul.u32 $0x270, s5  }
0xb: {  	s29 =	sshrl.u32 s7, $0x1;
	s11 =	smul.u32 $0x2700, s5;
	s30 =	sor.u32 $0x27000, s10  }
0xc: {  	s7 =	ssub.s32 s7, s29;
	s10 =	sshrl.u32 s30, $0x3;
	s5 =	sshll.u32 s30, $0x1  }
0xd: {  	s3 =	sadd.s32 s6, s9;
	s4 =	sadd.s32 s6, s10;
	s5 =	sadd.s32 s8, s5  }
0xe: {  	s9 =	sadd.s32 s31, s8;
	s6 =	smax.u32 s7, $0x1;
	s7 =	sadd.s32 s8, s11  }
0xf: {  	s10 =	simm.s32 $0x3;
	s11 =	simm.s32 $0x80;
	s9 =	sadd.s32 s12, s9  }
0x10: {  	s8 =	sadd.s32 $0x300, s7;
	s12 =	simm.s32 $0x1400;
	s9 =	sadd.s32 $0x600, s9  }
.LBB2_1:
0x11: {  	[tilespmem:s2], [sflag:$0x3] =	stream.linear.gather [hbm4b:s3+s2], $0x1380, $0x38;
	[tilespmem:$0x4C00] =	vst v63  }
0x12: {  	_ =	swait.ge [sflag:s10], $0x1380  }
0x13: {  	[sflag:s10] =	ssyncset.done $0x0  }
0x14: {  	[sflag:s10] =	ssyncadd.s32 $0xFFFFEC80  }
0x15: {  	[tilespmem:s12], [sflag:$0x1] =	stream.indirect.gather [hbm4b:s1+s11], $0x10, s2, s11, $0xb8;
	[tilespmem:$0x4C00] =	vst v63  }
0x16: {  	s0 =	simm.s32 $0x1C00  }
0x17: {  	[tilespmem:s0], [sflag:$0x1] =	stream.indirect.gather [hbm4b:s1+s11], $0x10, s11, s11, $0xb8;
	[tilespmem:$0x4C00] =	vst v63  }
0x18: {  	s26 =	simm.s32 $0x100  }
0x19: {  	[tilespmem:s15], [sflag:$0x1] =	stream.indirect.gather [hbm4b:s1+s11], $0x10, s26, s11, $0xb8;
	[tilespmem:$0x4C00] =	vst v63  }
0x1a: {  	_ =	swait.ge [sflag:s16], $0x800  }
0x1b: {  	[sflag:s16] =	ssyncset.done $0x0  }
0x1c: {  	[sflag:s16] =	ssyncadd.s32 $0xFFFFF800  }
0x1d: {  	_ =	swait.ge [sflag:s16], $0x800  }
0x1e: {  	[sflag:s16] =	ssyncset.done $0x0  }
0x1f: {  	[sflag:s16] =	ssyncadd.s32 $0xFFFFF800  }
0x20: {  	_ =	swait.ge [sflag:s16], $0x800  }
0x21: {  	[sflag:s16] =	ssyncset.done $0x0  }
0x22: {  	[sflag:s16] =	ssyncadd.s32 $0xFFFFF800  }
0x23: {  	[hbm4b:s7+s2] =	stream.linear.scatter [tilespmem:s12], [sflag:$0x2], $0x1800, $0x38;
	[tilespmem:$0x4C00] =	vst v63  }
0x24: {  	_ = 	snop  }
0x25: {  	[tilespmem:s18], [sflag:$0x1] =	stream.indirect.gather [hbm4b:s1+s11], $0x10, s17, s11, $0xb8;
	[tilespmem:$0x4C00] =	vst v63  }
0x26: {  	_ = 	snop  }
0x27: {  	[tilespmem:s20], [sflag:$0x1] =	stream.indirect.gather [hbm4b:s1+s11], $0x10, s19, s11, $0xb8;
	[tilespmem:$0x4C00] =	vst v63  }
0x28: {  	_ = 	snop  }
0x29: {  	[tilespmem:s22], [sflag:$0x1] =	stream.indirect.gather [hbm4b:s1+s11], $0x10, s21, s11, $0xb8;
	[tilespmem:$0x4C00] =	vst v63  }
0x2a: {  	_ =	swait.ge [sflag:s16], $0x800  }
0x2b: {  	[sflag:s16] =	ssyncset.done $0x0  }
0x2c: {  	[sflag:s16] =	ssyncadd.s32 $0xFFFFF800  }
0x2d: {  	_ =	swait.ge [sflag:s16], $0x800  }
0x2e: {  	[sflag:s16] =	ssyncset.done $0x0  }
0x2f: {  	[sflag:s16] =	ssyncadd.s32 $0xFFFFF800  }
0x30: {  	_ =	swait.ge [sflag:s16], $0x800  }
0x31: {  	[sflag:s16] =	ssyncset.done $0x0  }
0x32: {  	s25 =	sand.u32 $0x1, s23;
	[sflag:s16] =	ssyncadd.s32 $0xFFFFF800  }
0x33: {  	[hbm4b:s8+s2] =	stream.linear.scatter [tilespmem:s18], [sflag:$0x2], $0x1800, $0x38;
	[tilespmem:$0x4C00] =	vst v63  }
0x34: {  	p1 =	seq.s32 s25, $0x1;
	s25 =	simm.s32 $0x1800;
	_ =	swait.ge [sflag:s23], $0x1800  }
0x35: {  	s25 =	simm.s32 @!p1 $0x0;
	[sflag:s23] =	ssyncset.done $0x0  }
0x36: {  	s28 =	sadd.s32 $0x1400, s25;
	s26 =	simm.s32 $0x300;
	[sflag:s23] =	ssyncadd.s32 $0xFFFFE800  }
0x37: {  	[tilespmem:s28], [sflag:$0x1] =	stream.indirect.gather [hbm4b:s1+s11], $0x10, s26, s11, $0xb8;
	[tilespmem:$0x4C00] =	vst v63  }
0x38: {  	s29 =	simm.s32 $0x380;
	s13 =	sadd.s32 $0x1C00, s25  }
0x39: {  	[tilespmem:s13], [sflag:$0x1] =	stream.indirect.gather [hbm4b:s1+s11], $0x10, s29, s11, $0xb8;
	[tilespmem:$0x4C00] =	vst v63  }
0x3a: {  	s14 =	simm.s32 $0x400;
	s25 =	sor.u32 $0x2400, s25  }
0x3b: {  	[tilespmem:s25], [sflag:$0x1] =	stream.indirect.gather [hbm4b:s1+s11], $0x10, s14, s11, $0xb8;
	[tilespmem:$0x4C00] =	vst v63  }
0x3c: {  	_ =	swait.ge [sflag:s16], $0x800  }
0x3d: {  	[sflag:s16] =	ssyncset.done $0x0  }
0x3e: {  	[sflag:s16] =	ssyncadd.s32 $0xFFFFF800  }
0x3f: {  	_ =	swait.ge [sflag:s16], $0x800  }
0x40: {  	[sflag:s16] =	ssyncset.done $0x0  }
0x41: {  	[sflag:s16] =	ssyncadd.s32 $0xFFFFF800  }
0x42: {  	s31 =	simm.s32 $0x4;
	s26 =	simm.s32 $0x3;
	_ =	swait.ge [sflag:s16], $0x800  }
0x43: {  	s30 =	smov.u32 s9;
	s29 =	sand.u32 $0x1, s26;
	[sflag:s16] =	ssyncset.done $0x0  }
0x44: {  	s26 =	simm.s32 $0x580;
	s25 =	sadd.s32 $0x300, s9;
	[sflag:s16] =	ssyncadd.s32 $0xFFFFF800  }
.LBB2_2:
0x45: {  	[hbm4b:s30+s2] =	stream.linear.scatter [tilespmem:s28], [sflag:$0x2], $0x1800, $0x38;
	[tilespmem:$0x4C00] =	vst v63  }
0x46: {  	s28 =	smov.u32 s31;
	s30 =	smov.u32 s25;
	p1 =	seq.s32 s29, $0x1  }
0x47: {  	s29 =	sand.u32 $0x1, s31;
	s13 =	simm.s32 $0x1800;
	_ =	swait.ge [sflag:s23], $0x1800  }
0x48: {  	s0 =	sadd.s32 $0x1, s31;
	s13 =	simm.s32 @!p1 $0x0;
	[sflag:s23] =	ssyncset.done $0x0  }
0x49: {  	s14 =	sadd.s32 $0xFFFFFF00, s26;
	s28 =	sadd.s32 $0x1400, s13;
	[sflag:s23] =	ssyncadd.s32 $0xFFFFE800  }
0x4a: {  	[tilespmem:s28], [sflag:$0x1] =	stream.indirect.gather [hbm4b:s1+s11], $0x10, s14, s11, $0xb8;
	[tilespmem:$0x4C00] =	vst v63  }
0x4b: {  	p1 =	sne.s32 s31, $0xC;
	s31 =	sadd.s32 $0xFFFFFF80, s26;
	s14 =	sadd.s32 $0x1C00, s13  }
0x4c: {  	[tilespmem:s14], [sflag:$0x1] =	stream.indirect.gather [hbm4b:s1+s11], $0x10, s31, s11, $0xb8;
	[tilespmem:$0x4C00] =	vst v63  }
0x4d: {  	s13 =	sor.u32 $0x2400, s13  }
0x4e: {  	[tilespmem:s13], [sflag:$0x1] =	stream.indirect.gather [hbm4b:s1+s11], $0x10, s26, s11, $0xb8;
	[tilespmem:$0x4C00] =	vst v63  }
0x4f: {  	_ =	swait.ge [sflag:s16], $0x800  }
0x50: {  	[sflag:s16] =	ssyncset.done $0x0  }
0x51: {  	[sflag:s16] =	ssyncadd.s32 $0xFFFFF800  }
0x52: {  	_ =	swait.ge [sflag:s16], $0x800  }
.Ltmp0:
0x53: {  	[sflag:s16] =	ssyncset.done $0x0;
	(pc) =	sbr.rel @p1 .LBB2_2-.Ltmp0, $4  }
0x54: {  	[sflag:s16] =	ssyncadd.s32 $0xFFFFF800  }
0x55: {  	_ =	swait.ge [sflag:s16], $0x800  }
0x56: {  	s25 =	sadd.s32 $0x300, s25;
	[sflag:s16] =	ssyncset.done $0x0  }
0x57: {  	s31 =	smov.u32 s0;
	s26 =	sadd.s32 $0x180, s26;
	[sflag:s16] =	ssyncadd.s32 $0xFFFFF800  }
0x58: {  	[hbm4b:s30+s2] =	stream.linear.scatter [tilespmem:s28], [sflag:$0x2], $0x1800, $0x38;
	[tilespmem:$0x4C00] =	vst v63  }
0x59: {  	p1 =	seq.s32 s29, $0x1;
	s0 =	simm.s32 $0x1800;
	_ =	swait.ge [sflag:s23], $0x1800  }
0x5a: {  	s0 =	simm.s32 @!p1 $0x0;
	[sflag:s23] =	ssyncset.done $0x0  }
0x5b: {  	s14 =	sadd.s32 $0xFFFFFF00, s26;
	s13 =	sadd.s32 $0x1400, s0;
	[sflag:s23] =	ssyncadd.s32 $0xFFFFE800  }
0x5c: {  	[tilespmem:s13], [sflag:$0x1] =	stream.indirect.gather [hbm4b:s1+s11], $0x10, s14, s11, $0xb8;
	[tilespmem:$0x4C00] =	vst v63  }
0x5d: {  	s31 =	sadd.s32 $0xFFFFFF80, s26;
	s30 =	sadd.s32 $0x1C00, s0  }
0x5e: {  	[tilespmem:s30], [sflag:$0x1] =	stream.indirect.gather [hbm4b:s1+s11], $0x10, s31, s11, $0xb8;
	[tilespmem:$0x4C00] =	vst v63  }
0x5f: {  	s0 =	sor.u32 $0x2400, s0  }
0x60: {  	[tilespmem:s0], [sflag:$0x1] =	stream.indirect.gather [hbm4b:s1+s11], $0x10, s26, s11, $0xb8;
	[tilespmem:$0x4C00] =	vst v63  }
0x61: {  	_ =	swait.ge [sflag:s16], $0x800  }
0x62: {  	[sflag:s16] =	ssyncset.done $0x0  }
0x63: {  	[sflag:s16] =	ssyncadd.s32 $0xFFFFF800  }
0x64: {  	_ =	swait.ge [sflag:s16], $0x800  }
0x65: {  	[sflag:s16] =	ssyncset.done $0x0  }
0x66: {  	[sflag:s16] =	ssyncadd.s32 $0xFFFFF800  }
0x67: {  	_ =	swait.ge [sflag:s16], $0x800  }
0x68: {  	[sflag:s16] =	ssyncset.done $0x0  }
0x69: {  	[sflag:s16] =	ssyncadd.s32 $0xFFFFF800  }
0x6a: {  	[hbm4b:s25+s2] =	stream.linear.scatter [tilespmem:s13], [sflag:$0x2], $0x1800, $0x38;
	[tilespmem:$0x4C00] =	vst v63  }
0x6b: {  	_ =	swait.ge [sflag:s23], $0x1800  }
0x6c: {  	[sflag:s23] =	ssyncset.done $0x0  }
0x6d: {  	[sflag:s23] =	ssyncadd.s32 $0xFFFFE800  }
0x6e: {  	_ =	swait.ge [sflag:s23], $0x1800  }
0x6f: {  	s14 =	simm.s32 @!p0 $0x3;
	[sflag:s23] =	ssyncset.done $0x0  }
0x70: {  	s0 =	simm.s32 @!p0 $0x0;
	s13 =	simm.s32 @!p0 $0x1380;
	[sflag:s23] =	ssyncadd.s32 $0xFFFFE800  }
0x71: {  	[tilespmem:s13], [sflag:$0x3] =	stream.linear.gather @!p0 [hbm4b:s4+s0], $0x80, $0x38;
	[tilespmem:$0x4C00] =	vst v63  }
0x72: {  	_ =	swait.ge @!p0 [sflag:s14], $0x80  }
0x73: {  	[sflag:s14] =	ssyncset.done @!p0 $0x0  }
0x74: {  	s26 =	simm.s32 @!p0 $0x4400;
	s25 =	simm.s32 @!p0 $0x80;
	[sflag:s14] =	ssyncadd.s32 @!p0 $0xFFFFFF80  }
0x75: {  	[tilespmem:s26], [sflag:$0x1] =	stream.indirect.gather @!p0 [hbm4b:s1+s25], $0x10, s13, s25, $0xb8;
	[tilespmem:$0x4C00] =	vst v63  }
0x76: {  	s13 =	simm.s32 @!p0 $0x1  }
0x77: {  	s24 =	sadd.s32 $0x1, s24;
	_ =	swait.ge @!p0 [sflag:s13], $0x800  }
0x78: {  	p1 =	sne.s32 s24, s6;
	[sflag:s13] =	ssyncset.done @!p0 $0x0  }
.Ltmp1:
0x79: {  	[sflag:s13] =	ssyncadd.s32 @!p0 $0xFFFFF800;
	(pc) =	sbr.rel @p1 .LBB2_1-.Ltmp1, $4  }
0x7a: {  	[hbm4b:s5+s0] =	stream.linear.scatter @!p0 [tilespmem:s26], [sflag:$0x3], $0x800, $0x38;
	[tilespmem:$0x4C00] =	vst v63  }
0x7b: {  	_ =	swait.ge @!p0 [sflag:s14], $0x800  }
0x7c: {  	[sflag:s14] =	ssyncset.done @!p0 $0x0  }
0x7d: {  	[sflag:s14] =	ssyncadd.s32 @!p0 $0xFFFFF800  }
0x7e: {  	_ =	sfence.sel $0x180000  }
0x7f: {  	[bflag:$0x0] =	sbarrier.arrive $0xFFFF  }
0x80: {  	_ =	strace $0x90000056  }
0x81: {  	[bflag:$0x2] =	sbarrier.arrive $0xFFFF  }
0x82: {  	s0 =	rddreg [dreg:$0x2]  }
0x83: {  	s0 =	sadd.s32 @!p0 $0x100000, s0  }
0x84: {  	[sflag:s0] =	ssyncadd.tile.s32 @!p0 $0x1;
	_ =	shalt  }
.Lfunc_end2:
_tile_overlayer_lowered:
.L_overlay_start_2:
0x85: {  	(tag) =	ssettag $0x2  }
0x86: {  	s0 =	rddreg [dreg:$0x0];
	s2 =	stileid.u32  }
0x87: {  	s1 =	rddreg [dreg:$0x1];
	p0 =	sne.s32 s2, $0x0  }
0x88: {  	s3 =	rddreg [dreg:$0x2];
	[bflag:$0x3] =	sbarrier.arrive $0xFFFF;
	s2 =	simm.s32 @!p0 $0x1C03  }
0x89: {  	[timem:s3], [sflag:s2] =	dma.local @!p0 [hbm:s0], s1  }
0x8a: {  	s0 =	simm.s32 @!p0 $0x3  }
0x8b: {  	_ =	swait.ge @!p0 [sflag:s0], s1  }
0x8c: {  	s1 =	ssub.s32 @!p0 $0x0, s1;
	[sflag:s0] =	ssyncset.done @!p0 $0x0  }
0x8d: {  	[sflag:s0] =	ssyncadd.s32 @!p0 s1  }
0x8e: {  	[bflag:$0x3] =	sbarrier.arrive $0xFFFF  }
0x8f: {  	_ =	shalt  }

// kernel: kernel.34.cloned.1.call-start
scs
__scs_entry_jumppad:
0x0: {  	(pc) =	sbr.rel $0x88, $3  }
0x1: {  	(tag) =	ssettag $0x0;
	lr =	simm.s32 $0x1  }
0x2: {  	[smem:$0x3F94] =	sst lr;
	_ =	strace $0xD0000000  }
0x3: {  	_ = 	snop  }
0x4: {  	_ = 	snop  }
0x5: {  	_ = 	snop  }
0x6: {  	_ = 	snop  }
0x7: {  	_ = 	snop  }
__scs_overlays_trampoline_lowered:
0x8: {  	[smem:$0x3FA3] =	sst s0  }
0x9: {  	[smem:$0x3FA4] =	sst s1  }
0xa: {  	[smem:$0x3FA5] =	sst s2  }
0xb: {  	[smem:$0x3FA6] =	sst s3  }
0xc: {  	[smem:$0x3FA7] =	sst s4  }
0xd: {  	[smem:$0x3FA8] =	sst s5  }
0xe: {  	[smem:$0x3FA9] =	sst s6  }
0xf: {  	[smem:$0x3FAA] =	sst s7  }
0x10: {  	[smem:$0x3FAB] =	sst s8  }
0x11: {  	[smem:$0x3FAC] =	sst s9;
	s0 =	simm.s32 @!p0 $0x0  }
0x12: {  	s1 =	sld [smem:$0x3F92];
	s0 =	simm.s32 @p0 $0x1  }
0x13: {  	[smem:$0x3FAD] =	sst s0;
	s0 =	simm.s32 @!p1 $0x0  }
0x14: {  	s2 =	sld [smem:$0x3F91];
	s0 =	simm.s32 @p1 $0x1  }
0x15: {  	[smem:$0x3FAE] =	sst s0;
	s0 =	simm.s32 @!p2 $0x0  }
0x16: {  	s3 =	sld [smem:$0x3FDB];
	s0 =	simm.s32 @p2 $0x1  }
0x17: {  	s4 =	simm.s32 $0x1BF5;
	[smem:$0x3FB0] =	sst s0  }
0x18: {  	s0 =	sld [smem:$0x3F93];
	_ =	swait.ge [sflag:s4], $0x0  }
0x19: {  	s7 =	sld [smem:$0x3F94]  }
0x1a: {  	s8 =	sadd.s32 $0xFFFFE003, lr  }
0x1b: {  	s9 =	sadd.s32 $0xFFFFFEF7, lr;
	s5 =	simm.s32 $0xFFFFFFFF;
	p2 =	slt.u32 s8, $0xFFFFF086  }
0x1c: {  	p1 =	slt.u32 s9, $0xF7A;
	s5 =	simm.s32 @!p2 $0x0  }
0x1d: {  	s5 =	simm.s32 @p1 $0x1;
	p0 =	seq.s32 s7, s2  }
0x1e: {  	s7 =	smul.u32 @!p0 $0xF7A, s2;
	p2 =	seq.s32 @!p0 s5, $0x0  }
0x1f: {  	s9 =	smul.u32 $0xF7A, s1;
	s8 =	simm.s32 @!p0 $0x1BF5;
	p2 =	por !p2, p0  }
0x20: {  	[sflag:s8] =	ssyncset.s32 @!p0 $0xFFFFF086;
	s6 =	sadd.s32 @!p0 s3, s7;
	s7 =	simm.s32 @!p0 $0x108  }
0x21: {  	s3 =	sadd.s32 s3, s9;
	s6 =	sadd.s32 @!p0 $0x88, s6;
	s7 =	simm.s32 @p2 $0x1082  }
0x22: {  	[simem:s7], [sflag:s8] =	dma.local @!p0 [hbm:s6], $0xF7A  }
0x23: {  	s9 =	sor.u32 $0xD0000000, s2;
	s6 =	simm.s32 $0x108;
	_ =	swait.ge @!p0 [sflag:s8], $0x0  }
0x24: {  	s3 =	sadd.s32 $0x88, s3;
	s6 =	simm.s32 @!p1 $0x1082;
	[sflag:s4] =	ssyncset.s32 $0xFFFFF086  }
0x25: {  	[simem:s6], [sflag:s4] =	dma.local [hbm:s3], $0xF7A  }
0x26: {  	[smem:$0x3F94] =	sst s1;
	(tag) =	ssettag s2;
	_ =	strace s9  }
0x27: {  	s1 =	sld [smem:$0x3FA4]  }
0x28: {  	s2 =	sld [smem:$0x3FA5]  }
0x29: {  	s4 =	sld [smem:$0x3FA7]  }
0x2a: {  	p0 =	seq.s32 s5, $0x0;
	s5 =	sld [smem:$0x3FA8]  }
0x2b: {  	s6 =	sld [smem:$0x3FA9]  }
0x2c: {  	s7 =	sld [smem:$0x3FAA]  }
0x2d: {  	s3 =	simm.s32 $0x108;
	s8 =	sld [smem:$0x3FAB]  }
0x2e: {  	s3 =	simm.s32 @!p0 $0x1082;
	s9 =	sld [smem:$0x3FAC]  }
0x2f: {  	lr =	sadd.s32 s0, s3;
	s0 =	sld [smem:$0x3FA3]  }
0x30: {  	s3 =	sld [smem:$0x3FA6]  }
0x31: {  	[smem:$0x3FAF] =	sst s10  }
0x32: {  	s10 =	sld [smem:$0x3FAD];
	_ =	sdelay $0x3  }
0x33: {  	p0 =	seq.s32 s10, $0x1;
	s10 =	sld [smem:$0x3FAF];
	_ =	sdelay $0x3  }
0x34: {  	[smem:$0x3FAF] =	sst s10  }
0x35: {  	s10 =	sld [smem:$0x3FAE];
	_ =	sdelay $0x3  }
0x36: {  	p1 =	seq.s32 s10, $0x1;
	s10 =	sld [smem:$0x3FAF];
	_ =	sdelay $0x3  }
0x37: {  	[smem:$0x3FAF] =	sst s10  }
0x38: {  	s10 =	sld [smem:$0x3FB0]  }
0x39: {  	_ = 	snop;
	(pc) =	sbr.ind lr, $3  }
0x3a: {  	_ = 	snop  }
0x3b: {  	_ = 	snop  }
0x3c: {  	p2 =	seq.s32 s10, $0x1;
	s10 =	sld [smem:$0x3FAF]  }
0x3d: {  	_ =	shalt  }
0x3e: {  	_ =	shalt  }
0x3f: {  	_ =	shalt  }
0x40: {  	_ =	shalt  }
0x41: {  	_ =	shalt  }
0x42: {  	_ =	shalt  }
0x43: {  	_ =	shalt  }
0x44: {  	_ =	shalt  }
0x45: {  	_ =	shalt  }
0x46: {  	_ =	shalt  }
0x47: {  	_ =	shalt  }
0x48: {  	_ =	shalt  }
0x49: {  	_ =	shalt  }
0x4a: {  	_ =	shalt  }
0x4b: {  	_ =	shalt  }
0x4c: {  	_ =	shalt  }
0x4d: {  	_ =	shalt  }
0x4e: {  	_ =	shalt  }
0x4f: {  	_ =	shalt  }
0x50: {  	_ =	shalt  }
0x51: {  	_ =	shalt  }
0x52: {  	_ =	shalt  }
0x53: {  	_ =	shalt  }
0x54: {  	_ =	shalt  }
0x55: {  	_ =	shalt  }
0x56: {  	_ =	shalt  }
0x57: {  	_ =	shalt  }
0x58: {  	_ =	shalt  }
0x59: {  	_ =	shalt  }
0x5a: {  	_ =	shalt  }
0x5b: {  	_ =	shalt  }
0x5c: {  	_ =	shalt  }
0x5d: {  	_ =	shalt  }
0x5e: {  	_ =	shalt  }
0x5f: {  	_ =	shalt  }
0x60: {  	_ =	shalt  }
0x61: {  	_ =	shalt  }
0x62: {  	_ =	shalt  }
0x63: {  	_ =	shalt  }
0x64: {  	_ =	shalt  }
0x65: {  	_ =	shalt  }
0x66: {  	_ =	shalt  }
0x67: {  	_ =	shalt  }
0x68: {  	_ =	shalt  }
0x69: {  	_ =	shalt  }
0x6a: {  	_ =	shalt  }
0x6b: {  	_ =	shalt  }
0x6c: {  	_ =	shalt  }
0x6d: {  	_ =	shalt  }
0x6e: {  	_ =	shalt  }
0x6f: {  	_ =	shalt  }
0x70: {  	_ =	shalt  }
0x71: {  	_ =	shalt  }
0x72: {  	_ =	shalt  }
0x73: {  	_ =	shalt  }
0x74: {  	_ =	shalt  }
0x75: {  	_ =	shalt  }
0x76: {  	_ =	shalt  }
0x77: {  	_ =	shalt  }
0x78: {  	_ =	shalt  }
0x79: {  	_ =	shalt  }
0x7a: {  	_ =	shalt  }
0x7b: {  	_ =	shalt  }
0x7c: {  	_ =	shalt  }
0x7d: {  	_ =	shalt  }
0x7e: {  	_ =	shalt  }
0x7f: {  	_ =	shalt  }
0x80: {  	_ =	shalt  }
0x81: {  	_ =	shalt  }
0x82: {  	_ =	shalt  }
0x83: {  	_ =	shalt  }
0x84: {  	_ =	shalt  }
0x85: {  	_ =	shalt  }
0x86: {  	_ =	shalt  }
0x87: {  	_ =	shalt  }
.Lfunc_end0:
.L_simem_size_0:
called_computation.6_lowered:
.L_overlay_start_0:
0x88: {  	s2 =	sld [smem:$0x3FD9]  }
0x89: {  	s3 =	sld [smem:$0x3FFE];
	_ =	sdelay $0x1  }
0x8a: {  	s1 =	srdreg.scid  }
0x8b: {  	s0 =	sand.u32 $0x1, s1  }
0x8c: {  	s17 =	sshll.u32 s0, $0xA;
	s2 =	sadd.s32 s3, s2  }
0x8d: {  	s2 =	sadd.s32 s2, s17  }
0x8e: {  	[smem:$0x3FBB] =	sst s2  }
0x8f: {  	_ = 	snop  }
0x90: {  	(tm) =	ssettm $0x1  }
0x91: {  	s18 =	sld [smem:$0x3FFB];
	_ =	sdelay $0x3  }
0x92: {  	_ =	strace s18  }
0x93: {  	s2 =	sld [smem:$0x3FFC];
	_ =	sdelay $0x3  }
0x94: {  	_ =	strace s2  }
0x95: {  	s2 =	sld [smem:$0x3FFD];
	_ =	sdelay $0x3  }
0x96: {  	_ =	strace s2  }
0x97: {  	_ =	strace $0x8FFFFFFF  }
0x98: {  	s19 =	sld [smem:$0x3FDB];
	_ =	sdelay $0x1  }
0x99: {  	s20 =	simm.s32 $_scs_section_size  }
0x9a: {  	s4 =	simm.s32 $_size__tile_overlayer_lowered;
	s5 =	simm.s32 $_tile_overlayer_lowered  }
0x9b: {  	s6 =	simm.s32 $0x1BFF;
	s21 =	sshll.u32 s5, $0x1;
	s3 =	sadd.s32 s20, s19  }
0x9c: {  	s22 =	simm.s32 $0x0;
	s4 =	sshll.u32 s4, $0x1;
	s5 =	sadd.s32 s21, s3  }
0x9d: {  	[timem:s22], [sflag:s6] =	dma.local [hbm:s5], s4  }
0x9e: {  	_ =	swait.ge [sflag:s6], s4  }
0x9f: {  	s4 =	ssub.s32 $0x0, s4;
	[sflag:s6] =	ssyncset.done $0x0  }
0xa0: {  	[sflag:s6] =	ssyncadd.s32 s4;
	_ =	sdelay $0x1  }
0xa1: {  	s23 =	simm.s32 $0x1B8B  }
0xa2: {  	_ =	swait.ge [sflag:s23], $0x1  }
0xa3: {  	[sflag:s23] =	ssyncset.done $0x0  }
0xa4: {  	[sflag:s23] =	ssyncadd.s32 $0xFFFFFFFF  }
0xa5: {  	s4 =	sld [smem:$0x0]  }
0xa6: {  	s5 =	sand.u32 $0xFFFFFFFE, s1  }
0xa7: {  	p0 =	sne.s32 s1, s5  }
0xa8: {  	s5 =	sshll.u32 @p0 s5, $0xE  }
0xa9: {  	s5 =	sadd.s32 @p0 $0x11B8D, s5;
	s6 =	sshll.u32 @p0 s4, $0x11  }
0xaa: {  	s5 =	sor.u32 @p0 s6, s5  }
0xab: {  	[sflag:s5] =	ssyncadd.remote.s32 @p0 $0x1;
	_ =	sdelay $0x1  }
0xac: {  	s5 =	simm.s32 @p0 $0x1B8D  }
0xad: {  	_ =	swait.eq @p0 [sflag:s5], $0x1  }
0xae: {  	[sflag:s5] =	ssyncadd.s32 @p0 $0xFFFFFFFF  }
0xaf: {  	s6 =	sshll.u32 @!p0 s1, $0xE  }
0xb0: {  	s6 =	sor.u32 @!p0 $0x4000, s6;
	s5 =	simm.s32 @!p0 $0x1B8D  }
0xb1: {  	s4 =	sshll.u32 @!p0 s4, $0x11;
	s6 =	sadd.s32 @!p0 $0x11B8D, s6;
	_ =	swait.eq @!p0 [sflag:s5], $0x1  }
0xb2: {  	s4 =	sor.u32 @!p0 s4, s6;
	[sflag:s5] =	ssyncadd.s32 @!p0 $0xFFFFFFFF  }
0xb3: {  	s25 =	simm.s32 $0x1B8E;
	s24 =	sld [smem:$0x3FFE];
	[sflag:s4] =	ssyncadd.remote.s32 @!p0 $0x1  }
0xb4: {  	s26 =	simm.s32 $execute0_lowered;
	[smem:$0x3FD2] =	sst s25  }
0xb5: {  	s5 =	sshll.u32 s26, $0x1;
	_ =	strace $0x80000058;
	[dreg:$0x1] =	wrdreg $0xFFFFFFFF  }
0xb6: {  	s28 =	simm.s32 $_size_execute0_lowered;
	s3 =	sadd.s32 s3, s5;
	[dreg:$0x0] =	wrdreg $0x0  }
0xb7: {  	s5 =	sshll.u32 s28, $0x1;
	[dreg:$0x2] =	wrdreg s3  }
0xb8: {  	[dreg:$0x3] =	wrdreg s5  }
0xb9: {  	[dreg:$0x4] =	wrdreg $0xC0  }
0xba: {  	_ =	task [dreg:s22], $0x5FFFF  }
0xbb: {  	[dreg:$0x1] =	wrdreg $0xFFFFFFFF  }
0xbc: {  	[dreg:$0x0] =	wrdreg $0x60  }
0xbd: {  	[dreg:$0x2] =	wrdreg s24  }
0xbe: {  	[dreg:$0x3] =	wrdreg $0x73100  }
0xbf: {  	[dreg:$0x4] =	wrdreg $0xA  }
0xc0: {  	_ =	task.clear_ibuf [dreg:s22], $0x5FFFF;
	_ =	strace $0x90000058  }
0xc1: {  	s29 =	simm.s32 $0xA;
	_ =	strace $0x8000005A  }
0xc2: {  	_ =	swait.ge [sflag:s29], $0x1  }
0xc3: {  	[sflag:s29] =	ssyncadd.s32 $0xFFFFFFFF  }
0xc4: {  	_ =	strace $0x9000005A  }
0xc5: {  	_ =	sfence  }
0xc6: {  	s30 =	sld [smem:$0x0];
	_ =	sdelay $0x2  }
0xc7: {  	s31 =	sshll.u32 s1, $0xD;
	s1 =	sshrl.u32 s1, $0x2  }
0xc8: {  	s4 =	sand.u32 $0x4000, s31;
	s1 =	sadd.s32 s1, s30  }
0xc9: {  	s0 =	sor.u32 s4, s0;
	s1 =	sshll.u32 s1, $0x11  }
0xca: {  	s0 =	sor.u32 s1, s0  }
0xcb: {  	s0 =	sadd.s32 $0x8F2B, s0  }
0xcc: {  	[sflag:s0] =	ssyncadd.remote.s32 $0x1  }
0xcd: {  	_ =	sfence.sel $0xFFFF  }
0xce: {  	[dreg:$0x0] =	wrdreg $0xFFFFFFFF;
	(pc) =	sbr.abs _section_cstart, $3  }
0xcf: {  	[dreg:$0x1] =	wrdreg $0xFFFFFFFF  }
0xd0: {  	_ =	task.clear_ibuf [dreg:s22], $0x2FFFF;
	_ =	strace $0x9FFFFFFF  }
0xd1: {  	(tm) =	ssettm $0x7FFFFFFF  }
tec
execute0_lowered:
.L_overlay_start_1:
0x0: {  	(tag) =	ssettag $0x1  }
0x1: {  	s4 =	rddreg [dreg:$0x0]  }
0x2: {  	s1 =	rddreg [dreg:$0x1]  }
0x3: {  	s0 =	rddreg [dreg:$0x2];
	s2 =	simm.s32 $0x0  }
0x4: {  	s5 =	srdreg.scid;
	s3 =	stileid.u32;
	s16 =	simm.s32 $0x80  }
0x5: {  	s17 =	simm.s32 $0x1200;
	s18 =	simm.s32 $0x1280;
	s19 =	simm.s32 $0x1C00  }
0x6: {  	s20 =	simm.s32 $0x1300;
	s21 =	simm.s32 $0x2400;
	s22 =	simm.s32 $0x0  }
0x7: {  	[smem:$0x7FF] =	sst s2;
	s6 =	sand.u32 $0x1, s5;
	s25 =	smul.u32 $0x2710, s3  }
0x8: {  	s7 =	sshll.u32 s3, $0x1;
	s9 =	sadd.s32 $0x36200, s4;
	s14 =	smul.u32 $0x4E, s3  }
0x9: {  	s10 =	sadd.s32 $0x31200, s4;
	p0 =	sne.s32 s3, $0x0;
	s8 =	smul.u32 $0x27100, s6  }
0xa: {  	_ =	strace $0x80000059;
	s7 =	sor.u32 s6, s7;
	s26 =	smul.u32 $0x27, s6  }
0xb: {  	s12 =	ssub.s32 $0x2, s6;
	s28 =	sshll.u32 s6, $0x7;
	s11 =	smul.u32 $0x270, s7  }
0xc: {  	s7 =	smul.u32 $0x2700, s7;
	s13 =	sshrl.u32 s12, $0x1;
	s29 =	sor.u32 $0x27000, s28  }
0xd: {  	s8 =	sadd.s32 s25, s8;
	s12 =	ssub.s32 s12, s13;
	s30 =	sshll.u32 s29, $0x1  }
0xe: {  	s13 =	simm.s32 $0x2;
	s8 =	sshrl.u32 s8, $0x3;
	s5 =	sadd.s32 s10, s11  }
0xf: {  	s6 =	sadd.s32 s9, s7;
	s11 =	sshrl.u32 s29, $0x3;
	s15 =	sadd.s32 s8, s4  }
0x10: {  	s4 =	sadd.s32 s25, s1;
	s8 =	sadd.s32 s26, s14;
	s7 =	sadd.s32 s10, s11  }
0x11: {  	s10 =	smax.u32 s12, $0x1;
	s12 =	simm.s32 $0x4C00;
	s14 =	sshll.u32 s8, $0x8  }
0x12: {  	s8 =	sadd.s32 s9, s30;
	s31 =	sadd.s32 s14, s9;
	s9 =	sadd.s32 $0xD7600, s15  }
0x13: {  	v0 =	vimm.f32 $0.0e+00;
	s14 =	simm.s32 $0x1400;
	s15 =	simm.s32 $0x1;
	s11 =	sadd.s32 $0x300, s31  }
.LBB2_1:
0x14: {  	s23 =	simm.s32 $0x40;
	s24 =	simm.s32 $0x0  }
.LBB2_2:
0x15: {  	p1 =	sne.s32 s23, $0x9C00;
	[tilespmem:s24+$0x4C00] =	vst v0;
	s24 =	smov.u32 s23;
	s23 =	sadd.s32 $0x40, s23  }
.Ltmp0:
0x16: {  	(pc) =	sbr.rel @p1 .LBB2_2-.Ltmp0, $2  }
0x17: {  	_ =	sdelay $0x2  }
0x18: {  	s24 =	sshra.s32 s24, $0x2  }
0x19: {  	[tilespmem:s24+$0x4C00] =	vst v0  }
0x1a: {  	[spmem:s4] =	stream.linear.scatter [tilespmem:s12], [sflag:$0x2], $0x2710, $0x38;
	[tilespmem:$0x9A20] =	vst v63  }
0x1b: {  	_ =	swait.ge [sflag:s13], $0x2710  }
0x1c: {  	[sflag:s13] =	ssyncset.done $0x0  }
0x1d: {  	s23 =	simm.s32 $0x0;
	[sflag:s13] =	ssyncadd.s32 $0xFFFFD8F0  }
0x1e: {  	[tilespmem:s23], [sflag:$0x2] =	stream.linear.gather [hbm4b:s5+s23], $0x1380, $0x38;
	[tilespmem:$0x9A20] =	vst v63  }
0x1f: {  	_ =	swait.ge [sflag:s13], $0x1380  }
0x20: {  	[sflag:s13] =	ssyncset.done $0x0  }
0x21: {  	[sflag:s13] =	ssyncadd.s32 $0xFFFFEC80  }
0x22: {  	[bflag:$0x0] =	sbarrier.arrive $0xFFFF  }
0x23: {  	[tilespmem:s14], [sflag:$0x1] =	stream.linear.gather [hbm4b:s6+s23], $0x1800, $0x38;
	[tilespmem:$0x9A20] =	vst v63  }
0x24: {  	s23 =	sand.u32 $0x1, s23  }
0x25: {  	s30 =	sxor.u32 $0x1, s23  }
0x26: {  	s24 =	smul.u32 $0x6000, s30  }
0x27: {  	s23 =	smul.u32 $0x6000, s23;
	_ =	swait.ge [sflag:s15], $0x1800  }
0x28: {  	[sflag:s15] =	ssyncset.done $0x0;
	s24 =	sshrl.u32 s24, $0x2  }
0x29: {  	s23 =	sshrl.u32 s23, $0x2;
	[sflag:s15] =	ssyncadd.s32 $0xFFFFE800;
	s24 =	sadd.s32 $0x1400, s24  }
0x2a: {  	[tilespmem:s24], [sflag:$0x1] =	stream.linear.gather [hbm4b:s11+s2], $0x1800, $0x38;
	[tilespmem:$0x9A20] =	vst v63  }
0x2b: {  	s25 =	simm.s32 $0x0;
	s31 =	sadd.s32 $0x1400, s23  }
0x2c: {  	[spmem:s1] =	stream.indirect.scatter.add.f32 [tilespmem:s31], [sflag:$0x2], $0x10, s25, s16, $0xb8;
	[tilespmem:$0x9A20] =	vst v63  }
0x2d: {  	_ =	swait.ge [sflag:s13], $0x800  }
0x2e: {  	[sflag:s13] =	ssyncset.done $0x0  }
0x2f: {  	s29 =	simm.s32 $0x80;
	s26 =	sadd.s32 $0x1C00, s23;
	[sflag:s13] =	ssyncadd.s32 $0xFFFFF800  }
0x30: {  	[spmem:s1] =	stream.indirect.scatter.add.f32 [tilespmem:s26], [sflag:$0x2], $0x10, s29, s16, $0xb8;
	[tilespmem:$0x9A20] =	vst v63  }
0x31: {  	s28 =	simm.s32 $0x1;
	_ =	swait.ge [sflag:s13], $0x800  }
0x32: {  	s30 =	simm.s32 $0x100;
	s23 =	sor.u32 $0x2400, s23;
	[sflag:s13] =	ssyncset.done $0x0  }
0x33: {  	s24 =	sadd.s32 $0x300, s11;
	s31 =	sand.u32 $0x1, s28;
	[sflag:s13] =	ssyncadd.s32 $0xFFFFF800  }
0x34: {  	[spmem:s1] =	stream.indirect.scatter.add.f32 [tilespmem:s23], [sflag:$0x2], $0x10, s30, s16, $0xb8;
	[tilespmem:$0x9A20] =	vst v63  }
0x35: {  	s28 =	sxor.u32 $0x1, s31;
	s25 =	smul.u32 $0x6000, s31;
	_ =	swait.ge [sflag:s13], $0x800  }
0x36: {  	s26 =	simm.s32 $0x2;
	s23 =	simm.s32 $0x280;
	[sflag:s13] =	ssyncset.done $0x0  }
.LBB2_4:
0x37: {  	s28 =	smul.u32 $0x6000, s28  }
0x38: {  	[sflag:s13] =	ssyncadd.s32 $0xFFFFF800;
	s29 =	smov.u32 s26;
	s30 =	sadd.s32 $0x1, s26  }
0x39: {  	p1 =	sne.s32 s26, $0xB;
	_ =	swait.ge [sflag:s15], $0x1800;
	s25 =	sshrl.u32 s25, $0x2  }
0x3a: {  	[sflag:s15] =	ssyncset.done $0x0;
	s26 =	sshrl.u32 s28, $0x2  }
0x3b: {  	[sflag:s15] =	ssyncadd.s32 $0xFFFFE800;
	s26 =	sadd.s32 $0x1400, s26  }
0x3c: {  	[tilespmem:s26], [sflag:$0x1] =	stream.linear.gather [hbm4b:s24+s2], $0x1800, $0x38;
	[tilespmem:$0x9A20] =	vst v63  }
0x3d: {  	s28 =	sadd.s32 $0xFFFFFF00, s23;
	s26 =	sadd.s32 $0x1400, s25  }
0x3e: {  	[spmem:s1] =	stream.indirect.scatter.add.f32 [tilespmem:s26], [sflag:$0x2], $0x10, s28, s16, $0xb8;
	[tilespmem:$0x9A20] =	vst v63  }
0x3f: {  	_ =	swait.ge [sflag:s13], $0x800  }
0x40: {  	[sflag:s13] =	ssyncset.done $0x0  }
0x41: {  	s26 =	sadd.s32 $0x1C00, s25;
	s28 =	sadd.s32 $0xFFFFFF80, s23;
	[sflag:s13] =	ssyncadd.s32 $0xFFFFF800  }
0x42: {  	[spmem:s1] =	stream.indirect.scatter.add.f32 [tilespmem:s26], [sflag:$0x2], $0x10, s28, s16, $0xb8;
	[tilespmem:$0x9A20] =	vst v63  }
0x43: {  	_ =	swait.ge [sflag:s13], $0x800  }
.Ltmp1:
0x44: {  	s24 =	sadd.s32 $0x300, s24;
	[sflag:s13] =	ssyncset.done $0x0;
	(pc) =	sbr.rel @p1 .LBB2_4-.Ltmp1, $4  }
0x45: {  	s25 =	sor.u32 $0x2400, s25;
	s26 =	smov.u32 s30;
	[sflag:s13] =	ssyncadd.s32 $0xFFFFF800  }
0x46: {  	[spmem:s1] =	stream.indirect.scatter.add.f32 [tilespmem:s25], [sflag:$0x2], $0x10, s23, s16, $0xb8;
	[tilespmem:$0x9A20] =	vst v63  }
0x47: {  	s25 =	sand.u32 $0x1, s29;
	s23 =	sadd.s32 $0x180, s23;
	_ =	swait.ge [sflag:s13], $0x800  }
0x48: {  	s28 =	sxor.u32 $0x1, s25;
	s25 =	smul.u32 $0x6000, s25;
	[sflag:s13] =	ssyncset.done $0x0  }
0x49: {  	s26 =	smul.u32 $0x6000, s28;
	[sflag:s13] =	ssyncadd.s32 $0xFFFFF800  }
0x4a: {  	_ =	swait.ge [sflag:s15], $0x1800  }
0x4b: {  	[sflag:s15] =	ssyncset.done $0x0;
	s26 =	sshrl.u32 s26, $0x2  }
0x4c: {  	s25 =	sshrl.u32 s25, $0x2;
	[sflag:s15] =	ssyncadd.s32 $0xFFFFE800;
	s26 =	sadd.s32 $0x1400, s26  }
0x4d: {  	[tilespmem:s26], [sflag:$0x1] =	stream.linear.gather [hbm4b:s24+s2], $0x1800, $0x38;
	[tilespmem:$0x9A20] =	vst v63  }
0x4e: {  	s31 =	sadd.s32 $0xFFFFFF00, s23;
	s30 =	sadd.s32 $0x1400, s25  }
0x4f: {  	[spmem:s1] =	stream.indirect.scatter.add.f32 [tilespmem:s30], [sflag:$0x2], $0x10, s31, s16, $0xb8;
	[tilespmem:$0x9A20] =	vst v63  }
0x50: {  	_ =	swait.ge [sflag:s13], $0x800  }
0x51: {  	[sflag:s13] =	ssyncset.done $0x0  }
0x52: {  	s28 =	sadd.s32 $0xFFFFFF80, s23;
	s26 =	sadd.s32 $0x1C00, s25;
	[sflag:s13] =	ssyncadd.s32 $0xFFFFF800  }
0x53: {  	[spmem:s1] =	stream.indirect.scatter.add.f32 [tilespmem:s26], [sflag:$0x2], $0x10, s28, s16, $0xb8;
	[tilespmem:$0x9A20] =	vst v63  }
0x54: {  	_ =	swait.ge [sflag:s13], $0x800  }
0x55: {  	[sflag:s13] =	ssyncset.done $0x0  }
0x56: {  	s29 =	sor.u32 $0x2400, s25;
	[sflag:s13] =	ssyncadd.s32 $0xFFFFF800  }
0x57: {  	[spmem:s1] =	stream.indirect.scatter.add.f32 [tilespmem:s29], [sflag:$0x2], $0x10, s23, s16, $0xb8;
	[tilespmem:$0x9A20] =	vst v63  }
0x58: {  	_ =	swait.ge [sflag:s13], $0x800  }
0x59: {  	[sflag:s13] =	ssyncset.done $0x0  }
0x5a: {  	[sflag:s13] =	ssyncadd.s32 $0xFFFFF800  }
0x5b: {  	_ =	swait.ge [sflag:s15], $0x1800  }
0x5c: {  	[sflag:s15] =	ssyncset.done $0x0  }
0x5d: {  	[sflag:s15] =	ssyncadd.s32 $0xFFFFE800  }
0x5e: {  	[spmem:s1] =	stream.indirect.scatter.add.f32 [tilespmem:s14], [sflag:$0x2], $0x10, s17, s16, $0xb8;
	[tilespmem:$0x9A20] =	vst v63  }
0x5f: {  	_ =	swait.ge [sflag:s13], $0x800  }
0x60: {  	[sflag:s13] =	ssyncset.done $0x0  }
0x61: {  	[sflag:s13] =	ssyncadd.s32 $0xFFFFF800  }
0x62: {  	[spmem:s1] =	stream.indirect.scatter.add.f32 [tilespmem:s19], [sflag:$0x2], $0x10, s18, s16, $0xb8;
	[tilespmem:$0x9A20] =	vst v63  }
0x63: {  	_ =	swait.ge [sflag:s13], $0x800  }
0x64: {  	[sflag:s13] =	ssyncset.done $0x0  }
0x65: {  	[sflag:s13] =	ssyncadd.s32 $0xFFFFF800  }
0x66: {  	[spmem:s1] =	stream.indirect.scatter.add.f32 [tilespmem:s21], [sflag:$0x2], $0x10, s20, s16, $0xb8;
	[tilespmem:$0x9A20] =	vst v63  }
0x67: {  	_ =	swait.ge [sflag:s13], $0x800  }
0x68: {  	s24 =	simm.s32 @!p0 $0x1380;
	[sflag:s13] =	ssyncset.done $0x0  }
0x69: {  	s25 =	simm.s32 @!p0 $0x2;
	s23 =	simm.s32 @!p0 $0x0;
	[sflag:s13] =	ssyncadd.s32 $0xFFFFF800  }
0x6a: {  	[tilespmem:s24], [sflag:$0x2] =	stream.linear.gather @!p0 [hbm4b:s7+s23], $0x80, $0x38;
	[tilespmem:$0x9A20] =	vst v63  }
0x6b: {  	_ =	swait.ge @!p0 [sflag:s25], $0x80  }
0x6c: {  	[sflag:s25] =	ssyncset.done @!p0 $0x0  }
0x6d: {  	s26 =	simm.s32 @!p0 $0x4400;
	[sflag:s25] =	ssyncadd.s32 @!p0 $0xFFFFFF80  }
0x6e: {  	[tilespmem:s26], [sflag:$0x2] =	stream.linear.gather @!p0 [hbm4b:s8+s23], $0x800, $0x38;
	[tilespmem:$0x9A20] =	vst v63  }
0x6f: {  	_ =	swait.ge @!p0 [sflag:s25], $0x800  }
0x70: {  	[sflag:s25] =	ssyncset.done @!p0 $0x0  }
0x71: {  	s23 =	simm.s32 @!p0 $0x80;
	[sflag:s25] =	ssyncadd.s32 @!p0 $0xFFFFF800  }
0x72: {  	[spmem:s1] =	stream.indirect.scatter.add.f32 @!p0 [tilespmem:s26], [sflag:$0x2], $0x10, s24, s23, $0xb8;
	[tilespmem:$0x9A20] =	vst v63  }
0x73: {  	s22 =	sadd.s32 $0x1, s22;
	_ =	swait.ge @!p0 [sflag:s25], $0x800  }
0x74: {  	p1 =	sne.s32 s22, s10;
	[sflag:s25] =	ssyncset.done @!p0 $0x0  }
0x75: {  	s30 =	sshll.u32 s3, $0x6;
	s31 =	sshrl.u32 s4, $0x3;
	[sflag:s25] =	ssyncadd.s32 @!p0 $0xFFFFF800  }
.Ltmp2:
0x76: {  	s23 =	sor.u32 $0x1C02, s30;
	[bflag:$0x0] =	sbarrier.arrive $0xFFFF;
	(pc) =	sbr.rel @p1 .LBB2_1-.Ltmp2, $4  }
0x77: {  	[hbm:s9], [sflag:s23] =	dma.local [spmem:s31], $0x4E2  }
0x78: {  	_ =	swait.ge [sflag:s13], $0x4E2  }
0x79: {  	[sflag:s13] =	ssyncset.done $0x0  }
0x7a: {  	[sflag:s13] =	ssyncadd.s32 $0xFFFFFB1E  }
0x7b: {  	_ =	sfence.sel $0x180000  }
0x7c: {  	[bflag:$0x0] =	sbarrier.arrive $0xFFFF  }
0x7d: {  	_ =	strace $0x90000059  }
0x7e: {  	s0 =	sadd.s32 @!p0 $0x100000, s0;
	[bflag:$0x2] =	sbarrier.arrive $0xFFFF  }
0x7f: {  	[sflag:s0] =	ssyncadd.tile.s32 @!p0 $0x1;
	_ =	shalt  }
.Lfunc_end2:
_tile_overlayer_lowered:
.L_overlay_start_2:
0x80: {  	(tag) =	ssettag $0x2  }
0x81: {  	s0 =	rddreg [dreg:$0x0];
	s2 =	stileid.u32  }
0x82: {  	s1 =	rddreg [dreg:$0x1];
	p0 =	sne.s32 s2, $0x0  }
0x83: {  	s3 =	rddreg [dreg:$0x2];
	[bflag:$0x3] =	sbarrier.arrive $0xFFFF;
	s2 =	simm.s32 @!p0 $0x1C02  }
0x84: {  	[timem:s3], [sflag:s2] =	dma.local @!p0 [hbm:s0], s1  }
0x85: {  	s0 =	simm.s32 @!p0 $0x2  }
0x86: {  	_ =	swait.ge @!p0 [sflag:s0], s1  }
0x87: {  	s1 =	ssub.s32 @!p0 $0x0, s1;
	[sflag:s0] =	ssyncset.done @!p0 $0x0  }
0x88: {  	[sflag:s0] =	ssyncadd.s32 @!p0 s1  }
0x89: {  	[bflag:$0x3] =	sbarrier.arrive $0xFFFF  }
0x8a: {  	_ =	shalt  }

// kernel: kernel.37.cloned.1.call-start
scs
__scs_entry_jumppad:
0x0: {  	(pc) =	sbr.rel $0x88, $3  }
0x1: {  	(tag) =	ssettag $0x0;
	lr =	simm.s32 $0x1  }
0x2: {  	[smem:$0x3F94] =	sst lr;
	_ =	strace $0xD0000000  }
0x3: {  	_ = 	snop  }
0x4: {  	_ = 	snop  }
0x5: {  	_ = 	snop  }
0x6: {  	_ = 	snop  }
0x7: {  	_ = 	snop  }
__scs_overlays_trampoline_lowered:
0x8: {  	[smem:$0x3FA3] =	sst s0  }
0x9: {  	[smem:$0x3FA4] =	sst s1  }
0xa: {  	[smem:$0x3FA5] =	sst s2  }
0xb: {  	[smem:$0x3FA6] =	sst s3  }
0xc: {  	[smem:$0x3FA7] =	sst s4  }
0xd: {  	[smem:$0x3FA8] =	sst s5  }
0xe: {  	[smem:$0x3FA9] =	sst s6  }
0xf: {  	[smem:$0x3FAA] =	sst s7  }
0x10: {  	[smem:$0x3FAB] =	sst s8  }
0x11: {  	[smem:$0x3FAC] =	sst s9;
	s0 =	simm.s32 @!p0 $0x0  }
0x12: {  	s1 =	sld [smem:$0x3F92];
	s0 =	simm.s32 @p0 $0x1  }
0x13: {  	[smem:$0x3FAD] =	sst s0;
	s0 =	simm.s32 @!p1 $0x0  }
0x14: {  	s2 =	sld [smem:$0x3F91];
	s0 =	simm.s32 @p1 $0x1  }
0x15: {  	[smem:$0x3FAE] =	sst s0;
	s0 =	simm.s32 @!p2 $0x0  }
0x16: {  	s3 =	sld [smem:$0x3FDB];
	s0 =	simm.s32 @p2 $0x1  }
0x17: {  	s4 =	simm.s32 $0x1BF5;
	[smem:$0x3FB0] =	sst s0  }
0x18: {  	s0 =	sld [smem:$0x3F93];
	_ =	swait.ge [sflag:s4], $0x0  }
0x19: {  	s7 =	sld [smem:$0x3F94]  }
0x1a: {  	s8 =	sadd.s32 $0xFFFFE003, lr  }
0x1b: {  	s9 =	sadd.s32 $0xFFFFFEF7, lr;
	s5 =	simm.s32 $0xFFFFFFFF;
	p2 =	slt.u32 s8, $0xFFFFF086  }
0x1c: {  	p1 =	slt.u32 s9, $0xF7A;
	s5 =	simm.s32 @!p2 $0x0  }
0x1d: {  	s5 =	simm.s32 @p1 $0x1;
	p0 =	seq.s32 s7, s2  }
0x1e: {  	s7 =	smul.u32 @!p0 $0xF7A, s2;
	p2 =	seq.s32 @!p0 s5, $0x0  }
0x1f: {  	s9 =	smul.u32 $0xF7A, s1;
	s8 =	simm.s32 @!p0 $0x1BF5;
	p2 =	por !p2, p0  }
0x20: {  	[sflag:s8] =	ssyncset.s32 @!p0 $0xFFFFF086;
	s6 =	sadd.s32 @!p0 s3, s7;
	s7 =	simm.s32 @!p0 $0x108  }
0x21: {  	s3 =	sadd.s32 s3, s9;
	s6 =	sadd.s32 @!p0 $0x88, s6;
	s7 =	simm.s32 @p2 $0x1082  }
0x22: {  	[simem:s7], [sflag:s8] =	dma.local @!p0 [hbm:s6], $0xF7A  }
0x23: {  	s9 =	sor.u32 $0xD0000000, s2;
	s6 =	simm.s32 $0x108;
	_ =	swait.ge @!p0 [sflag:s8], $0x0  }
0x24: {  	s3 =	sadd.s32 $0x88, s3;
	s6 =	simm.s32 @!p1 $0x1082;
	[sflag:s4] =	ssyncset.s32 $0xFFFFF086  }
0x25: {  	[simem:s6], [sflag:s4] =	dma.local [hbm:s3], $0xF7A  }
0x26: {  	[smem:$0x3F94] =	sst s1;
	(tag) =	ssettag s2;
	_ =	strace s9  }
0x27: {  	s1 =	sld [smem:$0x3FA4]  }
0x28: {  	s2 =	sld [smem:$0x3FA5]  }
0x29: {  	s4 =	sld [smem:$0x3FA7]  }
0x2a: {  	p0 =	seq.s32 s5, $0x0;
	s5 =	sld [smem:$0x3FA8]  }
0x2b: {  	s6 =	sld [smem:$0x3FA9]  }
0x2c: {  	s7 =	sld [smem:$0x3FAA]  }
0x2d: {  	s3 =	simm.s32 $0x108;
	s8 =	sld [smem:$0x3FAB]  }
0x2e: {  	s3 =	simm.s32 @!p0 $0x1082;
	s9 =	sld [smem:$0x3FAC]  }
0x2f: {  	lr =	sadd.s32 s0, s3;
	s0 =	sld [smem:$0x3FA3]  }
0x30: {  	s3 =	sld [smem:$0x3FA6]  }
0x31: {  	[smem:$0x3FAF] =	sst s10  }
0x32: {  	s10 =	sld [smem:$0x3FAD];
	_ =	sdelay $0x3  }
0x33: {  	p0 =	seq.s32 s10, $0x1;
	s10 =	sld [smem:$0x3FAF];
	_ =	sdelay $0x3  }
0x34: {  	[smem:$0x3FAF] =	sst s10  }
0x35: {  	s10 =	sld [smem:$0x3FAE];
	_ =	sdelay $0x3  }
0x36: {  	p1 =	seq.s32 s10, $0x1;
	s10 =	sld [smem:$0x3FAF];
	_ =	sdelay $0x3  }
0x37: {  	[smem:$0x3FAF] =	sst s10  }
0x38: {  	s10 =	sld [smem:$0x3FB0]  }
0x39: {  	_ = 	snop;
	(pc) =	sbr.ind lr, $3  }
0x3a: {  	_ = 	snop  }
0x3b: {  	_ = 	snop  }
0x3c: {  	p2 =	seq.s32 s10, $0x1;
	s10 =	sld [smem:$0x3FAF]  }
0x3d: {  	_ =	shalt  }
0x3e: {  	_ =	shalt  }
0x3f: {  	_ =	shalt  }
0x40: {  	_ =	shalt  }
0x41: {  	_ =	shalt  }
0x42: {  	_ =	shalt  }
0x43: {  	_ =	shalt  }
0x44: {  	_ =	shalt  }
0x45: {  	_ =	shalt  }
0x46: {  	_ =	shalt  }
0x47: {  	_ =	shalt  }
0x48: {  	_ =	shalt  }
0x49: {  	_ =	shalt  }
0x4a: {  	_ =	shalt  }
0x4b: {  	_ =	shalt  }
0x4c: {  	_ =	shalt  }
0x4d: {  	_ =	shalt  }
0x4e: {  	_ =	shalt  }
0x4f: {  	_ =	shalt  }
0x50: {  	_ =	shalt  }
0x51: {  	_ =	shalt  }
0x52: {  	_ =	shalt  }
0x53: {  	_ =	shalt  }
0x54: {  	_ =	shalt  }
0x55: {  	_ =	shalt  }
0x56: {  	_ =	shalt  }
0x57: {  	_ =	shalt  }
0x58: {  	_ =	shalt  }
0x59: {  	_ =	shalt  }
0x5a: {  	_ =	shalt  }
0x5b: {  	_ =	shalt  }
0x5c: {  	_ =	shalt  }
0x5d: {  	_ =	shalt  }
0x5e: {  	_ =	shalt  }
0x5f: {  	_ =	shalt  }
0x60: {  	_ =	shalt  }
0x61: {  	_ =	shalt  }
0x62: {  	_ =	shalt  }
0x63: {  	_ =	shalt  }
0x64: {  	_ =	shalt  }
0x65: {  	_ =	shalt  }
0x66: {  	_ =	shalt  }
0x67: {  	_ =	shalt  }
0x68: {  	_ =	shalt  }
0x69: {  	_ =	shalt  }
0x6a: {  	_ =	shalt  }
0x6b: {  	_ =	shalt  }
0x6c: {  	_ =	shalt  }
0x6d: {  	_ =	shalt  }
0x6e: {  	_ =	shalt  }
0x6f: {  	_ =	shalt  }
0x70: {  	_ =	shalt  }
0x71: {  	_ =	shalt  }
0x72: {  	_ =	shalt  }
0x73: {  	_ =	shalt  }
0x74: {  	_ =	shalt  }
0x75: {  	_ =	shalt  }
0x76: {  	_ =	shalt  }
0x77: {  	_ =	shalt  }
0x78: {  	_ =	shalt  }
0x79: {  	_ =	shalt  }
0x7a: {  	_ =	shalt  }
0x7b: {  	_ =	shalt  }
0x7c: {  	_ =	shalt  }
0x7d: {  	_ =	shalt  }
0x7e: {  	_ =	shalt  }
0x7f: {  	_ =	shalt  }
0x80: {  	_ =	shalt  }
0x81: {  	_ =	shalt  }
0x82: {  	_ =	shalt  }
0x83: {  	_ =	shalt  }
0x84: {  	_ =	shalt  }
0x85: {  	_ =	shalt  }
0x86: {  	_ =	shalt  }
0x87: {  	_ =	shalt  }
.Lfunc_end0:
.L_simem_size_0:
called_computation.7_lowered:
.L_overlay_start_0:
0x88: {  	s2 =	sld [smem:$0x3FD9]  }
0x89: {  	s3 =	sld [smem:$0x3FFE];
	_ =	sdelay $0x1  }
0x8a: {  	s1 =	srdreg.scid  }
0x8b: {  	s0 =	sand.u32 $0x1, s1  }
0x8c: {  	s17 =	sshll.u32 s0, $0xA;
	s2 =	sadd.s32 s3, s2  }
0x8d: {  	s2 =	sadd.s32 s2, s17  }
0x8e: {  	[smem:$0x3FBB] =	sst s2  }
0x8f: {  	_ = 	snop  }
0x90: {  	(tm) =	ssettm $0x1  }
0x91: {  	s18 =	sld [smem:$0x3FFB];
	_ =	sdelay $0x3  }
0x92: {  	_ =	strace s18  }
0x93: {  	s2 =	sld [smem:$0x3FFC];
	_ =	sdelay $0x3  }
0x94: {  	_ =	strace s2  }
0x95: {  	s2 =	sld [smem:$0x3FFD];
	_ =	sdelay $0x3  }
0x96: {  	_ =	strace s2  }
0x97: {  	_ =	strace $0x8FFFFFFF  }
0x98: {  	s19 =	sld [smem:$0x3FDB];
	_ =	sdelay $0x1  }
0x99: {  	s20 =	simm.s32 $_scs_section_size  }
0x9a: {  	s4 =	simm.s32 $_size__tile_overlayer_lowered;
	s5 =	simm.s32 $_tile_overlayer_lowered  }
0x9b: {  	s6 =	simm.s32 $0x1BFF;
	s21 =	sshll.u32 s5, $0x1;
	s3 =	sadd.s32 s20, s19  }
0x9c: {  	s22 =	simm.s32 $0x0;
	s4 =	sshll.u32 s4, $0x1;
	s5 =	sadd.s32 s21, s3  }
0x9d: {  	[timem:s22], [sflag:s6] =	dma.local [hbm:s5], s4  }
0x9e: {  	_ =	swait.ge [sflag:s6], s4  }
0x9f: {  	s4 =	ssub.s32 $0x0, s4;
	[sflag:s6] =	ssyncset.done $0x0  }
0xa0: {  	[sflag:s6] =	ssyncadd.s32 s4;
	_ =	sdelay $0x1  }
0xa1: {  	s23 =	simm.s32 $0x1B8B  }
0xa2: {  	_ =	swait.ge [sflag:s23], $0x1  }
0xa3: {  	[sflag:s23] =	ssyncset.done $0x0  }
0xa4: {  	[sflag:s23] =	ssyncadd.s32 $0xFFFFFFFF  }
0xa5: {  	s4 =	sld [smem:$0x0]  }
0xa6: {  	s5 =	sand.u32 $0xFFFFFFFE, s1  }
0xa7: {  	p0 =	sne.s32 s1, s5  }
0xa8: {  	s5 =	sshll.u32 @p0 s5, $0xE  }
0xa9: {  	s5 =	sadd.s32 @p0 $0x11B8D, s5;
	s6 =	sshll.u32 @p0 s4, $0x11  }
0xaa: {  	s5 =	sor.u32 @p0 s6, s5  }
0xab: {  	[sflag:s5] =	ssyncadd.remote.s32 @p0 $0x1;
	_ =	sdelay $0x1  }
0xac: {  	s5 =	simm.s32 @p0 $0x1B8D  }
0xad: {  	_ =	swait.eq @p0 [sflag:s5], $0x1  }
0xae: {  	[sflag:s5] =	ssyncadd.s32 @p0 $0xFFFFFFFF  }
0xaf: {  	s6 =	sshll.u32 @!p0 s1, $0xE  }
0xb0: {  	s6 =	sor.u32 @!p0 $0x4000, s6;
	s5 =	simm.s32 @!p0 $0x1B8D  }
0xb1: {  	s4 =	sshll.u32 @!p0 s4, $0x11;
	s6 =	sadd.s32 @!p0 $0x11B8D, s6;
	_ =	swait.eq @!p0 [sflag:s5], $0x1  }
0xb2: {  	s4 =	sor.u32 @!p0 s4, s6;
	[sflag:s5] =	ssyncadd.s32 @!p0 $0xFFFFFFFF  }
0xb3: {  	s25 =	simm.s32 $0x1B8E;
	s24 =	sld [smem:$0x3FFE];
	[sflag:s4] =	ssyncadd.remote.s32 @!p0 $0x1  }
0xb4: {  	s26 =	simm.s32 $execute0_lowered;
	[smem:$0x3FD2] =	sst s25  }
0xb5: {  	s5 =	sshll.u32 s26, $0x1;
	_ =	strace $0x8000005B;
	[dreg:$0x1] =	wrdreg $0xFFFFFFFF  }
0xb6: {  	s28 =	simm.s32 $_size_execute0_lowered;
	s3 =	sadd.s32 s3, s5;
	[dreg:$0x0] =	wrdreg $0x0  }
0xb7: {  	s5 =	sshll.u32 s28, $0x1;
	[dreg:$0x2] =	wrdreg s3  }
0xb8: {  	[dreg:$0x3] =	wrdreg s5  }
0xb9: {  	[dreg:$0x4] =	wrdreg $0xC0  }
0xba: {  	_ =	task [dreg:s22], $0x5FFFF  }
0xbb: {  	[dreg:$0x1] =	wrdreg $0xFFFFFFFF  }
0xbc: {  	[dreg:$0x0] =	wrdreg $0x60  }
0xbd: {  	[dreg:$0x2] =	wrdreg s24  }
0xbe: {  	[dreg:$0x3] =	wrdreg $0x73100  }
0xbf: {  	[dreg:$0x4] =	wrdreg $0x9  }
0xc0: {  	_ =	task.clear_ibuf [dreg:s22], $0x5FFFF;
	_ =	strace $0x9000005B  }
0xc1: {  	s29 =	simm.s32 $0x9;
	_ =	strace $0x8000005D  }
0xc2: {  	_ =	swait.ge [sflag:s29], $0x1  }
0xc3: {  	[sflag:s29] =	ssyncadd.s32 $0xFFFFFFFF  }
0xc4: {  	_ =	strace $0x9000005D  }
0xc5: {  	_ =	sfence  }
0xc6: {  	s30 =	sld [smem:$0x0];
	_ =	sdelay $0x2  }
0xc7: {  	s31 =	sshll.u32 s1, $0xD;
	s1 =	sshrl.u32 s1, $0x2  }
0xc8: {  	s4 =	sand.u32 $0x4000, s31;
	s1 =	sadd.s32 s1, s30  }
0xc9: {  	s0 =	sor.u32 s4, s0;
	s1 =	sshll.u32 s1, $0x11  }
0xca: {  	s0 =	sor.u32 s1, s0  }
0xcb: {  	s0 =	sadd.s32 $0x8F2B, s0  }
0xcc: {  	[sflag:s0] =	ssyncadd.remote.s32 $0x1  }
0xcd: {  	_ =	sfence.sel $0xFFFF  }
0xce: {  	[dreg:$0x0] =	wrdreg $0xFFFFFFFF;
	(pc) =	sbr.abs _section_cstart, $3  }
0xcf: {  	[dreg:$0x1] =	wrdreg $0xFFFFFFFF  }
0xd0: {  	_ =	task.clear_ibuf [dreg:s22], $0x2FFFF;
	_ =	strace $0x9FFFFFFF  }
0xd1: {  	(tm) =	ssettm $0x7FFFFFFF  }
tec
execute0_lowered:
.L_overlay_start_1:
0x0: {  	(tag) =	ssettag $0x1  }
0x1: {  	s4 =	rddreg [dreg:$0x0]  }
0x2: {  	s1 =	rddreg [dreg:$0x1]  }
0x3: {  	s0 =	rddreg [dreg:$0x2];
	s2 =	simm.s32 $0x0  }
0x4: {  	s5 =	srdreg.scid;
	s3 =	stileid.u32;
	s16 =	simm.s32 $0x80  }
0x5: {  	s17 =	simm.s32 $0x1200;
	s18 =	simm.s32 $0x1280;
	s19 =	simm.s32 $0x1C00  }
0x6: {  	s20 =	simm.s32 $0x1300;
	s21 =	simm.s32 $0x2400;
	s22 =	simm.s32 $0x0  }
0x7: {  	[smem:$0x7FF] =	sst s2;
	s6 =	sand.u32 $0x1, s5;
	s25 =	smul.u32 $0x2710, s3  }
0x8: {  	s7 =	sshll.u32 s3, $0x1;
	s9 =	sadd.s32 $0x84400, s4;
	s14 =	smul.u32 $0x4E, s3  }
0x9: {  	s10 =	sadd.s32 $0xE1400, s4;
	p0 =	sne.s32 s3, $0x0;
	s8 =	smul.u32 $0x27100, s6  }
0xa: {  	_ =	strace $0x8000005C;
	s7 =	sor.u32 s6, s7;
	s26 =	smul.u32 $0x27, s6  }
0xb: {  	s12 =	ssub.s32 $0x2, s6;
	s28 =	sshll.u32 s6, $0x7;
	s11 =	smul.u32 $0x270, s7  }
0xc: {  	s7 =	smul.u32 $0x2700, s7;
	s13 =	sshrl.u32 s12, $0x1;
	s29 =	sor.u32 $0x27000, s28  }
0xd: {  	s8 =	sadd.s32 s25, s8;
	s12 =	ssub.s32 s12, s13;
	s30 =	sshll.u32 s29, $0x1  }
0xe: {  	s13 =	simm.s32 $0x2;
	s8 =	sshrl.u32 s8, $0x3;
	s5 =	sadd.s32 s10, s11  }
0xf: {  	s6 =	sadd.s32 s9, s7;
	s11 =	sshrl.u32 s29, $0x3;
	s15 =	sadd.s32 s8, s4  }
0x10: {  	s4 =	sadd.s32 s25, s1;
	s8 =	sadd.s32 s26, s14;
	s7 =	sadd.s32 s10, s11  }
0x11: {  	s10 =	smax.u32 s12, $0x1;
	s12 =	simm.s32 $0x4C00;
	s14 =	sshll.u32 s8, $0x8  }
0x12: {  	s8 =	sadd.s32 s9, s30;
	s31 =	sadd.s32 s14, s9;
	s9 =	sadd.s32 $0x5000, s15  }
0x13: {  	v0 =	vimm.f32 $0.0e+00;
	s14 =	simm.s32 $0x1400;
	s15 =	simm.s32 $0x1;
	s11 =	sadd.s32 $0x300, s31  }
.LBB2_1:
0x14: {  	s23 =	simm.s32 $0x40;
	s24 =	simm.s32 $0x0  }
.LBB2_2:
0x15: {  	p1 =	sne.s32 s23, $0x9C00;
	[tilespmem:s24+$0x4C00] =	vst v0;
	s24 =	smov.u32 s23;
	s23 =	sadd.s32 $0x40, s23  }
.Ltmp0:
0x16: {  	(pc) =	sbr.rel @p1 .LBB2_2-.Ltmp0, $2  }
0x17: {  	_ =	sdelay $0x2  }
0x18: {  	s24 =	sshra.s32 s24, $0x2  }
0x19: {  	[tilespmem:s24+$0x4C00] =	vst v0  }
0x1a: {  	[spmem:s4] =	stream.linear.scatter [tilespmem:s12], [sflag:$0x2], $0x2710, $0x38;
	[tilespmem:$0x9A20] =	vst v63  }
0x1b: {  	_ =	swait.ge [sflag:s13], $0x2710  }
0x1c: {  	[sflag:s13] =	ssyncset.done $0x0  }
0x1d: {  	s23 =	simm.s32 $0x0;
	[sflag:s13] =	ssyncadd.s32 $0xFFFFD8F0  }
0x1e: {  	[tilespmem:s23], [sflag:$0x2] =	stream.linear.gather [hbm4b:s5+s23], $0x1380, $0x38;
	[tilespmem:$0x9A20] =	vst v63  }
0x1f: {  	_ =	swait.ge [sflag:s13], $0x1380  }
0x20: {  	[sflag:s13] =	ssyncset.done $0x0  }
0x21: {  	[sflag:s13] =	ssyncadd.s32 $0xFFFFEC80  }
0x22: {  	[bflag:$0x0] =	sbarrier.arrive $0xFFFF  }
0x23: {  	[tilespmem:s14], [sflag:$0x1] =	stream.linear.gather [hbm4b:s6+s23], $0x1800, $0x38;
	[tilespmem:$0x9A20] =	vst v63  }
0x24: {  	s23 =	sand.u32 $0x1, s23  }
0x25: {  	s30 =	sxor.u32 $0x1, s23  }
0x26: {  	s24 =	smul.u32 $0x6000, s30  }
0x27: {  	s23 =	smul.u32 $0x6000, s23;
	_ =	swait.ge [sflag:s15], $0x1800  }
0x28: {  	[sflag:s15] =	ssyncset.done $0x0;
	s24 =	sshrl.u32 s24, $0x2  }
0x29: {  	s23 =	sshrl.u32 s23, $0x2;
	[sflag:s15] =	ssyncadd.s32 $0xFFFFE800;
	s24 =	sadd.s32 $0x1400, s24  }
0x2a: {  	[tilespmem:s24], [sflag:$0x1] =	stream.linear.gather [hbm4b:s11+s2], $0x1800, $0x38;
	[tilespmem:$0x9A20] =	vst v63  }
0x2b: {  	s25 =	simm.s32 $0x0;
	s31 =	sadd.s32 $0x1400, s23  }
0x2c: {  	[spmem:s1] =	stream.indirect.scatter.add.f32 [tilespmem:s31], [sflag:$0x2], $0x10, s25, s16, $0xb8;
	[tilespmem:$0x9A20] =	vst v63  }
0x2d: {  	_ =	swait.ge [sflag:s13], $0x800  }
0x2e: {  	[sflag:s13] =	ssyncset.done $0x0  }
0x2f: {  	s29 =	simm.s32 $0x80;
	s26 =	sadd.s32 $0x1C00, s23;
	[sflag:s13] =	ssyncadd.s32 $0xFFFFF800  }
0x30: {  	[spmem:s1] =	stream.indirect.scatter.add.f32 [tilespmem:s26], [sflag:$0x2], $0x10, s29, s16, $0xb8;
	[tilespmem:$0x9A20] =	vst v63  }
0x31: {  	s28 =	simm.s32 $0x1;
	_ =	swait.ge [sflag:s13], $0x800  }
0x32: {  	s30 =	simm.s32 $0x100;
	s23 =	sor.u32 $0x2400, s23;
	[sflag:s13] =	ssyncset.done $0x0  }
0x33: {  	s24 =	sadd.s32 $0x300, s11;
	s31 =	sand.u32 $0x1, s28;
	[sflag:s13] =	ssyncadd.s32 $0xFFFFF800  }
0x34: {  	[spmem:s1] =	stream.indirect.scatter.add.f32 [tilespmem:s23], [sflag:$0x2], $0x10, s30, s16, $0xb8;
	[tilespmem:$0x9A20] =	vst v63  }
0x35: {  	s28 =	sxor.u32 $0x1, s31;
	s25 =	smul.u32 $0x6000, s31;
	_ =	swait.ge [sflag:s13], $0x800  }
0x36: {  	s26 =	simm.s32 $0x2;
	s23 =	simm.s32 $0x280;
	[sflag:s13] =	ssyncset.done $0x0  }
.LBB2_4:
0x37: {  	s28 =	smul.u32 $0x6000, s28  }
0x38: {  	[sflag:s13] =	ssyncadd.s32 $0xFFFFF800;
	s29 =	smov.u32 s26;
	s30 =	sadd.s32 $0x1, s26  }
0x39: {  	p1 =	sne.s32 s26, $0xB;
	_ =	swait.ge [sflag:s15], $0x1800;
	s25 =	sshrl.u32 s25, $0x2  }
0x3a: {  	[sflag:s15] =	ssyncset.done $0x0;
	s26 =	sshrl.u32 s28, $0x2  }
0x3b: {  	[sflag:s15] =	ssyncadd.s32 $0xFFFFE800;
	s26 =	sadd.s32 $0x1400, s26  }
0x3c: {  	[tilespmem:s26], [sflag:$0x1] =	stream.linear.gather [hbm4b:s24+s2], $0x1800, $0x38;
	[tilespmem:$0x9A20] =	vst v63  }
0x3d: {  	s28 =	sadd.s32 $0xFFFFFF00, s23;
	s26 =	sadd.s32 $0x1400, s25  }
0x3e: {  	[spmem:s1] =	stream.indirect.scatter.add.f32 [tilespmem:s26], [sflag:$0x2], $0x10, s28, s16, $0xb8;
	[tilespmem:$0x9A20] =	vst v63  }
0x3f: {  	_ =	swait.ge [sflag:s13], $0x800  }
0x40: {  	[sflag:s13] =	ssyncset.done $0x0  }
0x41: {  	s26 =	sadd.s32 $0x1C00, s25;
	s28 =	sadd.s32 $0xFFFFFF80, s23;
	[sflag:s13] =	ssyncadd.s32 $0xFFFFF800  }
0x42: {  	[spmem:s1] =	stream.indirect.scatter.add.f32 [tilespmem:s26], [sflag:$0x2], $0x10, s28, s16, $0xb8;
	[tilespmem:$0x9A20] =	vst v63  }
0x43: {  	_ =	swait.ge [sflag:s13], $0x800  }
.Ltmp1:
0x44: {  	s24 =	sadd.s32 $0x300, s24;
	[sflag:s13] =	ssyncset.done $0x0;
	(pc) =	sbr.rel @p1 .LBB2_4-.Ltmp1, $4  }
0x45: {  	s25 =	sor.u32 $0x2400, s25;
	s26 =	smov.u32 s30;
	[sflag:s13] =	ssyncadd.s32 $0xFFFFF800  }
0x46: {  	[spmem:s1] =	stream.indirect.scatter.add.f32 [tilespmem:s25], [sflag:$0x2], $0x10, s23, s16, $0xb8;
	[tilespmem:$0x9A20] =	vst v63  }
0x47: {  	s25 =	sand.u32 $0x1, s29;
	s23 =	sadd.s32 $0x180, s23;
	_ =	swait.ge [sflag:s13], $0x800  }
0x48: {  	s28 =	sxor.u32 $0x1, s25;
	s25 =	smul.u32 $0x6000, s25;
	[sflag:s13] =	ssyncset.done $0x0  }
0x49: {  	s26 =	smul.u32 $0x6000, s28;
	[sflag:s13] =	ssyncadd.s32 $0xFFFFF800  }
0x4a: {  	_ =	swait.ge [sflag:s15], $0x1800  }
0x4b: {  	[sflag:s15] =	ssyncset.done $0x0;
	s26 =	sshrl.u32 s26, $0x2  }
0x4c: {  	s25 =	sshrl.u32 s25, $0x2;
	[sflag:s15] =	ssyncadd.s32 $0xFFFFE800;
	s26 =	sadd.s32 $0x1400, s26  }
0x4d: {  	[tilespmem:s26], [sflag:$0x1] =	stream.linear.gather [hbm4b:s24+s2], $0x1800, $0x38;
	[tilespmem:$0x9A20] =	vst v63  }
0x4e: {  	s31 =	sadd.s32 $0xFFFFFF00, s23;
	s30 =	sadd.s32 $0x1400, s25  }
0x4f: {  	[spmem:s1] =	stream.indirect.scatter.add.f32 [tilespmem:s30], [sflag:$0x2], $0x10, s31, s16, $0xb8;
	[tilespmem:$0x9A20] =	vst v63  }
0x50: {  	_ =	swait.ge [sflag:s13], $0x800  }
0x51: {  	[sflag:s13] =	ssyncset.done $0x0  }
0x52: {  	s28 =	sadd.s32 $0xFFFFFF80, s23;
	s26 =	sadd.s32 $0x1C00, s25;
	[sflag:s13] =	ssyncadd.s32 $0xFFFFF800  }
0x53: {  	[spmem:s1] =	stream.indirect.scatter.add.f32 [tilespmem:s26], [sflag:$0x2], $0x10, s28, s16, $0xb8;
	[tilespmem:$0x9A20] =	vst v63  }
0x54: {  	_ =	swait.ge [sflag:s13], $0x800  }
0x55: {  	[sflag:s13] =	ssyncset.done $0x0  }
0x56: {  	s29 =	sor.u32 $0x2400, s25;
	[sflag:s13] =	ssyncadd.s32 $0xFFFFF800  }
0x57: {  	[spmem:s1] =	stream.indirect.scatter.add.f32 [tilespmem:s29], [sflag:$0x2], $0x10, s23, s16, $0xb8;
	[tilespmem:$0x9A20] =	vst v63  }
0x58: {  	_ =	swait.ge [sflag:s13], $0x800  }
0x59: {  	[sflag:s13] =	ssyncset.done $0x0  }
0x5a: {  	[sflag:s13] =	ssyncadd.s32 $0xFFFFF800  }
0x5b: {  	_ =	swait.ge [sflag:s15], $0x1800  }
0x5c: {  	[sflag:s15] =	ssyncset.done $0x0  }
0x5d: {  	[sflag:s15] =	ssyncadd.s32 $0xFFFFE800  }
0x5e: {  	[spmem:s1] =	stream.indirect.scatter.add.f32 [tilespmem:s14], [sflag:$0x2], $0x10, s17, s16, $0xb8;
	[tilespmem:$0x9A20] =	vst v63  }
0x5f: {  	_ =	swait.ge [sflag:s13], $0x800  }
0x60: {  	[sflag:s13] =	ssyncset.done $0x0  }
0x61: {  	[sflag:s13] =	ssyncadd.s32 $0xFFFFF800  }
0x62: {  	[spmem:s1] =	stream.indirect.scatter.add.f32 [tilespmem:s19], [sflag:$0x2], $0x10, s18, s16, $0xb8;
	[tilespmem:$0x9A20] =	vst v63  }
0x63: {  	_ =	swait.ge [sflag:s13], $0x800  }
0x64: {  	[sflag:s13] =	ssyncset.done $0x0  }
0x65: {  	[sflag:s13] =	ssyncadd.s32 $0xFFFFF800  }
0x66: {  	[spmem:s1] =	stream.indirect.scatter.add.f32 [tilespmem:s21], [sflag:$0x2], $0x10, s20, s16, $0xb8;
	[tilespmem:$0x9A20] =	vst v63  }
0x67: {  	_ =	swait.ge [sflag:s13], $0x800  }
0x68: {  	s24 =	simm.s32 @!p0 $0x1380;
	[sflag:s13] =	ssyncset.done $0x0  }
0x69: {  	s25 =	simm.s32 @!p0 $0x2;
	s23 =	simm.s32 @!p0 $0x0;
	[sflag:s13] =	ssyncadd.s32 $0xFFFFF800  }
0x6a: {  	[tilespmem:s24], [sflag:$0x2] =	stream.linear.gather @!p0 [hbm4b:s7+s23], $0x80, $0x38;
	[tilespmem:$0x9A20] =	vst v63  }
0x6b: {  	_ =	swait.ge @!p0 [sflag:s25], $0x80  }
0x6c: {  	[sflag:s25] =	ssyncset.done @!p0 $0x0  }
0x6d: {  	s26 =	simm.s32 @!p0 $0x4400;
	[sflag:s25] =	ssyncadd.s32 @!p0 $0xFFFFFF80  }
0x6e: {  	[tilespmem:s26], [sflag:$0x2] =	stream.linear.gather @!p0 [hbm4b:s8+s23], $0x800, $0x38;
	[tilespmem:$0x9A20] =	vst v63  }
0x6f: {  	_ =	swait.ge @!p0 [sflag:s25], $0x800  }
0x70: {  	[sflag:s25] =	ssyncset.done @!p0 $0x0  }
0x71: {  	s23 =	simm.s32 @!p0 $0x80;
	[sflag:s25] =	ssyncadd.s32 @!p0 $0xFFFFF800  }
0x72: {  	[spmem:s1] =	stream.indirect.scatter.add.f32 @!p0 [tilespmem:s26], [sflag:$0x2], $0x10, s24, s23, $0xb8;
	[tilespmem:$0x9A20] =	vst v63  }
0x73: {  	s22 =	sadd.s32 $0x1, s22;
	_ =	swait.ge @!p0 [sflag:s25], $0x800  }
0x74: {  	p1 =	sne.s32 s22, s10;
	[sflag:s25] =	ssyncset.done @!p0 $0x0  }
0x75: {  	s30 =	sshll.u32 s3, $0x6;
	s31 =	sshrl.u32 s4, $0x3;
	[sflag:s25] =	ssyncadd.s32 @!p0 $0xFFFFF800  }
.Ltmp2:
0x76: {  	s23 =	sor.u32 $0x1C02, s30;
	[bflag:$0x0] =	sbarrier.arrive $0xFFFF;
	(pc) =	sbr.rel @p1 .LBB2_1-.Ltmp2, $4  }
0x77: {  	[hbm:s9], [sflag:s23] =	dma.local [spmem:s31], $0x4E2  }
0x78: {  	_ =	swait.ge [sflag:s13], $0x4E2  }
0x79: {  	[sflag:s13] =	ssyncset.done $0x0  }
0x7a: {  	[sflag:s13] =	ssyncadd.s32 $0xFFFFFB1E  }
0x7b: {  	_ =	sfence.sel $0x180000  }
0x7c: {  	[bflag:$0x0] =	sbarrier.arrive $0xFFFF  }
0x7d: {  	_ =	strace $0x9000005C  }
0x7e: {  	s0 =	sadd.s32 @!p0 $0x100000, s0;
	[bflag:$0x2] =	sbarrier.arrive $0xFFFF  }
0x7f: {  	[sflag:s0] =	ssyncadd.tile.s32 @!p0 $0x1;
	_ =	shalt  }
.Lfunc_end2:
_tile_overlayer_lowered:
.L_overlay_start_2:
0x80: {  	(tag) =	ssettag $0x2  }
0x81: {  	s0 =	rddreg [dreg:$0x0];
	s2 =	stileid.u32  }
0x82: {  	s1 =	rddreg [dreg:$0x1];
	p0 =	sne.s32 s2, $0x0  }
0x83: {  	s3 =	rddreg [dreg:$0x2];
	[bflag:$0x3] =	sbarrier.arrive $0xFFFF;
	s2 =	simm.s32 @!p0 $0x1C02  }
0x84: {  	[timem:s3], [sflag:s2] =	dma.local @!p0 [hbm:s0], s1  }
0x85: {  	s0 =	simm.s32 @!p0 $0x2  }
0x86: {  	_ =	swait.ge @!p0 [sflag:s0], s1  }
0x87: {  	s1 =	ssub.s32 @!p0 $0x0, s1;
	[sflag:s0] =	ssyncset.done @!p0 $0x0  }
0x88: {  	[sflag:s0] =	ssyncadd.s32 @!p0 s1  }
0x89: {  	[bflag:$0x3] =	sbarrier.arrive $0xFFFF  }
0x8a: {  	_ =	shalt  }

</sc_bundles>
